<compile_context>
chip_gen: v7x
topology: tpu7x:2x2x1
jax: 0.10.2.dev20260603
libtpu: 0.0.44.dev20260713+nightly
codegen_flags: <defaults>
</compile_context>

<pallas_src>
import functools

import jax
import jax.numpy as jnp
from jax import lax
from jax.experimental import pallas as pl
from jax.experimental.pallas import tpu as pltpu
from jax.experimental.pallas import tpu_sc as plsc

N = 10000
D = 128
DO = 2
E = 320000

NC = 2
NS = 16
NW = NC * NS
L = 16

EH_T = E // NW

CHUNK = 112
K_T = 96
KQ = K_T // 4
E_T = CHUNK * K_T
E_PAD = E_T * NW
N_PAD = 10240
ZROWS = N_PAD // NS

_mesh = plsc.VectorSubcoreMesh(
    core_axis_name="c", subcore_axis_name="s", num_cores=NC, num_subcores=NS
)


NH = 10240
NH_T = NH // NS


@functools.partial(
    pl.kernel,
    out_type=jax.ShapeDtypeStruct((NC, NH), jnp.float32),
    mesh=_mesh,
    scratch_types=[
        pltpu.VMEM((K_T, 2, CHUNK), jnp.int32),
        pltpu.VMEM((NH,), jnp.float32),
        pltpu.VMEM((NS, NH_T), jnp.float32),
        pltpu.VMEM((NH_T,), jnp.float32),
        pltpu.VMEM_SHARED((NS, NH), jnp.float32),
    ],
    compiler_params=pltpu.CompilerParams(needs_layout_passes=False),
)
def _sc_degree(ept_hbm, deg_hbm, colv, degv, part, sumv, stage):
    c = lax.axis_index("c")
    s = lax.axis_index("s")
    wid = c * NS + s
    pltpu.sync_copy(ept_hbm.at[pl.ds(wid * K_T, K_T)], colv)
    zero = jnp.zeros((L,), jnp.float32)

    def zbody(i, carry):
        degv[pl.ds(i * L, L)] = zero
        return carry

    lax.fori_loop(0, NH // L, zbody, 0)
    ones = jnp.ones((L,), jnp.float32)

    def hbody(r, carry):
        for j in range(CHUNK // L):
            idx = colv[r, 1, pl.ds(j * L, L)]
            plsc.addupdate_scatter(degv, [idx], ones)
        return carry

    lax.fori_loop(0, K_T, hbody, 0)
    pltpu.sync_copy(degv, stage.at[s])
    plsc.subcore_barrier()
    pltpu.sync_copy(stage.at[:, pl.ds(s * NH_T, NH_T)], part)

    def rbody(j, carry):
        v = part[0, pl.ds(j * L, L)]
        for r in range(1, NS):
            v = v + part[r, pl.ds(j * L, L)]
        sumv[pl.ds(j * L, L)] = v
        return carry

    lax.fori_loop(0, NH_T // L, rbody, 0)
    pltpu.sync_copy(sumv, deg_hbm.at[c].at[pl.ds(s * NH_T, NH_T)])


@functools.partial(
    pl.kernel,
    out_type=jax.ShapeDtypeStruct((NC, N_PAD, D), jnp.float32),
    mesh=_mesh,
    scratch_types=[
        pltpu.VMEM((KQ, 2, CHUNK), jnp.int32),
        pltpu.VMEM((CHUNK, D), jnp.float32),
        pltpu.VMEM((CHUNK, D), jnp.float32),
        pltpu.VMEM((CHUNK, D), jnp.float32),
        pltpu.VMEM_SHARED((N_PAD, D), jnp.float32),
        pltpu.SemaphoreType.DMA,
        pltpu.SemaphoreType.DMA,
        pltpu.SemaphoreType.DMA,
    ],
    compiler_params=pltpu.CompilerParams(needs_layout_passes=False),
)
def _sc_msg(g_hbm, ept_hbm, out_hbm, rcv, gb0, gb1, gb2, acc_sh,
            sem0, sem1, sem2):
    c = lax.axis_index("c")
    s = lax.axis_index("s")
    wid = c * NS + s
    zero = jnp.zeros((L,), jnp.float32)

    def zbody(r, carry):
        for j in range(D // L):
            gb0[r, pl.ds(j * L, L)] = zero
        return carry

    lax.fori_loop(0, CHUNK, zbody, 0)
    for j in range(ZROWS // CHUNK):
        pltpu.sync_copy(gb0, acc_sh.at[pl.ds(s * ZROWS + j * CHUNK, CHUNK)])
    pltpu.sync_copy(
        gb0.at[pl.ds(0, ZROWS % CHUNK)],
        acc_sh.at[pl.ds(s * ZROWS + (ZROWS // CHUNK) * CHUNK, ZROWS % CHUNK)],
    )
    plsc.subcore_barrier()

    for q in range(K_T // KQ):
        pltpu.sync_copy(ept_hbm.at[pl.ds(wid * K_T + q * KQ, KQ)], rcv)
        pltpu.async_copy(g_hbm.at[rcv.at[0, 0]], gb0, sem0)
        pltpu.async_copy(g_hbm.at[rcv.at[1, 0]], gb1, sem1)

        def body(i, carry):
            k0 = 3 * i
            pltpu.async_copy(g_hbm.at[rcv.at[k0 + 2, 0]], gb2, sem2)
            pltpu.make_async_copy(g_hbm.at[rcv.at[k0, 0]], gb0, sem0).wait()
            pltpu.sync_copy(gb0, acc_sh.at[rcv.at[k0, 1]], add=True)

            @pl.when(i < KQ // 3 - 1)
            def _():
                pltpu.async_copy(g_hbm.at[rcv.at[k0 + 3, 0]], gb0, sem0)

            pltpu.make_async_copy(g_hbm.at[rcv.at[k0 + 1, 0]], gb1, sem1).wait()
            pltpu.sync_copy(gb1, acc_sh.at[rcv.at[k0 + 1, 1]], add=True)

            @pl.when(i < KQ // 3 - 1)
            def _():
                pltpu.async_copy(g_hbm.at[rcv.at[k0 + 4, 0]], gb1, sem1)

            pltpu.make_async_copy(g_hbm.at[rcv.at[k0 + 2, 0]], gb2, sem2).wait()
            pltpu.sync_copy(gb2, acc_sh.at[rcv.at[k0 + 2, 1]], add=True)
            return carry

        lax.fori_loop(0, KQ // 3, body, 0)
    plsc.subcore_barrier()
    pltpu.sync_copy(
        acc_sh.at[pl.ds(s * ZROWS, ZROWS)],
        out_hbm.at[c].at[pl.ds(s * ZROWS, ZROWS)],
    )


R = 1000
GRID = N // R


def _dinv_of(dp_ref):
    deg = jnp.sum(dp_ref[...], axis=1, keepdims=True) + 1.0
    return lax.rsqrt(deg)


def _tc_prep_body(dp, x, w, g):
    dinv = _dinv_of(dp)
    h = jnp.dot(x[...], w[...], preferred_element_type=jnp.float32)
    g[...] = h * dinv


_tc_prep = pl.pallas_call(
    _tc_prep_body,
    grid=(GRID,),
    in_specs=[
        pl.BlockSpec((R, NC), lambda i: (i, 0)),
        pl.BlockSpec((R, D), lambda i: (i, 0)),
        pl.BlockSpec((D, D), lambda i: (0, 0)),
    ],
    out_specs=pl.BlockSpec((R, D), lambda i: (i, 0)),
    out_shape=jax.ShapeDtypeStruct((N, D), jnp.float32),
)


def _tc_mid_body(acc, g1, dp, w2, b1, g2ref):
    dinv = _dinv_of(dp)
    t = acc[0] + acc[1] + g1[...]
    h = jnp.maximum(t * dinv + b1[...], 0.0)
    g2ref[...] = jnp.dot(h, w2[...], preferred_element_type=jnp.float32) * dinv


_tc_mid = pl.pallas_call(
    _tc_mid_body,
    grid=(GRID,),
    in_specs=[
        pl.BlockSpec((NC, R, D), lambda i: (0, i, 0)),
        pl.BlockSpec((R, D), lambda i: (i, 0)),
        pl.BlockSpec((R, NC), lambda i: (i, 0)),
        pl.BlockSpec((D, D), lambda i: (0, 0)),
        pl.BlockSpec((1, D), lambda i: (0, 0)),
    ],
    out_specs=pl.BlockSpec((R, D), lambda i: (i, 0)),
    out_shape=jax.ShapeDtypeStruct((N, D), jnp.float32),
)


def _tc_final_body(acc, g2, dp, b2, wfc, bfc, outref):
    dinv = _dinv_of(dp)
    t = acc[0] + acc[1] + g2[...]
    h = jnp.maximum(t * dinv + b2[...], 0.0)
    outref[...] = jnp.dot(h, wfc[...], preferred_element_type=jnp.float32) + bfc[...]


_tc_final = pl.pallas_call(
    _tc_final_body,
    grid=(GRID,),
    in_specs=[
        pl.BlockSpec((NC, R, D), lambda i: (0, i, 0)),
        pl.BlockSpec((R, D), lambda i: (i, 0)),
        pl.BlockSpec((R, NC), lambda i: (i, 0)),
        pl.BlockSpec((1, D), lambda i: (0, 0)),
        pl.BlockSpec((D, DO), lambda i: (0, 0)),
        pl.BlockSpec((1, DO), lambda i: (0, 0)),
    ],
    out_specs=pl.BlockSpec((R, DO), lambda i: (i, 0)),
    out_shape=jax.ShapeDtypeStruct((N, DO), jnp.float32),
)


def kernel(x, edge_index, W1, b1, W2, b2, Wfc, bfc):
    npad = E_PAD - E
    pad_src = (jnp.arange(npad, dtype=jnp.int32) * 13) % N
    pad_dst = N + jnp.arange(npad, dtype=jnp.int32) % (N_PAD - N)
    ep = jnp.concatenate([edge_index, jnp.stack([pad_src, pad_dst])], axis=1)
    ept = jnp.transpose(ep.reshape(2, NW * K_T, CHUNK), (1, 0, 2))

    deg_parts = _sc_degree(ept).T
    g1 = _tc_prep(deg_parts, x, W1)
    acc1 = _sc_msg(g1, ept)
    g2 = _tc_mid(acc1, g1, deg_parts, W2, b1.reshape(1, D))
    acc2 = _sc_msg(g2, ept)
    return _tc_final(acc2, g2, deg_parts, b2.reshape(1, D), Wfc, bfc.reshape(1, DO))

# --- scband reference (transcript-rebuilt; emitter-appended) ---
"""Pipeline reference for scband-gnnmodel-68427418959951 (READ-ONLY COPY).

The authoritative reference and input builder live on the scoring server;
editing this copy changes nothing except your own understanding.
"""

import jax, jax.numpy as jnp
import numpy as np

N_NODES = 10000
N_EDGES = 320000
D_FEAT = 128
D_OUT = 2


def gcn_conv(x, edge_index, W, b):
    n = x.shape[0]
    # add self loops
    loop = jnp.arange(n, dtype=edge_index.dtype)
    row = jnp.concatenate([edge_index[0], loop])
    col = jnp.concatenate([edge_index[1], loop])
    # symmetric normalization (GCNConv default): deg over destination nodes
    ones = jnp.ones(row.shape[0], dtype=x.dtype)
    deg = jnp.zeros(n, dtype=x.dtype).at[col].add(ones)
    deg_inv_sqrt = jnp.where(deg > 0, deg ** -0.5, 0.0)
    norm = deg_inv_sqrt[row] * deg_inv_sqrt[col]
    h = x @ W
    msg = norm[:, None] * h[row]
    out = jnp.zeros((n, h.shape[1]), dtype=x.dtype).at[col].add(msg)
    return out + b


def setup_inputs(seed: int = 0) -> dict:
    key = jax.random.key(seed)
    k1, k2, k3, k4, k5 = jax.random.split(key, 5)
    x = jax.random.normal(k1, (N_NODES, D_FEAT), dtype=jnp.float32)
    edge_index = jax.random.randint(k2, (2, N_EDGES), 0, N_NODES, dtype=jnp.int64 if jax.config.jax_enable_x64 else jnp.int32).astype(jnp.int32)
    s = 1.0 / np.sqrt(D_FEAT)
    W1 = jax.random.uniform(k3, (D_FEAT, D_FEAT), minval=-s, maxval=s, dtype=jnp.float32)
    b1 = jnp.zeros((D_FEAT,), dtype=jnp.float32)
    W2 = jax.random.uniform(k4, (D_FEAT, D_FEAT), minval=-s, maxval=s, dtype=jnp.float32)
    b2 = jnp.zeros((D_FEAT,), dtype=jnp.float32)
    Wfc = jax.random.uniform(k5, (D_FEAT, D_OUT), minval=-s, maxval=s, dtype=jnp.float32)
    bfc = jnp.zeros((D_OUT,), dtype=jnp.float32)
    return {"x": x, "edge_index": edge_index, "W1": W1, "b1": b1, "W2": W2, "b2": b2, "Wfc": Wfc, "bfc": bfc}


def reference(x, edge_index, W1, b1, W2, b2, Wfc, bfc):
    h = gcn_conv(x, edge_index, W1, b1)
    h = jax.nn.relu(h)
    h = gcn_conv(h, edge_index, W2, b2)
    h = jax.nn.relu(h)
    out = h @ Wfc + bfc
    return out

if __name__ == "__main__":
    import jax
    _d = setup_inputs()
    print(jax.jit(kernel)(*tuple(_d.values())))

</pallas_src>

<mosaic_0001>
#map = affine_map<(d0, d1) -> (0, 0)>
#map1 = affine_map<(d0, d1) -> (0, 0, 0)>
module attributes {stable_mosaic.version = 14 : i64} {
  func.func @_sc_msg(%arg0: i32, %arg1: i32, %arg2: memref<10000x128xf32, #tpu.memory_space<hbm>>, %arg3: memref<3072x2x112xi32, #tpu.memory_space<hbm>>, %arg4: memref<2x10240x128xf32, #tpu.memory_space<hbm>>, %arg5: memref<24x2x112xi32, #tpu.memory_space<vmem>>, %arg6: memref<112x128xf32, #tpu.memory_space<vmem>>, %arg7: memref<112x128xf32, #tpu.memory_space<vmem>>, %arg8: memref<112x128xf32, #tpu.memory_space<vmem>>, %arg9: memref<10240x128xf32, #tpu.memory_space<vmem_shared>>, %arg10: memref<!tpu.dma_semaphore, #tpu.memory_space<semaphore_mem>>, %arg11: memref<!tpu.dma_semaphore, #tpu.memory_space<semaphore_mem>>, %arg12: memref<!tpu.dma_semaphore, #tpu.memory_space<semaphore_mem>>) attributes {dimension_semantics = [#tpu.dimension_semantics<core_parallel>, #tpu.dimension_semantics<subcore_parallel>], iteration_bounds = array<i64: 2, 16>, scalar_prefetch = 0 : i64, scratch_operands = 8 : i64, tpu.core_type = #tpu.core_type<sc_vector_subcore>, window_params = [{transform_indices = #map}, {transform_indices = #map1}, {transform_indices = #map1}]} {
    %mul3A = arith.constant 16 : i32
    %mul3A_0 = arith.muli %arg0, %mul3A : i32
    %add3A = arith.addi %mul3A_0, %arg1 : i32
    %broadcast_in_dim3A = arith.constant 0.000000e+00 : f32
    %broadcast_in_dim3A_1 = vector.broadcast %broadcast_in_dim3A : f32 to vector<16xf32>
    %scan3A = arith.constant 0 : i32
    %scan3A_2 = arith.constant 0 : i32
    %scan3A_3 = arith.constant 112 : i32
    %scan3A_4 = arith.addi %scan3A_2, %scan3A_3 : i32
    %scan3A_5 = arith.constant 1 : i32
    scf.for %scan3A_139 = %scan3A_2 to %scan3A_4 step %scan3A_5  : i32 {
      %swap3A = arith.index_cast %scan3A_139 : i32 to index
      %swap3A_140 = arith.constant 0 : index
      %swap3A_141 = tpu.vector_load %arg6[%swap3A, %swap3A_140] {strides = array<i32>} : memref<112x128xf32, #tpu.memory_space<vmem>>, vector<16xf32>,
      tpu.vector_store %arg6[%swap3A, %swap3A_140], %broadcast_in_dim3A_1 {strides = array<i32>} : memref<112x128xf32, #tpu.memory_space<vmem>>, vector<16xf32>,
      %swap3A_142 = arith.index_cast %scan3A_139 : i32 to index
      %swap3A_143 = arith.constant 16 : index
      %swap3A_144 = tpu.vector_load %arg6[%swap3A_142, %swap3A_143] {strides = array<i32>} : memref<112x128xf32, #tpu.memory_space<vmem>>, vector<16xf32>,
      tpu.vector_store %arg6[%swap3A_142, %swap3A_143], %broadcast_in_dim3A_1 {strides = array<i32>} : memref<112x128xf32, #tpu.memory_space<vmem>>, vector<16xf32>,
      %swap3A_145 = arith.index_cast %scan3A_139 : i32 to index
      %swap3A_146 = arith.constant 32 : index
      %swap3A_147 = tpu.vector_load %arg6[%swap3A_145, %swap3A_146] {strides = array<i32>} : memref<112x128xf32, #tpu.memory_space<vmem>>, vector<16xf32>,
      tpu.vector_store %arg6[%swap3A_145, %swap3A_146], %broadcast_in_dim3A_1 {strides = array<i32>} : memref<112x128xf32, #tpu.memory_space<vmem>>, vector<16xf32>,
      %swap3A_148 = arith.index_cast %scan3A_139 : i32 to index
      %swap3A_149 = arith.constant 48 : index
      %swap3A_150 = tpu.vector_load %arg6[%swap3A_148, %swap3A_149] {strides = array<i32>} : memref<112x128xf32, #tpu.memory_space<vmem>>, vector<16xf32>,
      tpu.vector_store %arg6[%swap3A_148, %swap3A_149], %broadcast_in_dim3A_1 {strides = array<i32>} : memref<112x128xf32, #tpu.memory_space<vmem>>, vector<16xf32>,
      %swap3A_151 = arith.index_cast %scan3A_139 : i32 to index
      %swap3A_152 = arith.constant 64 : index
      %swap3A_153 = tpu.vector_load %arg6[%swap3A_151, %swap3A_152] {strides = array<i32>} : memref<112x128xf32, #tpu.memory_space<vmem>>, vector<16xf32>,
      tpu.vector_store %arg6[%swap3A_151, %swap3A_152], %broadcast_in_dim3A_1 {strides = array<i32>} : memref<112x128xf32, #tpu.memory_space<vmem>>, vector<16xf32>,
      %swap3A_154 = arith.index_cast %scan3A_139 : i32 to index
      %swap3A_155 = arith.constant 80 : index
      %swap3A_156 = tpu.vector_load %arg6[%swap3A_154, %swap3A_155] {strides = array<i32>} : memref<112x128xf32, #tpu.memory_space<vmem>>, vector<16xf32>,
      tpu.vector_store %arg6[%swap3A_154, %swap3A_155], %broadcast_in_dim3A_1 {strides = array<i32>} : memref<112x128xf32, #tpu.memory_space<vmem>>, vector<16xf32>,
      %swap3A_157 = arith.index_cast %scan3A_139 : i32 to index
      %swap3A_158 = arith.constant 96 : index
      %swap3A_159 = tpu.vector_load %arg6[%swap3A_157, %swap3A_158] {strides = array<i32>} : memref<112x128xf32, #tpu.memory_space<vmem>>, vector<16xf32>,
      tpu.vector_store %arg6[%swap3A_157, %swap3A_158], %broadcast_in_dim3A_1 {strides = array<i32>} : memref<112x128xf32, #tpu.memory_space<vmem>>, vector<16xf32>,
      %swap3A_160 = arith.index_cast %scan3A_139 : i32 to index
      %swap3A_161 = arith.constant 112 : index
      %swap3A_162 = tpu.vector_load %arg6[%swap3A_160, %swap3A_161] {strides = array<i32>} : memref<112x128xf32, #tpu.memory_space<vmem>>, vector<16xf32>,
      tpu.vector_store %arg6[%swap3A_160, %swap3A_161], %broadcast_in_dim3A_1 {strides = array<i32>} : memref<112x128xf32, #tpu.memory_space<vmem>>, vector<16xf32>,
    }
    %scan3A_6 = arith.constant 112 : i32
    %mul3A_7 = arith.constant 640 : i32
    %mul3A_8 = arith.muli %arg1, %mul3A_7 : i32
    %add3A_9 = arith.constant 0 : i32
    %add3A_10 = arith.addi %mul3A_8, %add3A_9 : i32
    "tpu.region"() ({
      %run_scoped3A = tpu.sem_alloc : memref<!tpu.dma_semaphore, #tpu.memory_space<semaphore_mem>>
      %dma_start3A_139 = arith.constant 0 : i32
      %dma_start3A_140 = tpu.memref_slice %arg9[%add3A_10, %dma_start3A_139] : memref<10240x128xf32, #tpu.memory_space<vmem_shared>> -> memref<112x128xf32, #tpu.memory_space<vmem_shared>>
      %dma_start3A_141 = arith.constant 0 : i32
      %dma_start3A_142 = tpu.memref_slice %arg9[%add3A_10, %dma_start3A_141] : memref<10240x128xf32, #tpu.memory_space<vmem_shared>> -> memref<112x128xf32, #tpu.memory_space<vmem_shared>>
      tpu.enqueue_dma source(%arg6 : memref<112x128xf32, #tpu.memory_space<vmem>>) target(%dma_start3A_142 : memref<112x128xf32, #tpu.memory_space<vmem_shared>>) target_semaphore(%run_scoped3A : memref<!tpu.dma_semaphore, #tpu.memory_space<semaphore_mem>>)
      %dma_wait3A = arith.constant 0 : i32
      %dma_wait3A_143 = tpu.memref_slice %arg9[%add3A_10, %dma_wait3A] : memref<10240x128xf32, #tpu.memory_space<vmem_shared>> -> memref<112x128xf32, #tpu.memory_space<vmem_shared>>
      %dma_wait3A_144 = arith.constant 0 : i32
      %dma_wait3A_145 = tpu.memref_slice %arg9[%add3A_10, %dma_wait3A_144] : memref<10240x128xf32, #tpu.memory_space<vmem_shared>> -> memref<112x128xf32, #tpu.memory_space<vmem_shared>>
      tpu.wait_dma2 semaphore(%run_scoped3A : memref<!tpu.dma_semaphore, #tpu.memory_space<semaphore_mem>>) src(%arg6 : memref<112x128xf32, #tpu.memory_space<vmem>>) dst(%dma_wait3A_145 : memref<112x128xf32, #tpu.memory_space<vmem_shared>>)
      tpu.yield
    }) : () -> ()
    %mul3A_11 = arith.constant 640 : i32
    %mul3A_12 = arith.muli %arg1, %mul3A_11 : i32
    %add3A_13 = arith.constant 112 : i32
    %add3A_14 = arith.addi %mul3A_12, %add3A_13 : i32
    "tpu.region"() ({
      %run_scoped3A = tpu.sem_alloc : memref<!tpu.dma_semaphore, #tpu.memory_space<semaphore_mem>>
      %dma_start3A_139 = arith.constant 0 : i32
      %dma_start3A_140 = tpu.memref_slice %arg9[%add3A_14, %dma_start3A_139] : memref<10240x128xf32, #tpu.memory_space<vmem_shared>> -> memref<112x128xf32, #tpu.memory_space<vmem_shared>>
      %dma_start3A_141 = arith.constant 0 : i32
      %dma_start3A_142 = tpu.memref_slice %arg9[%add3A_14, %dma_start3A_141] : memref<10240x128xf32, #tpu.memory_space<vmem_shared>> -> memref<112x128xf32, #tpu.memory_space<vmem_shared>>
      tpu.enqueue_dma source(%arg6 : memref<112x128xf32, #tpu.memory_space<vmem>>) target(%dma_start3A_142 : memref<112x128xf32, #tpu.memory_space<vmem_shared>>) target_semaphore(%run_scoped3A : memref<!tpu.dma_semaphore, #tpu.memory_space<semaphore_mem>>)
      %dma_wait3A = arith.constant 0 : i32
      %dma_wait3A_143 = tpu.memref_slice %arg9[%add3A_14, %dma_wait3A] : memref<10240x128xf32, #tpu.memory_space<vmem_shared>> -> memref<112x128xf32, #tpu.memory_space<vmem_shared>>
      %dma_wait3A_144 = arith.constant 0 : i32
      %dma_wait3A_145 = tpu.memref_slice %arg9[%add3A_14, %dma_wait3A_144] : memref<10240x128xf32, #tpu.memory_space<vmem_shared>> -> memref<112x128xf32, #tpu.memory_space<vmem_shared>>
      tpu.wait_dma2 semaphore(%run_scoped3A : memref<!tpu.dma_semaphore, #tpu.memory_space<semaphore_mem>>) src(%arg6 : memref<112x128xf32, #tpu.memory_space<vmem>>) dst(%dma_wait3A_145 : memref<112x128xf32, #tpu.memory_space<vmem_shared>>)
      tpu.yield
    }) : () -> ()
    %mul3A_15 = arith.constant 640 : i32
    %mul3A_16 = arith.muli %arg1, %mul3A_15 : i32
    %add3A_17 = arith.constant 224 : i32
    %add3A_18 = arith.addi %mul3A_16, %add3A_17 : i32
    "tpu.region"() ({
      %run_scoped3A = tpu.sem_alloc : memref<!tpu.dma_semaphore, #tpu.memory_space<semaphore_mem>>
      %dma_start3A_139 = arith.constant 0 : i32
      %dma_start3A_140 = tpu.memref_slice %arg9[%add3A_18, %dma_start3A_139] : memref<10240x128xf32, #tpu.memory_space<vmem_shared>> -> memref<112x128xf32, #tpu.memory_space<vmem_shared>>
      %dma_start3A_141 = arith.constant 0 : i32
      %dma_start3A_142 = tpu.memref_slice %arg9[%add3A_18, %dma_start3A_141] : memref<10240x128xf32, #tpu.memory_space<vmem_shared>> -> memref<112x128xf32, #tpu.memory_space<vmem_shared>>
      tpu.enqueue_dma source(%arg6 : memref<112x128xf32, #tpu.memory_space<vmem>>) target(%dma_start3A_142 : memref<112x128xf32, #tpu.memory_space<vmem_shared>>) target_semaphore(%run_scoped3A : memref<!tpu.dma_semaphore, #tpu.memory_space<semaphore_mem>>)
      %dma_wait3A = arith.constant 0 : i32
      %dma_wait3A_143 = tpu.memref_slice %arg9[%add3A_18, %dma_wait3A] : memref<10240x128xf32, #tpu.memory_space<vmem_shared>> -> memref<112x128xf32, #tpu.memory_space<vmem_shared>>
      %dma_wait3A_144 = arith.constant 0 : i32
      %dma_wait3A_145 = tpu.memref_slice %arg9[%add3A_18, %dma_wait3A_144] : memref<10240x128xf32, #tpu.memory_space<vmem_shared>> -> memref<112x128xf32, #tpu.memory_space<vmem_shared>>
      tpu.wait_dma2 semaphore(%run_scoped3A : memref<!tpu.dma_semaphore, #tpu.memory_space<semaphore_mem>>) src(%arg6 : memref<112x128xf32, #tpu.memory_space<vmem>>) dst(%dma_wait3A_145 : memref<112x128xf32, #tpu.memory_space<vmem_shared>>)
      tpu.yield
    }) : () -> ()
    %mul3A_19 = arith.constant 640 : i32
    %mul3A_20 = arith.muli %arg1, %mul3A_19 : i32
    %add3A_21 = arith.constant 336 : i32
    %add3A_22 = arith.addi %mul3A_20, %add3A_21 : i32
    "tpu.region"() ({
      %run_scoped3A = tpu.sem_alloc : memref<!tpu.dma_semaphore, #tpu.memory_space<semaphore_mem>>
      %dma_start3A_139 = arith.constant 0 : i32
      %dma_start3A_140 = tpu.memref_slice %arg9[%add3A_22, %dma_start3A_139] : memref<10240x128xf32, #tpu.memory_space<vmem_shared>> -> memref<112x128xf32, #tpu.memory_space<vmem_shared>>
      %dma_start3A_141 = arith.constant 0 : i32
      %dma_start3A_142 = tpu.memref_slice %arg9[%add3A_22, %dma_start3A_141] : memref<10240x128xf32, #tpu.memory_space<vmem_shared>> -> memref<112x128xf32, #tpu.memory_space<vmem_shared>>
      tpu.enqueue_dma source(%arg6 : memref<112x128xf32, #tpu.memory_space<vmem>>) target(%dma_start3A_142 : memref<112x128xf32, #tpu.memory_space<vmem_shared>>) target_semaphore(%run_scoped3A : memref<!tpu.dma_semaphore, #tpu.memory_space<semaphore_mem>>)
      %dma_wait3A = arith.constant 0 : i32
      %dma_wait3A_143 = tpu.memref_slice %arg9[%add3A_22, %dma_wait3A] : memref<10240x128xf32, #tpu.memory_space<vmem_shared>> -> memref<112x128xf32, #tpu.memory_space<vmem_shared>>
      %dma_wait3A_144 = arith.constant 0 : i32
      %dma_wait3A_145 = tpu.memref_slice %arg9[%add3A_22, %dma_wait3A_144] : memref<10240x128xf32, #tpu.memory_space<vmem_shared>> -> memref<112x128xf32, #tpu.memory_space<vmem_shared>>
      tpu.wait_dma2 semaphore(%run_scoped3A : memref<!tpu.dma_semaphore, #tpu.memory_space<semaphore_mem>>) src(%arg6 : memref<112x128xf32, #tpu.memory_space<vmem>>) dst(%dma_wait3A_145 : memref<112x128xf32, #tpu.memory_space<vmem_shared>>)
      tpu.yield
    }) : () -> ()
    %mul3A_23 = arith.constant 640 : i32
    %mul3A_24 = arith.muli %arg1, %mul3A_23 : i32
    %add3A_25 = arith.constant 448 : i32
    %add3A_26 = arith.addi %mul3A_24, %add3A_25 : i32
    "tpu.region"() ({
      %run_scoped3A = tpu.sem_alloc : memref<!tpu.dma_semaphore, #tpu.memory_space<semaphore_mem>>
      %dma_start3A_139 = arith.constant 0 : i32
      %dma_start3A_140 = tpu.memref_slice %arg9[%add3A_26, %dma_start3A_139] : memref<10240x128xf32, #tpu.memory_space<vmem_shared>> -> memref<112x128xf32, #tpu.memory_space<vmem_shared>>
      %dma_start3A_141 = arith.constant 0 : i32
      %dma_start3A_142 = tpu.memref_slice %arg9[%add3A_26, %dma_start3A_141] : memref<10240x128xf32, #tpu.memory_space<vmem_shared>> -> memref<112x128xf32, #tpu.memory_space<vmem_shared>>
      tpu.enqueue_dma source(%arg6 : memref<112x128xf32, #tpu.memory_space<vmem>>) target(%dma_start3A_142 : memref<112x128xf32, #tpu.memory_space<vmem_shared>>) target_semaphore(%run_scoped3A : memref<!tpu.dma_semaphore, #tpu.memory_space<semaphore_mem>>)
      %dma_wait3A = arith.constant 0 : i32
      %dma_wait3A_143 = tpu.memref_slice %arg9[%add3A_26, %dma_wait3A] : memref<10240x128xf32, #tpu.memory_space<vmem_shared>> -> memref<112x128xf32, #tpu.memory_space<vmem_shared>>
      %dma_wait3A_144 = arith.constant 0 : i32
      %dma_wait3A_145 = tpu.memref_slice %arg9[%add3A_26, %dma_wait3A_144] : memref<10240x128xf32, #tpu.memory_space<vmem_shared>> -> memref<112x128xf32, #tpu.memory_space<vmem_shared>>
      tpu.wait_dma2 semaphore(%run_scoped3A : memref<!tpu.dma_semaphore, #tpu.memory_space<semaphore_mem>>) src(%arg6 : memref<112x128xf32, #tpu.memory_space<vmem>>) dst(%dma_wait3A_145 : memref<112x128xf32, #tpu.memory_space<vmem_shared>>)
      tpu.yield
    }) : () -> ()
    %mul3A_27 = arith.constant 640 : i32
    %mul3A_28 = arith.muli %arg1, %mul3A_27 : i32
    %add3A_29 = arith.constant 560 : i32
    %add3A_30 = arith.addi %mul3A_28, %add3A_29 : i32
    "tpu.region"() ({
      %run_scoped3A = tpu.sem_alloc : memref<!tpu.dma_semaphore, #tpu.memory_space<semaphore_mem>>
      %dma_start3A_139 = arith.constant 0 : i32
      %dma_start3A_140 = arith.constant 0 : i32
      %dma_start3A_141 = tpu.memref_slice %arg6[%dma_start3A_139, %dma_start3A_140] : memref<112x128xf32, #tpu.memory_space<vmem>> -> memref<80x128xf32, #tpu.memory_space<vmem>>
      %dma_start3A_142 = arith.constant 0 : i32
      %dma_start3A_143 = tpu.memref_slice %arg9[%add3A_30, %dma_start3A_142] : memref<10240x128xf32, #tpu.memory_space<vmem_shared>> -> memref<80x128xf32, #tpu.memory_space<vmem_shared>>
      %dma_start3A_144 = arith.constant 0 : i32
      %dma_start3A_145 = tpu.memref_slice %arg9[%add3A_30, %dma_start3A_144] : memref<10240x128xf32, #tpu.memory_space<vmem_shared>> -> memref<80x128xf32, #tpu.memory_space<vmem_shared>>
      %dma_start3A_146 = arith.constant 0 : i32
      %dma_start3A_147 = arith.constant 0 : i32
      %dma_start3A_148 = tpu.memref_slice %arg6[%dma_start3A_146, %dma_start3A_147] : memref<112x128xf32, #tpu.memory_space<vmem>> -> memref<80x128xf32, #tpu.memory_space<vmem>>
      tpu.enqueue_dma source(%dma_start3A_148 : memref<80x128xf32, #tpu.memory_space<vmem>>) target(%dma_start3A_145 : memref<80x128xf32, #tpu.memory_space<vmem_shared>>) target_semaphore(%run_scoped3A : memref<!tpu.dma_semaphore, #tpu.memory_space<semaphore_mem>>)
      %dma_wait3A = arith.constant 0 : i32
      %dma_wait3A_149 = arith.constant 0 : i32
      %dma_wait3A_150 = tpu.memref_slice %arg6[%dma_wait3A, %dma_wait3A_149] : memref<112x128xf32, #tpu.memory_space<vmem>> -> memref<80x128xf32, #tpu.memory_space<vmem>>
      %dma_wait3A_151 = arith.constant 0 : i32
      %dma_wait3A_152 = tpu.memref_slice %arg9[%add3A_30, %dma_wait3A_151] : memref<10240x128xf32, #tpu.memory_space<vmem_shared>> -> memref<80x128xf32, #tpu.memory_space<vmem_shared>>
      %dma_wait3A_153 = arith.constant 0 : i32
      %dma_wait3A_154 = tpu.memref_slice %arg9[%add3A_30, %dma_wait3A_153] : memref<10240x128xf32, #tpu.memory_space<vmem_shared>> -> memref<80x128xf32, #tpu.memory_space<vmem_shared>>
      %dma_wait3A_155 = arith.constant 0 : i32
      %dma_wait3A_156 = arith.constant 0 : i32
      %dma_wait3A_157 = tpu.memref_slice %arg6[%dma_wait3A_155, %dma_wait3A_156] : memref<112x128xf32, #tpu.memory_space<vmem>> -> memref<80x128xf32, #tpu.memory_space<vmem>>
      tpu.wait_dma2 semaphore(%run_scoped3A : memref<!tpu.dma_semaphore, #tpu.memory_space<semaphore_mem>>) src(%dma_wait3A_157 : memref<80x128xf32, #tpu.memory_space<vmem>>) dst(%dma_wait3A_154 : memref<80x128xf32, #tpu.memory_space<vmem_shared>>)
      tpu.yield
    }) : () -> ()
    %barrier3A = arith.constant 0 : index
    tpu.barrier barrier_id(%barrier3A)
    %mul3A_31 = arith.constant 96 : i32
    %mul3A_32 = arith.muli %add3A, %mul3A_31 : i32
    %add3A_33 = arith.constant 0 : i32
    %add3A_34 = arith.addi %mul3A_32, %add3A_33 : i32
    "tpu.region"() ({
      %run_scoped3A = tpu.sem_alloc : memref<!tpu.dma_semaphore, #tpu.memory_space<semaphore_mem>>
      %dma_start3A_139 = arith.constant 0 : i32
      %dma_start3A_140 = arith.constant 0 : i32
      %dma_start3A_141 = tpu.memref_slice %arg3[%add3A_34, %dma_start3A_139, %dma_start3A_140] : memref<3072x2x112xi32, #tpu.memory_space<hbm>> -> memref<24x2x112xi32, #tpu.memory_space<hbm>>
      %dma_start3A_142 = arith.constant 0 : i32
      %dma_start3A_143 = arith.constant 0 : i32
      %dma_start3A_144 = tpu.memref_slice %arg3[%add3A_34, %dma_start3A_142, %dma_start3A_143] : memref<3072x2x112xi32, #tpu.memory_space<hbm>> -> memref<24x2x112xi32, #tpu.memory_space<hbm>>
      tpu.enqueue_dma source(%dma_start3A_144 : memref<24x2x112xi32, #tpu.memory_space<hbm>>) target(%arg5 : memref<24x2x112xi32, #tpu.memory_space<vmem>>) target_semaphore(%run_scoped3A : memref<!tpu.dma_semaphore, #tpu.memory_space<semaphore_mem>>)
      %dma_wait3A = arith.constant 0 : i32
      %dma_wait3A_145 = arith.constant 0 : i32
      %dma_wait3A_146 = tpu.memref_slice %arg3[%add3A_34, %dma_wait3A, %dma_wait3A_145] : memref<3072x2x112xi32, #tpu.memory_space<hbm>> -> memref<24x2x112xi32, #tpu.memory_space<hbm>>
      %dma_wait3A_147 = arith.constant 0 : i32
      %dma_wait3A_148 = arith.constant 0 : i32
      %dma_wait3A_149 = tpu.memref_slice %arg3[%add3A_34, %dma_wait3A_147, %dma_wait3A_148] : memref<3072x2x112xi32, #tpu.memory_space<hbm>> -> memref<24x2x112xi32, #tpu.memory_space<hbm>>
      tpu.wait_dma2 semaphore(%run_scoped3A : memref<!tpu.dma_semaphore, #tpu.memory_space<semaphore_mem>>) src(%dma_wait3A_149 : memref<24x2x112xi32, #tpu.memory_space<hbm>>) dst(%arg5 : memref<24x2x112xi32, #tpu.memory_space<vmem>>)
      tpu.yield
    }) : () -> ()
    %dma_start3A = arith.constant 0 : i32
    %dma_start3A_35 = arith.constant 0 : i32
    %dma_start3A_36 = arith.constant 0 : i32
    %dma_start3A_37 = tpu.memref_slice %arg5[%dma_start3A, %dma_start3A_35, %dma_start3A_36] : memref<24x2x112xi32, #tpu.memory_space<vmem>> -> memref<1x1x112xi32, #tpu.memory_space<vmem>>
    %dma_start3A_38 = tpu.memref_squeeze %dma_start3A_37 : memref<1x1x112xi32, #tpu.memory_space<vmem>> -> memref<112xi32, #tpu.memory_space<vmem>>
    %dma_start3A_39 = arith.constant 0 : i32
    %dma_start3A_40 = arith.constant 0 : i32
    %dma_start3A_41 = tpu.memref_slice %arg2[%dma_start3A_39, %dma_start3A_40] : memref<10000x128xf32, #tpu.memory_space<hbm>> -> memref<10000x128xf32, #tpu.memory_space<hbm>>
    tpu.enqueue_indirect_dma source(%dma_start3A_41 : memref<10000x128xf32, #tpu.memory_space<hbm>>) target(%arg6 : memref<112x128xf32, #tpu.memory_space<vmem>>) offsets(%dma_start3A_38 : memref<112xi32, #tpu.memory_space<vmem>>) semaphore(%arg10 : memref<!tpu.dma_semaphore, #tpu.memory_space<semaphore_mem>>)
    %dma_start3A_42 = arith.constant 1 : i32
    %dma_start3A_43 = arith.constant 0 : i32
    %dma_start3A_44 = arith.constant 0 : i32
    %dma_start3A_45 = tpu.memref_slice %arg5[%dma_start3A_42, %dma_start3A_43, %dma_start3A_44] : memref<24x2x112xi32, #tpu.memory_space<vmem>> -> memref<1x1x112xi32, #tpu.memory_space<vmem>>
    %dma_start3A_46 = tpu.memref_squeeze %dma_start3A_45 : memref<1x1x112xi32, #tpu.memory_space<vmem>> -> memref<112xi32, #tpu.memory_space<vmem>>
    %dma_start3A_47 = arith.constant 0 : i32
    %dma_start3A_48 = arith.constant 0 : i32
    %dma_start3A_49 = tpu.memref_slice %arg2[%dma_start3A_47, %dma_start3A_48] : memref<10000x128xf32, #tpu.memory_space<hbm>> -> memref<10000x128xf32, #tpu.memory_space<hbm>>
    tpu.enqueue_indirect_dma source(%dma_start3A_49 : memref<10000x128xf32, #tpu.memory_space<hbm>>) target(%arg7 : memref<112x128xf32, #tpu.memory_space<vmem>>) offsets(%dma_start3A_46 : memref<112xi32, #tpu.memory_space<vmem>>) semaphore(%arg11 : memref<!tpu.dma_semaphore, #tpu.memory_space<semaphore_mem>>)
    %scan3A_50 = arith.constant 0 : i32
    %scan3A_51 = arith.constant 0 : i32
    %scan3A_52 = arith.constant 8 : i32
    %scan3A_53 = arith.addi %scan3A_51, %scan3A_52 : i32
    %scan3A_54 = arith.constant 1 : i32
    scf.for %scan3A_139 = %scan3A_51 to %scan3A_53 step %scan3A_54  : i32 {
      %mul3A_140 = arith.constant 3 : i32
      %mul3A_141 = arith.muli %mul3A_140, %scan3A_139 : i32
      %add3A_142 = arith.constant 2 : i32
      %add3A_143 = arith.addi %mul3A_141, %add3A_142 : i32
      %dma_start3A_144 = arith.constant 0 : i32
      %dma_start3A_145 = arith.constant 0 : i32
      %dma_start3A_146 = tpu.memref_slice %arg5[%add3A_143, %dma_start3A_144, %dma_start3A_145] : memref<24x2x112xi32, #tpu.memory_space<vmem>> -> memref<1x1x112xi32, #tpu.memory_space<vmem>>
      %dma_start3A_147 = tpu.memref_squeeze %dma_start3A_146 : memref<1x1x112xi32, #tpu.memory_space<vmem>> -> memref<112xi32, #tpu.memory_space<vmem>>
      %dma_start3A_148 = arith.constant 0 : i32
      %dma_start3A_149 = arith.constant 0 : i32
      %dma_start3A_150 = tpu.memref_slice %arg2[%dma_start3A_148, %dma_start3A_149] : memref<10000x128xf32, #tpu.memory_space<hbm>> -> memref<10000x128xf32, #tpu.memory_space<hbm>>
      tpu.enqueue_indirect_dma source(%dma_start3A_150 : memref<10000x128xf32, #tpu.memory_space<hbm>>) target(%arg8 : memref<112x128xf32, #tpu.memory_space<vmem>>) offsets(%dma_start3A_147 : memref<112xi32, #tpu.memory_space<vmem>>) semaphore(%arg12 : memref<!tpu.dma_semaphore, #tpu.memory_space<semaphore_mem>>)
      %dma_wait3A = arith.constant 0 : i32
      %dma_wait3A_151 = arith.constant 0 : i32
      %dma_wait3A_152 = tpu.memref_slice %arg5[%mul3A_141, %dma_wait3A, %dma_wait3A_151] : memref<24x2x112xi32, #tpu.memory_space<vmem>> -> memref<1x1x112xi32, #tpu.memory_space<vmem>>
      %dma_wait3A_153 = tpu.memref_squeeze %dma_wait3A_152 : memref<1x1x112xi32, #tpu.memory_space<vmem>> -> memref<112xi32, #tpu.memory_space<vmem>>
      %dma_wait3A_154 = arith.constant 0 : i32
      %dma_wait3A_155 = arith.constant 0 : i32
      %dma_wait3A_156 = tpu.memref_slice %arg2[%dma_wait3A_154, %dma_wait3A_155] : memref<10000x128xf32, #tpu.memory_space<hbm>> -> memref<10000x128xf32, #tpu.memory_space<hbm>>
      tpu.wait_indirect_dma semaphore(%arg10 : memref<!tpu.dma_semaphore, #tpu.memory_space<semaphore_mem>>) src(%dma_wait3A_156 : memref<10000x128xf32, #tpu.memory_space<hbm>>) dst(%arg6 : memref<112x128xf32, #tpu.memory_space<vmem>>)
      %run_scoped3A = arith.constant 1 : i32
      "tpu.region"() ({
        %run_scoped3A_188 = tpu.sem_alloc : memref<!tpu.dma_semaphore, #tpu.memory_space<semaphore_mem>>
        %dma_start3A_189 = arith.constant 0 : i32
        %dma_start3A_190 = tpu.memref_slice %arg5[%mul3A_141, %run_scoped3A, %dma_start3A_189] : memref<24x2x112xi32, #tpu.memory_space<vmem>> -> memref<1x1x112xi32, #tpu.memory_space<vmem>>
        %dma_start3A_191 = tpu.memref_squeeze %dma_start3A_190 : memref<1x1x112xi32, #tpu.memory_space<vmem>> -> memref<112xi32, #tpu.memory_space<vmem>>
        %dma_start3A_192 = arith.constant 0 : i32
        %dma_start3A_193 = arith.constant 0 : i32
        %dma_start3A_194 = tpu.memref_slice %arg9[%dma_start3A_192, %dma_start3A_193] : memref<10240x128xf32, #tpu.memory_space<vmem_shared>> -> memref<10240x128xf32, #tpu.memory_space<vmem_shared>>
        tpu.enqueue_indirect_dma source(%arg6 : memref<112x128xf32, #tpu.memory_space<vmem>>) target(%dma_start3A_194 : memref<10240x128xf32, #tpu.memory_space<vmem_shared>>) offsets(%dma_start3A_191 : memref<112xi32, #tpu.memory_space<vmem>>) semaphore(%run_scoped3A_188 : memref<!tpu.dma_semaphore, #tpu.memory_space<semaphore_mem>>) {add = true}
        %dma_wait3A_195 = arith.constant 0 : i32
        %dma_wait3A_196 = tpu.memref_slice %arg5[%mul3A_141, %run_scoped3A, %dma_wait3A_195] : memref<24x2x112xi32, #tpu.memory_space<vmem>> -> memref<1x1x112xi32, #tpu.memory_space<vmem>>
        %dma_wait3A_197 = tpu.memref_squeeze %dma_wait3A_196 : memref<1x1x112xi32, #tpu.memory_space<vmem>> -> memref<112xi32, #tpu.memory_space<vmem>>
        %dma_wait3A_198 = arith.constant 0 : i32
        %dma_wait3A_199 = arith.constant 0 : i32
        %dma_wait3A_200 = tpu.memref_slice %arg9[%dma_wait3A_198, %dma_wait3A_199] : memref<10240x128xf32, #tpu.memory_space<vmem_shared>> -> memref<10240x128xf32, #tpu.memory_space<vmem_shared>>
        tpu.wait_indirect_dma semaphore(%run_scoped3A_188 : memref<!tpu.dma_semaphore, #tpu.memory_space<semaphore_mem>>) src(%arg6 : memref<112x128xf32, #tpu.memory_space<vmem>>) dst(%dma_wait3A_200 : memref<10240x128xf32, #tpu.memory_space<vmem_shared>>)
        tpu.yield
      }) : () -> ()
      %lt3A = arith.constant 7 : i32
      %lt3A_157 = arith.cmpi slt, %scan3A_139, %lt3A : i32
      %convert_element_type3A = arith.extui %lt3A_157 : i1 to i32
      %cond3A = arith.constant 0 : i32
      %cond3A_158 = arith.cmpi ne, %convert_element_type3A, %cond3A : i32
      scf.if %cond3A_158 {
        %add3A_188 = arith.constant 3 : i32
        %add3A_189 = arith.addi %mul3A_141, %add3A_188 : i32
        %dma_start3A_190 = arith.constant 0 : i32
        %dma_start3A_191 = arith.constant 0 : i32
        %dma_start3A_192 = tpu.memref_slice %arg5[%add3A_189, %dma_start3A_190, %dma_start3A_191] : memref<24x2x112xi32, #tpu.memory_space<vmem>> -> memref<1x1x112xi32, #tpu.memory_space<vmem>>
        %dma_start3A_193 = tpu.memref_squeeze %dma_start3A_192 : memref<1x1x112xi32, #tpu.memory_space<vmem>> -> memref<112xi32, #tpu.memory_space<vmem>>
        %dma_start3A_194 = arith.constant 0 : i32
        %dma_start3A_195 = arith.constant 0 : i32
        %dma_start3A_196 = tpu.memref_slice %arg2[%dma_start3A_194, %dma_start3A_195] : memref<10000x128xf32, #tpu.memory_space<hbm>> -> memref<10000x128xf32, #tpu.memory_space<hbm>>
        tpu.enqueue_indirect_dma source(%dma_start3A_196 : memref<10000x128xf32, #tpu.memory_space<hbm>>) target(%arg6 : memref<112x128xf32, #tpu.memory_space<vmem>>) offsets(%dma_start3A_193 : memref<112xi32, #tpu.memory_space<vmem>>) semaphore(%arg10 : memref<!tpu.dma_semaphore, #tpu.memory_space<semaphore_mem>>)
      } else {
      }
      %add3A_159 = arith.constant 1 : i32
      %add3A_160 = arith.addi %mul3A_141, %add3A_159 : i32
      %dma_wait3A_161 = arith.constant 0 : i32
      %dma_wait3A_162 = arith.constant 0 : i32
      %dma_wait3A_163 = tpu.memref_slice %arg5[%add3A_160, %dma_wait3A_161, %dma_wait3A_162] : memref<24x2x112xi32, #tpu.memory_space<vmem>> -> memref<1x1x112xi32, #tpu.memory_space<vmem>>
      %dma_wait3A_164 = tpu.memref_squeeze %dma_wait3A_163 : memref<1x1x112xi32, #tpu.memory_space<vmem>> -> memref<112xi32, #tpu.memory_space<vmem>>
      %dma_wait3A_165 = arith.constant 0 : i32
      %dma_wait3A_166 = arith.constant 0 : i32
      %dma_wait3A_167 = tpu.memref_slice %arg2[%dma_wait3A_165, %dma_wait3A_166] : memref<10000x128xf32, #tpu.memory_space<hbm>> -> memref<10000x128xf32, #tpu.memory_space<hbm>>
      tpu.wait_indirect_dma semaphore(%arg11 : memref<!tpu.dma_semaphore, #tpu.memory_space<semaphore_mem>>) src(%dma_wait3A_167 : memref<10000x128xf32, #tpu.memory_space<hbm>>) dst(%arg7 : memref<112x128xf32, #tpu.memory_space<vmem>>)
      %add3A_168 = arith.constant 1 : i32
      %add3A_169 = arith.addi %mul3A_141, %add3A_168 : i32
      %run_scoped3A_170 = arith.constant 1 : i32
      "tpu.region"() ({
        %run_scoped3A_188 = tpu.sem_alloc : memref<!tpu.dma_semaphore, #tpu.memory_space<semaphore_mem>>
        %dma_start3A_189 = arith.constant 0 : i32
        %dma_start3A_190 = tpu.memref_slice %arg5[%add3A_169, %run_scoped3A_170, %dma_start3A_189] : memref<24x2x112xi32, #tpu.memory_space<vmem>> -> memref<1x1x112xi32, #tpu.memory_space<vmem>>
        %dma_start3A_191 = tpu.memref_squeeze %dma_start3A_190 : memref<1x1x112xi32, #tpu.memory_space<vmem>> -> memref<112xi32, #tpu.memory_space<vmem>>
        %dma_start3A_192 = arith.constant 0 : i32
        %dma_start3A_193 = arith.constant 0 : i32
        %dma_start3A_194 = tpu.memref_slice %arg9[%dma_start3A_192, %dma_start3A_193] : memref<10240x128xf32, #tpu.memory_space<vmem_shared>> -> memref<10240x128xf32, #tpu.memory_space<vmem_shared>>
        tpu.enqueue_indirect_dma source(%arg7 : memref<112x128xf32, #tpu.memory_space<vmem>>) target(%dma_start3A_194 : memref<10240x128xf32, #tpu.memory_space<vmem_shared>>) offsets(%dma_start3A_191 : memref<112xi32, #tpu.memory_space<vmem>>) semaphore(%run_scoped3A_188 : memref<!tpu.dma_semaphore, #tpu.memory_space<semaphore_mem>>) {add = true}
        %dma_wait3A_195 = arith.constant 0 : i32
        %dma_wait3A_196 = tpu.memref_slice %arg5[%add3A_169, %run_scoped3A_170, %dma_wait3A_195] : memref<24x2x112xi32, #tpu.memory_space<vmem>> -> memref<1x1x112xi32, #tpu.memory_space<vmem>>
        %dma_wait3A_197 = tpu.memref_squeeze %dma_wait3A_196 : memref<1x1x112xi32, #tpu.memory_space<vmem>> -> memref<112xi32, #tpu.memory_space<vmem>>
        %dma_wait3A_198 = arith.constant 0 : i32
        %dma_wait3A_199 = arith.constant 0 : i32
        %dma_wait3A_200 = tpu.memref_slice %arg9[%dma_wait3A_198, %dma_wait3A_199] : memref<10240x128xf32, #tpu.memory_space<vmem_shared>> -> memref<10240x128xf32, #tpu.memory_space<vmem_shared>>
        tpu.wait_indirect_dma semaphore(%run_scoped3A_188 : memref<!tpu.dma_semaphore, #tpu.memory_space<semaphore_mem>>) src(%arg7 : memref<112x128xf32, #tpu.memory_space<vmem>>) dst(%dma_wait3A_200 : memref<10240x128xf32, #tpu.memory_space<vmem_shared>>)
        tpu.yield
      }) : () -> ()
      %lt3A_171 = arith.constant 7 : i32
      %lt3A_172 = arith.cmpi slt, %scan3A_139, %lt3A_171 : i32
      %convert_element_type3A_173 = arith.extui %lt3A_172 : i1 to i32
      %cond3A_174 = arith.constant 0 : i32
      %cond3A_175 = arith.cmpi ne, %convert_element_type3A_173, %cond3A_174 : i32
      scf.if %cond3A_175 {
        %add3A_188 = arith.constant 4 : i32
        %add3A_189 = arith.addi %mul3A_141, %add3A_188 : i32
        %dma_start3A_190 = arith.constant 0 : i32
        %dma_start3A_191 = arith.constant 0 : i32
        %dma_start3A_192 = tpu.memref_slice %arg5[%add3A_189, %dma_start3A_190, %dma_start3A_191] : memref<24x2x112xi32, #tpu.memory_space<vmem>> -> memref<1x1x112xi32, #tpu.memory_space<vmem>>
        %dma_start3A_193 = tpu.memref_squeeze %dma_start3A_192 : memref<1x1x112xi32, #tpu.memory_space<vmem>> -> memref<112xi32, #tpu.memory_space<vmem>>
        %dma_start3A_194 = arith.constant 0 : i32
        %dma_start3A_195 = arith.constant 0 : i32
        %dma_start3A_196 = tpu.memref_slice %arg2[%dma_start3A_194, %dma_start3A_195] : memref<10000x128xf32, #tpu.memory_space<hbm>> -> memref<10000x128xf32, #tpu.memory_space<hbm>>
        tpu.enqueue_indirect_dma source(%dma_start3A_196 : memref<10000x128xf32, #tpu.memory_space<hbm>>) target(%arg7 : memref<112x128xf32, #tpu.memory_space<vmem>>) offsets(%dma_start3A_193 : memref<112xi32, #tpu.memory_space<vmem>>) semaphore(%arg11 : memref<!tpu.dma_semaphore, #tpu.memory_space<semaphore_mem>>)
      } else {
      }
      %add3A_176 = arith.constant 2 : i32
      %add3A_177 = arith.addi %mul3A_141, %add3A_176 : i32
      %dma_wait3A_178 = arith.constant 0 : i32
      %dma_wait3A_179 = arith.constant 0 : i32
      %dma_wait3A_180 = tpu.memref_slice %arg5[%add3A_177, %dma_wait3A_178, %dma_wait3A_179] : memref<24x2x112xi32, #tpu.memory_space<vmem>> -> memref<1x1x112xi32, #tpu.memory_space<vmem>>
      %dma_wait3A_181 = tpu.memref_squeeze %dma_wait3A_180 : memref<1x1x112xi32, #tpu.memory_space<vmem>> -> memref<112xi32, #tpu.memory_space<vmem>>
      %dma_wait3A_182 = arith.constant 0 : i32
      %dma_wait3A_183 = arith.constant 0 : i32
      %dma_wait3A_184 = tpu.memref_slice %arg2[%dma_wait3A_182, %dma_wait3A_183] : memref<10000x128xf32, #tpu.memory_space<hbm>> -> memref<10000x128xf32, #tpu.memory_space<hbm>>
      tpu.wait_indirect_dma semaphore(%arg12 : memref<!tpu.dma_semaphore, #tpu.memory_space<semaphore_mem>>) src(%dma_wait3A_184 : memref<10000x128xf32, #tpu.memory_space<hbm>>) dst(%arg8 : memref<112x128xf32, #tpu.memory_space<vmem>>)
      %add3A_185 = arith.constant 2 : i32
      %add3A_186 = arith.addi %mul3A_141, %add3A_185 : i32
      %run_scoped3A_187 = arith.constant 1 : i32
      "tpu.region"() ({
        %run_scoped3A_188 = tpu.sem_alloc : memref<!tpu.dma_semaphore, #tpu.memory_space<semaphore_mem>>
        %dma_start3A_189 = arith.constant 0 : i32
        %dma_start3A_190 = tpu.memref_slice %arg5[%add3A_186, %run_scoped3A_187, %dma_start3A_189] : memref<24x2x112xi32, #tpu.memory_space<vmem>> -> memref<1x1x112xi32, #tpu.memory_space<vmem>>
        %dma_start3A_191 = tpu.memref_squeeze %dma_start3A_190 : memref<1x1x112xi32, #tpu.memory_space<vmem>> -> memref<112xi32, #tpu.memory_space<vmem>>
        %dma_start3A_192 = arith.constant 0 : i32
        %dma_start3A_193 = arith.constant 0 : i32
        %dma_start3A_194 = tpu.memref_slice %arg9[%dma_start3A_192, %dma_start3A_193] : memref<10240x128xf32, #tpu.memory_space<vmem_shared>> -> memref<10240x128xf32, #tpu.memory_space<vmem_shared>>
        tpu.enqueue_indirect_dma source(%arg8 : memref<112x128xf32, #tpu.memory_space<vmem>>) target(%dma_start3A_194 : memref<10240x128xf32, #tpu.memory_space<vmem_shared>>) offsets(%dma_start3A_191 : memref<112xi32, #tpu.memory_space<vmem>>) semaphore(%run_scoped3A_188 : memref<!tpu.dma_semaphore, #tpu.memory_space<semaphore_mem>>) {add = true}
        %dma_wait3A_195 = arith.constant 0 : i32
        %dma_wait3A_196 = tpu.memref_slice %arg5[%add3A_186, %run_scoped3A_187, %dma_wait3A_195] : memref<24x2x112xi32, #tpu.memory_space<vmem>> -> memref<1x1x112xi32, #tpu.memory_space<vmem>>
        %dma_wait3A_197 = tpu.memref_squeeze %dma_wait3A_196 : memref<1x1x112xi32, #tpu.memory_space<vmem>> -> memref<112xi32, #tpu.memory_space<vmem>>
        %dma_wait3A_198 = arith.constant 0 : i32
        %dma_wait3A_199 = arith.constant 0 : i32
        %dma_wait3A_200 = tpu.memref_slice %arg9[%dma_wait3A_198, %dma_wait3A_199] : memref<10240x128xf32, #tpu.memory_space<vmem_shared>> -> memref<10240x128xf32, #tpu.memory_space<vmem_shared>>
        tpu.wait_indirect_dma semaphore(%run_scoped3A_188 : memref<!tpu.dma_semaphore, #tpu.memory_space<semaphore_mem>>) src(%arg8 : memref<112x128xf32, #tpu.memory_space<vmem>>) dst(%dma_wait3A_200 : memref<10240x128xf32, #tpu.memory_space<vmem_shared>>)
        tpu.yield
      }) : () -> ()
    }
    %scan3A_55 = arith.constant 8 : i32
    %mul3A_56 = arith.constant 96 : i32
    %mul3A_57 = arith.muli %add3A, %mul3A_56 : i32
    %add3A_58 = arith.constant 24 : i32
    %add3A_59 = arith.addi %mul3A_57, %add3A_58 : i32
    "tpu.region"() ({
      %run_scoped3A = tpu.sem_alloc : memref<!tpu.dma_semaphore, #tpu.memory_space<semaphore_mem>>
      %dma_start3A_139 = arith.constant 0 : i32
      %dma_start3A_140 = arith.constant 0 : i32
      %dma_start3A_141 = tpu.memref_slice %arg3[%add3A_59, %dma_start3A_139, %dma_start3A_140] : memref<3072x2x112xi32, #tpu.memory_space<hbm>> -> memref<24x2x112xi32, #tpu.memory_space<hbm>>
      %dma_start3A_142 = arith.constant 0 : i32
      %dma_start3A_143 = arith.constant 0 : i32
      %dma_start3A_144 = tpu.memref_slice %arg3[%add3A_59, %dma_start3A_142, %dma_start3A_143] : memref<3072x2x112xi32, #tpu.memory_space<hbm>> -> memref<24x2x112xi32, #tpu.memory_space<hbm>>
      tpu.enqueue_dma source(%dma_start3A_144 : memref<24x2x112xi32, #tpu.memory_space<hbm>>) target(%arg5 : memref<24x2x112xi32, #tpu.memory_space<vmem>>) target_semaphore(%run_scoped3A : memref<!tpu.dma_semaphore, #tpu.memory_space<semaphore_mem>>)
      %dma_wait3A = arith.constant 0 : i32
      %dma_wait3A_145 = arith.constant 0 : i32
      %dma_wait3A_146 = tpu.memref_slice %arg3[%add3A_59, %dma_wait3A, %dma_wait3A_145] : memref<3072x2x112xi32, #tpu.memory_space<hbm>> -> memref<24x2x112xi32, #tpu.memory_space<hbm>>
      %dma_wait3A_147 = arith.constant 0 : i32
      %dma_wait3A_148 = arith.constant 0 : i32
      %dma_wait3A_149 = tpu.memref_slice %arg3[%add3A_59, %dma_wait3A_147, %dma_wait3A_148] : memref<3072x2x112xi32, #tpu.memory_space<hbm>> -> memref<24x2x112xi32, #tpu.memory_space<hbm>>
      tpu.wait_dma2 semaphore(%run_scoped3A : memref<!tpu.dma_semaphore, #tpu.memory_space<semaphore_mem>>) src(%dma_wait3A_149 : memref<24x2x112xi32, #tpu.memory_space<hbm>>) dst(%arg5 : memref<24x2x112xi32, #tpu.memory_space<vmem>>)
      tpu.yield
    }) : () -> ()
    %dma_start3A_60 = arith.constant 0 : i32
    %dma_start3A_61 = arith.constant 0 : i32
    %dma_start3A_62 = arith.constant 0 : i32
    %dma_start3A_63 = tpu.memref_slice %arg5[%dma_start3A_60, %dma_start3A_61, %dma_start3A_62] : memref<24x2x112xi32, #tpu.memory_space<vmem>> -> memref<1x1x112xi32, #tpu.memory_space<vmem>>
    %dma_start3A_64 = tpu.memref_squeeze %dma_start3A_63 : memref<1x1x112xi32, #tpu.memory_space<vmem>> -> memref<112xi32, #tpu.memory_space<vmem>>
    %dma_start3A_65 = arith.constant 0 : i32
    %dma_start3A_66 = arith.constant 0 : i32
    %dma_start3A_67 = tpu.memref_slice %arg2[%dma_start3A_65, %dma_start3A_66] : memref<10000x128xf32, #tpu.memory_space<hbm>> -> memref<10000x128xf32, #tpu.memory_space<hbm>>
    tpu.enqueue_indirect_dma source(%dma_start3A_67 : memref<10000x128xf32, #tpu.memory_space<hbm>>) target(%arg6 : memref<112x128xf32, #tpu.memory_space<vmem>>) offsets(%dma_start3A_64 : memref<112xi32, #tpu.memory_space<vmem>>) semaphore(%arg10 : memref<!tpu.dma_semaphore, #tpu.memory_space<semaphore_mem>>)
    %dma_start3A_68 = arith.constant 1 : i32
    %dma_start3A_69 = arith.constant 0 : i32
    %dma_start3A_70 = arith.constant 0 : i32
    %dma_start3A_71 = tpu.memref_slice %arg5[%dma_start3A_68, %dma_start3A_69, %dma_start3A_70] : memref<24x2x112xi32, #tpu.memory_space<vmem>> -> memref<1x1x112xi32, #tpu.memory_space<vmem>>
    %dma_start3A_72 = tpu.memref_squeeze %dma_start3A_71 : memref<1x1x112xi32, #tpu.memory_space<vmem>> -> memref<112xi32, #tpu.memory_space<vmem>>
    %dma_start3A_73 = arith.constant 0 : i32
    %dma_start3A_74 = arith.constant 0 : i32
    %dma_start3A_75 = tpu.memref_slice %arg2[%dma_start3A_73, %dma_start3A_74] : memref<10000x128xf32, #tpu.memory_space<hbm>> -> memref<10000x128xf32, #tpu.memory_space<hbm>>
    tpu.enqueue_indirect_dma source(%dma_start3A_75 : memref<10000x128xf32, #tpu.memory_space<hbm>>) target(%arg7 : memref<112x128xf32, #tpu.memory_space<vmem>>) offsets(%dma_start3A_72 : memref<112xi32, #tpu.memory_space<vmem>>) semaphore(%arg11 : memref<!tpu.dma_semaphore, #tpu.memory_space<semaphore_mem>>)
    %scan3A_76 = arith.constant 0 : i32
    %scan3A_77 = arith.constant 0 : i32
    %scan3A_78 = arith.constant 8 : i32
    %scan3A_79 = arith.addi %scan3A_77, %scan3A_78 : i32
    %scan3A_80 = arith.constant 1 : i32
    scf.for %scan3A_139 = %scan3A_77 to %scan3A_79 step %scan3A_80  : i32 {
      %mul3A_140 = arith.constant 3 : i32
      %mul3A_141 = arith.muli %mul3A_140, %scan3A_139 : i32
      %add3A_142 = arith.constant 2 : i32
      %add3A_143 = arith.addi %mul3A_141, %add3A_142 : i32
      %dma_start3A_144 = arith.constant 0 : i32
      %dma_start3A_145 = arith.constant 0 : i32
      %dma_start3A_146 = tpu.memref_slice %arg5[%add3A_143, %dma_start3A_144, %dma_start3A_145] : memref<24x2x112xi32, #tpu.memory_space<vmem>> -> memref<1x1x112xi32, #tpu.memory_space<vmem>>
      %dma_start3A_147 = tpu.memref_squeeze %dma_start3A_146 : memref<1x1x112xi32, #tpu.memory_space<vmem>> -> memref<112xi32, #tpu.memory_space<vmem>>
      %dma_start3A_148 = arith.constant 0 : i32
      %dma_start3A_149 = arith.constant 0 : i32
      %dma_start3A_150 = tpu.memref_slice %arg2[%dma_start3A_148, %dma_start3A_149] : memref<10000x128xf32, #tpu.memory_space<hbm>> -> memref<10000x128xf32, #tpu.memory_space<hbm>>
      tpu.enqueue_indirect_dma source(%dma_start3A_150 : memref<10000x128xf32, #tpu.memory_space<hbm>>) target(%arg8 : memref<112x128xf32, #tpu.memory_space<vmem>>) offsets(%dma_start3A_147 : memref<112xi32, #tpu.memory_space<vmem>>) semaphore(%arg12 : memref<!tpu.dma_semaphore, #tpu.memory_space<semaphore_mem>>)
      %dma_wait3A = arith.constant 0 : i32
      %dma_wait3A_151 = arith.constant 0 : i32
      %dma_wait3A_152 = tpu.memref_slice %arg5[%mul3A_141, %dma_wait3A, %dma_wait3A_151] : memref<24x2x112xi32, #tpu.memory_space<vmem>> -> memref<1x1x112xi32, #tpu.memory_space<vmem>>
      %dma_wait3A_153 = tpu.memref_squeeze %dma_wait3A_152 : memref<1x1x112xi32, #tpu.memory_space<vmem>> -> memref<112xi32, #tpu.memory_space<vmem>>
      %dma_wait3A_154 = arith.constant 0 : i32
      %dma_wait3A_155 = arith.constant 0 : i32
      %dma_wait3A_156 = tpu.memref_slice %arg2[%dma_wait3A_154, %dma_wait3A_155] : memref<10000x128xf32, #tpu.memory_space<hbm>> -> memref<10000x128xf32, #tpu.memory_space<hbm>>
      tpu.wait_indirect_dma semaphore(%arg10 : memref<!tpu.dma_semaphore, #tpu.memory_space<semaphore_mem>>) src(%dma_wait3A_156 : memref<10000x128xf32, #tpu.memory_space<hbm>>) dst(%arg6 : memref<112x128xf32, #tpu.memory_space<vmem>>)
      %run_scoped3A = arith.constant 1 : i32
      "tpu.region"() ({
        %run_scoped3A_188 = tpu.sem_alloc : memref<!tpu.dma_semaphore, #tpu.memory_space<semaphore_mem>>
        %dma_start3A_189 = arith.constant 0 : i32
        %dma_start3A_190 = tpu.memref_slice %arg5[%mul3A_141, %run_scoped3A, %dma_start3A_189] : memref<24x2x112xi32, #tpu.memory_space<vmem>> -> memref<1x1x112xi32, #tpu.memory_space<vmem>>
        %dma_start3A_191 = tpu.memref_squeeze %dma_start3A_190 : memref<1x1x112xi32, #tpu.memory_space<vmem>> -> memref<112xi32, #tpu.memory_space<vmem>>
        %dma_start3A_192 = arith.constant 0 : i32
        %dma_start3A_193 = arith.constant 0 : i32
        %dma_start3A_194 = tpu.memref_slice %arg9[%dma_start3A_192, %dma_start3A_193] : memref<10240x128xf32, #tpu.memory_space<vmem_shared>> -> memref<10240x128xf32, #tpu.memory_space<vmem_shared>>
        tpu.enqueue_indirect_dma source(%arg6 : memref<112x128xf32, #tpu.memory_space<vmem>>) target(%dma_start3A_194 : memref<10240x128xf32, #tpu.memory_space<vmem_shared>>) offsets(%dma_start3A_191 : memref<112xi32, #tpu.memory_space<vmem>>) semaphore(%run_scoped3A_188 : memref<!tpu.dma_semaphore, #tpu.memory_space<semaphore_mem>>) {add = true}
        %dma_wait3A_195 = arith.constant 0 : i32
        %dma_wait3A_196 = tpu.memref_slice %arg5[%mul3A_141, %run_scoped3A, %dma_wait3A_195] : memref<24x2x112xi32, #tpu.memory_space<vmem>> -> memref<1x1x112xi32, #tpu.memory_space<vmem>>
        %dma_wait3A_197 = tpu.memref_squeeze %dma_wait3A_196 : memref<1x1x112xi32, #tpu.memory_space<vmem>> -> memref<112xi32, #tpu.memory_space<vmem>>
        %dma_wait3A_198 = arith.constant 0 : i32
        %dma_wait3A_199 = arith.constant 0 : i32
        %dma_wait3A_200 = tpu.memref_slice %arg9[%dma_wait3A_198, %dma_wait3A_199] : memref<10240x128xf32, #tpu.memory_space<vmem_shared>> -> memref<10240x128xf32, #tpu.memory_space<vmem_shared>>
        tpu.wait_indirect_dma semaphore(%run_scoped3A_188 : memref<!tpu.dma_semaphore, #tpu.memory_space<semaphore_mem>>) src(%arg6 : memref<112x128xf32, #tpu.memory_space<vmem>>) dst(%dma_wait3A_200 : memref<10240x128xf32, #tpu.memory_space<vmem_shared>>)
        tpu.yield
      }) : () -> ()
      %lt3A = arith.constant 7 : i32
      %lt3A_157 = arith.cmpi slt, %scan3A_139, %lt3A : i32
      %convert_element_type3A = arith.extui %lt3A_157 : i1 to i32
      %cond3A = arith.constant 0 : i32
      %cond3A_158 = arith.cmpi ne, %convert_element_type3A, %cond3A : i32
      scf.if %cond3A_158 {
        %add3A_188 = arith.constant 3 : i32
        %add3A_189 = arith.addi %mul3A_141, %add3A_188 : i32
        %dma_start3A_190 = arith.constant 0 : i32
        %dma_start3A_191 = arith.constant 0 : i32
        %dma_start3A_192 = tpu.memref_slice %arg5[%add3A_189, %dma_start3A_190, %dma_start3A_191] : memref<24x2x112xi32, #tpu.memory_space<vmem>> -> memref<1x1x112xi32, #tpu.memory_space<vmem>>
        %dma_start3A_193 = tpu.memref_squeeze %dma_start3A_192 : memref<1x1x112xi32, #tpu.memory_space<vmem>> -> memref<112xi32, #tpu.memory_space<vmem>>
        %dma_start3A_194 = arith.constant 0 : i32
        %dma_start3A_195 = arith.constant 0 : i32
        %dma_start3A_196 = tpu.memref_slice %arg2[%dma_start3A_194, %dma_start3A_195] : memref<10000x128xf32, #tpu.memory_space<hbm>> -> memref<10000x128xf32, #tpu.memory_space<hbm>>
        tpu.enqueue_indirect_dma source(%dma_start3A_196 : memref<10000x128xf32, #tpu.memory_space<hbm>>) target(%arg6 : memref<112x128xf32, #tpu.memory_space<vmem>>) offsets(%dma_start3A_193 : memref<112xi32, #tpu.memory_space<vmem>>) semaphore(%arg10 : memref<!tpu.dma_semaphore, #tpu.memory_space<semaphore_mem>>)
      } else {
      }
      %add3A_159 = arith.constant 1 : i32
      %add3A_160 = arith.addi %mul3A_141, %add3A_159 : i32
      %dma_wait3A_161 = arith.constant 0 : i32
      %dma_wait3A_162 = arith.constant 0 : i32
      %dma_wait3A_163 = tpu.memref_slice %arg5[%add3A_160, %dma_wait3A_161, %dma_wait3A_162] : memref<24x2x112xi32, #tpu.memory_space<vmem>> -> memref<1x1x112xi32, #tpu.memory_space<vmem>>
      %dma_wait3A_164 = tpu.memref_squeeze %dma_wait3A_163 : memref<1x1x112xi32, #tpu.memory_space<vmem>> -> memref<112xi32, #tpu.memory_space<vmem>>
      %dma_wait3A_165 = arith.constant 0 : i32
      %dma_wait3A_166 = arith.constant 0 : i32
      %dma_wait3A_167 = tpu.memref_slice %arg2[%dma_wait3A_165, %dma_wait3A_166] : memref<10000x128xf32, #tpu.memory_space<hbm>> -> memref<10000x128xf32, #tpu.memory_space<hbm>>
      tpu.wait_indirect_dma semaphore(%arg11 : memref<!tpu.dma_semaphore, #tpu.memory_space<semaphore_mem>>) src(%dma_wait3A_167 : memref<10000x128xf32, #tpu.memory_space<hbm>>) dst(%arg7 : memref<112x128xf32, #tpu.memory_space<vmem>>)
      %add3A_168 = arith.constant 1 : i32
      %add3A_169 = arith.addi %mul3A_141, %add3A_168 : i32
      %run_scoped3A_170 = arith.constant 1 : i32
      "tpu.region"() ({
        %run_scoped3A_188 = tpu.sem_alloc : memref<!tpu.dma_semaphore, #tpu.memory_space<semaphore_mem>>
        %dma_start3A_189 = arith.constant 0 : i32
        %dma_start3A_190 = tpu.memref_slice %arg5[%add3A_169, %run_scoped3A_170, %dma_start3A_189] : memref<24x2x112xi32, #tpu.memory_space<vmem>> -> memref<1x1x112xi32, #tpu.memory_space<vmem>>
        %dma_start3A_191 = tpu.memref_squeeze %dma_start3A_190 : memref<1x1x112xi32, #tpu.memory_space<vmem>> -> memref<112xi32, #tpu.memory_space<vmem>>
        %dma_start3A_192 = arith.constant 0 : i32
        %dma_start3A_193 = arith.constant 0 : i32
        %dma_start3A_194 = tpu.memref_slice %arg9[%dma_start3A_192, %dma_start3A_193] : memref<10240x128xf32, #tpu.memory_space<vmem_shared>> -> memref<10240x128xf32, #tpu.memory_space<vmem_shared>>
        tpu.enqueue_indirect_dma source(%arg7 : memref<112x128xf32, #tpu.memory_space<vmem>>) target(%dma_start3A_194 : memref<10240x128xf32, #tpu.memory_space<vmem_shared>>) offsets(%dma_start3A_191 : memref<112xi32, #tpu.memory_space<vmem>>) semaphore(%run_scoped3A_188 : memref<!tpu.dma_semaphore, #tpu.memory_space<semaphore_mem>>) {add = true}
        %dma_wait3A_195 = arith.constant 0 : i32
        %dma_wait3A_196 = tpu.memref_slice %arg5[%add3A_169, %run_scoped3A_170, %dma_wait3A_195] : memref<24x2x112xi32, #tpu.memory_space<vmem>> -> memref<1x1x112xi32, #tpu.memory_space<vmem>>
        %dma_wait3A_197 = tpu.memref_squeeze %dma_wait3A_196 : memref<1x1x112xi32, #tpu.memory_space<vmem>> -> memref<112xi32, #tpu.memory_space<vmem>>
        %dma_wait3A_198 = arith.constant 0 : i32
        %dma_wait3A_199 = arith.constant 0 : i32
        %dma_wait3A_200 = tpu.memref_slice %arg9[%dma_wait3A_198, %dma_wait3A_199] : memref<10240x128xf32, #tpu.memory_space<vmem_shared>> -> memref<10240x128xf32, #tpu.memory_space<vmem_shared>>
        tpu.wait_indirect_dma semaphore(%run_scoped3A_188 : memref<!tpu.dma_semaphore, #tpu.memory_space<semaphore_mem>>) src(%arg7 : memref<112x128xf32, #tpu.memory_space<vmem>>) dst(%dma_wait3A_200 : memref<10240x128xf32, #tpu.memory_space<vmem_shared>>)
        tpu.yield
      }) : () -> ()
      %lt3A_171 = arith.constant 7 : i32
      %lt3A_172 = arith.cmpi slt, %scan3A_139, %lt3A_171 : i32
      %convert_element_type3A_173 = arith.extui %lt3A_172 : i1 to i32
      %cond3A_174 = arith.constant 0 : i32
      %cond3A_175 = arith.cmpi ne, %convert_element_type3A_173, %cond3A_174 : i32
      scf.if %cond3A_175 {
        %add3A_188 = arith.constant 4 : i32
        %add3A_189 = arith.addi %mul3A_141, %add3A_188 : i32
        %dma_start3A_190 = arith.constant 0 : i32
        %dma_start3A_191 = arith.constant 0 : i32
        %dma_start3A_192 = tpu.memref_slice %arg5[%add3A_189, %dma_start3A_190, %dma_start3A_191] : memref<24x2x112xi32, #tpu.memory_space<vmem>> -> memref<1x1x112xi32, #tpu.memory_space<vmem>>
        %dma_start3A_193 = tpu.memref_squeeze %dma_start3A_192 : memref<1x1x112xi32, #tpu.memory_space<vmem>> -> memref<112xi32, #tpu.memory_space<vmem>>
        %dma_start3A_194 = arith.constant 0 : i32
        %dma_start3A_195 = arith.constant 0 : i32
        %dma_start3A_196 = tpu.memref_slice %arg2[%dma_start3A_194, %dma_start3A_195] : memref<10000x128xf32, #tpu.memory_space<hbm>> -> memref<10000x128xf32, #tpu.memory_space<hbm>>
        tpu.enqueue_indirect_dma source(%dma_start3A_196 : memref<10000x128xf32, #tpu.memory_space<hbm>>) target(%arg7 : memref<112x128xf32, #tpu.memory_space<vmem>>) offsets(%dma_start3A_193 : memref<112xi32, #tpu.memory_space<vmem>>) semaphore(%arg11 : memref<!tpu.dma_semaphore, #tpu.memory_space<semaphore_mem>>)
      } else {
      }
      %add3A_176 = arith.constant 2 : i32
      %add3A_177 = arith.addi %mul3A_141, %add3A_176 : i32
      %dma_wait3A_178 = arith.constant 0 : i32
      %dma_wait3A_179 = arith.constant 0 : i32
      %dma_wait3A_180 = tpu.memref_slice %arg5[%add3A_177, %dma_wait3A_178, %dma_wait3A_179] : memref<24x2x112xi32, #tpu.memory_space<vmem>> -> memref<1x1x112xi32, #tpu.memory_space<vmem>>
      %dma_wait3A_181 = tpu.memref_squeeze %dma_wait3A_180 : memref<1x1x112xi32, #tpu.memory_space<vmem>> -> memref<112xi32, #tpu.memory_space<vmem>>
      %dma_wait3A_182 = arith.constant 0 : i32
      %dma_wait3A_183 = arith.constant 0 : i32
      %dma_wait3A_184 = tpu.memref_slice %arg2[%dma_wait3A_182, %dma_wait3A_183] : memref<10000x128xf32, #tpu.memory_space<hbm>> -> memref<10000x128xf32, #tpu.memory_space<hbm>>
      tpu.wait_indirect_dma semaphore(%arg12 : memref<!tpu.dma_semaphore, #tpu.memory_space<semaphore_mem>>) src(%dma_wait3A_184 : memref<10000x128xf32, #tpu.memory_space<hbm>>) dst(%arg8 : memref<112x128xf32, #tpu.memory_space<vmem>>)
      %add3A_185 = arith.constant 2 : i32
      %add3A_186 = arith.addi %mul3A_141, %add3A_185 : i32
      %run_scoped3A_187 = arith.constant 1 : i32
      "tpu.region"() ({
        %run_scoped3A_188 = tpu.sem_alloc : memref<!tpu.dma_semaphore, #tpu.memory_space<semaphore_mem>>
        %dma_start3A_189 = arith.constant 0 : i32
        %dma_start3A_190 = tpu.memref_slice %arg5[%add3A_186, %run_scoped3A_187, %dma_start3A_189] : memref<24x2x112xi32, #tpu.memory_space<vmem>> -> memref<1x1x112xi32, #tpu.memory_space<vmem>>
        %dma_start3A_191 = tpu.memref_squeeze %dma_start3A_190 : memref<1x1x112xi32, #tpu.memory_space<vmem>> -> memref<112xi32, #tpu.memory_space<vmem>>
        %dma_start3A_192 = arith.constant 0 : i32
        %dma_start3A_193 = arith.constant 0 : i32
        %dma_start3A_194 = tpu.memref_slice %arg9[%dma_start3A_192, %dma_start3A_193] : memref<10240x128xf32, #tpu.memory_space<vmem_shared>> -> memref<10240x128xf32, #tpu.memory_space<vmem_shared>>
        tpu.enqueue_indirect_dma source(%arg8 : memref<112x128xf32, #tpu.memory_space<vmem>>) target(%dma_start3A_194 : memref<10240x128xf32, #tpu.memory_space<vmem_shared>>) offsets(%dma_start3A_191 : memref<112xi32, #tpu.memory_space<vmem>>) semaphore(%run_scoped3A_188 : memref<!tpu.dma_semaphore, #tpu.memory_space<semaphore_mem>>) {add = true}
        %dma_wait3A_195 = arith.constant 0 : i32
        %dma_wait3A_196 = tpu.memref_slice %arg5[%add3A_186, %run_scoped3A_187, %dma_wait3A_195] : memref<24x2x112xi32, #tpu.memory_space<vmem>> -> memref<1x1x112xi32, #tpu.memory_space<vmem>>
        %dma_wait3A_197 = tpu.memref_squeeze %dma_wait3A_196 : memref<1x1x112xi32, #tpu.memory_space<vmem>> -> memref<112xi32, #tpu.memory_space<vmem>>
        %dma_wait3A_198 = arith.constant 0 : i32
        %dma_wait3A_199 = arith.constant 0 : i32
        %dma_wait3A_200 = tpu.memref_slice %arg9[%dma_wait3A_198, %dma_wait3A_199] : memref<10240x128xf32, #tpu.memory_space<vmem_shared>> -> memref<10240x128xf32, #tpu.memory_space<vmem_shared>>
        tpu.wait_indirect_dma semaphore(%run_scoped3A_188 : memref<!tpu.dma_semaphore, #tpu.memory_space<semaphore_mem>>) src(%arg8 : memref<112x128xf32, #tpu.memory_space<vmem>>) dst(%dma_wait3A_200 : memref<10240x128xf32, #tpu.memory_space<vmem_shared>>)
        tpu.yield
      }) : () -> ()
    }
    %scan3A_81 = arith.constant 8 : i32
    %mul3A_82 = arith.constant 96 : i32
    %mul3A_83 = arith.muli %add3A, %mul3A_82 : i32
    %add3A_84 = arith.constant 48 : i32
    %add3A_85 = arith.addi %mul3A_83, %add3A_84 : i32
    "tpu.region"() ({
      %run_scoped3A = tpu.sem_alloc : memref<!tpu.dma_semaphore, #tpu.memory_space<semaphore_mem>>
      %dma_start3A_139 = arith.constant 0 : i32
      %dma_start3A_140 = arith.constant 0 : i32
      %dma_start3A_141 = tpu.memref_slice %arg3[%add3A_85, %dma_start3A_139, %dma_start3A_140] : memref<3072x2x112xi32, #tpu.memory_space<hbm>> -> memref<24x2x112xi32, #tpu.memory_space<hbm>>
      %dma_start3A_142 = arith.constant 0 : i32
      %dma_start3A_143 = arith.constant 0 : i32
      %dma_start3A_144 = tpu.memref_slice %arg3[%add3A_85, %dma_start3A_142, %dma_start3A_143] : memref<3072x2x112xi32, #tpu.memory_space<hbm>> -> memref<24x2x112xi32, #tpu.memory_space<hbm>>
      tpu.enqueue_dma source(%dma_start3A_144 : memref<24x2x112xi32, #tpu.memory_space<hbm>>) target(%arg5 : memref<24x2x112xi32, #tpu.memory_space<vmem>>) target_semaphore(%run_scoped3A : memref<!tpu.dma_semaphore, #tpu.memory_space<semaphore_mem>>)
      %dma_wait3A = arith.constant 0 : i32
      %dma_wait3A_145 = arith.constant 0 : i32
      %dma_wait3A_146 = tpu.memref_slice %arg3[%add3A_85, %dma_wait3A, %dma_wait3A_145] : memref<3072x2x112xi32, #tpu.memory_space<hbm>> -> memref<24x2x112xi32, #tpu.memory_space<hbm>>
      %dma_wait3A_147 = arith.constant 0 : i32
      %dma_wait3A_148 = arith.constant 0 : i32
      %dma_wait3A_149 = tpu.memref_slice %arg3[%add3A_85, %dma_wait3A_147, %dma_wait3A_148] : memref<3072x2x112xi32, #tpu.memory_space<hbm>> -> memref<24x2x112xi32, #tpu.memory_space<hbm>>
      tpu.wait_dma2 semaphore(%run_scoped3A : memref<!tpu.dma_semaphore, #tpu.memory_space<semaphore_mem>>) src(%dma_wait3A_149 : memref<24x2x112xi32, #tpu.memory_space<hbm>>) dst(%arg5 : memref<24x2x112xi32, #tpu.memory_space<vmem>>)
      tpu.yield
    }) : () -> ()
    %dma_start3A_86 = arith.constant 0 : i32
    %dma_start3A_87 = arith.constant 0 : i32
    %dma_start3A_88 = arith.constant 0 : i32
    %dma_start3A_89 = tpu.memref_slice %arg5[%dma_start3A_86, %dma_start3A_87, %dma_start3A_88] : memref<24x2x112xi32, #tpu.memory_space<vmem>> -> memref<1x1x112xi32, #tpu.memory_space<vmem>>
    %dma_start3A_90 = tpu.memref_squeeze %dma_start3A_89 : memref<1x1x112xi32, #tpu.memory_space<vmem>> -> memref<112xi32, #tpu.memory_space<vmem>>
    %dma_start3A_91 = arith.constant 0 : i32
    %dma_start3A_92 = arith.constant 0 : i32
    %dma_start3A_93 = tpu.memref_slice %arg2[%dma_start3A_91, %dma_start3A_92] : memref<10000x128xf32, #tpu.memory_space<hbm>> -> memref<10000x128xf32, #tpu.memory_space<hbm>>
    tpu.enqueue_indirect_dma source(%dma_start3A_93 : memref<10000x128xf32, #tpu.memory_space<hbm>>) target(%arg6 : memref<112x128xf32, #tpu.memory_space<vmem>>) offsets(%dma_start3A_90 : memref<112xi32, #tpu.memory_space<vmem>>) semaphore(%arg10 : memref<!tpu.dma_semaphore, #tpu.memory_space<semaphore_mem>>)
    %dma_start3A_94 = arith.constant 1 : i32
    %dma_start3A_95 = arith.constant 0 : i32
    %dma_start3A_96 = arith.constant 0 : i32
    %dma_start3A_97 = tpu.memref_slice %arg5[%dma_start3A_94, %dma_start3A_95, %dma_start3A_96] : memref<24x2x112xi32, #tpu.memory_space<vmem>> -> memref<1x1x112xi32, #tpu.memory_space<vmem>>
    %dma_start3A_98 = tpu.memref_squeeze %dma_start3A_97 : memref<1x1x112xi32, #tpu.memory_space<vmem>> -> memref<112xi32, #tpu.memory_space<vmem>>
    %dma_start3A_99 = arith.constant 0 : i32
    %dma_start3A_100 = arith.constant 0 : i32
    %dma_start3A_101 = tpu.memref_slice %arg2[%dma_start3A_99, %dma_start3A_100] : memref<10000x128xf32, #tpu.memory_space<hbm>> -> memref<10000x128xf32, #tpu.memory_space<hbm>>
    tpu.enqueue_indirect_dma source(%dma_start3A_101 : memref<10000x128xf32, #tpu.memory_space<hbm>>) target(%arg7 : memref<112x128xf32, #tpu.memory_space<vmem>>) offsets(%dma_start3A_98 : memref<112xi32, #tpu.memory_space<vmem>>) semaphore(%arg11 : memref<!tpu.dma_semaphore, #tpu.memory_space<semaphore_mem>>)
    %scan3A_102 = arith.constant 0 : i32
    %scan3A_103 = arith.constant 0 : i32
    %scan3A_104 = arith.constant 8 : i32
    %scan3A_105 = arith.addi %scan3A_103, %scan3A_104 : i32
    %scan3A_106 = arith.constant 1 : i32
    scf.for %scan3A_139 = %scan3A_103 to %scan3A_105 step %scan3A_106  : i32 {
      %mul3A_140 = arith.constant 3 : i32
      %mul3A_141 = arith.muli %mul3A_140, %scan3A_139 : i32
      %add3A_142 = arith.constant 2 : i32
      %add3A_143 = arith.addi %mul3A_141, %add3A_142 : i32
      %dma_start3A_144 = arith.constant 0 : i32
      %dma_start3A_145 = arith.constant 0 : i32
      %dma_start3A_146 = tpu.memref_slice %arg5[%add3A_143, %dma_start3A_144, %dma_start3A_145] : memref<24x2x112xi32, #tpu.memory_space<vmem>> -> memref<1x1x112xi32, #tpu.memory_space<vmem>>
      %dma_start3A_147 = tpu.memref_squeeze %dma_start3A_146 : memref<1x1x112xi32, #tpu.memory_space<vmem>> -> memref<112xi32, #tpu.memory_space<vmem>>
      %dma_start3A_148 = arith.constant 0 : i32
      %dma_start3A_149 = arith.constant 0 : i32
      %dma_start3A_150 = tpu.memref_slice %arg2[%dma_start3A_148, %dma_start3A_149] : memref<10000x128xf32, #tpu.memory_space<hbm>> -> memref<10000x128xf32, #tpu.memory_space<hbm>>
      tpu.enqueue_indirect_dma source(%dma_start3A_150 : memref<10000x128xf32, #tpu.memory_space<hbm>>) target(%arg8 : memref<112x128xf32, #tpu.memory_space<vmem>>) offsets(%dma_start3A_147 : memref<112xi32, #tpu.memory_space<vmem>>) semaphore(%arg12 : memref<!tpu.dma_semaphore, #tpu.memory_space<semaphore_mem>>)
      %dma_wait3A = arith.constant 0 : i32
      %dma_wait3A_151 = arith.constant 0 : i32
      %dma_wait3A_152 = tpu.memref_slice %arg5[%mul3A_141, %dma_wait3A, %dma_wait3A_151] : memref<24x2x112xi32, #tpu.memory_space<vmem>> -> memref<1x1x112xi32, #tpu.memory_space<vmem>>
      %dma_wait3A_153 = tpu.memref_squeeze %dma_wait3A_152 : memref<1x1x112xi32, #tpu.memory_space<vmem>> -> memref<112xi32, #tpu.memory_space<vmem>>
      %dma_wait3A_154 = arith.constant 0 : i32
      %dma_wait3A_155 = arith.constant 0 : i32
      %dma_wait3A_156 = tpu.memref_slice %arg2[%dma_wait3A_154, %dma_wait3A_155] : memref<10000x128xf32, #tpu.memory_space<hbm>> -> memref<10000x128xf32, #tpu.memory_space<hbm>>
      tpu.wait_indirect_dma semaphore(%arg10 : memref<!tpu.dma_semaphore, #tpu.memory_space<semaphore_mem>>) src(%dma_wait3A_156 : memref<10000x128xf32, #tpu.memory_space<hbm>>) dst(%arg6 : memref<112x128xf32, #tpu.memory_space<vmem>>)
      %run_scoped3A = arith.constant 1 : i32
      "tpu.region"() ({
        %run_scoped3A_188 = tpu.sem_alloc : memref<!tpu.dma_semaphore, #tpu.memory_space<semaphore_mem>>
        %dma_start3A_189 = arith.constant 0 : i32
        %dma_start3A_190 = tpu.memref_slice %arg5[%mul3A_141, %run_scoped3A, %dma_start3A_189] : memref<24x2x112xi32, #tpu.memory_space<vmem>> -> memref<1x1x112xi32, #tpu.memory_space<vmem>>
        %dma_start3A_191 = tpu.memref_squeeze %dma_start3A_190 : memref<1x1x112xi32, #tpu.memory_space<vmem>> -> memref<112xi32, #tpu.memory_space<vmem>>
        %dma_start3A_192 = arith.constant 0 : i32
        %dma_start3A_193 = arith.constant 0 : i32
        %dma_start3A_194 = tpu.memref_slice %arg9[%dma_start3A_192, %dma_start3A_193] : memref<10240x128xf32, #tpu.memory_space<vmem_shared>> -> memref<10240x128xf32, #tpu.memory_space<vmem_shared>>
        tpu.enqueue_indirect_dma source(%arg6 : memref<112x128xf32, #tpu.memory_space<vmem>>) target(%dma_start3A_194 : memref<10240x128xf32, #tpu.memory_space<vmem_shared>>) offsets(%dma_start3A_191 : memref<112xi32, #tpu.memory_space<vmem>>) semaphore(%run_scoped3A_188 : memref<!tpu.dma_semaphore, #tpu.memory_space<semaphore_mem>>) {add = true}
        %dma_wait3A_195 = arith.constant 0 : i32
        %dma_wait3A_196 = tpu.memref_slice %arg5[%mul3A_141, %run_scoped3A, %dma_wait3A_195] : memref<24x2x112xi32, #tpu.memory_space<vmem>> -> memref<1x1x112xi32, #tpu.memory_space<vmem>>
        %dma_wait3A_197 = tpu.memref_squeeze %dma_wait3A_196 : memref<1x1x112xi32, #tpu.memory_space<vmem>> -> memref<112xi32, #tpu.memory_space<vmem>>
        %dma_wait3A_198 = arith.constant 0 : i32
        %dma_wait3A_199 = arith.constant 0 : i32
        %dma_wait3A_200 = tpu.memref_slice %arg9[%dma_wait3A_198, %dma_wait3A_199] : memref<10240x128xf32, #tpu.memory_space<vmem_shared>> -> memref<10240x128xf32, #tpu.memory_space<vmem_shared>>
        tpu.wait_indirect_dma semaphore(%run_scoped3A_188 : memref<!tpu.dma_semaphore, #tpu.memory_space<semaphore_mem>>) src(%arg6 : memref<112x128xf32, #tpu.memory_space<vmem>>) dst(%dma_wait3A_200 : memref<10240x128xf32, #tpu.memory_space<vmem_shared>>)
        tpu.yield
      }) : () -> ()
      %lt3A = arith.constant 7 : i32
      %lt3A_157 = arith.cmpi slt, %scan3A_139, %lt3A : i32
      %convert_element_type3A = arith.extui %lt3A_157 : i1 to i32
      %cond3A = arith.constant 0 : i32
      %cond3A_158 = arith.cmpi ne, %convert_element_type3A, %cond3A : i32
      scf.if %cond3A_158 {
        %add3A_188 = arith.constant 3 : i32
        %add3A_189 = arith.addi %mul3A_141, %add3A_188 : i32
        %dma_start3A_190 = arith.constant 0 : i32
        %dma_start3A_191 = arith.constant 0 : i32
        %dma_start3A_192 = tpu.memref_slice %arg5[%add3A_189, %dma_start3A_190, %dma_start3A_191] : memref<24x2x112xi32, #tpu.memory_space<vmem>> -> memref<1x1x112xi32, #tpu.memory_space<vmem>>
        %dma_start3A_193 = tpu.memref_squeeze %dma_start3A_192 : memref<1x1x112xi32, #tpu.memory_space<vmem>> -> memref<112xi32, #tpu.memory_space<vmem>>
        %dma_start3A_194 = arith.constant 0 : i32
        %dma_start3A_195 = arith.constant 0 : i32
        %dma_start3A_196 = tpu.memref_slice %arg2[%dma_start3A_194, %dma_start3A_195] : memref<10000x128xf32, #tpu.memory_space<hbm>> -> memref<10000x128xf32, #tpu.memory_space<hbm>>
        tpu.enqueue_indirect_dma source(%dma_start3A_196 : memref<10000x128xf32, #tpu.memory_space<hbm>>) target(%arg6 : memref<112x128xf32, #tpu.memory_space<vmem>>) offsets(%dma_start3A_193 : memref<112xi32, #tpu.memory_space<vmem>>) semaphore(%arg10 : memref<!tpu.dma_semaphore, #tpu.memory_space<semaphore_mem>>)
      } else {
      }
      %add3A_159 = arith.constant 1 : i32
      %add3A_160 = arith.addi %mul3A_141, %add3A_159 : i32
      %dma_wait3A_161 = arith.constant 0 : i32
      %dma_wait3A_162 = arith.constant 0 : i32
      %dma_wait3A_163 = tpu.memref_slice %arg5[%add3A_160, %dma_wait3A_161, %dma_wait3A_162] : memref<24x2x112xi32, #tpu.memory_space<vmem>> -> memref<1x1x112xi32, #tpu.memory_space<vmem>>
      %dma_wait3A_164 = tpu.memref_squeeze %dma_wait3A_163 : memref<1x1x112xi32, #tpu.memory_space<vmem>> -> memref<112xi32, #tpu.memory_space<vmem>>
      %dma_wait3A_165 = arith.constant 0 : i32
      %dma_wait3A_166 = arith.constant 0 : i32
      %dma_wait3A_167 = tpu.memref_slice %arg2[%dma_wait3A_165, %dma_wait3A_166] : memref<10000x128xf32, #tpu.memory_space<hbm>> -> memref<10000x128xf32, #tpu.memory_space<hbm>>
      tpu.wait_indirect_dma semaphore(%arg11 : memref<!tpu.dma_semaphore, #tpu.memory_space<semaphore_mem>>) src(%dma_wait3A_167 : memref<10000x128xf32, #tpu.memory_space<hbm>>) dst(%arg7 : memref<112x128xf32, #tpu.memory_space<vmem>>)
      %add3A_168 = arith.constant 1 : i32
      %add3A_169 = arith.addi %mul3A_141, %add3A_168 : i32
      %run_scoped3A_170 = arith.constant 1 : i32
      "tpu.region"() ({
        %run_scoped3A_188 = tpu.sem_alloc : memref<!tpu.dma_semaphore, #tpu.memory_space<semaphore_mem>>
        %dma_start3A_189 = arith.constant 0 : i32
        %dma_start3A_190 = tpu.memref_slice %arg5[%add3A_169, %run_scoped3A_170, %dma_start3A_189] : memref<24x2x112xi32, #tpu.memory_space<vmem>> -> memref<1x1x112xi32, #tpu.memory_space<vmem>>
        %dma_start3A_191 = tpu.memref_squeeze %dma_start3A_190 : memref<1x1x112xi32, #tpu.memory_space<vmem>> -> memref<112xi32, #tpu.memory_space<vmem>>
        %dma_start3A_192 = arith.constant 0 : i32
        %dma_start3A_193 = arith.constant 0 : i32
        %dma_start3A_194 = tpu.memref_slice %arg9[%dma_start3A_192, %dma_start3A_193] : memref<10240x128xf32, #tpu.memory_space<vmem_shared>> -> memref<10240x128xf32, #tpu.memory_space<vmem_shared>>
        tpu.enqueue_indirect_dma source(%arg7 : memref<112x128xf32, #tpu.memory_space<vmem>>) target(%dma_start3A_194 : memref<10240x128xf32, #tpu.memory_space<vmem_shared>>) offsets(%dma_start3A_191 : memref<112xi32, #tpu.memory_space<vmem>>) semaphore(%run_scoped3A_188 : memref<!tpu.dma_semaphore, #tpu.memory_space<semaphore_mem>>) {add = true}
        %dma_wait3A_195 = arith.constant 0 : i32
        %dma_wait3A_196 = tpu.memref_slice %arg5[%add3A_169, %run_scoped3A_170, %dma_wait3A_195] : memref<24x2x112xi32, #tpu.memory_space<vmem>> -> memref<1x1x112xi32, #tpu.memory_space<vmem>>
        %dma_wait3A_197 = tpu.memref_squeeze %dma_wait3A_196 : memref<1x1x112xi32, #tpu.memory_space<vmem>> -> memref<112xi32, #tpu.memory_space<vmem>>
        %dma_wait3A_198 = arith.constant 0 : i32
        %dma_wait3A_199 = arith.constant 0 : i32
        %dma_wait3A_200 = tpu.memref_slice %arg9[%dma_wait3A_198, %dma_wait3A_199] : memref<10240x128xf32, #tpu.memory_space<vmem_shared>> -> memref<10240x128xf32, #tpu.memory_space<vmem_shared>>
        tpu.wait_indirect_dma semaphore(%run_scoped3A_188 : memref<!tpu.dma_semaphore, #tpu.memory_space<semaphore_mem>>) src(%arg7 : memref<112x128xf32, #tpu.memory_space<vmem>>) dst(%dma_wait3A_200 : memref<10240x128xf32, #tpu.memory_space<vmem_shared>>)
        tpu.yield
      }) : () -> ()
      %lt3A_171 = arith.constant 7 : i32
      %lt3A_172 = arith.cmpi slt, %scan3A_139, %lt3A_171 : i32
      %convert_element_type3A_173 = arith.extui %lt3A_172 : i1 to i32
      %cond3A_174 = arith.constant 0 : i32
      %cond3A_175 = arith.cmpi ne, %convert_element_type3A_173, %cond3A_174 : i32
      scf.if %cond3A_175 {
        %add3A_188 = arith.constant 4 : i32
        %add3A_189 = arith.addi %mul3A_141, %add3A_188 : i32
        %dma_start3A_190 = arith.constant 0 : i32
        %dma_start3A_191 = arith.constant 0 : i32
        %dma_start3A_192 = tpu.memref_slice %arg5[%add3A_189, %dma_start3A_190, %dma_start3A_191] : memref<24x2x112xi32, #tpu.memory_space<vmem>> -> memref<1x1x112xi32, #tpu.memory_space<vmem>>
        %dma_start3A_193 = tpu.memref_squeeze %dma_start3A_192 : memref<1x1x112xi32, #tpu.memory_space<vmem>> -> memref<112xi32, #tpu.memory_space<vmem>>
        %dma_start3A_194 = arith.constant 0 : i32
        %dma_start3A_195 = arith.constant 0 : i32
        %dma_start3A_196 = tpu.memref_slice %arg2[%dma_start3A_194, %dma_start3A_195] : memref<10000x128xf32, #tpu.memory_space<hbm>> -> memref<10000x128xf32, #tpu.memory_space<hbm>>
        tpu.enqueue_indirect_dma source(%dma_start3A_196 : memref<10000x128xf32, #tpu.memory_space<hbm>>) target(%arg7 : memref<112x128xf32, #tpu.memory_space<vmem>>) offsets(%dma_start3A_193 : memref<112xi32, #tpu.memory_space<vmem>>) semaphore(%arg11 : memref<!tpu.dma_semaphore, #tpu.memory_space<semaphore_mem>>)
      } else {
      }
      %add3A_176 = arith.constant 2 : i32
      %add3A_177 = arith.addi %mul3A_141, %add3A_176 : i32
      %dma_wait3A_178 = arith.constant 0 : i32
      %dma_wait3A_179 = arith.constant 0 : i32
      %dma_wait3A_180 = tpu.memref_slice %arg5[%add3A_177, %dma_wait3A_178, %dma_wait3A_179] : memref<24x2x112xi32, #tpu.memory_space<vmem>> -> memref<1x1x112xi32, #tpu.memory_space<vmem>>
      %dma_wait3A_181 = tpu.memref_squeeze %dma_wait3A_180 : memref<1x1x112xi32, #tpu.memory_space<vmem>> -> memref<112xi32, #tpu.memory_space<vmem>>
      %dma_wait3A_182 = arith.constant 0 : i32
      %dma_wait3A_183 = arith.constant 0 : i32
      %dma_wait3A_184 = tpu.memref_slice %arg2[%dma_wait3A_182, %dma_wait3A_183] : memref<10000x128xf32, #tpu.memory_space<hbm>> -> memref<10000x128xf32, #tpu.memory_space<hbm>>
      tpu.wait_indirect_dma semaphore(%arg12 : memref<!tpu.dma_semaphore, #tpu.memory_space<semaphore_mem>>) src(%dma_wait3A_184 : memref<10000x128xf32, #tpu.memory_space<hbm>>) dst(%arg8 : memref<112x128xf32, #tpu.memory_space<vmem>>)
      %add3A_185 = arith.constant 2 : i32
      %add3A_186 = arith.addi %mul3A_141, %add3A_185 : i32
      %run_scoped3A_187 = arith.constant 1 : i32
      "tpu.region"() ({
        %run_scoped3A_188 = tpu.sem_alloc : memref<!tpu.dma_semaphore, #tpu.memory_space<semaphore_mem>>
        %dma_start3A_189 = arith.constant 0 : i32
        %dma_start3A_190 = tpu.memref_slice %arg5[%add3A_186, %run_scoped3A_187, %dma_start3A_189] : memref<24x2x112xi32, #tpu.memory_space<vmem>> -> memref<1x1x112xi32, #tpu.memory_space<vmem>>
        %dma_start3A_191 = tpu.memref_squeeze %dma_start3A_190 : memref<1x1x112xi32, #tpu.memory_space<vmem>> -> memref<112xi32, #tpu.memory_space<vmem>>
        %dma_start3A_192 = arith.constant 0 : i32
        %dma_start3A_193 = arith.constant 0 : i32
        %dma_start3A_194 = tpu.memref_slice %arg9[%dma_start3A_192, %dma_start3A_193] : memref<10240x128xf32, #tpu.memory_space<vmem_shared>> -> memref<10240x128xf32, #tpu.memory_space<vmem_shared>>
        tpu.enqueue_indirect_dma source(%arg8 : memref<112x128xf32, #tpu.memory_space<vmem>>) target(%dma_start3A_194 : memref<10240x128xf32, #tpu.memory_space<vmem_shared>>) offsets(%dma_start3A_191 : memref<112xi32, #tpu.memory_space<vmem>>) semaphore(%run_scoped3A_188 : memref<!tpu.dma_semaphore, #tpu.memory_space<semaphore_mem>>) {add = true}
        %dma_wait3A_195 = arith.constant 0 : i32
        %dma_wait3A_196 = tpu.memref_slice %arg5[%add3A_186, %run_scoped3A_187, %dma_wait3A_195] : memref<24x2x112xi32, #tpu.memory_space<vmem>> -> memref<1x1x112xi32, #tpu.memory_space<vmem>>
        %dma_wait3A_197 = tpu.memref_squeeze %dma_wait3A_196 : memref<1x1x112xi32, #tpu.memory_space<vmem>> -> memref<112xi32, #tpu.memory_space<vmem>>
        %dma_wait3A_198 = arith.constant 0 : i32
        %dma_wait3A_199 = arith.constant 0 : i32
        %dma_wait3A_200 = tpu.memref_slice %arg9[%dma_wait3A_198, %dma_wait3A_199] : memref<10240x128xf32, #tpu.memory_space<vmem_shared>> -> memref<10240x128xf32, #tpu.memory_space<vmem_shared>>
        tpu.wait_indirect_dma semaphore(%run_scoped3A_188 : memref<!tpu.dma_semaphore, #tpu.memory_space<semaphore_mem>>) src(%arg8 : memref<112x128xf32, #tpu.memory_space<vmem>>) dst(%dma_wait3A_200 : memref<10240x128xf32, #tpu.memory_space<vmem_shared>>)
        tpu.yield
      }) : () -> ()
    }
    %scan3A_107 = arith.constant 8 : i32
    %mul3A_108 = arith.constant 96 : i32
    %mul3A_109 = arith.muli %add3A, %mul3A_108 : i32
    %add3A_110 = arith.constant 72 : i32
    %add3A_111 = arith.addi %mul3A_109, %add3A_110 : i32
    "tpu.region"() ({
      %run_scoped3A = tpu.sem_alloc : memref<!tpu.dma_semaphore, #tpu.memory_space<semaphore_mem>>
      %dma_start3A_139 = arith.constant 0 : i32
      %dma_start3A_140 = arith.constant 0 : i32
      %dma_start3A_141 = tpu.memref_slice %arg3[%add3A_111, %dma_start3A_139, %dma_start3A_140] : memref<3072x2x112xi32, #tpu.memory_space<hbm>> -> memref<24x2x112xi32, #tpu.memory_space<hbm>>
      %dma_start3A_142 = arith.constant 0 : i32
      %dma_start3A_143 = arith.constant 0 : i32
      %dma_start3A_144 = tpu.memref_slice %arg3[%add3A_111, %dma_start3A_142, %dma_start3A_143] : memref<3072x2x112xi32, #tpu.memory_space<hbm>> -> memref<24x2x112xi32, #tpu.memory_space<hbm>>
      tpu.enqueue_dma source(%dma_start3A_144 : memref<24x2x112xi32, #tpu.memory_space<hbm>>) target(%arg5 : memref<24x2x112xi32, #tpu.memory_space<vmem>>) target_semaphore(%run_scoped3A : memref<!tpu.dma_semaphore, #tpu.memory_space<semaphore_mem>>)
      %dma_wait3A = arith.constant 0 : i32
      %dma_wait3A_145 = arith.constant 0 : i32
      %dma_wait3A_146 = tpu.memref_slice %arg3[%add3A_111, %dma_wait3A, %dma_wait3A_145] : memref<3072x2x112xi32, #tpu.memory_space<hbm>> -> memref<24x2x112xi32, #tpu.memory_space<hbm>>
      %dma_wait3A_147 = arith.constant 0 : i32
      %dma_wait3A_148 = arith.constant 0 : i32
      %dma_wait3A_149 = tpu.memref_slice %arg3[%add3A_111, %dma_wait3A_147, %dma_wait3A_148] : memref<3072x2x112xi32, #tpu.memory_space<hbm>> -> memref<24x2x112xi32, #tpu.memory_space<hbm>>
      tpu.wait_dma2 semaphore(%run_scoped3A : memref<!tpu.dma_semaphore, #tpu.memory_space<semaphore_mem>>) src(%dma_wait3A_149 : memref<24x2x112xi32, #tpu.memory_space<hbm>>) dst(%arg5 : memref<24x2x112xi32, #tpu.memory_space<vmem>>)
      tpu.yield
    }) : () -> ()
    %dma_start3A_112 = arith.constant 0 : i32
    %dma_start3A_113 = arith.constant 0 : i32
    %dma_start3A_114 = arith.constant 0 : i32
    %dma_start3A_115 = tpu.memref_slice %arg5[%dma_start3A_112, %dma_start3A_113, %dma_start3A_114] : memref<24x2x112xi32, #tpu.memory_space<vmem>> -> memref<1x1x112xi32, #tpu.memory_space<vmem>>
    %dma_start3A_116 = tpu.memref_squeeze %dma_start3A_115 : memref<1x1x112xi32, #tpu.memory_space<vmem>> -> memref<112xi32, #tpu.memory_space<vmem>>
    %dma_start3A_117 = arith.constant 0 : i32
    %dma_start3A_118 = arith.constant 0 : i32
    %dma_start3A_119 = tpu.memref_slice %arg2[%dma_start3A_117, %dma_start3A_118] : memref<10000x128xf32, #tpu.memory_space<hbm>> -> memref<10000x128xf32, #tpu.memory_space<hbm>>
    tpu.enqueue_indirect_dma source(%dma_start3A_119 : memref<10000x128xf32, #tpu.memory_space<hbm>>) target(%arg6 : memref<112x128xf32, #tpu.memory_space<vmem>>) offsets(%dma_start3A_116 : memref<112xi32, #tpu.memory_space<vmem>>) semaphore(%arg10 : memref<!tpu.dma_semaphore, #tpu.memory_space<semaphore_mem>>)
    %dma_start3A_120 = arith.constant 1 : i32
    %dma_start3A_121 = arith.constant 0 : i32
    %dma_start3A_122 = arith.constant 0 : i32
    %dma_start3A_123 = tpu.memref_slice %arg5[%dma_start3A_120, %dma_start3A_121, %dma_start3A_122] : memref<24x2x112xi32, #tpu.memory_space<vmem>> -> memref<1x1x112xi32, #tpu.memory_space<vmem>>
    %dma_start3A_124 = tpu.memref_squeeze %dma_start3A_123 : memref<1x1x112xi32, #tpu.memory_space<vmem>> -> memref<112xi32, #tpu.memory_space<vmem>>
    %dma_start3A_125 = arith.constant 0 : i32
    %dma_start3A_126 = arith.constant 0 : i32
    %dma_start3A_127 = tpu.memref_slice %arg2[%dma_start3A_125, %dma_start3A_126] : memref<10000x128xf32, #tpu.memory_space<hbm>> -> memref<10000x128xf32, #tpu.memory_space<hbm>>
    tpu.enqueue_indirect_dma source(%dma_start3A_127 : memref<10000x128xf32, #tpu.memory_space<hbm>>) target(%arg7 : memref<112x128xf32, #tpu.memory_space<vmem>>) offsets(%dma_start3A_124 : memref<112xi32, #tpu.memory_space<vmem>>) semaphore(%arg11 : memref<!tpu.dma_semaphore, #tpu.memory_space<semaphore_mem>>)
    %scan3A_128 = arith.constant 0 : i32
    %scan3A_129 = arith.constant 0 : i32
    %scan3A_130 = arith.constant 8 : i32
    %scan3A_131 = arith.addi %scan3A_129, %scan3A_130 : i32
    %scan3A_132 = arith.constant 1 : i32
    scf.for %scan3A_139 = %scan3A_129 to %scan3A_131 step %scan3A_132  : i32 {
      %mul3A_140 = arith.constant 3 : i32
      %mul3A_141 = arith.muli %mul3A_140, %scan3A_139 : i32
      %add3A_142 = arith.constant 2 : i32
      %add3A_143 = arith.addi %mul3A_141, %add3A_142 : i32
      %dma_start3A_144 = arith.constant 0 : i32
      %dma_start3A_145 = arith.constant 0 : i32
      %dma_start3A_146 = tpu.memref_slice %arg5[%add3A_143, %dma_start3A_144, %dma_start3A_145] : memref<24x2x112xi32, #tpu.memory_space<vmem>> -> memref<1x1x112xi32, #tpu.memory_space<vmem>>
      %dma_start3A_147 = tpu.memref_squeeze %dma_start3A_146 : memref<1x1x112xi32, #tpu.memory_space<vmem>> -> memref<112xi32, #tpu.memory_space<vmem>>
      %dma_start3A_148 = arith.constant 0 : i32
      %dma_start3A_149 = arith.constant 0 : i32
      %dma_start3A_150 = tpu.memref_slice %arg2[%dma_start3A_148, %dma_start3A_149] : memref<10000x128xf32, #tpu.memory_space<hbm>> -> memref<10000x128xf32, #tpu.memory_space<hbm>>
      tpu.enqueue_indirect_dma source(%dma_start3A_150 : memref<10000x128xf32, #tpu.memory_space<hbm>>) target(%arg8 : memref<112x128xf32, #tpu.memory_space<vmem>>) offsets(%dma_start3A_147 : memref<112xi32, #tpu.memory_space<vmem>>) semaphore(%arg12 : memref<!tpu.dma_semaphore, #tpu.memory_space<semaphore_mem>>)
      %dma_wait3A = arith.constant 0 : i32
      %dma_wait3A_151 = arith.constant 0 : i32
      %dma_wait3A_152 = tpu.memref_slice %arg5[%mul3A_141, %dma_wait3A, %dma_wait3A_151] : memref<24x2x112xi32, #tpu.memory_space<vmem>> -> memref<1x1x112xi32, #tpu.memory_space<vmem>>
      %dma_wait3A_153 = tpu.memref_squeeze %dma_wait3A_152 : memref<1x1x112xi32, #tpu.memory_space<vmem>> -> memref<112xi32, #tpu.memory_space<vmem>>
      %dma_wait3A_154 = arith.constant 0 : i32
      %dma_wait3A_155 = arith.constant 0 : i32
      %dma_wait3A_156 = tpu.memref_slice %arg2[%dma_wait3A_154, %dma_wait3A_155] : memref<10000x128xf32, #tpu.memory_space<hbm>> -> memref<10000x128xf32, #tpu.memory_space<hbm>>
      tpu.wait_indirect_dma semaphore(%arg10 : memref<!tpu.dma_semaphore, #tpu.memory_space<semaphore_mem>>) src(%dma_wait3A_156 : memref<10000x128xf32, #tpu.memory_space<hbm>>) dst(%arg6 : memref<112x128xf32, #tpu.memory_space<vmem>>)
      %run_scoped3A = arith.constant 1 : i32
      "tpu.region"() ({
        %run_scoped3A_188 = tpu.sem_alloc : memref<!tpu.dma_semaphore, #tpu.memory_space<semaphore_mem>>
        %dma_start3A_189 = arith.constant 0 : i32
        %dma_start3A_190 = tpu.memref_slice %arg5[%mul3A_141, %run_scoped3A, %dma_start3A_189] : memref<24x2x112xi32, #tpu.memory_space<vmem>> -> memref<1x1x112xi32, #tpu.memory_space<vmem>>
        %dma_start3A_191 = tpu.memref_squeeze %dma_start3A_190 : memref<1x1x112xi32, #tpu.memory_space<vmem>> -> memref<112xi32, #tpu.memory_space<vmem>>
        %dma_start3A_192 = arith.constant 0 : i32
        %dma_start3A_193 = arith.constant 0 : i32
        %dma_start3A_194 = tpu.memref_slice %arg9[%dma_start3A_192, %dma_start3A_193] : memref<10240x128xf32, #tpu.memory_space<vmem_shared>> -> memref<10240x128xf32, #tpu.memory_space<vmem_shared>>
        tpu.enqueue_indirect_dma source(%arg6 : memref<112x128xf32, #tpu.memory_space<vmem>>) target(%dma_start3A_194 : memref<10240x128xf32, #tpu.memory_space<vmem_shared>>) offsets(%dma_start3A_191 : memref<112xi32, #tpu.memory_space<vmem>>) semaphore(%run_scoped3A_188 : memref<!tpu.dma_semaphore, #tpu.memory_space<semaphore_mem>>) {add = true}
        %dma_wait3A_195 = arith.constant 0 : i32
        %dma_wait3A_196 = tpu.memref_slice %arg5[%mul3A_141, %run_scoped3A, %dma_wait3A_195] : memref<24x2x112xi32, #tpu.memory_space<vmem>> -> memref<1x1x112xi32, #tpu.memory_space<vmem>>
        %dma_wait3A_197 = tpu.memref_squeeze %dma_wait3A_196 : memref<1x1x112xi32, #tpu.memory_space<vmem>> -> memref<112xi32, #tpu.memory_space<vmem>>
        %dma_wait3A_198 = arith.constant 0 : i32
        %dma_wait3A_199 = arith.constant 0 : i32
        %dma_wait3A_200 = tpu.memref_slice %arg9[%dma_wait3A_198, %dma_wait3A_199] : memref<10240x128xf32, #tpu.memory_space<vmem_shared>> -> memref<10240x128xf32, #tpu.memory_space<vmem_shared>>
        tpu.wait_indirect_dma semaphore(%run_scoped3A_188 : memref<!tpu.dma_semaphore, #tpu.memory_space<semaphore_mem>>) src(%arg6 : memref<112x128xf32, #tpu.memory_space<vmem>>) dst(%dma_wait3A_200 : memref<10240x128xf32, #tpu.memory_space<vmem_shared>>)
        tpu.yield
      }) : () -> ()
      %lt3A = arith.constant 7 : i32
      %lt3A_157 = arith.cmpi slt, %scan3A_139, %lt3A : i32
      %convert_element_type3A = arith.extui %lt3A_157 : i1 to i32
      %cond3A = arith.constant 0 : i32
      %cond3A_158 = arith.cmpi ne, %convert_element_type3A, %cond3A : i32
      scf.if %cond3A_158 {
        %add3A_188 = arith.constant 3 : i32
        %add3A_189 = arith.addi %mul3A_141, %add3A_188 : i32
        %dma_start3A_190 = arith.constant 0 : i32
        %dma_start3A_191 = arith.constant 0 : i32
        %dma_start3A_192 = tpu.memref_slice %arg5[%add3A_189, %dma_start3A_190, %dma_start3A_191] : memref<24x2x112xi32, #tpu.memory_space<vmem>> -> memref<1x1x112xi32, #tpu.memory_space<vmem>>
        %dma_start3A_193 = tpu.memref_squeeze %dma_start3A_192 : memref<1x1x112xi32, #tpu.memory_space<vmem>> -> memref<112xi32, #tpu.memory_space<vmem>>
        %dma_start3A_194 = arith.constant 0 : i32
        %dma_start3A_195 = arith.constant 0 : i32
        %dma_start3A_196 = tpu.memref_slice %arg2[%dma_start3A_194, %dma_start3A_195] : memref<10000x128xf32, #tpu.memory_space<hbm>> -> memref<10000x128xf32, #tpu.memory_space<hbm>>
        tpu.enqueue_indirect_dma source(%dma_start3A_196 : memref<10000x128xf32, #tpu.memory_space<hbm>>) target(%arg6 : memref<112x128xf32, #tpu.memory_space<vmem>>) offsets(%dma_start3A_193 : memref<112xi32, #tpu.memory_space<vmem>>) semaphore(%arg10 : memref<!tpu.dma_semaphore, #tpu.memory_space<semaphore_mem>>)
      } else {
      }
      %add3A_159 = arith.constant 1 : i32
      %add3A_160 = arith.addi %mul3A_141, %add3A_159 : i32
      %dma_wait3A_161 = arith.constant 0 : i32
      %dma_wait3A_162 = arith.constant 0 : i32
      %dma_wait3A_163 = tpu.memref_slice %arg5[%add3A_160, %dma_wait3A_161, %dma_wait3A_162] : memref<24x2x112xi32, #tpu.memory_space<vmem>> -> memref<1x1x112xi32, #tpu.memory_space<vmem>>
      %dma_wait3A_164 = tpu.memref_squeeze %dma_wait3A_163 : memref<1x1x112xi32, #tpu.memory_space<vmem>> -> memref<112xi32, #tpu.memory_space<vmem>>
      %dma_wait3A_165 = arith.constant 0 : i32
      %dma_wait3A_166 = arith.constant 0 : i32
      %dma_wait3A_167 = tpu.memref_slice %arg2[%dma_wait3A_165, %dma_wait3A_166] : memref<10000x128xf32, #tpu.memory_space<hbm>> -> memref<10000x128xf32, #tpu.memory_space<hbm>>
      tpu.wait_indirect_dma semaphore(%arg11 : memref<!tpu.dma_semaphore, #tpu.memory_space<semaphore_mem>>) src(%dma_wait3A_167 : memref<10000x128xf32, #tpu.memory_space<hbm>>) dst(%arg7 : memref<112x128xf32, #tpu.memory_space<vmem>>)
      %add3A_168 = arith.constant 1 : i32
      %add3A_169 = arith.addi %mul3A_141, %add3A_168 : i32
      %run_scoped3A_170 = arith.constant 1 : i32
      "tpu.region"() ({
        %run_scoped3A_188 = tpu.sem_alloc : memref<!tpu.dma_semaphore, #tpu.memory_space<semaphore_mem>>
        %dma_start3A_189 = arith.constant 0 : i32
        %dma_start3A_190 = tpu.memref_slice %arg5[%add3A_169, %run_scoped3A_170, %dma_start3A_189] : memref<24x2x112xi32, #tpu.memory_space<vmem>> -> memref<1x1x112xi32, #tpu.memory_space<vmem>>
        %dma_start3A_191 = tpu.memref_squeeze %dma_start3A_190 : memref<1x1x112xi32, #tpu.memory_space<vmem>> -> memref<112xi32, #tpu.memory_space<vmem>>
        %dma_start3A_192 = arith.constant 0 : i32
        %dma_start3A_193 = arith.constant 0 : i32
        %dma_start3A_194 = tpu.memref_slice %arg9[%dma_start3A_192, %dma_start3A_193] : memref<10240x128xf32, #tpu.memory_space<vmem_shared>> -> memref<10240x128xf32, #tpu.memory_space<vmem_shared>>
        tpu.enqueue_indirect_dma source(%arg7 : memref<112x128xf32, #tpu.memory_space<vmem>>) target(%dma_start3A_194 : memref<10240x128xf32, #tpu.memory_space<vmem_shared>>) offsets(%dma_start3A_191 : memref<112xi32, #tpu.memory_space<vmem>>) semaphore(%run_scoped3A_188 : memref<!tpu.dma_semaphore, #tpu.memory_space<semaphore_mem>>) {add = true}
        %dma_wait3A_195 = arith.constant 0 : i32
        %dma_wait3A_196 = tpu.memref_slice %arg5[%add3A_169, %run_scoped3A_170, %dma_wait3A_195] : memref<24x2x112xi32, #tpu.memory_space<vmem>> -> memref<1x1x112xi32, #tpu.memory_space<vmem>>
        %dma_wait3A_197 = tpu.memref_squeeze %dma_wait3A_196 : memref<1x1x112xi32, #tpu.memory_space<vmem>> -> memref<112xi32, #tpu.memory_space<vmem>>
        %dma_wait3A_198 = arith.constant 0 : i32
        %dma_wait3A_199 = arith.constant 0 : i32
        %dma_wait3A_200 = tpu.memref_slice %arg9[%dma_wait3A_198, %dma_wait3A_199] : memref<10240x128xf32, #tpu.memory_space<vmem_shared>> -> memref<10240x128xf32, #tpu.memory_space<vmem_shared>>
        tpu.wait_indirect_dma semaphore(%run_scoped3A_188 : memref<!tpu.dma_semaphore, #tpu.memory_space<semaphore_mem>>) src(%arg7 : memref<112x128xf32, #tpu.memory_space<vmem>>) dst(%dma_wait3A_200 : memref<10240x128xf32, #tpu.memory_space<vmem_shared>>)
        tpu.yield
      }) : () -> ()
      %lt3A_171 = arith.constant 7 : i32
      %lt3A_172 = arith.cmpi slt, %scan3A_139, %lt3A_171 : i32
      %convert_element_type3A_173 = arith.extui %lt3A_172 : i1 to i32
      %cond3A_174 = arith.constant 0 : i32
      %cond3A_175 = arith.cmpi ne, %convert_element_type3A_173, %cond3A_174 : i32
      scf.if %cond3A_175 {
        %add3A_188 = arith.constant 4 : i32
        %add3A_189 = arith.addi %mul3A_141, %add3A_188 : i32
        %dma_start3A_190 = arith.constant 0 : i32
        %dma_start3A_191 = arith.constant 0 : i32
        %dma_start3A_192 = tpu.memref_slice %arg5[%add3A_189, %dma_start3A_190, %dma_start3A_191] : memref<24x2x112xi32, #tpu.memory_space<vmem>> -> memref<1x1x112xi32, #tpu.memory_space<vmem>>
        %dma_start3A_193 = tpu.memref_squeeze %dma_start3A_192 : memref<1x1x112xi32, #tpu.memory_space<vmem>> -> memref<112xi32, #tpu.memory_space<vmem>>
        %dma_start3A_194 = arith.constant 0 : i32
        %dma_start3A_195 = arith.constant 0 : i32
        %dma_start3A_196 = tpu.memref_slice %arg2[%dma_start3A_194, %dma_start3A_195] : memref<10000x128xf32, #tpu.memory_space<hbm>> -> memref<10000x128xf32, #tpu.memory_space<hbm>>
        tpu.enqueue_indirect_dma source(%dma_start3A_196 : memref<10000x128xf32, #tpu.memory_space<hbm>>) target(%arg7 : memref<112x128xf32, #tpu.memory_space<vmem>>) offsets(%dma_start3A_193 : memref<112xi32, #tpu.memory_space<vmem>>) semaphore(%arg11 : memref<!tpu.dma_semaphore, #tpu.memory_space<semaphore_mem>>)
      } else {
      }
      %add3A_176 = arith.constant 2 : i32
      %add3A_177 = arith.addi %mul3A_141, %add3A_176 : i32
      %dma_wait3A_178 = arith.constant 0 : i32
      %dma_wait3A_179 = arith.constant 0 : i32
      %dma_wait3A_180 = tpu.memref_slice %arg5[%add3A_177, %dma_wait3A_178, %dma_wait3A_179] : memref<24x2x112xi32, #tpu.memory_space<vmem>> -> memref<1x1x112xi32, #tpu.memory_space<vmem>>
      %dma_wait3A_181 = tpu.memref_squeeze %dma_wait3A_180 : memref<1x1x112xi32, #tpu.memory_space<vmem>> -> memref<112xi32, #tpu.memory_space<vmem>>
      %dma_wait3A_182 = arith.constant 0 : i32
      %dma_wait3A_183 = arith.constant 0 : i32
      %dma_wait3A_184 = tpu.memref_slice %arg2[%dma_wait3A_182, %dma_wait3A_183] : memref<10000x128xf32, #tpu.memory_space<hbm>> -> memref<10000x128xf32, #tpu.memory_space<hbm>>
      tpu.wait_indirect_dma semaphore(%arg12 : memref<!tpu.dma_semaphore, #tpu.memory_space<semaphore_mem>>) src(%dma_wait3A_184 : memref<10000x128xf32, #tpu.memory_space<hbm>>) dst(%arg8 : memref<112x128xf32, #tpu.memory_space<vmem>>)
      %add3A_185 = arith.constant 2 : i32
      %add3A_186 = arith.addi %mul3A_141, %add3A_185 : i32
      %run_scoped3A_187 = arith.constant 1 : i32
      "tpu.region"() ({
        %run_scoped3A_188 = tpu.sem_alloc : memref<!tpu.dma_semaphore, #tpu.memory_space<semaphore_mem>>
        %dma_start3A_189 = arith.constant 0 : i32
        %dma_start3A_190 = tpu.memref_slice %arg5[%add3A_186, %run_scoped3A_187, %dma_start3A_189] : memref<24x2x112xi32, #tpu.memory_space<vmem>> -> memref<1x1x112xi32, #tpu.memory_space<vmem>>
        %dma_start3A_191 = tpu.memref_squeeze %dma_start3A_190 : memref<1x1x112xi32, #tpu.memory_space<vmem>> -> memref<112xi32, #tpu.memory_space<vmem>>
        %dma_start3A_192 = arith.constant 0 : i32
        %dma_start3A_193 = arith.constant 0 : i32
        %dma_start3A_194 = tpu.memref_slice %arg9[%dma_start3A_192, %dma_start3A_193] : memref<10240x128xf32, #tpu.memory_space<vmem_shared>> -> memref<10240x128xf32, #tpu.memory_space<vmem_shared>>
        tpu.enqueue_indirect_dma source(%arg8 : memref<112x128xf32, #tpu.memory_space<vmem>>) target(%dma_start3A_194 : memref<10240x128xf32, #tpu.memory_space<vmem_shared>>) offsets(%dma_start3A_191 : memref<112xi32, #tpu.memory_space<vmem>>) semaphore(%run_scoped3A_188 : memref<!tpu.dma_semaphore, #tpu.memory_space<semaphore_mem>>) {add = true}
        %dma_wait3A_195 = arith.constant 0 : i32
        %dma_wait3A_196 = tpu.memref_slice %arg5[%add3A_186, %run_scoped3A_187, %dma_wait3A_195] : memref<24x2x112xi32, #tpu.memory_space<vmem>> -> memref<1x1x112xi32, #tpu.memory_space<vmem>>
        %dma_wait3A_197 = tpu.memref_squeeze %dma_wait3A_196 : memref<1x1x112xi32, #tpu.memory_space<vmem>> -> memref<112xi32, #tpu.memory_space<vmem>>
        %dma_wait3A_198 = arith.constant 0 : i32
        %dma_wait3A_199 = arith.constant 0 : i32
        %dma_wait3A_200 = tpu.memref_slice %arg9[%dma_wait3A_198, %dma_wait3A_199] : memref<10240x128xf32, #tpu.memory_space<vmem_shared>> -> memref<10240x128xf32, #tpu.memory_space<vmem_shared>>
        tpu.wait_indirect_dma semaphore(%run_scoped3A_188 : memref<!tpu.dma_semaphore, #tpu.memory_space<semaphore_mem>>) src(%arg8 : memref<112x128xf32, #tpu.memory_space<vmem>>) dst(%dma_wait3A_200 : memref<10240x128xf32, #tpu.memory_space<vmem_shared>>)
        tpu.yield
      }) : () -> ()
    }
    %scan3A_133 = arith.constant 8 : i32
    %barrier3A_134 = arith.constant 0 : index
    tpu.barrier barrier_id(%barrier3A_134)
    %mul3A_135 = arith.constant 640 : i32
    %mul3A_136 = arith.muli %arg1, %mul3A_135 : i32
    %mul3A_137 = arith.constant 640 : i32
    %mul3A_138 = arith.muli %arg1, %mul3A_137 : i32
    "tpu.region"() ({
      %run_scoped3A = tpu.sem_alloc : memref<!tpu.dma_semaphore, #tpu.memory_space<semaphore_mem>>
      %dma_start3A_139 = arith.constant 0 : i32
      %dma_start3A_140 = arith.constant 0 : i32
      %dma_start3A_141 = tpu.memref_slice %arg4[%arg0, %dma_start3A_139, %dma_start3A_140] : memref<2x10240x128xf32, #tpu.memory_space<hbm>> -> memref<1x10240x128xf32, #tpu.memory_space<hbm>>
      %dma_start3A_142 = tpu.memref_squeeze %dma_start3A_141 : memref<1x10240x128xf32, #tpu.memory_space<hbm>> -> memref<10240x128xf32, #tpu.memory_space<hbm>>
      %dma_start3A_143 = arith.constant 0 : i32
      %dma_start3A_144 = tpu.memref_slice %dma_start3A_142[%mul3A_138, %dma_start3A_143] : memref<10240x128xf32, #tpu.memory_space<hbm>> -> memref<640x128xf32, #tpu.memory_space<hbm>>
      %dma_start3A_145 = arith.constant 0 : i32
      %dma_start3A_146 = tpu.memref_slice %arg9[%mul3A_136, %dma_start3A_145] : memref<10240x128xf32, #tpu.memory_space<vmem_shared>> -> memref<640x128xf32, #tpu.memory_space<vmem_shared>>
      tpu.enqueue_dma source(%dma_start3A_146 : memref<640x128xf32, #tpu.memory_space<vmem_shared>>) target(%dma_start3A_144 : memref<640x128xf32, #tpu.memory_space<hbm>>) target_semaphore(%run_scoped3A : memref<!tpu.dma_semaphore, #tpu.memory_space<semaphore_mem>>)
      %dma_wait3A = arith.constant 0 : i32
      %dma_wait3A_147 = arith.constant 0 : i32
      %dma_wait3A_148 = tpu.memref_slice %arg4[%arg0, %dma_wait3A, %dma_wait3A_147] : memref<2x10240x128xf32, #tpu.memory_space<hbm>> -> memref<1x10240x128xf32, #tpu.memory_space<hbm>>
      %dma_wait3A_149 = tpu.memref_squeeze %dma_wait3A_148 : memref<1x10240x128xf32, #tpu.memory_space<hbm>> -> memref<10240x128xf32, #tpu.memory_space<hbm>>
      %dma_wait3A_150 = arith.constant 0 : i32
      %dma_wait3A_151 = tpu.memref_slice %dma_wait3A_149[%mul3A_138, %dma_wait3A_150] : memref<10240x128xf32, #tpu.memory_space<hbm>> -> memref<640x128xf32, #tpu.memory_space<hbm>>
      %dma_wait3A_152 = arith.constant 0 : i32
      %dma_wait3A_153 = tpu.memref_slice %arg9[%mul3A_136, %dma_wait3A_152] : memref<10240x128xf32, #tpu.memory_space<vmem_shared>> -> memref<640x128xf32, #tpu.memory_space<vmem_shared>>
      tpu.wait_dma2 semaphore(%run_scoped3A : memref<!tpu.dma_semaphore, #tpu.memory_space<semaphore_mem>>) src(%dma_wait3A_153 : memref<640x128xf32, #tpu.memory_space<vmem_shared>>) dst(%dma_wait3A_151 : memref<640x128xf32, #tpu.memory_space<hbm>>)
      tpu.yield
    }) : () -> ()
    return
  }
}

#map = affine_map<(d0, d1) -> (0, 0)>
#map1 = affine_map<(d0, d1) -> (0, 0, 0)>
module attributes {stable_mosaic.version = 14 : i64} {
  func.func @_sc_msg(%arg0: i32, %arg1: i32, %arg2: memref<10000x128xf32, #tpu.memory_space<hbm>>, %arg3: memref<3072x2x112xi32, #tpu.memory_space<hbm>>, %arg4: memref<2x10240x128xf32, #tpu.memory_space<hbm>>, %arg5: memref<24x2x112xi32, #tpu.memory_space<vmem>>, %arg6: memref<112x128xf32, #tpu.memory_space<vmem>>, %arg7: memref<112x128xf32, #tpu.memory_space<vmem>>, %arg8: memref<112x128xf32, #tpu.memory_space<vmem>>, %arg9: memref<10240x128xf32, #tpu.memory_space<vmem_shared>>, %arg10: memref<!tpu.dma_semaphore, #tpu.memory_space<semaphore_mem>>, %arg11: memref<!tpu.dma_semaphore, #tpu.memory_space<semaphore_mem>>, %arg12: memref<!tpu.dma_semaphore, #tpu.memory_space<semaphore_mem>>) attributes {dimension_semantics = [#tpu.dimension_semantics<core_parallel>, #tpu.dimension_semantics<subcore_parallel>], iteration_bounds = array<i64: 2, 16>, scalar_prefetch = 0 : i64, scratch_operands = 8 : i64, tpu.core_type = #tpu.core_type<sc_vector_subcore>, window_params = [{transform_indices = #map}, {transform_indices = #map1}, {transform_indices = #map1}]} {
    %mul3A = arith.constant 16 : i32
    %mul3A_0 = arith.muli %arg0, %mul3A : i32
    %add3A = arith.addi %mul3A_0, %arg1 : i32
    %broadcast_in_dim3A = arith.constant 0.000000e+00 : f32
    %broadcast_in_dim3A_1 = vector.broadcast %broadcast_in_dim3A : f32 to vector<16xf32>
    %scan3A = arith.constant 0 : i32
    %scan3A_2 = arith.constant 0 : i32
    %scan3A_3 = arith.constant 112 : i32
    %scan3A_4 = arith.addi %scan3A_2, %scan3A_3 : i32
    %scan3A_5 = arith.constant 1 : i32
    scf.for %scan3A_139 = %scan3A_2 to %scan3A_4 step %scan3A_5  : i32 {
      %swap3A = arith.index_cast %scan3A_139 : i32 to index
      %swap3A_140 = arith.constant 0 : index
      %swap3A_141 = tpu.vector_load %arg6[%swap3A, %swap3A_140] {strides = array<i32>} : memref<112x128xf32, #tpu.memory_space<vmem>>, vector<16xf32>,
      tpu.vector_store %arg6[%swap3A, %swap3A_140], %broadcast_in_dim3A_1 {strides = array<i32>} : memref<112x128xf32, #tpu.memory_space<vmem>>, vector<16xf32>,
      %swap3A_142 = arith.index_cast %scan3A_139 : i32 to index
      %swap3A_143 = arith.constant 16 : index
      %swap3A_144 = tpu.vector_load %arg6[%swap3A_142, %swap3A_143] {strides = array<i32>} : memref<112x128xf32, #tpu.memory_space<vmem>>, vector<16xf32>,
      tpu.vector_store %arg6[%swap3A_142, %swap3A_143], %broadcast_in_dim3A_1 {strides = array<i32>} : memref<112x128xf32, #tpu.memory_space<vmem>>, vector<16xf32>,
      %swap3A_145 = arith.index_cast %scan3A_139 : i32 to index
      %swap3A_146 = arith.constant 32 : index
      %swap3A_147 = tpu.vector_load %arg6[%swap3A_145, %swap3A_146] {strides = array<i32>} : memref<112x128xf32, #tpu.memory_space<vmem>>, vector<16xf32>,
      tpu.vector_store %arg6[%swap3A_145, %swap3A_146], %broadcast_in_dim3A_1 {strides = array<i32>} : memref<112x128xf32, #tpu.memory_space<vmem>>, vector<16xf32>,
      %swap3A_148 = arith.index_cast %scan3A_139 : i32 to index
      %swap3A_149 = arith.constant 48 : index
      %swap3A_150 = tpu.vector_load %arg6[%swap3A_148, %swap3A_149] {strides = array<i32>} : memref<112x128xf32, #tpu.memory_space<vmem>>, vector<16xf32>,
      tpu.vector_store %arg6[%swap3A_148, %swap3A_149], %broadcast_in_dim3A_1 {strides = array<i32>} : memref<112x128xf32, #tpu.memory_space<vmem>>, vector<16xf32>,
      %swap3A_151 = arith.index_cast %scan3A_139 : i32 to index
      %swap3A_152 = arith.constant 64 : index
      %swap3A_153 = tpu.vector_load %arg6[%swap3A_151, %swap3A_152] {strides = array<i32>} : memref<112x128xf32, #tpu.memory_space<vmem>>, vector<16xf32>,
      tpu.vector_store %arg6[%swap3A_151, %swap3A_152], %broadcast_in_dim3A_1 {strides = array<i32>} : memref<112x128xf32, #tpu.memory_space<vmem>>, vector<16xf32>,
      %swap3A_154 = arith.index_cast %scan3A_139 : i32 to index
      %swap3A_155 = arith.constant 80 : index
      %swap3A_156 = tpu.vector_load %arg6[%swap3A_154, %swap3A_155] {strides = array<i32>} : memref<112x128xf32, #tpu.memory_space<vmem>>, vector<16xf32>,
      tpu.vector_store %arg6[%swap3A_154, %swap3A_155], %broadcast_in_dim3A_1 {strides = array<i32>} : memref<112x128xf32, #tpu.memory_space<vmem>>, vector<16xf32>,
      %swap3A_157 = arith.index_cast %scan3A_139 : i32 to index
      %swap3A_158 = arith.constant 96 : index
      %swap3A_159 = tpu.vector_load %arg6[%swap3A_157, %swap3A_158] {strides = array<i32>} : memref<112x128xf32, #tpu.memory_space<vmem>>, vector<16xf32>,
      tpu.vector_store %arg6[%swap3A_157, %swap3A_158], %broadcast_in_dim3A_1 {strides = array<i32>} : memref<112x128xf32, #tpu.memory_space<vmem>>, vector<16xf32>,
      %swap3A_160 = arith.index_cast %scan3A_139 : i32 to index
      %swap3A_161 = arith.constant 112 : index
      %swap3A_162 = tpu.vector_load %arg6[%swap3A_160, %swap3A_161] {strides = array<i32>} : memref<112x128xf32, #tpu.memory_space<vmem>>, vector<16xf32>,
      tpu.vector_store %arg6[%swap3A_160, %swap3A_161], %broadcast_in_dim3A_1 {strides = array<i32>} : memref<112x128xf32, #tpu.memory_space<vmem>>, vector<16xf32>,
    }
    %scan3A_6 = arith.constant 112 : i32
    %mul3A_7 = arith.constant 640 : i32
    %mul3A_8 = arith.muli %arg1, %mul3A_7 : i32
    %add3A_9 = arith.constant 0 : i32
    %add3A_10 = arith.addi %mul3A_8, %add3A_9 : i32
    "tpu.region"() ({
      %run_scoped3A = tpu.sem_alloc : memref<!tpu.dma_semaphore, #tpu.memory_space<semaphore_mem>>
      %dma_start3A_139 = arith.constant 0 : i32
      %dma_start3A_140 = tpu.memref_slice %arg9[%add3A_10, %dma_start3A_139] : memref<10240x128xf32, #tpu.memory_space<vmem_shared>> -> memref<112x128xf32, #tpu.memory_space<vmem_shared>>
      %dma_start3A_141 = arith.constant 0 : i32
      %dma_start3A_142 = tpu.memref_slice %arg9[%add3A_10, %dma_start3A_141] : memref<10240x128xf32, #tpu.memory_space<vmem_shared>> -> memref<112x128xf32, #tpu.memory_space<vmem_shared>>
      tpu.enqueue_dma source(%arg6 : memref<112x128xf32, #tpu.memory_space<vmem>>) target(%dma_start3A_142 : memref<112x128xf32, #tpu.memory_space<vmem_shared>>) target_semaphore(%run_scoped3A : memref<!tpu.dma_semaphore, #tpu.memory_space<semaphore_mem>>)
      %dma_wait3A = arith.constant 0 : i32
      %dma_wait3A_143 = tpu.memref_slice %arg9[%add3A_10, %dma_wait3A] : memref<10240x128xf32, #tpu.memory_space<vmem_shared>> -> memref<112x128xf32, #tpu.memory_space<vmem_shared>>
      %dma_wait3A_144 = arith.constant 0 : i32
      %dma_wait3A_145 = tpu.memref_slice %arg9[%add3A_10, %dma_wait3A_144] : memref<10240x128xf32, #tpu.memory_space<vmem_shared>> -> memref<112x128xf32, #tpu.memory_space<vmem_shared>>
      tpu.wait_dma2 semaphore(%run_scoped3A : memref<!tpu.dma_semaphore, #tpu.memory_space<semaphore_mem>>) src(%arg6 : memref<112x128xf32, #tpu.memory_space<vmem>>) dst(%dma_wait3A_145 : memref<112x128xf32, #tpu.memory_space<vmem_shared>>)
      tpu.yield
    }) : () -> ()
    %mul3A_11 = arith.constant 640 : i32
    %mul3A_12 = arith.muli %arg1, %mul3A_11 : i32
    %add3A_13 = arith.constant 112 : i32
    %add3A_14 = arith.addi %mul3A_12, %add3A_13 : i32
    "tpu.region"() ({
      %run_scoped3A = tpu.sem_alloc : memref<!tpu.dma_semaphore, #tpu.memory_space<semaphore_mem>>
      %dma_start3A_139 = arith.constant 0 : i32
      %dma_start3A_140 = tpu.memref_slice %arg9[%add3A_14, %dma_start3A_139] : memref<10240x128xf32, #tpu.memory_space<vmem_shared>> -> memref<112x128xf32, #tpu.memory_space<vmem_shared>>
      %dma_start3A_141 = arith.constant 0 : i32
      %dma_start3A_142 = tpu.memref_slice %arg9[%add3A_14, %dma_start3A_141] : memref<10240x128xf32, #tpu.memory_space<vmem_shared>> -> memref<112x128xf32, #tpu.memory_space<vmem_shared>>
      tpu.enqueue_dma source(%arg6 : memref<112x128xf32, #tpu.memory_space<vmem>>) target(%dma_start3A_142 : memref<112x128xf32, #tpu.memory_space<vmem_shared>>) target_semaphore(%run_scoped3A : memref<!tpu.dma_semaphore, #tpu.memory_space<semaphore_mem>>)
      %dma_wait3A = arith.constant 0 : i32
      %dma_wait3A_143 = tpu.memref_slice %arg9[%add3A_14, %dma_wait3A] : memref<10240x128xf32, #tpu.memory_space<vmem_shared>> -> memref<112x128xf32, #tpu.memory_space<vmem_shared>>
      %dma_wait3A_144 = arith.constant 0 : i32
      %dma_wait3A_145 = tpu.memref_slice %arg9[%add3A_14, %dma_wait3A_144] : memref<10240x128xf32, #tpu.memory_space<vmem_shared>> -> memref<112x128xf32, #tpu.memory_space<vmem_shared>>
      tpu.wait_dma2 semaphore(%run_scoped3A : memref<!tpu.dma_semaphore, #tpu.memory_space<semaphore_mem>>) src(%arg6 : memref<112x128xf32, #tpu.memory_space<vmem>>) dst(%dma_wait3A_145 : memref<112x128xf32, #tpu.memory_space<vmem_shared>>)
      tpu.yield
    }) : () -> ()
    %mul3A_15 = arith.constant 640 : i32
    %mul3A_16 = arith.muli %arg1, %mul3A_15 : i32
    %add3A_17 = arith.constant 224 : i32
    %add3A_18 = arith.addi %mul3A_16, %add3A_17 : i32
    "tpu.region"() ({
      %run_scoped3A = tpu.sem_alloc : memref<!tpu.dma_semaphore, #tpu.memory_space<semaphore_mem>>
      %dma_start3A_139 = arith.constant 0 : i32
      %dma_start3A_140 = tpu.memref_slice %arg9[%add3A_18, %dma_start3A_139] : memref<10240x128xf32, #tpu.memory_space<vmem_shared>> -> memref<112x128xf32, #tpu.memory_space<vmem_shared>>
      %dma_start3A_141 = arith.constant 0 : i32
      %dma_start3A_142 = tpu.memref_slice %arg9[%add3A_18, %dma_start3A_141] : memref<10240x128xf32, #tpu.memory_space<vmem_shared>> -> memref<112x128xf32, #tpu.memory_space<vmem_shared>>
      tpu.enqueue_dma source(%arg6 : memref<112x128xf32, #tpu.memory_space<vmem>>) target(%dma_start3A_142 : memref<112x128xf32, #tpu.memory_space<vmem_shared>>) target_semaphore(%run_scoped3A : memref<!tpu.dma_semaphore, #tpu.memory_space<semaphore_mem>>)
      %dma_wait3A = arith.constant 0 : i32
      %dma_wait3A_143 = tpu.memref_slice %arg9[%add3A_18, %dma_wait3A] : memref<10240x128xf32, #tpu.memory_space<vmem_shared>> -> memref<112x128xf32, #tpu.memory_space<vmem_shared>>
      %dma_wait3A_144 = arith.constant 0 : i32
      %dma_wait3A_145 = tpu.memref_slice %arg9[%add3A_18, %dma_wait3A_144] : memref<10240x128xf32, #tpu.memory_space<vmem_shared>> -> memref<112x128xf32, #tpu.memory_space<vmem_shared>>
      tpu.wait_dma2 semaphore(%run_scoped3A : memref<!tpu.dma_semaphore, #tpu.memory_space<semaphore_mem>>) src(%arg6 : memref<112x128xf32, #tpu.memory_space<vmem>>) dst(%dma_wait3A_145 : memref<112x128xf32, #tpu.memory_space<vmem_shared>>)
      tpu.yield
    }) : () -> ()
    %mul3A_19 = arith.constant 640 : i32
    %mul3A_20 = arith.muli %arg1, %mul3A_19 : i32
    %add3A_21 = arith.constant 336 : i32
    %add3A_22 = arith.addi %mul3A_20, %add3A_21 : i32
    "tpu.region"() ({
      %run_scoped3A = tpu.sem_alloc : memref<!tpu.dma_semaphore, #tpu.memory_space<semaphore_mem>>
      %dma_start3A_139 = arith.constant 0 : i32
      %dma_start3A_140 = tpu.memref_slice %arg9[%add3A_22, %dma_start3A_139] : memref<10240x128xf32, #tpu.memory_space<vmem_shared>> -> memref<112x128xf32, #tpu.memory_space<vmem_shared>>
      %dma_start3A_141 = arith.constant 0 : i32
      %dma_start3A_142 = tpu.memref_slice %arg9[%add3A_22, %dma_start3A_141] : memref<10240x128xf32, #tpu.memory_space<vmem_shared>> -> memref<112x128xf32, #tpu.memory_space<vmem_shared>>
      tpu.enqueue_dma source(%arg6 : memref<112x128xf32, #tpu.memory_space<vmem>>) target(%dma_start3A_142 : memref<112x128xf32, #tpu.memory_space<vmem_shared>>) target_semaphore(%run_scoped3A : memref<!tpu.dma_semaphore, #tpu.memory_space<semaphore_mem>>)
      %dma_wait3A = arith.constant 0 : i32
      %dma_wait3A_143 = tpu.memref_slice %arg9[%add3A_22, %dma_wait3A] : memref<10240x128xf32, #tpu.memory_space<vmem_shared>> -> memref<112x128xf32, #tpu.memory_space<vmem_shared>>
      %dma_wait3A_144 = arith.constant 0 : i32
      %dma_wait3A_145 = tpu.memref_slice %arg9[%add3A_22, %dma_wait3A_144] : memref<10240x128xf32, #tpu.memory_space<vmem_shared>> -> memref<112x128xf32, #tpu.memory_space<vmem_shared>>
      tpu.wait_dma2 semaphore(%run_scoped3A : memref<!tpu.dma_semaphore, #tpu.memory_space<semaphore_mem>>) src(%arg6 : memref<112x128xf32, #tpu.memory_space<vmem>>) dst(%dma_wait3A_145 : memref<112x128xf32, #tpu.memory_space<vmem_shared>>)
      tpu.yield
    }) : () -> ()
    %mul3A_23 = arith.constant 640 : i32
    %mul3A_24 = arith.muli %arg1, %mul3A_23 : i32
    %add3A_25 = arith.constant 448 : i32
    %add3A_26 = arith.addi %mul3A_24, %add3A_25 : i32
    "tpu.region"() ({
      %run_scoped3A = tpu.sem_alloc : memref<!tpu.dma_semaphore, #tpu.memory_space<semaphore_mem>>
      %dma_start3A_139 = arith.constant 0 : i32
      %dma_start3A_140 = tpu.memref_slice %arg9[%add3A_26, %dma_start3A_139] : memref<10240x128xf32, #tpu.memory_space<vmem_shared>> -> memref<112x128xf32, #tpu.memory_space<vmem_shared>>
      %dma_start3A_141 = arith.constant 0 : i32
      %dma_start3A_142 = tpu.memref_slice %arg9[%add3A_26, %dma_start3A_141] : memref<10240x128xf32, #tpu.memory_space<vmem_shared>> -> memref<112x128xf32, #tpu.memory_space<vmem_shared>>
      tpu.enqueue_dma source(%arg6 : memref<112x128xf32, #tpu.memory_space<vmem>>) target(%dma_start3A_142 : memref<112x128xf32, #tpu.memory_space<vmem_shared>>) target_semaphore(%run_scoped3A : memref<!tpu.dma_semaphore, #tpu.memory_space<semaphore_mem>>)
      %dma_wait3A = arith.constant 0 : i32
      %dma_wait3A_143 = tpu.memref_slice %arg9[%add3A_26, %dma_wait3A] : memref<10240x128xf32, #tpu.memory_space<vmem_shared>> -> memref<112x128xf32, #tpu.memory_space<vmem_shared>>
      %dma_wait3A_144 = arith.constant 0 : i32
      %dma_wait3A_145 = tpu.memref_slice %arg9[%add3A_26, %dma_wait3A_144] : memref<10240x128xf32, #tpu.memory_space<vmem_shared>> -> memref<112x128xf32, #tpu.memory_space<vmem_shared>>
      tpu.wait_dma2 semaphore(%run_scoped3A : memref<!tpu.dma_semaphore, #tpu.memory_space<semaphore_mem>>) src(%arg6 : memref<112x128xf32, #tpu.memory_space<vmem>>) dst(%dma_wait3A_145 : memref<112x128xf32, #tpu.memory_space<vmem_shared>>)
      tpu.yield
    }) : () -> ()
    %mul3A_27 = arith.constant 640 : i32
    %mul3A_28 = arith.muli %arg1, %mul3A_27 : i32
    %add3A_29 = arith.constant 560 : i32
    %add3A_30 = arith.addi %mul3A_28, %add3A_29 : i32
    "tpu.region"() ({
      %run_scoped3A = tpu.sem_alloc : memref<!tpu.dma_semaphore, #tpu.memory_space<semaphore_mem>>
      %dma_start3A_139 = arith.constant 0 : i32
      %dma_start3A_140 = arith.constant 0 : i32
      %dma_start3A_141 = tpu.memref_slice %arg6[%dma_start3A_139, %dma_start3A_140] : memref<112x128xf32, #tpu.memory_space<vmem>> -> memref<80x128xf32, #tpu.memory_space<vmem>>
      %dma_start3A_142 = arith.constant 0 : i32
      %dma_start3A_143 = tpu.memref_slice %arg9[%add3A_30, %dma_start3A_142] : memref<10240x128xf32, #tpu.memory_space<vmem_shared>> -> memref<80x128xf32, #tpu.memory_space<vmem_shared>>
      %dma_start3A_144 = arith.constant 0 : i32
      %dma_start3A_145 = tpu.memref_slice %arg9[%add3A_30, %dma_start3A_144] : memref<10240x128xf32, #tpu.memory_space<vmem_shared>> -> memref<80x128xf32, #tpu.memory_space<vmem_shared>>
      %dma_start3A_146 = arith.constant 0 : i32
      %dma_start3A_147 = arith.constant 0 : i32
      %dma_start3A_148 = tpu.memref_slice %arg6[%dma_start3A_146, %dma_start3A_147] : memref<112x128xf32, #tpu.memory_space<vmem>> -> memref<80x128xf32, #tpu.memory_space<vmem>>
      tpu.enqueue_dma source(%dma_start3A_148 : memref<80x128xf32, #tpu.memory_space<vmem>>) target(%dma_start3A_145 : memref<80x128xf32, #tpu.memory_space<vmem_shared>>) target_semaphore(%run_scoped3A : memref<!tpu.dma_semaphore, #tpu.memory_space<semaphore_mem>>)
      %dma_wait3A = arith.constant 0 : i32
      %dma_wait3A_149 = arith.constant 0 : i32
      %dma_wait3A_150 = tpu.memref_slice %arg6[%dma_wait3A, %dma_wait3A_149] : memref<112x128xf32, #tpu.memory_space<vmem>> -> memref<80x128xf32, #tpu.memory_space<vmem>>
      %dma_wait3A_151 = arith.constant 0 : i32
      %dma_wait3A_152 = tpu.memref_slice %arg9[%add3A_30, %dma_wait3A_151] : memref<10240x128xf32, #tpu.memory_space<vmem_shared>> -> memref<80x128xf32, #tpu.memory_space<vmem_shared>>
      %dma_wait3A_153 = arith.constant 0 : i32
      %dma_wait3A_154 = tpu.memref_slice %arg9[%add3A_30, %dma_wait3A_153] : memref<10240x128xf32, #tpu.memory_space<vmem_shared>> -> memref<80x128xf32, #tpu.memory_space<vmem_shared>>
      %dma_wait3A_155 = arith.constant 0 : i32
      %dma_wait3A_156 = arith.constant 0 : i32
      %dma_wait3A_157 = tpu.memref_slice %arg6[%dma_wait3A_155, %dma_wait3A_156] : memref<112x128xf32, #tpu.memory_space<vmem>> -> memref<80x128xf32, #tpu.memory_space<vmem>>
      tpu.wait_dma2 semaphore(%run_scoped3A : memref<!tpu.dma_semaphore, #tpu.memory_space<semaphore_mem>>) src(%dma_wait3A_157 : memref<80x128xf32, #tpu.memory_space<vmem>>) dst(%dma_wait3A_154 : memref<80x128xf32, #tpu.memory_space<vmem_shared>>)
      tpu.yield
    }) : () -> ()
    %barrier3A = arith.constant 0 : index
    tpu.barrier barrier_id(%barrier3A)
    %mul3A_31 = arith.constant 96 : i32
    %mul3A_32 = arith.muli %add3A, %mul3A_31 : i32
    %add3A_33 = arith.constant 0 : i32
    %add3A_34 = arith.addi %mul3A_32, %add3A_33 : i32
    "tpu.region"() ({
      %run_scoped3A = tpu.sem_alloc : memref<!tpu.dma_semaphore, #tpu.memory_space<semaphore_mem>>
      %dma_start3A_139 = arith.constant 0 : i32
      %dma_start3A_140 = arith.constant 0 : i32
      %dma_start3A_141 = tpu.memref_slice %arg3[%add3A_34, %dma_start3A_139, %dma_start3A_140] : memref<3072x2x112xi32, #tpu.memory_space<hbm>> -> memref<24x2x112xi32, #tpu.memory_space<hbm>>
      %dma_start3A_142 = arith.constant 0 : i32
      %dma_start3A_143 = arith.constant 0 : i32
      %dma_start3A_144 = tpu.memref_slice %arg3[%add3A_34, %dma_start3A_142, %dma_start3A_143] : memref<3072x2x112xi32, #tpu.memory_space<hbm>> -> memref<24x2x112xi32, #tpu.memory_space<hbm>>
      tpu.enqueue_dma source(%dma_start3A_144 : memref<24x2x112xi32, #tpu.memory_space<hbm>>) target(%arg5 : memref<24x2x112xi32, #tpu.memory_space<vmem>>) target_semaphore(%run_scoped3A : memref<!tpu.dma_semaphore, #tpu.memory_space<semaphore_mem>>)
      %dma_wait3A = arith.constant 0 : i32
      %dma_wait3A_145 = arith.constant 0 : i32
      %dma_wait3A_146 = tpu.memref_slice %arg3[%add3A_34, %dma_wait3A, %dma_wait3A_145] : memref<3072x2x112xi32, #tpu.memory_space<hbm>> -> memref<24x2x112xi32, #tpu.memory_space<hbm>>
      %dma_wait3A_147 = arith.constant 0 : i32
      %dma_wait3A_148 = arith.constant 0 : i32
      %dma_wait3A_149 = tpu.memref_slice %arg3[%add3A_34, %dma_wait3A_147, %dma_wait3A_148] : memref<3072x2x112xi32, #tpu.memory_space<hbm>> -> memref<24x2x112xi32, #tpu.memory_space<hbm>>
      tpu.wait_dma2 semaphore(%run_scoped3A : memref<!tpu.dma_semaphore, #tpu.memory_space<semaphore_mem>>) src(%dma_wait3A_149 : memref<24x2x112xi32, #tpu.memory_space<hbm>>) dst(%arg5 : memref<24x2x112xi32, #tpu.memory_space<vmem>>)
      tpu.yield
    }) : () -> ()
    %dma_start3A = arith.constant 0 : i32
    %dma_start3A_35 = arith.constant 0 : i32
    %dma_start3A_36 = arith.constant 0 : i32
    %dma_start3A_37 = tpu.memref_slice %arg5[%dma_start3A, %dma_start3A_35, %dma_start3A_36] : memref<24x2x112xi32, #tpu.memory_space<vmem>> -> memref<1x1x112xi32, #tpu.memory_space<vmem>>
    %dma_start3A_38 = tpu.memref_squeeze %dma_start3A_37 : memref<1x1x112xi32, #tpu.memory_space<vmem>> -> memref<112xi32, #tpu.memory_space<vmem>>
    %dma_start3A_39 = arith.constant 0 : i32
    %dma_start3A_40 = arith.constant 0 : i32
    %dma_start3A_41 = tpu.memref_slice %arg2[%dma_start3A_39, %dma_start3A_40] : memref<10000x128xf32, #tpu.memory_space<hbm>> -> memref<10000x128xf32, #tpu.memory_space<hbm>>
    tpu.enqueue_indirect_dma source(%dma_start3A_41 : memref<10000x128xf32, #tpu.memory_space<hbm>>) target(%arg6 : memref<112x128xf32, #tpu.memory_space<vmem>>) offsets(%dma_start3A_38 : memref<112xi32, #tpu.memory_space<vmem>>) semaphore(%arg10 : memref<!tpu.dma_semaphore, #tpu.memory_space<semaphore_mem>>)
    %dma_start3A_42 = arith.constant 1 : i32
    %dma_start3A_43 = arith.constant 0 : i32
    %dma_start3A_44 = arith.constant 0 : i32
    %dma_start3A_45 = tpu.memref_slice %arg5[%dma_start3A_42, %dma_start3A_43, %dma_start3A_44] : memref<24x2x112xi32, #tpu.memory_space<vmem>> -> memref<1x1x112xi32, #tpu.memory_space<vmem>>
    %dma_start3A_46 = tpu.memref_squeeze %dma_start3A_45 : memref<1x1x112xi32, #tpu.memory_space<vmem>> -> memref<112xi32, #tpu.memory_space<vmem>>
    %dma_start3A_47 = arith.constant 0 : i32
    %dma_start3A_48 = arith.constant 0 : i32
    %dma_start3A_49 = tpu.memref_slice %arg2[%dma_start3A_47, %dma_start3A_48] : memref<10000x128xf32, #tpu.memory_space<hbm>> -> memref<10000x128xf32, #tpu.memory_space<hbm>>
    tpu.enqueue_indirect_dma source(%dma_start3A_49 : memref<10000x128xf32, #tpu.memory_space<hbm>>) target(%arg7 : memref<112x128xf32, #tpu.memory_space<vmem>>) offsets(%dma_start3A_46 : memref<112xi32, #tpu.memory_space<vmem>>) semaphore(%arg11 : memref<!tpu.dma_semaphore, #tpu.memory_space<semaphore_mem>>)
    %scan3A_50 = arith.constant 0 : i32
    %scan3A_51 = arith.constant 0 : i32
    %scan3A_52 = arith.constant 8 : i32
    %scan3A_53 = arith.addi %scan3A_51, %scan3A_52 : i32
    %scan3A_54 = arith.constant 1 : i32
    scf.for %scan3A_139 = %scan3A_51 to %scan3A_53 step %scan3A_54  : i32 {
      %mul3A_140 = arith.constant 3 : i32
      %mul3A_141 = arith.muli %mul3A_140, %scan3A_139 : i32
      %add3A_142 = arith.constant 2 : i32
      %add3A_143 = arith.addi %mul3A_141, %add3A_142 : i32
      %dma_start3A_144 = arith.constant 0 : i32
      %dma_start3A_145 = arith.constant 0 : i32
      %dma_start3A_146 = tpu.memref_slice %arg5[%add3A_143, %dma_start3A_144, %dma_start3A_145] : memref<24x2x112xi32, #tpu.memory_space<vmem>> -> memref<1x1x112xi32, #tpu.memory_space<vmem>>
      %dma_start3A_147 = tpu.memref_squeeze %dma_start3A_146 : memref<1x1x112xi32, #tpu.memory_space<vmem>> -> memref<112xi32, #tpu.memory_space<vmem>>
      %dma_start3A_148 = arith.constant 0 : i32
      %dma_start3A_149 = arith.constant 0 : i32
      %dma_start3A_150 = tpu.memref_slice %arg2[%dma_start3A_148, %dma_start3A_149] : memref<10000x128xf32, #tpu.memory_space<hbm>> -> memref<10000x128xf32, #tpu.memory_space<hbm>>
      tpu.enqueue_indirect_dma source(%dma_start3A_150 : memref<10000x128xf32, #tpu.memory_space<hbm>>) target(%arg8 : memref<112x128xf32, #tpu.memory_space<vmem>>) offsets(%dma_start3A_147 : memref<112xi32, #tpu.memory_space<vmem>>) semaphore(%arg12 : memref<!tpu.dma_semaphore, #tpu.memory_space<semaphore_mem>>)
      %dma_wait3A = arith.constant 0 : i32
      %dma_wait3A_151 = arith.constant 0 : i32
      %dma_wait3A_152 = tpu.memref_slice %arg5[%mul3A_141, %dma_wait3A, %dma_wait3A_151] : memref<24x2x112xi32, #tpu.memory_space<vmem>> -> memref<1x1x112xi32, #tpu.memory_space<vmem>>
      %dma_wait3A_153 = tpu.memref_squeeze %dma_wait3A_152 : memref<1x1x112xi32, #tpu.memory_space<vmem>> -> memref<112xi32, #tpu.memory_space<vmem>>
      %dma_wait3A_154 = arith.constant 0 : i32
      %dma_wait3A_155 = arith.constant 0 : i32
      %dma_wait3A_156 = tpu.memref_slice %arg2[%dma_wait3A_154, %dma_wait3A_155] : memref<10000x128xf32, #tpu.memory_space<hbm>> -> memref<10000x128xf32, #tpu.memory_space<hbm>>
      tpu.wait_indirect_dma semaphore(%arg10 : memref<!tpu.dma_semaphore, #tpu.memory_space<semaphore_mem>>) src(%dma_wait3A_156 : memref<10000x128xf32, #tpu.memory_space<hbm>>) dst(%arg6 : memref<112x128xf32, #tpu.memory_space<vmem>>)
      %run_scoped3A = arith.constant 1 : i32
      "tpu.region"() ({
        %run_scoped3A_188 = tpu.sem_alloc : memref<!tpu.dma_semaphore, #tpu.memory_space<semaphore_mem>>
        %dma_start3A_189 = arith.constant 0 : i32
        %dma_start3A_190 = tpu.memref_slice %arg5[%mul3A_141, %run_scoped3A, %dma_start3A_189] : memref<24x2x112xi32, #tpu.memory_space<vmem>> -> memref<1x1x112xi32, #tpu.memory_space<vmem>>
        %dma_start3A_191 = tpu.memref_squeeze %dma_start3A_190 : memref<1x1x112xi32, #tpu.memory_space<vmem>> -> memref<112xi32, #tpu.memory_space<vmem>>
        %dma_start3A_192 = arith.constant 0 : i32
        %dma_start3A_193 = arith.constant 0 : i32
        %dma_start3A_194 = tpu.memref_slice %arg9[%dma_start3A_192, %dma_start3A_193] : memref<10240x128xf32, #tpu.memory_space<vmem_shared>> -> memref<10240x128xf32, #tpu.memory_space<vmem_shared>>
        tpu.enqueue_indirect_dma source(%arg6 : memref<112x128xf32, #tpu.memory_space<vmem>>) target(%dma_start3A_194 : memref<10240x128xf32, #tpu.memory_space<vmem_shared>>) offsets(%dma_start3A_191 : memref<112xi32, #tpu.memory_space<vmem>>) semaphore(%run_scoped3A_188 : memref<!tpu.dma_semaphore, #tpu.memory_space<semaphore_mem>>) {add = true}
        %dma_wait3A_195 = arith.constant 0 : i32
        %dma_wait3A_196 = tpu.memref_slice %arg5[%mul3A_141, %run_scoped3A, %dma_wait3A_195] : memref<24x2x112xi32, #tpu.memory_space<vmem>> -> memref<1x1x112xi32, #tpu.memory_space<vmem>>
        %dma_wait3A_197 = tpu.memref_squeeze %dma_wait3A_196 : memref<1x1x112xi32, #tpu.memory_space<vmem>> -> memref<112xi32, #tpu.memory_space<vmem>>
        %dma_wait3A_198 = arith.constant 0 : i32
        %dma_wait3A_199 = arith.constant 0 : i32
        %dma_wait3A_200 = tpu.memref_slice %arg9[%dma_wait3A_198, %dma_wait3A_199] : memref<10240x128xf32, #tpu.memory_space<vmem_shared>> -> memref<10240x128xf32, #tpu.memory_space<vmem_shared>>
        tpu.wait_indirect_dma semaphore(%run_scoped3A_188 : memref<!tpu.dma_semaphore, #tpu.memory_space<semaphore_mem>>) src(%arg6 : memref<112x128xf32, #tpu.memory_space<vmem>>) dst(%dma_wait3A_200 : memref<10240x128xf32, #tpu.memory_space<vmem_shared>>)
        tpu.yield
      }) : () -> ()
      %lt3A = arith.constant 7 : i32
      %lt3A_157 = arith.cmpi slt, %scan3A_139, %lt3A : i32
      %convert_element_type3A = arith.extui %lt3A_157 : i1 to i32
      %cond3A = arith.constant 0 : i32
      %cond3A_158 = arith.cmpi ne, %convert_element_type3A, %cond3A : i32
      scf.if %cond3A_158 {
        %add3A_188 = arith.constant 3 : i32
        %add3A_189 = arith.addi %mul3A_141, %add3A_188 : i32
        %dma_start3A_190 = arith.constant 0 : i32
        %dma_start3A_191 = arith.constant 0 : i32
        %dma_start3A_192 = tpu.memref_slice %arg5[%add3A_189, %dma_start3A_190, %dma_start3A_191] : memref<24x2x112xi32, #tpu.memory_space<vmem>> -> memref<1x1x112xi32, #tpu.memory_space<vmem>>
        %dma_start3A_193 = tpu.memref_squeeze %dma_start3A_192 : memref<1x1x112xi32, #tpu.memory_space<vmem>> -> memref<112xi32, #tpu.memory_space<vmem>>
        %dma_start3A_194 = arith.constant 0 : i32
        %dma_start3A_195 = arith.constant 0 : i32
        %dma_start3A_196 = tpu.memref_slice %arg2[%dma_start3A_194, %dma_start3A_195] : memref<10000x128xf32, #tpu.memory_space<hbm>> -> memref<10000x128xf32, #tpu.memory_space<hbm>>
        tpu.enqueue_indirect_dma source(%dma_start3A_196 : memref<10000x128xf32, #tpu.memory_space<hbm>>) target(%arg6 : memref<112x128xf32, #tpu.memory_space<vmem>>) offsets(%dma_start3A_193 : memref<112xi32, #tpu.memory_space<vmem>>) semaphore(%arg10 : memref<!tpu.dma_semaphore, #tpu.memory_space<semaphore_mem>>)
      } else {
      }
      %add3A_159 = arith.constant 1 : i32
      %add3A_160 = arith.addi %mul3A_141, %add3A_159 : i32
      %dma_wait3A_161 = arith.constant 0 : i32
      %dma_wait3A_162 = arith.constant 0 : i32
      %dma_wait3A_163 = tpu.memref_slice %arg5[%add3A_160, %dma_wait3A_161, %dma_wait3A_162] : memref<24x2x112xi32, #tpu.memory_space<vmem>> -> memref<1x1x112xi32, #tpu.memory_space<vmem>>
      %dma_wait3A_164 = tpu.memref_squeeze %dma_wait3A_163 : memref<1x1x112xi32, #tpu.memory_space<vmem>> -> memref<112xi32, #tpu.memory_space<vmem>>
      %dma_wait3A_165 = arith.constant 0 : i32
      %dma_wait3A_166 = arith.constant 0 : i32
      %dma_wait3A_167 = tpu.memref_slice %arg2[%dma_wait3A_165, %dma_wait3A_166] : memref<10000x128xf32, #tpu.memory_space<hbm>> -> memref<10000x128xf32, #tpu.memory_space<hbm>>
      tpu.wait_indirect_dma semaphore(%arg11 : memref<!tpu.dma_semaphore, #tpu.memory_space<semaphore_mem>>) src(%dma_wait3A_167 : memref<10000x128xf32, #tpu.memory_space<hbm>>) dst(%arg7 : memref<112x128xf32, #tpu.memory_space<vmem>>)
      %add3A_168 = arith.constant 1 : i32
      %add3A_169 = arith.addi %mul3A_141, %add3A_168 : i32
      %run_scoped3A_170 = arith.constant 1 : i32
      "tpu.region"() ({
        %run_scoped3A_188 = tpu.sem_alloc : memref<!tpu.dma_semaphore, #tpu.memory_space<semaphore_mem>>
        %dma_start3A_189 = arith.constant 0 : i32
        %dma_start3A_190 = tpu.memref_slice %arg5[%add3A_169, %run_scoped3A_170, %dma_start3A_189] : memref<24x2x112xi32, #tpu.memory_space<vmem>> -> memref<1x1x112xi32, #tpu.memory_space<vmem>>
        %dma_start3A_191 = tpu.memref_squeeze %dma_start3A_190 : memref<1x1x112xi32, #tpu.memory_space<vmem>> -> memref<112xi32, #tpu.memory_space<vmem>>
        %dma_start3A_192 = arith.constant 0 : i32
        %dma_start3A_193 = arith.constant 0 : i32
        %dma_start3A_194 = tpu.memref_slice %arg9[%dma_start3A_192, %dma_start3A_193] : memref<10240x128xf32, #tpu.memory_space<vmem_shared>> -> memref<10240x128xf32, #tpu.memory_space<vmem_shared>>
        tpu.enqueue_indirect_dma source(%arg7 : memref<112x128xf32, #tpu.memory_space<vmem>>) target(%dma_start3A_194 : memref<10240x128xf32, #tpu.memory_space<vmem_shared>>) offsets(%dma_start3A_191 : memref<112xi32, #tpu.memory_space<vmem>>) semaphore(%run_scoped3A_188 : memref<!tpu.dma_semaphore, #tpu.memory_space<semaphore_mem>>) {add = true}
        %dma_wait3A_195 = arith.constant 0 : i32
        %dma_wait3A_196 = tpu.memref_slice %arg5[%add3A_169, %run_scoped3A_170, %dma_wait3A_195] : memref<24x2x112xi32, #tpu.memory_space<vmem>> -> memref<1x1x112xi32, #tpu.memory_space<vmem>>
        %dma_wait3A_197 = tpu.memref_squeeze %dma_wait3A_196 : memref<1x1x112xi32, #tpu.memory_space<vmem>> -> memref<112xi32, #tpu.memory_space<vmem>>
        %dma_wait3A_198 = arith.constant 0 : i32
        %dma_wait3A_199 = arith.constant 0 : i32
        %dma_wait3A_200 = tpu.memref_slice %arg9[%dma_wait3A_198, %dma_wait3A_199] : memref<10240x128xf32, #tpu.memory_space<vmem_shared>> -> memref<10240x128xf32, #tpu.memory_space<vmem_shared>>
        tpu.wait_indirect_dma semaphore(%run_scoped3A_188 : memref<!tpu.dma_semaphore, #tpu.memory_space<semaphore_mem>>) src(%arg7 : memref<112x128xf32, #tpu.memory_space<vmem>>) dst(%dma_wait3A_200 : memref<10240x128xf32, #tpu.memory_space<vmem_shared>>)
        tpu.yield
      }) : () -> ()
      %lt3A_171 = arith.constant 7 : i32
      %lt3A_172 = arith.cmpi slt, %scan3A_139, %lt3A_171 : i32
      %convert_element_type3A_173 = arith.extui %lt3A_172 : i1 to i32
      %cond3A_174 = arith.constant 0 : i32
      %cond3A_175 = arith.cmpi ne, %convert_element_type3A_173, %cond3A_174 : i32
      scf.if %cond3A_175 {
        %add3A_188 = arith.constant 4 : i32
        %add3A_189 = arith.addi %mul3A_141, %add3A_188 : i32
        %dma_start3A_190 = arith.constant 0 : i32
        %dma_start3A_191 = arith.constant 0 : i32
        %dma_start3A_192 = tpu.memref_slice %arg5[%add3A_189, %dma_start3A_190, %dma_start3A_191] : memref<24x2x112xi32, #tpu.memory_space<vmem>> -> memref<1x1x112xi32, #tpu.memory_space<vmem>>
        %dma_start3A_193 = tpu.memref_squeeze %dma_start3A_192 : memref<1x1x112xi32, #tpu.memory_space<vmem>> -> memref<112xi32, #tpu.memory_space<vmem>>
        %dma_start3A_194 = arith.constant 0 : i32
        %dma_start3A_195 = arith.constant 0 : i32
        %dma_start3A_196 = tpu.memref_slice %arg2[%dma_start3A_194, %dma_start3A_195] : memref<10000x128xf32, #tpu.memory_space<hbm>> -> memref<10000x128xf32, #tpu.memory_space<hbm>>
        tpu.enqueue_indirect_dma source(%dma_start3A_196 : memref<10000x128xf32, #tpu.memory_space<hbm>>) target(%arg7 : memref<112x128xf32, #tpu.memory_space<vmem>>) offsets(%dma_start3A_193 : memref<112xi32, #tpu.memory_space<vmem>>) semaphore(%arg11 : memref<!tpu.dma_semaphore, #tpu.memory_space<semaphore_mem>>)
      } else {
      }
      %add3A_176 = arith.constant 2 : i32
      %add3A_177 = arith.addi %mul3A_141, %add3A_176 : i32
      %dma_wait3A_178 = arith.constant 0 : i32
      %dma_wait3A_179 = arith.constant 0 : i32
      %dma_wait3A_180 = tpu.memref_slice %arg5[%add3A_177, %dma_wait3A_178, %dma_wait3A_179] : memref<24x2x112xi32, #tpu.memory_space<vmem>> -> memref<1x1x112xi32, #tpu.memory_space<vmem>>
      %dma_wait3A_181 = tpu.memref_squeeze %dma_wait3A_180 : memref<1x1x112xi32, #tpu.memory_space<vmem>> -> memref<112xi32, #tpu.memory_space<vmem>>
      %dma_wait3A_182 = arith.constant 0 : i32
      %dma_wait3A_183 = arith.constant 0 : i32
      %dma_wait3A_184 = tpu.memref_slice %arg2[%dma_wait3A_182, %dma_wait3A_183] : memref<10000x128xf32, #tpu.memory_space<hbm>> -> memref<10000x128xf32, #tpu.memory_space<hbm>>
      tpu.wait_indirect_dma semaphore(%arg12 : memref<!tpu.dma_semaphore, #tpu.memory_space<semaphore_mem>>) src(%dma_wait3A_184 : memref<10000x128xf32, #tpu.memory_space<hbm>>) dst(%arg8 : memref<112x128xf32, #tpu.memory_space<vmem>>)
      %add3A_185 = arith.constant 2 : i32
      %add3A_186 = arith.addi %mul3A_141, %add3A_185 : i32
      %run_scoped3A_187 = arith.constant 1 : i32
      "tpu.region"() ({
        %run_scoped3A_188 = tpu.sem_alloc : memref<!tpu.dma_semaphore, #tpu.memory_space<semaphore_mem>>
        %dma_start3A_189 = arith.constant 0 : i32
        %dma_start3A_190 = tpu.memref_slice %arg5[%add3A_186, %run_scoped3A_187, %dma_start3A_189] : memref<24x2x112xi32, #tpu.memory_space<vmem>> -> memref<1x1x112xi32, #tpu.memory_space<vmem>>
        %dma_start3A_191 = tpu.memref_squeeze %dma_start3A_190 : memref<1x1x112xi32, #tpu.memory_space<vmem>> -> memref<112xi32, #tpu.memory_space<vmem>>
        %dma_start3A_192 = arith.constant 0 : i32
        %dma_start3A_193 = arith.constant 0 : i32
        %dma_start3A_194 = tpu.memref_slice %arg9[%dma_start3A_192, %dma_start3A_193] : memref<10240x128xf32, #tpu.memory_space<vmem_shared>> -> memref<10240x128xf32, #tpu.memory_space<vmem_shared>>
        tpu.enqueue_indirect_dma source(%arg8 : memref<112x128xf32, #tpu.memory_space<vmem>>) target(%dma_start3A_194 : memref<10240x128xf32, #tpu.memory_space<vmem_shared>>) offsets(%dma_start3A_191 : memref<112xi32, #tpu.memory_space<vmem>>) semaphore(%run_scoped3A_188 : memref<!tpu.dma_semaphore, #tpu.memory_space<semaphore_mem>>) {add = true}
        %dma_wait3A_195 = arith.constant 0 : i32
        %dma_wait3A_196 = tpu.memref_slice %arg5[%add3A_186, %run_scoped3A_187, %dma_wait3A_195] : memref<24x2x112xi32, #tpu.memory_space<vmem>> -> memref<1x1x112xi32, #tpu.memory_space<vmem>>
        %dma_wait3A_197 = tpu.memref_squeeze %dma_wait3A_196 : memref<1x1x112xi32, #tpu.memory_space<vmem>> -> memref<112xi32, #tpu.memory_space<vmem>>
        %dma_wait3A_198 = arith.constant 0 : i32
        %dma_wait3A_199 = arith.constant 0 : i32
        %dma_wait3A_200 = tpu.memref_slice %arg9[%dma_wait3A_198, %dma_wait3A_199] : memref<10240x128xf32, #tpu.memory_space<vmem_shared>> -> memref<10240x128xf32, #tpu.memory_space<vmem_shared>>
        tpu.wait_indirect_dma semaphore(%run_scoped3A_188 : memref<!tpu.dma_semaphore, #tpu.memory_space<semaphore_mem>>) src(%arg8 : memref<112x128xf32, #tpu.memory_space<vmem>>) dst(%dma_wait3A_200 : memref<10240x128xf32, #tpu.memory_space<vmem_shared>>)
        tpu.yield
      }) : () -> ()
    }
    %scan3A_55 = arith.constant 8 : i32
    %mul3A_56 = arith.constant 96 : i32
    %mul3A_57 = arith.muli %add3A, %mul3A_56 : i32
    %add3A_58 = arith.constant 24 : i32
    %add3A_59 = arith.addi %mul3A_57, %add3A_58 : i32
    "tpu.region"() ({
      %run_scoped3A = tpu.sem_alloc : memref<!tpu.dma_semaphore, #tpu.memory_space<semaphore_mem>>
      %dma_start3A_139 = arith.constant 0 : i32
      %dma_start3A_140 = arith.constant 0 : i32
      %dma_start3A_141 = tpu.memref_slice %arg3[%add3A_59, %dma_start3A_139, %dma_start3A_140] : memref<3072x2x112xi32, #tpu.memory_space<hbm>> -> memref<24x2x112xi32, #tpu.memory_space<hbm>>
      %dma_start3A_142 = arith.constant 0 : i32
      %dma_start3A_143 = arith.constant 0 : i32
      %dma_start3A_144 = tpu.memref_slice %arg3[%add3A_59, %dma_start3A_142, %dma_start3A_143] : memref<3072x2x112xi32, #tpu.memory_space<hbm>> -> memref<24x2x112xi32, #tpu.memory_space<hbm>>
      tpu.enqueue_dma source(%dma_start3A_144 : memref<24x2x112xi32, #tpu.memory_space<hbm>>) target(%arg5 : memref<24x2x112xi32, #tpu.memory_space<vmem>>) target_semaphore(%run_scoped3A : memref<!tpu.dma_semaphore, #tpu.memory_space<semaphore_mem>>)
      %dma_wait3A = arith.constant 0 : i32
      %dma_wait3A_145 = arith.constant 0 : i32
      %dma_wait3A_146 = tpu.memref_slice %arg3[%add3A_59, %dma_wait3A, %dma_wait3A_145] : memref<3072x2x112xi32, #tpu.memory_space<hbm>> -> memref<24x2x112xi32, #tpu.memory_space<hbm>>
      %dma_wait3A_147 = arith.constant 0 : i32
      %dma_wait3A_148 = arith.constant 0 : i32
      %dma_wait3A_149 = tpu.memref_slice %arg3[%add3A_59, %dma_wait3A_147, %dma_wait3A_148] : memref<3072x2x112xi32, #tpu.memory_space<hbm>> -> memref<24x2x112xi32, #tpu.memory_space<hbm>>
      tpu.wait_dma2 semaphore(%run_scoped3A : memref<!tpu.dma_semaphore, #tpu.memory_space<semaphore_mem>>) src(%dma_wait3A_149 : memref<24x2x112xi32, #tpu.memory_space<hbm>>) dst(%arg5 : memref<24x2x112xi32, #tpu.memory_space<vmem>>)
      tpu.yield
    }) : () -> ()
    %dma_start3A_60 = arith.constant 0 : i32
    %dma_start3A_61 = arith.constant 0 : i32
    %dma_start3A_62 = arith.constant 0 : i32
    %dma_start3A_63 = tpu.memref_slice %arg5[%dma_start3A_60, %dma_start3A_61, %dma_start3A_62] : memref<24x2x112xi32, #tpu.memory_space<vmem>> -> memref<1x1x112xi32, #tpu.memory_space<vmem>>
    %dma_start3A_64 = tpu.memref_squeeze %dma_start3A_63 : memref<1x1x112xi32, #tpu.memory_space<vmem>> -> memref<112xi32, #tpu.memory_space<vmem>>
    %dma_start3A_65 = arith.constant 0 : i32
    %dma_start3A_66 = arith.constant 0 : i32
    %dma_start3A_67 = tpu.memref_slice %arg2[%dma_start3A_65, %dma_start3A_66] : memref<10000x128xf32, #tpu.memory_space<hbm>> -> memref<10000x128xf32, #tpu.memory_space<hbm>>
    tpu.enqueue_indirect_dma source(%dma_start3A_67 : memref<10000x128xf32, #tpu.memory_space<hbm>>) target(%arg6 : memref<112x128xf32, #tpu.memory_space<vmem>>) offsets(%dma_start3A_64 : memref<112xi32, #tpu.memory_space<vmem>>) semaphore(%arg10 : memref<!tpu.dma_semaphore, #tpu.memory_space<semaphore_mem>>)
    %dma_start3A_68 = arith.constant 1 : i32
    %dma_start3A_69 = arith.constant 0 : i32
    %dma_start3A_70 = arith.constant 0 : i32
    %dma_start3A_71 = tpu.memref_slice %arg5[%dma_start3A_68, %dma_start3A_69, %dma_start3A_70] : memref<24x2x112xi32, #tpu.memory_space<vmem>> -> memref<1x1x112xi32, #tpu.memory_space<vmem>>
    %dma_start3A_72 = tpu.memref_squeeze %dma_start3A_71 : memref<1x1x112xi32, #tpu.memory_space<vmem>> -> memref<112xi32, #tpu.memory_space<vmem>>
    %dma_start3A_73 = arith.constant 0 : i32
    %dma_start3A_74 = arith.constant 0 : i32
    %dma_start3A_75 = tpu.memref_slice %arg2[%dma_start3A_73, %dma_start3A_74] : memref<10000x128xf32, #tpu.memory_space<hbm>> -> memref<10000x128xf32, #tpu.memory_space<hbm>>
    tpu.enqueue_indirect_dma source(%dma_start3A_75 : memref<10000x128xf32, #tpu.memory_space<hbm>>) target(%arg7 : memref<112x128xf32, #tpu.memory_space<vmem>>) offsets(%dma_start3A_72 : memref<112xi32, #tpu.memory_space<vmem>>) semaphore(%arg11 : memref<!tpu.dma_semaphore, #tpu.memory_space<semaphore_mem>>)
    %scan3A_76 = arith.constant 0 : i32
    %scan3A_77 = arith.constant 0 : i32
    %scan3A_78 = arith.constant 8 : i32
    %scan3A_79 = arith.addi %scan3A_77, %scan3A_78 : i32
    %scan3A_80 = arith.constant 1 : i32
    scf.for %scan3A_139 = %scan3A_77 to %scan3A_79 step %scan3A_80  : i32 {
      %mul3A_140 = arith.constant 3 : i32
      %mul3A_141 = arith.muli %mul3A_140, %scan3A_139 : i32
      %add3A_142 = arith.constant 2 : i32
      %add3A_143 = arith.addi %mul3A_141, %add3A_142 : i32
      %dma_start3A_144 = arith.constant 0 : i32
      %dma_start3A_145 = arith.constant 0 : i32
      %dma_start3A_146 = tpu.memref_slice %arg5[%add3A_143, %dma_start3A_144, %dma_start3A_145] : memref<24x2x112xi32, #tpu.memory_space<vmem>> -> memref<1x1x112xi32, #tpu.memory_space<vmem>>
      %dma_start3A_147 = tpu.memref_squeeze %dma_start3A_146 : memref<1x1x112xi32, #tpu.memory_space<vmem>> -> memref<112xi32, #tpu.memory_space<vmem>>
      %dma_start3A_148 = arith.constant 0 : i32
      %dma_start3A_149 = arith.constant 0 : i32
      %dma_start3A_150 = tpu.memref_slice %arg2[%dma_start3A_148, %dma_start3A_149] : memref<10000x128xf32, #tpu.memory_space<hbm>> -> memref<10000x128xf32, #tpu.memory_space<hbm>>
      tpu.enqueue_indirect_dma source(%dma_start3A_150 : memref<10000x128xf32, #tpu.memory_space<hbm>>) target(%arg8 : memref<112x128xf32, #tpu.memory_space<vmem>>) offsets(%dma_start3A_147 : memref<112xi32, #tpu.memory_space<vmem>>) semaphore(%arg12 : memref<!tpu.dma_semaphore, #tpu.memory_space<semaphore_mem>>)
      %dma_wait3A = arith.constant 0 : i32
      %dma_wait3A_151 = arith.constant 0 : i32
      %dma_wait3A_152 = tpu.memref_slice %arg5[%mul3A_141, %dma_wait3A, %dma_wait3A_151] : memref<24x2x112xi32, #tpu.memory_space<vmem>> -> memref<1x1x112xi32, #tpu.memory_space<vmem>>
      %dma_wait3A_153 = tpu.memref_squeeze %dma_wait3A_152 : memref<1x1x112xi32, #tpu.memory_space<vmem>> -> memref<112xi32, #tpu.memory_space<vmem>>
      %dma_wait3A_154 = arith.constant 0 : i32
      %dma_wait3A_155 = arith.constant 0 : i32
      %dma_wait3A_156 = tpu.memref_slice %arg2[%dma_wait3A_154, %dma_wait3A_155] : memref<10000x128xf32, #tpu.memory_space<hbm>> -> memref<10000x128xf32, #tpu.memory_space<hbm>>
      tpu.wait_indirect_dma semaphore(%arg10 : memref<!tpu.dma_semaphore, #tpu.memory_space<semaphore_mem>>) src(%dma_wait3A_156 : memref<10000x128xf32, #tpu.memory_space<hbm>>) dst(%arg6 : memref<112x128xf32, #tpu.memory_space<vmem>>)
      %run_scoped3A = arith.constant 1 : i32
      "tpu.region"() ({
        %run_scoped3A_188 = tpu.sem_alloc : memref<!tpu.dma_semaphore, #tpu.memory_space<semaphore_mem>>
        %dma_start3A_189 = arith.constant 0 : i32
        %dma_start3A_190 = tpu.memref_slice %arg5[%mul3A_141, %run_scoped3A, %dma_start3A_189] : memref<24x2x112xi32, #tpu.memory_space<vmem>> -> memref<1x1x112xi32, #tpu.memory_space<vmem>>
        %dma_start3A_191 = tpu.memref_squeeze %dma_start3A_190 : memref<1x1x112xi32, #tpu.memory_space<vmem>> -> memref<112xi32, #tpu.memory_space<vmem>>
        %dma_start3A_192 = arith.constant 0 : i32
        %dma_start3A_193 = arith.constant 0 : i32
        %dma_start3A_194 = tpu.memref_slice %arg9[%dma_start3A_192, %dma_start3A_193] : memref<10240x128xf32, #tpu.memory_space<vmem_shared>> -> memref<10240x128xf32, #tpu.memory_space<vmem_shared>>
        tpu.enqueue_indirect_dma source(%arg6 : memref<112x128xf32, #tpu.memory_space<vmem>>) target(%dma_start3A_194 : memref<10240x128xf32, #tpu.memory_space<vmem_shared>>) offsets(%dma_start3A_191 : memref<112xi32, #tpu.memory_space<vmem>>) semaphore(%run_scoped3A_188 : memref<!tpu.dma_semaphore, #tpu.memory_space<semaphore_mem>>) {add = true}
        %dma_wait3A_195 = arith.constant 0 : i32
        %dma_wait3A_196 = tpu.memref_slice %arg5[%mul3A_141, %run_scoped3A, %dma_wait3A_195] : memref<24x2x112xi32, #tpu.memory_space<vmem>> -> memref<1x1x112xi32, #tpu.memory_space<vmem>>
        %dma_wait3A_197 = tpu.memref_squeeze %dma_wait3A_196 : memref<1x1x112xi32, #tpu.memory_space<vmem>> -> memref<112xi32, #tpu.memory_space<vmem>>
        %dma_wait3A_198 = arith.constant 0 : i32
        %dma_wait3A_199 = arith.constant 0 : i32
        %dma_wait3A_200 = tpu.memref_slice %arg9[%dma_wait3A_198, %dma_wait3A_199] : memref<10240x128xf32, #tpu.memory_space<vmem_shared>> -> memref<10240x128xf32, #tpu.memory_space<vmem_shared>>
        tpu.wait_indirect_dma semaphore(%run_scoped3A_188 : memref<!tpu.dma_semaphore, #tpu.memory_space<semaphore_mem>>) src(%arg6 : memref<112x128xf32, #tpu.memory_space<vmem>>) dst(%dma_wait3A_200 : memref<10240x128xf32, #tpu.memory_space<vmem_shared>>)
        tpu.yield
      }) : () -> ()
      %lt3A = arith.constant 7 : i32
      %lt3A_157 = arith.cmpi slt, %scan3A_139, %lt3A : i32
      %convert_element_type3A = arith.extui %lt3A_157 : i1 to i32
      %cond3A = arith.constant 0 : i32
      %cond3A_158 = arith.cmpi ne, %convert_element_type3A, %cond3A : i32
      scf.if %cond3A_158 {
        %add3A_188 = arith.constant 3 : i32
        %add3A_189 = arith.addi %mul3A_141, %add3A_188 : i32
        %dma_start3A_190 = arith.constant 0 : i32
        %dma_start3A_191 = arith.constant 0 : i32
        %dma_start3A_192 = tpu.memref_slice %arg5[%add3A_189, %dma_start3A_190, %dma_start3A_191] : memref<24x2x112xi32, #tpu.memory_space<vmem>> -> memref<1x1x112xi32, #tpu.memory_space<vmem>>
        %dma_start3A_193 = tpu.memref_squeeze %dma_start3A_192 : memref<1x1x112xi32, #tpu.memory_space<vmem>> -> memref<112xi32, #tpu.memory_space<vmem>>
        %dma_start3A_194 = arith.constant 0 : i32
        %dma_start3A_195 = arith.constant 0 : i32
        %dma_start3A_196 = tpu.memref_slice %arg2[%dma_start3A_194, %dma_start3A_195] : memref<10000x128xf32, #tpu.memory_space<hbm>> -> memref<10000x128xf32, #tpu.memory_space<hbm>>
        tpu.enqueue_indirect_dma source(%dma_start3A_196 : memref<10000x128xf32, #tpu.memory_space<hbm>>) target(%arg6 : memref<112x128xf32, #tpu.memory_space<vmem>>) offsets(%dma_start3A_193 : memref<112xi32, #tpu.memory_space<vmem>>) semaphore(%arg10 : memref<!tpu.dma_semaphore, #tpu.memory_space<semaphore_mem>>)
      } else {
      }
      %add3A_159 = arith.constant 1 : i32
      %add3A_160 = arith.addi %mul3A_141, %add3A_159 : i32
      %dma_wait3A_161 = arith.constant 0 : i32
      %dma_wait3A_162 = arith.constant 0 : i32
      %dma_wait3A_163 = tpu.memref_slice %arg5[%add3A_160, %dma_wait3A_161, %dma_wait3A_162] : memref<24x2x112xi32, #tpu.memory_space<vmem>> -> memref<1x1x112xi32, #tpu.memory_space<vmem>>
      %dma_wait3A_164 = tpu.memref_squeeze %dma_wait3A_163 : memref<1x1x112xi32, #tpu.memory_space<vmem>> -> memref<112xi32, #tpu.memory_space<vmem>>
      %dma_wait3A_165 = arith.constant 0 : i32
      %dma_wait3A_166 = arith.constant 0 : i32
      %dma_wait3A_167 = tpu.memref_slice %arg2[%dma_wait3A_165, %dma_wait3A_166] : memref<10000x128xf32, #tpu.memory_space<hbm>> -> memref<10000x128xf32, #tpu.memory_space<hbm>>
      tpu.wait_indirect_dma semaphore(%arg11 : memref<!tpu.dma_semaphore, #tpu.memory_space<semaphore_mem>>) src(%dma_wait3A_167 : memref<10000x128xf32, #tpu.memory_space<hbm>>) dst(%arg7 : memref<112x128xf32, #tpu.memory_space<vmem>>)
      %add3A_168 = arith.constant 1 : i32
      %add3A_169 = arith.addi %mul3A_141, %add3A_168 : i32
      %run_scoped3A_170 = arith.constant 1 : i32
      "tpu.region"() ({
        %run_scoped3A_188 = tpu.sem_alloc : memref<!tpu.dma_semaphore, #tpu.memory_space<semaphore_mem>>
        %dma_start3A_189 = arith.constant 0 : i32
        %dma_start3A_190 = tpu.memref_slice %arg5[%add3A_169, %run_scoped3A_170, %dma_start3A_189] : memref<24x2x112xi32, #tpu.memory_space<vmem>> -> memref<1x1x112xi32, #tpu.memory_space<vmem>>
        %dma_start3A_191 = tpu.memref_squeeze %dma_start3A_190 : memref<1x1x112xi32, #tpu.memory_space<vmem>> -> memref<112xi32, #tpu.memory_space<vmem>>
        %dma_start3A_192 = arith.constant 0 : i32
        %dma_start3A_193 = arith.constant 0 : i32
        %dma_start3A_194 = tpu.memref_slice %arg9[%dma_start3A_192, %dma_start3A_193] : memref<10240x128xf32, #tpu.memory_space<vmem_shared>> -> memref<10240x128xf32, #tpu.memory_space<vmem_shared>>
        tpu.enqueue_indirect_dma source(%arg7 : memref<112x128xf32, #tpu.memory_space<vmem>>) target(%dma_start3A_194 : memref<10240x128xf32, #tpu.memory_space<vmem_shared>>) offsets(%dma_start3A_191 : memref<112xi32, #tpu.memory_space<vmem>>) semaphore(%run_scoped3A_188 : memref<!tpu.dma_semaphore, #tpu.memory_space<semaphore_mem>>) {add = true}
        %dma_wait3A_195 = arith.constant 0 : i32
        %dma_wait3A_196 = tpu.memref_slice %arg5[%add3A_169, %run_scoped3A_170, %dma_wait3A_195] : memref<24x2x112xi32, #tpu.memory_space<vmem>> -> memref<1x1x112xi32, #tpu.memory_space<vmem>>
        %dma_wait3A_197 = tpu.memref_squeeze %dma_wait3A_196 : memref<1x1x112xi32, #tpu.memory_space<vmem>> -> memref<112xi32, #tpu.memory_space<vmem>>
        %dma_wait3A_198 = arith.constant 0 : i32
        %dma_wait3A_199 = arith.constant 0 : i32
        %dma_wait3A_200 = tpu.memref_slice %arg9[%dma_wait3A_198, %dma_wait3A_199] : memref<10240x128xf32, #tpu.memory_space<vmem_shared>> -> memref<10240x128xf32, #tpu.memory_space<vmem_shared>>
        tpu.wait_indirect_dma semaphore(%run_scoped3A_188 : memref<!tpu.dma_semaphore, #tpu.memory_space<semaphore_mem>>) src(%arg7 : memref<112x128xf32, #tpu.memory_space<vmem>>) dst(%dma_wait3A_200 : memref<10240x128xf32, #tpu.memory_space<vmem_shared>>)
        tpu.yield
      }) : () -> ()
      %lt3A_171 = arith.constant 7 : i32
      %lt3A_172 = arith.cmpi slt, %scan3A_139, %lt3A_171 : i32
      %convert_element_type3A_173 = arith.extui %lt3A_172 : i1 to i32
      %cond3A_174 = arith.constant 0 : i32
      %cond3A_175 = arith.cmpi ne, %convert_element_type3A_173, %cond3A_174 : i32
      scf.if %cond3A_175 {
        %add3A_188 = arith.constant 4 : i32
        %add3A_189 = arith.addi %mul3A_141, %add3A_188 : i32
        %dma_start3A_190 = arith.constant 0 : i32
        %dma_start3A_191 = arith.constant 0 : i32
        %dma_start3A_192 = tpu.memref_slice %arg5[%add3A_189, %dma_start3A_190, %dma_start3A_191] : memref<24x2x112xi32, #tpu.memory_space<vmem>> -> memref<1x1x112xi32, #tpu.memory_space<vmem>>
        %dma_start3A_193 = tpu.memref_squeeze %dma_start3A_192 : memref<1x1x112xi32, #tpu.memory_space<vmem>> -> memref<112xi32, #tpu.memory_space<vmem>>
        %dma_start3A_194 = arith.constant 0 : i32
        %dma_start3A_195 = arith.constant 0 : i32
        %dma_start3A_196 = tpu.memref_slice %arg2[%dma_start3A_194, %dma_start3A_195] : memref<10000x128xf32, #tpu.memory_space<hbm>> -> memref<10000x128xf32, #tpu.memory_space<hbm>>
        tpu.enqueue_indirect_dma source(%dma_start3A_196 : memref<10000x128xf32, #tpu.memory_space<hbm>>) target(%arg7 : memref<112x128xf32, #tpu.memory_space<vmem>>) offsets(%dma_start3A_193 : memref<112xi32, #tpu.memory_space<vmem>>) semaphore(%arg11 : memref<!tpu.dma_semaphore, #tpu.memory_space<semaphore_mem>>)
      } else {
      }
      %add3A_176 = arith.constant 2 : i32
      %add3A_177 = arith.addi %mul3A_141, %add3A_176 : i32
      %dma_wait3A_178 = arith.constant 0 : i32
      %dma_wait3A_179 = arith.constant 0 : i32
      %dma_wait3A_180 = tpu.memref_slice %arg5[%add3A_177, %dma_wait3A_178, %dma_wait3A_179] : memref<24x2x112xi32, #tpu.memory_space<vmem>> -> memref<1x1x112xi32, #tpu.memory_space<vmem>>
      %dma_wait3A_181 = tpu.memref_squeeze %dma_wait3A_180 : memref<1x1x112xi32, #tpu.memory_space<vmem>> -> memref<112xi32, #tpu.memory_space<vmem>>
      %dma_wait3A_182 = arith.constant 0 : i32
      %dma_wait3A_183 = arith.constant 0 : i32
      %dma_wait3A_184 = tpu.memref_slice %arg2[%dma_wait3A_182, %dma_wait3A_183] : memref<10000x128xf32, #tpu.memory_space<hbm>> -> memref<10000x128xf32, #tpu.memory_space<hbm>>
      tpu.wait_indirect_dma semaphore(%arg12 : memref<!tpu.dma_semaphore, #tpu.memory_space<semaphore_mem>>) src(%dma_wait3A_184 : memref<10000x128xf32, #tpu.memory_space<hbm>>) dst(%arg8 : memref<112x128xf32, #tpu.memory_space<vmem>>)
      %add3A_185 = arith.constant 2 : i32
      %add3A_186 = arith.addi %mul3A_141, %add3A_185 : i32
      %run_scoped3A_187 = arith.constant 1 : i32
      "tpu.region"() ({
        %run_scoped3A_188 = tpu.sem_alloc : memref<!tpu.dma_semaphore, #tpu.memory_space<semaphore_mem>>
        %dma_start3A_189 = arith.constant 0 : i32
        %dma_start3A_190 = tpu.memref_slice %arg5[%add3A_186, %run_scoped3A_187, %dma_start3A_189] : memref<24x2x112xi32, #tpu.memory_space<vmem>> -> memref<1x1x112xi32, #tpu.memory_space<vmem>>
        %dma_start3A_191 = tpu.memref_squeeze %dma_start3A_190 : memref<1x1x112xi32, #tpu.memory_space<vmem>> -> memref<112xi32, #tpu.memory_space<vmem>>
        %dma_start3A_192 = arith.constant 0 : i32
        %dma_start3A_193 = arith.constant 0 : i32
        %dma_start3A_194 = tpu.memref_slice %arg9[%dma_start3A_192, %dma_start3A_193] : memref<10240x128xf32, #tpu.memory_space<vmem_shared>> -> memref<10240x128xf32, #tpu.memory_space<vmem_shared>>
        tpu.enqueue_indirect_dma source(%arg8 : memref<112x128xf32, #tpu.memory_space<vmem>>) target(%dma_start3A_194 : memref<10240x128xf32, #tpu.memory_space<vmem_shared>>) offsets(%dma_start3A_191 : memref<112xi32, #tpu.memory_space<vmem>>) semaphore(%run_scoped3A_188 : memref<!tpu.dma_semaphore, #tpu.memory_space<semaphore_mem>>) {add = true}
        %dma_wait3A_195 = arith.constant 0 : i32
        %dma_wait3A_196 = tpu.memref_slice %arg5[%add3A_186, %run_scoped3A_187, %dma_wait3A_195] : memref<24x2x112xi32, #tpu.memory_space<vmem>> -> memref<1x1x112xi32, #tpu.memory_space<vmem>>
        %dma_wait3A_197 = tpu.memref_squeeze %dma_wait3A_196 : memref<1x1x112xi32, #tpu.memory_space<vmem>> -> memref<112xi32, #tpu.memory_space<vmem>>
        %dma_wait3A_198 = arith.constant 0 : i32
        %dma_wait3A_199 = arith.constant 0 : i32
        %dma_wait3A_200 = tpu.memref_slice %arg9[%dma_wait3A_198, %dma_wait3A_199] : memref<10240x128xf32, #tpu.memory_space<vmem_shared>> -> memref<10240x128xf32, #tpu.memory_space<vmem_shared>>
        tpu.wait_indirect_dma semaphore(%run_scoped3A_188 : memref<!tpu.dma_semaphore, #tpu.memory_space<semaphore_mem>>) src(%arg8 : memref<112x128xf32, #tpu.memory_space<vmem>>) dst(%dma_wait3A_200 : memref<10240x128xf32, #tpu.memory_space<vmem_shared>>)
        tpu.yield
      }) : () -> ()
    }
    %scan3A_81 = arith.constant 8 : i32
    %mul3A_82 = arith.constant 96 : i32
    %mul3A_83 = arith.muli %add3A, %mul3A_82 : i32
    %add3A_84 = arith.constant 48 : i32
    %add3A_85 = arith.addi %mul3A_83, %add3A_84 : i32
    "tpu.region"() ({
      %run_scoped3A = tpu.sem_alloc : memref<!tpu.dma_semaphore, #tpu.memory_space<semaphore_mem>>
      %dma_start3A_139 = arith.constant 0 : i32
      %dma_start3A_140 = arith.constant 0 : i32
      %dma_start3A_141 = tpu.memref_slice %arg3[%add3A_85, %dma_start3A_139, %dma_start3A_140] : memref<3072x2x112xi32, #tpu.memory_space<hbm>> -> memref<24x2x112xi32, #tpu.memory_space<hbm>>
      %dma_start3A_142 = arith.constant 0 : i32
      %dma_start3A_143 = arith.constant 0 : i32
      %dma_start3A_144 = tpu.memref_slice %arg3[%add3A_85, %dma_start3A_142, %dma_start3A_143] : memref<3072x2x112xi32, #tpu.memory_space<hbm>> -> memref<24x2x112xi32, #tpu.memory_space<hbm>>
      tpu.enqueue_dma source(%dma_start3A_144 : memref<24x2x112xi32, #tpu.memory_space<hbm>>) target(%arg5 : memref<24x2x112xi32, #tpu.memory_space<vmem>>) target_semaphore(%run_scoped3A : memref<!tpu.dma_semaphore, #tpu.memory_space<semaphore_mem>>)
      %dma_wait3A = arith.constant 0 : i32
      %dma_wait3A_145 = arith.constant 0 : i32
      %dma_wait3A_146 = tpu.memref_slice %arg3[%add3A_85, %dma_wait3A, %dma_wait3A_145] : memref<3072x2x112xi32, #tpu.memory_space<hbm>> -> memref<24x2x112xi32, #tpu.memory_space<hbm>>
      %dma_wait3A_147 = arith.constant 0 : i32
      %dma_wait3A_148 = arith.constant 0 : i32
      %dma_wait3A_149 = tpu.memref_slice %arg3[%add3A_85, %dma_wait3A_147, %dma_wait3A_148] : memref<3072x2x112xi32, #tpu.memory_space<hbm>> -> memref<24x2x112xi32, #tpu.memory_space<hbm>>
      tpu.wait_dma2 semaphore(%run_scoped3A : memref<!tpu.dma_semaphore, #tpu.memory_space<semaphore_mem>>) src(%dma_wait3A_149 : memref<24x2x112xi32, #tpu.memory_space<hbm>>) dst(%arg5 : memref<24x2x112xi32, #tpu.memory_space<vmem>>)
      tpu.yield
    }) : () -> ()
    %dma_start3A_86 = arith.constant 0 : i32
    %dma_start3A_87 = arith.constant 0 : i32
    %dma_start3A_88 = arith.constant 0 : i32
    %dma_start3A_89 = tpu.memref_slice %arg5[%dma_start3A_86, %dma_start3A_87, %dma_start3A_88] : memref<24x2x112xi32, #tpu.memory_space<vmem>> -> memref<1x1x112xi32, #tpu.memory_space<vmem>>
    %dma_start3A_90 = tpu.memref_squeeze %dma_start3A_89 : memref<1x1x112xi32, #tpu.memory_space<vmem>> -> memref<112xi32, #tpu.memory_space<vmem>>
    %dma_start3A_91 = arith.constant 0 : i32
    %dma_start3A_92 = arith.constant 0 : i32
    %dma_start3A_93 = tpu.memref_slice %arg2[%dma_start3A_91, %dma_start3A_92] : memref<10000x128xf32, #tpu.memory_space<hbm>> -> memref<10000x128xf32, #tpu.memory_space<hbm>>
    tpu.enqueue_indirect_dma source(%dma_start3A_93 : memref<10000x128xf32, #tpu.memory_space<hbm>>) target(%arg6 : memref<112x128xf32, #tpu.memory_space<vmem>>) offsets(%dma_start3A_90 : memref<112xi32, #tpu.memory_space<vmem>>) semaphore(%arg10 : memref<!tpu.dma_semaphore, #tpu.memory_space<semaphore_mem>>)
    %dma_start3A_94 = arith.constant 1 : i32
    %dma_start3A_95 = arith.constant 0 : i32
    %dma_start3A_96 = arith.constant 0 : i32
    %dma_start3A_97 = tpu.memref_slice %arg5[%dma_start3A_94, %dma_start3A_95, %dma_start3A_96] : memref<24x2x112xi32, #tpu.memory_space<vmem>> -> memref<1x1x112xi32, #tpu.memory_space<vmem>>
    %dma_start3A_98 = tpu.memref_squeeze %dma_start3A_97 : memref<1x1x112xi32, #tpu.memory_space<vmem>> -> memref<112xi32, #tpu.memory_space<vmem>>
    %dma_start3A_99 = arith.constant 0 : i32
    %dma_start3A_100 = arith.constant 0 : i32
    %dma_start3A_101 = tpu.memref_slice %arg2[%dma_start3A_99, %dma_start3A_100] : memref<10000x128xf32, #tpu.memory_space<hbm>> -> memref<10000x128xf32, #tpu.memory_space<hbm>>
    tpu.enqueue_indirect_dma source(%dma_start3A_101 : memref<10000x128xf32, #tpu.memory_space<hbm>>) target(%arg7 : memref<112x128xf32, #tpu.memory_space<vmem>>) offsets(%dma_start3A_98 : memref<112xi32, #tpu.memory_space<vmem>>) semaphore(%arg11 : memref<!tpu.dma_semaphore, #tpu.memory_space<semaphore_mem>>)
    %scan3A_102 = arith.constant 0 : i32
    %scan3A_103 = arith.constant 0 : i32
    %scan3A_104 = arith.constant 8 : i32
    %scan3A_105 = arith.addi %scan3A_103, %scan3A_104 : i32
    %scan3A_106 = arith.constant 1 : i32
    scf.for %scan3A_139 = %scan3A_103 to %scan3A_105 step %scan3A_106  : i32 {
      %mul3A_140 = arith.constant 3 : i32
      %mul3A_141 = arith.muli %mul3A_140, %scan3A_139 : i32
      %add3A_142 = arith.constant 2 : i32
      %add3A_143 = arith.addi %mul3A_141, %add3A_142 : i32
      %dma_start3A_144 = arith.constant 0 : i32
      %dma_start3A_145 = arith.constant 0 : i32
      %dma_start3A_146 = tpu.memref_slice %arg5[%add3A_143, %dma_start3A_144, %dma_start3A_145] : memref<24x2x112xi32, #tpu.memory_space<vmem>> -> memref<1x1x112xi32, #tpu.memory_space<vmem>>
      %dma_start3A_147 = tpu.memref_squeeze %dma_start3A_146 : memref<1x1x112xi32, #tpu.memory_space<vmem>> -> memref<112xi32, #tpu.memory_space<vmem>>
      %dma_start3A_148 = arith.constant 0 : i32
      %dma_start3A_149 = arith.constant 0 : i32
      %dma_start3A_150 = tpu.memref_slice %arg2[%dma_start3A_148, %dma_start3A_149] : memref<10000x128xf32, #tpu.memory_space<hbm>> -> memref<10000x128xf32, #tpu.memory_space<hbm>>
      tpu.enqueue_indirect_dma source(%dma_start3A_150 : memref<10000x128xf32, #tpu.memory_space<hbm>>) target(%arg8 : memref<112x128xf32, #tpu.memory_space<vmem>>) offsets(%dma_start3A_147 : memref<112xi32, #tpu.memory_space<vmem>>) semaphore(%arg12 : memref<!tpu.dma_semaphore, #tpu.memory_space<semaphore_mem>>)
      %dma_wait3A = arith.constant 0 : i32
      %dma_wait3A_151 = arith.constant 0 : i32
      %dma_wait3A_152 = tpu.memref_slice %arg5[%mul3A_141, %dma_wait3A, %dma_wait3A_151] : memref<24x2x112xi32, #tpu.memory_space<vmem>> -> memref<1x1x112xi32, #tpu.memory_space<vmem>>
      %dma_wait3A_153 = tpu.memref_squeeze %dma_wait3A_152 : memref<1x1x112xi32, #tpu.memory_space<vmem>> -> memref<112xi32, #tpu.memory_space<vmem>>
      %dma_wait3A_154 = arith.constant 0 : i32
      %dma_wait3A_155 = arith.constant 0 : i32
      %dma_wait3A_156 = tpu.memref_slice %arg2[%dma_wait3A_154, %dma_wait3A_155] : memref<10000x128xf32, #tpu.memory_space<hbm>> -> memref<10000x128xf32, #tpu.memory_space<hbm>>
      tpu.wait_indirect_dma semaphore(%arg10 : memref<!tpu.dma_semaphore, #tpu.memory_space<semaphore_mem>>) src(%dma_wait3A_156 : memref<10000x128xf32, #tpu.memory_space<hbm>>) dst(%arg6 : memref<112x128xf32, #tpu.memory_space<vmem>>)
      %run_scoped3A = arith.constant 1 : i32
      "tpu.region"() ({
        %run_scoped3A_188 = tpu.sem_alloc : memref<!tpu.dma_semaphore, #tpu.memory_space<semaphore_mem>>
        %dma_start3A_189 = arith.constant 0 : i32
        %dma_start3A_190 = tpu.memref_slice %arg5[%mul3A_141, %run_scoped3A, %dma_start3A_189] : memref<24x2x112xi32, #tpu.memory_space<vmem>> -> memref<1x1x112xi32, #tpu.memory_space<vmem>>
        %dma_start3A_191 = tpu.memref_squeeze %dma_start3A_190 : memref<1x1x112xi32, #tpu.memory_space<vmem>> -> memref<112xi32, #tpu.memory_space<vmem>>
        %dma_start3A_192 = arith.constant 0 : i32
        %dma_start3A_193 = arith.constant 0 : i32
        %dma_start3A_194 = tpu.memref_slice %arg9[%dma_start3A_192, %dma_start3A_193] : memref<10240x128xf32, #tpu.memory_space<vmem_shared>> -> memref<10240x128xf32, #tpu.memory_space<vmem_shared>>
        tpu.enqueue_indirect_dma source(%arg6 : memref<112x128xf32, #tpu.memory_space<vmem>>) target(%dma_start3A_194 : memref<10240x128xf32, #tpu.memory_space<vmem_shared>>) offsets(%dma_start3A_191 : memref<112xi32, #tpu.memory_space<vmem>>) semaphore(%run_scoped3A_188 : memref<!tpu.dma_semaphore, #tpu.memory_space<semaphore_mem>>) {add = true}
        %dma_wait3A_195 = arith.constant 0 : i32
        %dma_wait3A_196 = tpu.memref_slice %arg5[%mul3A_141, %run_scoped3A, %dma_wait3A_195] : memref<24x2x112xi32, #tpu.memory_space<vmem>> -> memref<1x1x112xi32, #tpu.memory_space<vmem>>
        %dma_wait3A_197 = tpu.memref_squeeze %dma_wait3A_196 : memref<1x1x112xi32, #tpu.memory_space<vmem>> -> memref<112xi32, #tpu.memory_space<vmem>>
        %dma_wait3A_198 = arith.constant 0 : i32
        %dma_wait3A_199 = arith.constant 0 : i32
        %dma_wait3A_200 = tpu.memref_slice %arg9[%dma_wait3A_198, %dma_wait3A_199] : memref<10240x128xf32, #tpu.memory_space<vmem_shared>> -> memref<10240x128xf32, #tpu.memory_space<vmem_shared>>
        tpu.wait_indirect_dma semaphore(%run_scoped3A_188 : memref<!tpu.dma_semaphore, #tpu.memory_space<semaphore_mem>>) src(%arg6 : memref<112x128xf32, #tpu.memory_space<vmem>>) dst(%dma_wait3A_200 : memref<10240x128xf32, #tpu.memory_space<vmem_shared>>)
        tpu.yield
      }) : () -> ()
      %lt3A = arith.constant 7 : i32
      %lt3A_157 = arith.cmpi slt, %scan3A_139, %lt3A : i32
      %convert_element_type3A = arith.extui %lt3A_157 : i1 to i32
      %cond3A = arith.constant 0 : i32
      %cond3A_158 = arith.cmpi ne, %convert_element_type3A, %cond3A : i32
      scf.if %cond3A_158 {
        %add3A_188 = arith.constant 3 : i32
        %add3A_189 = arith.addi %mul3A_141, %add3A_188 : i32
        %dma_start3A_190 = arith.constant 0 : i32
        %dma_start3A_191 = arith.constant 0 : i32
        %dma_start3A_192 = tpu.memref_slice %arg5[%add3A_189, %dma_start3A_190, %dma_start3A_191] : memref<24x2x112xi32, #tpu.memory_space<vmem>> -> memref<1x1x112xi32, #tpu.memory_space<vmem>>
        %dma_start3A_193 = tpu.memref_squeeze %dma_start3A_192 : memref<1x1x112xi32, #tpu.memory_space<vmem>> -> memref<112xi32, #tpu.memory_space<vmem>>
        %dma_start3A_194 = arith.constant 0 : i32
        %dma_start3A_195 = arith.constant 0 : i32
        %dma_start3A_196 = tpu.memref_slice %arg2[%dma_start3A_194, %dma_start3A_195] : memref<10000x128xf32, #tpu.memory_space<hbm>> -> memref<10000x128xf32, #tpu.memory_space<hbm>>
        tpu.enqueue_indirect_dma source(%dma_start3A_196 : memref<10000x128xf32, #tpu.memory_space<hbm>>) target(%arg6 : memref<112x128xf32, #tpu.memory_space<vmem>>) offsets(%dma_start3A_193 : memref<112xi32, #tpu.memory_space<vmem>>) semaphore(%arg10 : memref<!tpu.dma_semaphore, #tpu.memory_space<semaphore_mem>>)
      } else {
      }
      %add3A_159 = arith.constant 1 : i32
      %add3A_160 = arith.addi %mul3A_141, %add3A_159 : i32
      %dma_wait3A_161 = arith.constant 0 : i32
      %dma_wait3A_162 = arith.constant 0 : i32
      %dma_wait3A_163 = tpu.memref_slice %arg5[%add3A_160, %dma_wait3A_161, %dma_wait3A_162] : memref<24x2x112xi32, #tpu.memory_space<vmem>> -> memref<1x1x112xi32, #tpu.memory_space<vmem>>
      %dma_wait3A_164 = tpu.memref_squeeze %dma_wait3A_163 : memref<1x1x112xi32, #tpu.memory_space<vmem>> -> memref<112xi32, #tpu.memory_space<vmem>>
      %dma_wait3A_165 = arith.constant 0 : i32
      %dma_wait3A_166 = arith.constant 0 : i32
      %dma_wait3A_167 = tpu.memref_slice %arg2[%dma_wait3A_165, %dma_wait3A_166] : memref<10000x128xf32, #tpu.memory_space<hbm>> -> memref<10000x128xf32, #tpu.memory_space<hbm>>
      tpu.wait_indirect_dma semaphore(%arg11 : memref<!tpu.dma_semaphore, #tpu.memory_space<semaphore_mem>>) src(%dma_wait3A_167 : memref<10000x128xf32, #tpu.memory_space<hbm>>) dst(%arg7 : memref<112x128xf32, #tpu.memory_space<vmem>>)
      %add3A_168 = arith.constant 1 : i32
      %add3A_169 = arith.addi %mul3A_141, %add3A_168 : i32
      %run_scoped3A_170 = arith.constant 1 : i32
      "tpu.region"() ({
        %run_scoped3A_188 = tpu.sem_alloc : memref<!tpu.dma_semaphore, #tpu.memory_space<semaphore_mem>>
        %dma_start3A_189 = arith.constant 0 : i32
        %dma_start3A_190 = tpu.memref_slice %arg5[%add3A_169, %run_scoped3A_170, %dma_start3A_189] : memref<24x2x112xi32, #tpu.memory_space<vmem>> -> memref<1x1x112xi32, #tpu.memory_space<vmem>>
        %dma_start3A_191 = tpu.memref_squeeze %dma_start3A_190 : memref<1x1x112xi32, #tpu.memory_space<vmem>> -> memref<112xi32, #tpu.memory_space<vmem>>
        %dma_start3A_192 = arith.constant 0 : i32
        %dma_start3A_193 = arith.constant 0 : i32
        %dma_start3A_194 = tpu.memref_slice %arg9[%dma_start3A_192, %dma_start3A_193] : memref<10240x128xf32, #tpu.memory_space<vmem_shared>> -> memref<10240x128xf32, #tpu.memory_space<vmem_shared>>
        tpu.enqueue_indirect_dma source(%arg7 : memref<112x128xf32, #tpu.memory_space<vmem>>) target(%dma_start3A_194 : memref<10240x128xf32, #tpu.memory_space<vmem_shared>>) offsets(%dma_start3A_191 : memref<112xi32, #tpu.memory_space<vmem>>) semaphore(%run_scoped3A_188 : memref<!tpu.dma_semaphore, #tpu.memory_space<semaphore_mem>>) {add = true}
        %dma_wait3A_195 = arith.constant 0 : i32
        %dma_wait3A_196 = tpu.memref_slice %arg5[%add3A_169, %run_scoped3A_170, %dma_wait3A_195] : memref<24x2x112xi32, #tpu.memory_space<vmem>> -> memref<1x1x112xi32, #tpu.memory_space<vmem>>
        %dma_wait3A_197 = tpu.memref_squeeze %dma_wait3A_196 : memref<1x1x112xi32, #tpu.memory_space<vmem>> -> memref<112xi32, #tpu.memory_space<vmem>>
        %dma_wait3A_198 = arith.constant 0 : i32
        %dma_wait3A_199 = arith.constant 0 : i32
        %dma_wait3A_200 = tpu.memref_slice %arg9[%dma_wait3A_198, %dma_wait3A_199] : memref<10240x128xf32, #tpu.memory_space<vmem_shared>> -> memref<10240x128xf32, #tpu.memory_space<vmem_shared>>
        tpu.wait_indirect_dma semaphore(%run_scoped3A_188 : memref<!tpu.dma_semaphore, #tpu.memory_space<semaphore_mem>>) src(%arg7 : memref<112x128xf32, #tpu.memory_space<vmem>>) dst(%dma_wait3A_200 : memref<10240x128xf32, #tpu.memory_space<vmem_shared>>)
        tpu.yield
      }) : () -> ()
      %lt3A_171 = arith.constant 7 : i32
      %lt3A_172 = arith.cmpi slt, %scan3A_139, %lt3A_171 : i32
      %convert_element_type3A_173 = arith.extui %lt3A_172 : i1 to i32
      %cond3A_174 = arith.constant 0 : i32
      %cond3A_175 = arith.cmpi ne, %convert_element_type3A_173, %cond3A_174 : i32
      scf.if %cond3A_175 {
        %add3A_188 = arith.constant 4 : i32
        %add3A_189 = arith.addi %mul3A_141, %add3A_188 : i32
        %dma_start3A_190 = arith.constant 0 : i32
        %dma_start3A_191 = arith.constant 0 : i32
        %dma_start3A_192 = tpu.memref_slice %arg5[%add3A_189, %dma_start3A_190, %dma_start3A_191] : memref<24x2x112xi32, #tpu.memory_space<vmem>> -> memref<1x1x112xi32, #tpu.memory_space<vmem>>
        %dma_start3A_193 = tpu.memref_squeeze %dma_start3A_192 : memref<1x1x112xi32, #tpu.memory_space<vmem>> -> memref<112xi32, #tpu.memory_space<vmem>>
        %dma_start3A_194 = arith.constant 0 : i32
        %dma_start3A_195 = arith.constant 0 : i32
        %dma_start3A_196 = tpu.memref_slice %arg2[%dma_start3A_194, %dma_start3A_195] : memref<10000x128xf32, #tpu.memory_space<hbm>> -> memref<10000x128xf32, #tpu.memory_space<hbm>>
        tpu.enqueue_indirect_dma source(%dma_start3A_196 : memref<10000x128xf32, #tpu.memory_space<hbm>>) target(%arg7 : memref<112x128xf32, #tpu.memory_space<vmem>>) offsets(%dma_start3A_193 : memref<112xi32, #tpu.memory_space<vmem>>) semaphore(%arg11 : memref<!tpu.dma_semaphore, #tpu.memory_space<semaphore_mem>>)
      } else {
      }
      %add3A_176 = arith.constant 2 : i32
      %add3A_177 = arith.addi %mul3A_141, %add3A_176 : i32
      %dma_wait3A_178 = arith.constant 0 : i32
      %dma_wait3A_179 = arith.constant 0 : i32
      %dma_wait3A_180 = tpu.memref_slice %arg5[%add3A_177, %dma_wait3A_178, %dma_wait3A_179] : memref<24x2x112xi32, #tpu.memory_space<vmem>> -> memref<1x1x112xi32, #tpu.memory_space<vmem>>
      %dma_wait3A_181 = tpu.memref_squeeze %dma_wait3A_180 : memref<1x1x112xi32, #tpu.memory_space<vmem>> -> memref<112xi32, #tpu.memory_space<vmem>>
      %dma_wait3A_182 = arith.constant 0 : i32
      %dma_wait3A_183 = arith.constant 0 : i32
      %dma_wait3A_184 = tpu.memref_slice %arg2[%dma_wait3A_182, %dma_wait3A_183] : memref<10000x128xf32, #tpu.memory_space<hbm>> -> memref<10000x128xf32, #tpu.memory_space<hbm>>
      tpu.wait_indirect_dma semaphore(%arg12 : memref<!tpu.dma_semaphore, #tpu.memory_space<semaphore_mem>>) src(%dma_wait3A_184 : memref<10000x128xf32, #tpu.memory_space<hbm>>) dst(%arg8 : memref<112x128xf32, #tpu.memory_space<vmem>>)
      %add3A_185 = arith.constant 2 : i32
      %add3A_186 = arith.addi %mul3A_141, %add3A_185 : i32
      %run_scoped3A_187 = arith.constant 1 : i32
      "tpu.region"() ({
        %run_scoped3A_188 = tpu.sem_alloc : memref<!tpu.dma_semaphore, #tpu.memory_space<semaphore_mem>>
        %dma_start3A_189 = arith.constant 0 : i32
        %dma_start3A_190 = tpu.memref_slice %arg5[%add3A_186, %run_scoped3A_187, %dma_start3A_189] : memref<24x2x112xi32, #tpu.memory_space<vmem>> -> memref<1x1x112xi32, #tpu.memory_space<vmem>>
        %dma_start3A_191 = tpu.memref_squeeze %dma_start3A_190 : memref<1x1x112xi32, #tpu.memory_space<vmem>> -> memref<112xi32, #tpu.memory_space<vmem>>
        %dma_start3A_192 = arith.constant 0 : i32
        %dma_start3A_193 = arith.constant 0 : i32
        %dma_start3A_194 = tpu.memref_slice %arg9[%dma_start3A_192, %dma_start3A_193] : memref<10240x128xf32, #tpu.memory_space<vmem_shared>> -> memref<10240x128xf32, #tpu.memory_space<vmem_shared>>
        tpu.enqueue_indirect_dma source(%arg8 : memref<112x128xf32, #tpu.memory_space<vmem>>) target(%dma_start3A_194 : memref<10240x128xf32, #tpu.memory_space<vmem_shared>>) offsets(%dma_start3A_191 : memref<112xi32, #tpu.memory_space<vmem>>) semaphore(%run_scoped3A_188 : memref<!tpu.dma_semaphore, #tpu.memory_space<semaphore_mem>>) {add = true}
        %dma_wait3A_195 = arith.constant 0 : i32
        %dma_wait3A_196 = tpu.memref_slice %arg5[%add3A_186, %run_scoped3A_187, %dma_wait3A_195] : memref<24x2x112xi32, #tpu.memory_space<vmem>> -> memref<1x1x112xi32, #tpu.memory_space<vmem>>
        %dma_wait3A_197 = tpu.memref_squeeze %dma_wait3A_196 : memref<1x1x112xi32, #tpu.memory_space<vmem>> -> memref<112xi32, #tpu.memory_space<vmem>>
        %dma_wait3A_198 = arith.constant 0 : i32
        %dma_wait3A_199 = arith.constant 0 : i32
        %dma_wait3A_200 = tpu.memref_slice %arg9[%dma_wait3A_198, %dma_wait3A_199] : memref<10240x128xf32, #tpu.memory_space<vmem_shared>> -> memref<10240x128xf32, #tpu.memory_space<vmem_shared>>
        tpu.wait_indirect_dma semaphore(%run_scoped3A_188 : memref<!tpu.dma_semaphore, #tpu.memory_space<semaphore_mem>>) src(%arg8 : memref<112x128xf32, #tpu.memory_space<vmem>>) dst(%dma_wait3A_200 : memref<10240x128xf32, #tpu.memory_space<vmem_shared>>)
        tpu.yield
      }) : () -> ()
    }
    %scan3A_107 = arith.constant 8 : i32
    %mul3A_108 = arith.constant 96 : i32
    %mul3A_109 = arith.muli %add3A, %mul3A_108 : i32
    %add3A_110 = arith.constant 72 : i32
    %add3A_111 = arith.addi %mul3A_109, %add3A_110 : i32
    "tpu.region"() ({
      %run_scoped3A = tpu.sem_alloc : memref<!tpu.dma_semaphore, #tpu.memory_space<semaphore_mem>>
      %dma_start3A_139 = arith.constant 0 : i32
      %dma_start3A_140 = arith.constant 0 : i32
      %dma_start3A_141 = tpu.memref_slice %arg3[%add3A_111, %dma_start3A_139, %dma_start3A_140] : memref<3072x2x112xi32, #tpu.memory_space<hbm>> -> memref<24x2x112xi32, #tpu.memory_space<hbm>>
      %dma_start3A_142 = arith.constant 0 : i32
      %dma_start3A_143 = arith.constant 0 : i32
      %dma_start3A_144 = tpu.memref_slice %arg3[%add3A_111, %dma_start3A_142, %dma_start3A_143] : memref<3072x2x112xi32, #tpu.memory_space<hbm>> -> memref<24x2x112xi32, #tpu.memory_space<hbm>>
      tpu.enqueue_dma source(%dma_start3A_144 : memref<24x2x112xi32, #tpu.memory_space<hbm>>) target(%arg5 : memref<24x2x112xi32, #tpu.memory_space<vmem>>) target_semaphore(%run_scoped3A : memref<!tpu.dma_semaphore, #tpu.memory_space<semaphore_mem>>)
      %dma_wait3A = arith.constant 0 : i32
      %dma_wait3A_145 = arith.constant 0 : i32
      %dma_wait3A_146 = tpu.memref_slice %arg3[%add3A_111, %dma_wait3A, %dma_wait3A_145] : memref<3072x2x112xi32, #tpu.memory_space<hbm>> -> memref<24x2x112xi32, #tpu.memory_space<hbm>>
      %dma_wait3A_147 = arith.constant 0 : i32
      %dma_wait3A_148 = arith.constant 0 : i32
      %dma_wait3A_149 = tpu.memref_slice %arg3[%add3A_111, %dma_wait3A_147, %dma_wait3A_148] : memref<3072x2x112xi32, #tpu.memory_space<hbm>> -> memref<24x2x112xi32, #tpu.memory_space<hbm>>
      tpu.wait_dma2 semaphore(%run_scoped3A : memref<!tpu.dma_semaphore, #tpu.memory_space<semaphore_mem>>) src(%dma_wait3A_149 : memref<24x2x112xi32, #tpu.memory_space<hbm>>) dst(%arg5 : memref<24x2x112xi32, #tpu.memory_space<vmem>>)
      tpu.yield
    }) : () -> ()
    %dma_start3A_112 = arith.constant 0 : i32
    %dma_start3A_113 = arith.constant 0 : i32
    %dma_start3A_114 = arith.constant 0 : i32
    %dma_start3A_115 = tpu.memref_slice %arg5[%dma_start3A_112, %dma_start3A_113, %dma_start3A_114] : memref<24x2x112xi32, #tpu.memory_space<vmem>> -> memref<1x1x112xi32, #tpu.memory_space<vmem>>
    %dma_start3A_116 = tpu.memref_squeeze %dma_start3A_115 : memref<1x1x112xi32, #tpu.memory_space<vmem>> -> memref<112xi32, #tpu.memory_space<vmem>>
    %dma_start3A_117 = arith.constant 0 : i32
    %dma_start3A_118 = arith.constant 0 : i32
    %dma_start3A_119 = tpu.memref_slice %arg2[%dma_start3A_117, %dma_start3A_118] : memref<10000x128xf32, #tpu.memory_space<hbm>> -> memref<10000x128xf32, #tpu.memory_space<hbm>>
    tpu.enqueue_indirect_dma source(%dma_start3A_119 : memref<10000x128xf32, #tpu.memory_space<hbm>>) target(%arg6 : memref<112x128xf32, #tpu.memory_space<vmem>>) offsets(%dma_start3A_116 : memref<112xi32, #tpu.memory_space<vmem>>) semaphore(%arg10 : memref<!tpu.dma_semaphore, #tpu.memory_space<semaphore_mem>>)
    %dma_start3A_120 = arith.constant 1 : i32
    %dma_start3A_121 = arith.constant 0 : i32
    %dma_start3A_122 = arith.constant 0 : i32
    %dma_start3A_123 = tpu.memref_slice %arg5[%dma_start3A_120, %dma_start3A_121, %dma_start3A_122] : memref<24x2x112xi32, #tpu.memory_space<vmem>> -> memref<1x1x112xi32, #tpu.memory_space<vmem>>
    %dma_start3A_124 = tpu.memref_squeeze %dma_start3A_123 : memref<1x1x112xi32, #tpu.memory_space<vmem>> -> memref<112xi32, #tpu.memory_space<vmem>>
    %dma_start3A_125 = arith.constant 0 : i32
    %dma_start3A_126 = arith.constant 0 : i32
    %dma_start3A_127 = tpu.memref_slice %arg2[%dma_start3A_125, %dma_start3A_126] : memref<10000x128xf32, #tpu.memory_space<hbm>> -> memref<10000x128xf32, #tpu.memory_space<hbm>>
    tpu.enqueue_indirect_dma source(%dma_start3A_127 : memref<10000x128xf32, #tpu.memory_space<hbm>>) target(%arg7 : memref<112x128xf32, #tpu.memory_space<vmem>>) offsets(%dma_start3A_124 : memref<112xi32, #tpu.memory_space<vmem>>) semaphore(%arg11 : memref<!tpu.dma_semaphore, #tpu.memory_space<semaphore_mem>>)
    %scan3A_128 = arith.constant 0 : i32
    %scan3A_129 = arith.constant 0 : i32
    %scan3A_130 = arith.constant 8 : i32
    %scan3A_131 = arith.addi %scan3A_129, %scan3A_130 : i32
    %scan3A_132 = arith.constant 1 : i32
    scf.for %scan3A_139 = %scan3A_129 to %scan3A_131 step %scan3A_132  : i32 {
      %mul3A_140 = arith.constant 3 : i32
      %mul3A_141 = arith.muli %mul3A_140, %scan3A_139 : i32
      %add3A_142 = arith.constant 2 : i32
      %add3A_143 = arith.addi %mul3A_141, %add3A_142 : i32
      %dma_start3A_144 = arith.constant 0 : i32
      %dma_start3A_145 = arith.constant 0 : i32
      %dma_start3A_146 = tpu.memref_slice %arg5[%add3A_143, %dma_start3A_144, %dma_start3A_145] : memref<24x2x112xi32, #tpu.memory_space<vmem>> -> memref<1x1x112xi32, #tpu.memory_space<vmem>>
      %dma_start3A_147 = tpu.memref_squeeze %dma_start3A_146 : memref<1x1x112xi32, #tpu.memory_space<vmem>> -> memref<112xi32, #tpu.memory_space<vmem>>
      %dma_start3A_148 = arith.constant 0 : i32
      %dma_start3A_149 = arith.constant 0 : i32
      %dma_start3A_150 = tpu.memref_slice %arg2[%dma_start3A_148, %dma_start3A_149] : memref<10000x128xf32, #tpu.memory_space<hbm>> -> memref<10000x128xf32, #tpu.memory_space<hbm>>
      tpu.enqueue_indirect_dma source(%dma_start3A_150 : memref<10000x128xf32, #tpu.memory_space<hbm>>) target(%arg8 : memref<112x128xf32, #tpu.memory_space<vmem>>) offsets(%dma_start3A_147 : memref<112xi32, #tpu.memory_space<vmem>>) semaphore(%arg12 : memref<!tpu.dma_semaphore, #tpu.memory_space<semaphore_mem>>)
      %dma_wait3A = arith.constant 0 : i32
      %dma_wait3A_151 = arith.constant 0 : i32
      %dma_wait3A_152 = tpu.memref_slice %arg5[%mul3A_141, %dma_wait3A, %dma_wait3A_151] : memref<24x2x112xi32, #tpu.memory_space<vmem>> -> memref<1x1x112xi32, #tpu.memory_space<vmem>>
      %dma_wait3A_153 = tpu.memref_squeeze %dma_wait3A_152 : memref<1x1x112xi32, #tpu.memory_space<vmem>> -> memref<112xi32, #tpu.memory_space<vmem>>
      %dma_wait3A_154 = arith.constant 0 : i32
      %dma_wait3A_155 = arith.constant 0 : i32
      %dma_wait3A_156 = tpu.memref_slice %arg2[%dma_wait3A_154, %dma_wait3A_155] : memref<10000x128xf32, #tpu.memory_space<hbm>> -> memref<10000x128xf32, #tpu.memory_space<hbm>>
      tpu.wait_indirect_dma semaphore(%arg10 : memref<!tpu.dma_semaphore, #tpu.memory_space<semaphore_mem>>) src(%dma_wait3A_156 : memref<10000x128xf32, #tpu.memory_space<hbm>>) dst(%arg6 : memref<112x128xf32, #tpu.memory_space<vmem>>)
      %run_scoped3A = arith.constant 1 : i32
      "tpu.region"() ({
        %run_scoped3A_188 = tpu.sem_alloc : memref<!tpu.dma_semaphore, #tpu.memory_space<semaphore_mem>>
        %dma_start3A_189 = arith.constant 0 : i32
        %dma_start3A_190 = tpu.memref_slice %arg5[%mul3A_141, %run_scoped3A, %dma_start3A_189] : memref<24x2x112xi32, #tpu.memory_space<vmem>> -> memref<1x1x112xi32, #tpu.memory_space<vmem>>
        %dma_start3A_191 = tpu.memref_squeeze %dma_start3A_190 : memref<1x1x112xi32, #tpu.memory_space<vmem>> -> memref<112xi32, #tpu.memory_space<vmem>>
        %dma_start3A_192 = arith.constant 0 : i32
        %dma_start3A_193 = arith.constant 0 : i32
        %dma_start3A_194 = tpu.memref_slice %arg9[%dma_start3A_192, %dma_start3A_193] : memref<10240x128xf32, #tpu.memory_space<vmem_shared>> -> memref<10240x128xf32, #tpu.memory_space<vmem_shared>>
        tpu.enqueue_indirect_dma source(%arg6 : memref<112x128xf32, #tpu.memory_space<vmem>>) target(%dma_start3A_194 : memref<10240x128xf32, #tpu.memory_space<vmem_shared>>) offsets(%dma_start3A_191 : memref<112xi32, #tpu.memory_space<vmem>>) semaphore(%run_scoped3A_188 : memref<!tpu.dma_semaphore, #tpu.memory_space<semaphore_mem>>) {add = true}
        %dma_wait3A_195 = arith.constant 0 : i32
        %dma_wait3A_196 = tpu.memref_slice %arg5[%mul3A_141, %run_scoped3A, %dma_wait3A_195] : memref<24x2x112xi32, #tpu.memory_space<vmem>> -> memref<1x1x112xi32, #tpu.memory_space<vmem>>
        %dma_wait3A_197 = tpu.memref_squeeze %dma_wait3A_196 : memref<1x1x112xi32, #tpu.memory_space<vmem>> -> memref<112xi32, #tpu.memory_space<vmem>>
        %dma_wait3A_198 = arith.constant 0 : i32
        %dma_wait3A_199 = arith.constant 0 : i32
        %dma_wait3A_200 = tpu.memref_slice %arg9[%dma_wait3A_198, %dma_wait3A_199] : memref<10240x128xf32, #tpu.memory_space<vmem_shared>> -> memref<10240x128xf32, #tpu.memory_space<vmem_shared>>
        tpu.wait_indirect_dma semaphore(%run_scoped3A_188 : memref<!tpu.dma_semaphore, #tpu.memory_space<semaphore_mem>>) src(%arg6 : memref<112x128xf32, #tpu.memory_space<vmem>>) dst(%dma_wait3A_200 : memref<10240x128xf32, #tpu.memory_space<vmem_shared>>)
        tpu.yield
      }) : () -> ()
      %lt3A = arith.constant 7 : i32
      %lt3A_157 = arith.cmpi slt, %scan3A_139, %lt3A : i32
      %convert_element_type3A = arith.extui %lt3A_157 : i1 to i32
      %cond3A = arith.constant 0 : i32
      %cond3A_158 = arith.cmpi ne, %convert_element_type3A, %cond3A : i32
      scf.if %cond3A_158 {
        %add3A_188 = arith.constant 3 : i32
        %add3A_189 = arith.addi %mul3A_141, %add3A_188 : i32
        %dma_start3A_190 = arith.constant 0 : i32
        %dma_start3A_191 = arith.constant 0 : i32
        %dma_start3A_192 = tpu.memref_slice %arg5[%add3A_189, %dma_start3A_190, %dma_start3A_191] : memref<24x2x112xi32, #tpu.memory_space<vmem>> -> memref<1x1x112xi32, #tpu.memory_space<vmem>>
        %dma_start3A_193 = tpu.memref_squeeze %dma_start3A_192 : memref<1x1x112xi32, #tpu.memory_space<vmem>> -> memref<112xi32, #tpu.memory_space<vmem>>
        %dma_start3A_194 = arith.constant 0 : i32
        %dma_start3A_195 = arith.constant 0 : i32
        %dma_start3A_196 = tpu.memref_slice %arg2[%dma_start3A_194, %dma_start3A_195] : memref<10000x128xf32, #tpu.memory_space<hbm>> -> memref<10000x128xf32, #tpu.memory_space<hbm>>
        tpu.enqueue_indirect_dma source(%dma_start3A_196 : memref<10000x128xf32, #tpu.memory_space<hbm>>) target(%arg6 : memref<112x128xf32, #tpu.memory_space<vmem>>) offsets(%dma_start3A_193 : memref<112xi32, #tpu.memory_space<vmem>>) semaphore(%arg10 : memref<!tpu.dma_semaphore, #tpu.memory_space<semaphore_mem>>)
      } else {
      }
      %add3A_159 = arith.constant 1 : i32
      %add3A_160 = arith.addi %mul3A_141, %add3A_159 : i32
      %dma_wait3A_161 = arith.constant 0 : i32
      %dma_wait3A_162 = arith.constant 0 : i32
      %dma_wait3A_163 = tpu.memref_slice %arg5[%add3A_160, %dma_wait3A_161, %dma_wait3A_162] : memref<24x2x112xi32, #tpu.memory_space<vmem>> -> memref<1x1x112xi32, #tpu.memory_space<vmem>>
      %dma_wait3A_164 = tpu.memref_squeeze %dma_wait3A_163 : memref<1x1x112xi32, #tpu.memory_space<vmem>> -> memref<112xi32, #tpu.memory_space<vmem>>
      %dma_wait3A_165 = arith.constant 0 : i32
      %dma_wait3A_166 = arith.constant 0 : i32
      %dma_wait3A_167 = tpu.memref_slice %arg2[%dma_wait3A_165, %dma_wait3A_166] : memref<10000x128xf32, #tpu.memory_space<hbm>> -> memref<10000x128xf32, #tpu.memory_space<hbm>>
      tpu.wait_indirect_dma semaphore(%arg11 : memref<!tpu.dma_semaphore, #tpu.memory_space<semaphore_mem>>) src(%dma_wait3A_167 : memref<10000x128xf32, #tpu.memory_space<hbm>>) dst(%arg7 : memref<112x128xf32, #tpu.memory_space<vmem>>)
      %add3A_168 = arith.constant 1 : i32
      %add3A_169 = arith.addi %mul3A_141, %add3A_168 : i32
      %run_scoped3A_170 = arith.constant 1 : i32
      "tpu.region"() ({
        %run_scoped3A_188 = tpu.sem_alloc : memref<!tpu.dma_semaphore, #tpu.memory_space<semaphore_mem>>
        %dma_start3A_189 = arith.constant 0 : i32
        %dma_start3A_190 = tpu.memref_slice %arg5[%add3A_169, %run_scoped3A_170, %dma_start3A_189] : memref<24x2x112xi32, #tpu.memory_space<vmem>> -> memref<1x1x112xi32, #tpu.memory_space<vmem>>
        %dma_start3A_191 = tpu.memref_squeeze %dma_start3A_190 : memref<1x1x112xi32, #tpu.memory_space<vmem>> -> memref<112xi32, #tpu.memory_space<vmem>>
        %dma_start3A_192 = arith.constant 0 : i32
        %dma_start3A_193 = arith.constant 0 : i32
        %dma_start3A_194 = tpu.memref_slice %arg9[%dma_start3A_192, %dma_start3A_193] : memref<10240x128xf32, #tpu.memory_space<vmem_shared>> -> memref<10240x128xf32, #tpu.memory_space<vmem_shared>>
        tpu.enqueue_indirect_dma source(%arg7 : memref<112x128xf32, #tpu.memory_space<vmem>>) target(%dma_start3A_194 : memref<10240x128xf32, #tpu.memory_space<vmem_shared>>) offsets(%dma_start3A_191 : memref<112xi32, #tpu.memory_space<vmem>>) semaphore(%run_scoped3A_188 : memref<!tpu.dma_semaphore, #tpu.memory_space<semaphore_mem>>) {add = true}
        %dma_wait3A_195 = arith.constant 0 : i32
        %dma_wait3A_196 = tpu.memref_slice %arg5[%add3A_169, %run_scoped3A_170, %dma_wait3A_195] : memref<24x2x112xi32, #tpu.memory_space<vmem>> -> memref<1x1x112xi32, #tpu.memory_space<vmem>>
        %dma_wait3A_197 = tpu.memref_squeeze %dma_wait3A_196 : memref<1x1x112xi32, #tpu.memory_space<vmem>> -> memref<112xi32, #tpu.memory_space<vmem>>
        %dma_wait3A_198 = arith.constant 0 : i32
        %dma_wait3A_199 = arith.constant 0 : i32
        %dma_wait3A_200 = tpu.memref_slice %arg9[%dma_wait3A_198, %dma_wait3A_199] : memref<10240x128xf32, #tpu.memory_space<vmem_shared>> -> memref<10240x128xf32, #tpu.memory_space<vmem_shared>>
        tpu.wait_indirect_dma semaphore(%run_scoped3A_188 : memref<!tpu.dma_semaphore, #tpu.memory_space<semaphore_mem>>) src(%arg7 : memref<112x128xf32, #tpu.memory_space<vmem>>) dst(%dma_wait3A_200 : memref<10240x128xf32, #tpu.memory_space<vmem_shared>>)
        tpu.yield
      }) : () -> ()
      %lt3A_171 = arith.constant 7 : i32
      %lt3A_172 = arith.cmpi slt, %scan3A_139, %lt3A_171 : i32
      %convert_element_type3A_173 = arith.extui %lt3A_172 : i1 to i32
      %cond3A_174 = arith.constant 0 : i32
      %cond3A_175 = arith.cmpi ne, %convert_element_type3A_173, %cond3A_174 : i32
      scf.if %cond3A_175 {
        %add3A_188 = arith.constant 4 : i32
        %add3A_189 = arith.addi %mul3A_141, %add3A_188 : i32
        %dma_start3A_190 = arith.constant 0 : i32
        %dma_start3A_191 = arith.constant 0 : i32
        %dma_start3A_192 = tpu.memref_slice %arg5[%add3A_189, %dma_start3A_190, %dma_start3A_191] : memref<24x2x112xi32, #tpu.memory_space<vmem>> -> memref<1x1x112xi32, #tpu.memory_space<vmem>>
        %dma_start3A_193 = tpu.memref_squeeze %dma_start3A_192 : memref<1x1x112xi32, #tpu.memory_space<vmem>> -> memref<112xi32, #tpu.memory_space<vmem>>
        %dma_start3A_194 = arith.constant 0 : i32
        %dma_start3A_195 = arith.constant 0 : i32
        %dma_start3A_196 = tpu.memref_slice %arg2[%dma_start3A_194, %dma_start3A_195] : memref<10000x128xf32, #tpu.memory_space<hbm>> -> memref<10000x128xf32, #tpu.memory_space<hbm>>
        tpu.enqueue_indirect_dma source(%dma_start3A_196 : memref<10000x128xf32, #tpu.memory_space<hbm>>) target(%arg7 : memref<112x128xf32, #tpu.memory_space<vmem>>) offsets(%dma_start3A_193 : memref<112xi32, #tpu.memory_space<vmem>>) semaphore(%arg11 : memref<!tpu.dma_semaphore, #tpu.memory_space<semaphore_mem>>)
      } else {
      }
      %add3A_176 = arith.constant 2 : i32
      %add3A_177 = arith.addi %mul3A_141, %add3A_176 : i32
      %dma_wait3A_178 = arith.constant 0 : i32
      %dma_wait3A_179 = arith.constant 0 : i32
      %dma_wait3A_180 = tpu.memref_slice %arg5[%add3A_177, %dma_wait3A_178, %dma_wait3A_179] : memref<24x2x112xi32, #tpu.memory_space<vmem>> -> memref<1x1x112xi32, #tpu.memory_space<vmem>>
      %dma_wait3A_181 = tpu.memref_squeeze %dma_wait3A_180 : memref<1x1x112xi32, #tpu.memory_space<vmem>> -> memref<112xi32, #tpu.memory_space<vmem>>
      %dma_wait3A_182 = arith.constant 0 : i32
      %dma_wait3A_183 = arith.constant 0 : i32
      %dma_wait3A_184 = tpu.memref_slice %arg2[%dma_wait3A_182, %dma_wait3A_183] : memref<10000x128xf32, #tpu.memory_space<hbm>> -> memref<10000x128xf32, #tpu.memory_space<hbm>>
      tpu.wait_indirect_dma semaphore(%arg12 : memref<!tpu.dma_semaphore, #tpu.memory_space<semaphore_mem>>) src(%dma_wait3A_184 : memref<10000x128xf32, #tpu.memory_space<hbm>>) dst(%arg8 : memref<112x128xf32, #tpu.memory_space<vmem>>)
      %add3A_185 = arith.constant 2 : i32
      %add3A_186 = arith.addi %mul3A_141, %add3A_185 : i32
      %run_scoped3A_187 = arith.constant 1 : i32
      "tpu.region"() ({
        %run_scoped3A_188 = tpu.sem_alloc : memref<!tpu.dma_semaphore, #tpu.memory_space<semaphore_mem>>
        %dma_start3A_189 = arith.constant 0 : i32
        %dma_start3A_190 = tpu.memref_slice %arg5[%add3A_186, %run_scoped3A_187, %dma_start3A_189] : memref<24x2x112xi32, #tpu.memory_space<vmem>> -> memref<1x1x112xi32, #tpu.memory_space<vmem>>
        %dma_start3A_191 = tpu.memref_squeeze %dma_start3A_190 : memref<1x1x112xi32, #tpu.memory_space<vmem>> -> memref<112xi32, #tpu.memory_space<vmem>>
        %dma_start3A_192 = arith.constant 0 : i32
        %dma_start3A_193 = arith.constant 0 : i32
        %dma_start3A_194 = tpu.memref_slice %arg9[%dma_start3A_192, %dma_start3A_193] : memref<10240x128xf32, #tpu.memory_space<vmem_shared>> -> memref<10240x128xf32, #tpu.memory_space<vmem_shared>>
        tpu.enqueue_indirect_dma source(%arg8 : memref<112x128xf32, #tpu.memory_space<vmem>>) target(%dma_start3A_194 : memref<10240x128xf32, #tpu.memory_space<vmem_shared>>) offsets(%dma_start3A_191 : memref<112xi32, #tpu.memory_space<vmem>>) semaphore(%run_scoped3A_188 : memref<!tpu.dma_semaphore, #tpu.memory_space<semaphore_mem>>) {add = true}
        %dma_wait3A_195 = arith.constant 0 : i32
        %dma_wait3A_196 = tpu.memref_slice %arg5[%add3A_186, %run_scoped3A_187, %dma_wait3A_195] : memref<24x2x112xi32, #tpu.memory_space<vmem>> -> memref<1x1x112xi32, #tpu.memory_space<vmem>>
        %dma_wait3A_197 = tpu.memref_squeeze %dma_wait3A_196 : memref<1x1x112xi32, #tpu.memory_space<vmem>> -> memref<112xi32, #tpu.memory_space<vmem>>
        %dma_wait3A_198 = arith.constant 0 : i32
        %dma_wait3A_199 = arith.constant 0 : i32
        %dma_wait3A_200 = tpu.memref_slice %arg9[%dma_wait3A_198, %dma_wait3A_199] : memref<10240x128xf32, #tpu.memory_space<vmem_shared>> -> memref<10240x128xf32, #tpu.memory_space<vmem_shared>>
        tpu.wait_indirect_dma semaphore(%run_scoped3A_188 : memref<!tpu.dma_semaphore, #tpu.memory_space<semaphore_mem>>) src(%arg8 : memref<112x128xf32, #tpu.memory_space<vmem>>) dst(%dma_wait3A_200 : memref<10240x128xf32, #tpu.memory_space<vmem_shared>>)
        tpu.yield
      }) : () -> ()
    }
    %scan3A_133 = arith.constant 8 : i32
    %barrier3A_134 = arith.constant 0 : index
    tpu.barrier barrier_id(%barrier3A_134)
    %mul3A_135 = arith.constant 640 : i32
    %mul3A_136 = arith.muli %arg1, %mul3A_135 : i32
    %mul3A_137 = arith.constant 640 : i32
    %mul3A_138 = arith.muli %arg1, %mul3A_137 : i32
    "tpu.region"() ({
      %run_scoped3A = tpu.sem_alloc : memref<!tpu.dma_semaphore, #tpu.memory_space<semaphore_mem>>
      %dma_start3A_139 = arith.constant 0 : i32
      %dma_start3A_140 = arith.constant 0 : i32
      %dma_start3A_141 = tpu.memref_slice %arg4[%arg0, %dma_start3A_139, %dma_start3A_140] : memref<2x10240x128xf32, #tpu.memory_space<hbm>> -> memref<1x10240x128xf32, #tpu.memory_space<hbm>>
      %dma_start3A_142 = tpu.memref_squeeze %dma_start3A_141 : memref<1x10240x128xf32, #tpu.memory_space<hbm>> -> memref<10240x128xf32, #tpu.memory_space<hbm>>
      %dma_start3A_143 = arith.constant 0 : i32
      %dma_start3A_144 = tpu.memref_slice %dma_start3A_142[%mul3A_138, %dma_start3A_143] : memref<10240x128xf32, #tpu.memory_space<hbm>> -> memref<640x128xf32, #tpu.memory_space<hbm>>
      %dma_start3A_145 = arith.constant 0 : i32
      %dma_start3A_146 = tpu.memref_slice %arg9[%mul3A_136, %dma_start3A_145] : memref<10240x128xf32, #tpu.memory_space<vmem_shared>> -> memref<640x128xf32, #tpu.memory_space<vmem_shared>>
      tpu.enqueue_dma source(%dma_start3A_146 : memref<640x128xf32, #tpu.memory_space<vmem_shared>>) target(%dma_start3A_144 : memref<640x128xf32, #tpu.memory_space<hbm>>) target_semaphore(%run_scoped3A : memref<!tpu.dma_semaphore, #tpu.memory_space<semaphore_mem>>)
      %dma_wait3A = arith.constant 0 : i32
      %dma_wait3A_147 = arith.constant 0 : i32
      %dma_wait3A_148 = tpu.memref_slice %arg4[%arg0, %dma_wait3A, %dma_wait3A_147] : memref<2x10240x128xf32, #tpu.memory_space<hbm>> -> memref<1x10240x128xf32, #tpu.memory_space<hbm>>
      %dma_wait3A_149 = tpu.memref_squeeze %dma_wait3A_148 : memref<1x10240x128xf32, #tpu.memory_space<hbm>> -> memref<10240x128xf32, #tpu.memory_space<hbm>>
      %dma_wait3A_150 = arith.constant 0 : i32
      %dma_wait3A_151 = tpu.memref_slice %dma_wait3A_149[%mul3A_138, %dma_wait3A_150] : memref<10240x128xf32, #tpu.memory_space<hbm>> -> memref<640x128xf32, #tpu.memory_space<hbm>>
      %dma_wait3A_152 = arith.constant 0 : i32
      %dma_wait3A_153 = tpu.memref_slice %arg9[%mul3A_136, %dma_wait3A_152] : memref<10240x128xf32, #tpu.memory_space<vmem_shared>> -> memref<640x128xf32, #tpu.memory_space<vmem_shared>>
      tpu.wait_dma2 semaphore(%run_scoped3A : memref<!tpu.dma_semaphore, #tpu.memory_space<semaphore_mem>>) src(%dma_wait3A_153 : memref<640x128xf32, #tpu.memory_space<vmem_shared>>) dst(%dma_wait3A_151 : memref<640x128xf32, #tpu.memory_space<hbm>>)
      tpu.yield
    }) : () -> ()
    return
  }
}

#map = affine_map<(d0, d1) -> (0, 0, 0)>
#map1 = affine_map<(d0, d1) -> (0, 0)>
module attributes {stable_mosaic.version = 14 : i64} {
  func.func @_sc_degree(%arg0: i32, %arg1: i32, %arg2: memref<3072x2x112xi32, #tpu.memory_space<hbm>>, %arg3: memref<2x10240xf32, #tpu.memory_space<hbm>>, %arg4: memref<96x2x112xi32, #tpu.memory_space<vmem>>, %arg5: memref<10240xf32, #tpu.memory_space<vmem>>, %arg6: memref<16x640xf32, #tpu.memory_space<vmem>>, %arg7: memref<640xf32, #tpu.memory_space<vmem>>, %arg8: memref<16x10240xf32, #tpu.memory_space<vmem_shared>>) attributes {dimension_semantics = [#tpu.dimension_semantics<core_parallel>, #tpu.dimension_semantics<subcore_parallel>], iteration_bounds = array<i64: 2, 16>, scalar_prefetch = 0 : i64, scratch_operands = 5 : i64, tpu.core_type = #tpu.core_type<sc_vector_subcore>, window_params = [{transform_indices = #map}, {transform_indices = #map1}]} {
    %mul3A = arith.constant 16 : i32
    %mul3A_0 = arith.muli %arg0, %mul3A : i32
    %add3A = arith.addi %mul3A_0, %arg1 : i32
    %mul3A_1 = arith.constant 96 : i32
    %mul3A_2 = arith.muli %add3A, %mul3A_1 : i32
    "tpu.region"() ({
      %run_scoped3A = tpu.sem_alloc : memref<!tpu.dma_semaphore, #tpu.memory_space<semaphore_mem>>
      %dma_start3A = arith.constant 0 : i32
      %dma_start3A_27 = arith.constant 0 : i32
      %dma_start3A_28 = tpu.memref_slice %arg2[%mul3A_2, %dma_start3A, %dma_start3A_27] : memref<3072x2x112xi32, #tpu.memory_space<hbm>> -> memref<96x2x112xi32, #tpu.memory_space<hbm>>
      %dma_start3A_29 = arith.constant 0 : i32
      %dma_start3A_30 = arith.constant 0 : i32
      %dma_start3A_31 = tpu.memref_slice %arg2[%mul3A_2, %dma_start3A_29, %dma_start3A_30] : memref<3072x2x112xi32, #tpu.memory_space<hbm>> -> memref<96x2x112xi32, #tpu.memory_space<hbm>>
      tpu.enqueue_dma source(%dma_start3A_31 : memref<96x2x112xi32, #tpu.memory_space<hbm>>) target(%arg4 : memref<96x2x112xi32, #tpu.memory_space<vmem>>) target_semaphore(%run_scoped3A : memref<!tpu.dma_semaphore, #tpu.memory_space<semaphore_mem>>)
      %dma_wait3A = arith.constant 0 : i32
      %dma_wait3A_32 = arith.constant 0 : i32
      %dma_wait3A_33 = tpu.memref_slice %arg2[%mul3A_2, %dma_wait3A, %dma_wait3A_32] : memref<3072x2x112xi32, #tpu.memory_space<hbm>> -> memref<96x2x112xi32, #tpu.memory_space<hbm>>
      %dma_wait3A_34 = arith.constant 0 : i32
      %dma_wait3A_35 = arith.constant 0 : i32
      %dma_wait3A_36 = tpu.memref_slice %arg2[%mul3A_2, %dma_wait3A_34, %dma_wait3A_35] : memref<3072x2x112xi32, #tpu.memory_space<hbm>> -> memref<96x2x112xi32, #tpu.memory_space<hbm>>
      tpu.wait_dma2 semaphore(%run_scoped3A : memref<!tpu.dma_semaphore, #tpu.memory_space<semaphore_mem>>) src(%dma_wait3A_36 : memref<96x2x112xi32, #tpu.memory_space<hbm>>) dst(%arg4 : memref<96x2x112xi32, #tpu.memory_space<vmem>>)
      tpu.yield
    }) : () -> ()
    %broadcast_in_dim3A = arith.constant 0.000000e+00 : f32
    %broadcast_in_dim3A_3 = vector.broadcast %broadcast_in_dim3A : f32 to vector<16xf32>
    %scan3A = arith.constant 0 : i32
    %scan3A_4 = arith.constant 0 : i32
    %scan3A_5 = arith.constant 640 : i32
    %scan3A_6 = arith.addi %scan3A_4, %scan3A_5 : i32
    %scan3A_7 = arith.constant 1 : i32
    scf.for %scan3A_27 = %scan3A_4 to %scan3A_6 step %scan3A_7  : i32 {
      %mul3A_28 = arith.constant 16 : i32
      %mul3A_29 = arith.muli %scan3A_27, %mul3A_28 : i32
      %swap3A = arith.index_cast %mul3A_29 : i32 to index
      %swap3A_30 = tpu.vector_load %arg5[%swap3A] {strides = array<i32>} : memref<10240xf32, #tpu.memory_space<vmem>>, vector<16xf32>,
      tpu.vector_store %arg5[%swap3A], %broadcast_in_dim3A_3 {strides = array<i32>} : memref<10240xf32, #tpu.memory_space<vmem>>, vector<16xf32>,
    }
    %scan3A_8 = arith.constant 640 : i32
    %broadcast_in_dim3A_9 = arith.constant 1.000000e+00 : f32
    %broadcast_in_dim3A_10 = vector.broadcast %broadcast_in_dim3A_9 : f32 to vector<16xf32>
    %scan3A_11 = arith.constant 0 : i32
    %scan3A_12 = arith.constant 0 : i32
    %scan3A_13 = arith.constant 96 : i32
    %scan3A_14 = arith.addi %scan3A_12, %scan3A_13 : i32
    %scan3A_15 = arith.constant 1 : i32
    scf.for %scan3A_27 = %scan3A_12 to %scan3A_14 step %scan3A_15  : i32 {
      %get3A = arith.constant 1 : i32
      %get3A_28 = arith.index_cast %scan3A_27 : i32 to index
      %get3A_29 = arith.index_cast %get3A : i32 to index
      %get3A_30 = arith.constant 0 : index
      %get3A_31 = tpu.vector_load %arg4[%get3A_28, %get3A_29, %get3A_30] {strides = array<i32>} : memref<96x2x112xi32, #tpu.memory_space<vmem>>, vector<16xi32>,
      tpu.vector_store_idx %arg5[%get3A_31], %broadcast_in_dim3A_10 {add = true} : memref<10240xf32, #tpu.memory_space<vmem>>[vector<16xi32>], vector<16xf32>,
      %get3A_32 = arith.constant 1 : i32
      %get3A_33 = arith.index_cast %scan3A_27 : i32 to index
      %get3A_34 = arith.index_cast %get3A_32 : i32 to index
      %get3A_35 = arith.constant 16 : index
      %get3A_36 = tpu.vector_load %arg4[%get3A_33, %get3A_34, %get3A_35] {strides = array<i32>} : memref<96x2x112xi32, #tpu.memory_space<vmem>>, vector<16xi32>,
      tpu.vector_store_idx %arg5[%get3A_36], %broadcast_in_dim3A_10 {add = true} : memref<10240xf32, #tpu.memory_space<vmem>>[vector<16xi32>], vector<16xf32>,
      %get3A_37 = arith.constant 1 : i32
      %get3A_38 = arith.index_cast %scan3A_27 : i32 to index
      %get3A_39 = arith.index_cast %get3A_37 : i32 to index
      %get3A_40 = arith.constant 32 : index
      %get3A_41 = tpu.vector_load %arg4[%get3A_38, %get3A_39, %get3A_40] {strides = array<i32>} : memref<96x2x112xi32, #tpu.memory_space<vmem>>, vector<16xi32>,
      tpu.vector_store_idx %arg5[%get3A_41], %broadcast_in_dim3A_10 {add = true} : memref<10240xf32, #tpu.memory_space<vmem>>[vector<16xi32>], vector<16xf32>,
      %get3A_42 = arith.constant 1 : i32
      %get3A_43 = arith.index_cast %scan3A_27 : i32 to index
      %get3A_44 = arith.index_cast %get3A_42 : i32 to index
      %get3A_45 = arith.constant 48 : index
      %get3A_46 = tpu.vector_load %arg4[%get3A_43, %get3A_44, %get3A_45] {strides = array<i32>} : memref<96x2x112xi32, #tpu.memory_space<vmem>>, vector<16xi32>,
      tpu.vector_store_idx %arg5[%get3A_46], %broadcast_in_dim3A_10 {add = true} : memref<10240xf32, #tpu.memory_space<vmem>>[vector<16xi32>], vector<16xf32>,
      %get3A_47 = arith.constant 1 : i32
      %get3A_48 = arith.index_cast %scan3A_27 : i32 to index
      %get3A_49 = arith.index_cast %get3A_47 : i32 to index
      %get3A_50 = arith.constant 64 : index
      %get3A_51 = tpu.vector_load %arg4[%get3A_48, %get3A_49, %get3A_50] {strides = array<i32>} : memref<96x2x112xi32, #tpu.memory_space<vmem>>, vector<16xi32>,
      tpu.vector_store_idx %arg5[%get3A_51], %broadcast_in_dim3A_10 {add = true} : memref<10240xf32, #tpu.memory_space<vmem>>[vector<16xi32>], vector<16xf32>,
      %get3A_52 = arith.constant 1 : i32
      %get3A_53 = arith.index_cast %scan3A_27 : i32 to index
      %get3A_54 = arith.index_cast %get3A_52 : i32 to index
      %get3A_55 = arith.constant 80 : index
      %get3A_56 = tpu.vector_load %arg4[%get3A_53, %get3A_54, %get3A_55] {strides = array<i32>} : memref<96x2x112xi32, #tpu.memory_space<vmem>>, vector<16xi32>,
      tpu.vector_store_idx %arg5[%get3A_56], %broadcast_in_dim3A_10 {add = true} : memref<10240xf32, #tpu.memory_space<vmem>>[vector<16xi32>], vector<16xf32>,
      %get3A_57 = arith.constant 1 : i32
      %get3A_58 = arith.index_cast %scan3A_27 : i32 to index
      %get3A_59 = arith.index_cast %get3A_57 : i32 to index
      %get3A_60 = arith.constant 96 : index
      %get3A_61 = tpu.vector_load %arg4[%get3A_58, %get3A_59, %get3A_60] {strides = array<i32>} : memref<96x2x112xi32, #tpu.memory_space<vmem>>, vector<16xi32>,
      tpu.vector_store_idx %arg5[%get3A_61], %broadcast_in_dim3A_10 {add = true} : memref<10240xf32, #tpu.memory_space<vmem>>[vector<16xi32>], vector<16xf32>,
    }
    %scan3A_16 = arith.constant 96 : i32
    "tpu.region"() ({
      %run_scoped3A = tpu.sem_alloc : memref<!tpu.dma_semaphore, #tpu.memory_space<semaphore_mem>>
      %dma_start3A = arith.constant 0 : i32
      %dma_start3A_27 = tpu.memref_slice %arg8[%arg1, %dma_start3A] : memref<16x10240xf32, #tpu.memory_space<vmem_shared>> -> memref<1x10240xf32, #tpu.memory_space<vmem_shared>>
      %dma_start3A_28 = tpu.memref_squeeze %dma_start3A_27 : memref<1x10240xf32, #tpu.memory_space<vmem_shared>> -> memref<10240xf32, #tpu.memory_space<vmem_shared>>
      %dma_start3A_29 = arith.constant 0 : i32
      %dma_start3A_30 = tpu.memref_slice %arg8[%arg1, %dma_start3A_29] : memref<16x10240xf32, #tpu.memory_space<vmem_shared>> -> memref<1x10240xf32, #tpu.memory_space<vmem_shared>>
      %dma_start3A_31 = tpu.memref_squeeze %dma_start3A_30 : memref<1x10240xf32, #tpu.memory_space<vmem_shared>> -> memref<10240xf32, #tpu.memory_space<vmem_shared>>
      tpu.enqueue_dma source(%arg5 : memref<10240xf32, #tpu.memory_space<vmem>>) target(%dma_start3A_31 : memref<10240xf32, #tpu.memory_space<vmem_shared>>) target_semaphore(%run_scoped3A : memref<!tpu.dma_semaphore, #tpu.memory_space<semaphore_mem>>)
      %dma_wait3A = arith.constant 0 : i32
      %dma_wait3A_32 = tpu.memref_slice %arg8[%arg1, %dma_wait3A] : memref<16x10240xf32, #tpu.memory_space<vmem_shared>> -> memref<1x10240xf32, #tpu.memory_space<vmem_shared>>
      %dma_wait3A_33 = tpu.memref_squeeze %dma_wait3A_32 : memref<1x10240xf32, #tpu.memory_space<vmem_shared>> -> memref<10240xf32, #tpu.memory_space<vmem_shared>>
      %dma_wait3A_34 = arith.constant 0 : i32
      %dma_wait3A_35 = tpu.memref_slice %arg8[%arg1, %dma_wait3A_34] : memref<16x10240xf32, #tpu.memory_space<vmem_shared>> -> memref<1x10240xf32, #tpu.memory_space<vmem_shared>>
      %dma_wait3A_36 = tpu.memref_squeeze %dma_wait3A_35 : memref<1x10240xf32, #tpu.memory_space<vmem_shared>> -> memref<10240xf32, #tpu.memory_space<vmem_shared>>
      tpu.wait_dma2 semaphore(%run_scoped3A : memref<!tpu.dma_semaphore, #tpu.memory_space<semaphore_mem>>) src(%arg5 : memref<10240xf32, #tpu.memory_space<vmem>>) dst(%dma_wait3A_36 : memref<10240xf32, #tpu.memory_space<vmem_shared>>)
      tpu.yield
    }) : () -> ()
    %barrier3A = arith.constant 0 : index
    tpu.barrier barrier_id(%barrier3A)
    %mul3A_17 = arith.constant 640 : i32
    %mul3A_18 = arith.muli %arg1, %mul3A_17 : i32
    "tpu.region"() ({
      %run_scoped3A = tpu.sem_alloc : memref<!tpu.dma_semaphore, #tpu.memory_space<semaphore_mem>>
      %dma_start3A = arith.constant 0 : i32
      %dma_start3A_27 = tpu.memref_slice %arg8[%dma_start3A, %mul3A_18] : memref<16x10240xf32, #tpu.memory_space<vmem_shared>> -> memref<16x640xf32, #tpu.memory_space<vmem_shared>>
      %dma_start3A_28 = arith.constant 0 : i32
      %dma_start3A_29 = tpu.memref_slice %arg8[%dma_start3A_28, %mul3A_18] : memref<16x10240xf32, #tpu.memory_space<vmem_shared>> -> memref<16x640xf32, #tpu.memory_space<vmem_shared>>
      tpu.enqueue_dma source(%dma_start3A_29 : memref<16x640xf32, #tpu.memory_space<vmem_shared>>) target(%arg6 : memref<16x640xf32, #tpu.memory_space<vmem>>) target_semaphore(%run_scoped3A : memref<!tpu.dma_semaphore, #tpu.memory_space<semaphore_mem>>)
      %dma_wait3A = arith.constant 0 : i32
      %dma_wait3A_30 = tpu.memref_slice %arg8[%dma_wait3A, %mul3A_18] : memref<16x10240xf32, #tpu.memory_space<vmem_shared>> -> memref<16x640xf32, #tpu.memory_space<vmem_shared>>
      %dma_wait3A_31 = arith.constant 0 : i32
      %dma_wait3A_32 = tpu.memref_slice %arg8[%dma_wait3A_31, %mul3A_18] : memref<16x10240xf32, #tpu.memory_space<vmem_shared>> -> memref<16x640xf32, #tpu.memory_space<vmem_shared>>
      tpu.wait_dma2 semaphore(%run_scoped3A : memref<!tpu.dma_semaphore, #tpu.memory_space<semaphore_mem>>) src(%dma_wait3A_32 : memref<16x640xf32, #tpu.memory_space<vmem_shared>>) dst(%arg6 : memref<16x640xf32, #tpu.memory_space<vmem>>)
      tpu.yield
    }) : () -> ()
    %scan3A_19 = arith.constant 0 : i32
    %scan3A_20 = arith.constant 0 : i32
    %scan3A_21 = arith.constant 40 : i32
    %scan3A_22 = arith.addi %scan3A_20, %scan3A_21 : i32
    %scan3A_23 = arith.constant 1 : i32
    scf.for %scan3A_27 = %scan3A_20 to %scan3A_22 step %scan3A_23  : i32 {
      %mul3A_28 = arith.constant 16 : i32
      %mul3A_29 = arith.muli %scan3A_27, %mul3A_28 : i32
      %get3A = arith.constant 0 : i32
      %get3A_30 = arith.index_cast %get3A : i32 to index
      %get3A_31 = arith.index_cast %mul3A_29 : i32 to index
      %get3A_32 = tpu.vector_load %arg6[%get3A_30, %get3A_31] {strides = array<i32>} : memref<16x640xf32, #tpu.memory_space<vmem>>, vector<16xf32>,
      %mul3A_33 = arith.constant 16 : i32
      %mul3A_34 = arith.muli %scan3A_27, %mul3A_33 : i32
      %get3A_35 = arith.constant 1 : i32
      %get3A_36 = arith.index_cast %get3A_35 : i32 to index
      %get3A_37 = arith.index_cast %mul3A_34 : i32 to index
      %get3A_38 = tpu.vector_load %arg6[%get3A_36, %get3A_37] {strides = array<i32>} : memref<16x640xf32, #tpu.memory_space<vmem>>, vector<16xf32>,
      %add3A_39 = arith.addf %get3A_32, %get3A_38 : vector<16xf32>
      %mul3A_40 = arith.constant 16 : i32
      %mul3A_41 = arith.muli %scan3A_27, %mul3A_40 : i32
      %get3A_42 = arith.constant 2 : i32
      %get3A_43 = arith.index_cast %get3A_42 : i32 to index
      %get3A_44 = arith.index_cast %mul3A_41 : i32 to index
      %get3A_45 = tpu.vector_load %arg6[%get3A_43, %get3A_44] {strides = array<i32>} : memref<16x640xf32, #tpu.memory_space<vmem>>, vector<16xf32>,
      %add3A_46 = arith.addf %add3A_39, %get3A_45 : vector<16xf32>
      %mul3A_47 = arith.constant 16 : i32
      %mul3A_48 = arith.muli %scan3A_27, %mul3A_47 : i32
      %get3A_49 = arith.constant 3 : i32
      %get3A_50 = arith.index_cast %get3A_49 : i32 to index
      %get3A_51 = arith.index_cast %mul3A_48 : i32 to index
      %get3A_52 = tpu.vector_load %arg6[%get3A_50, %get3A_51] {strides = array<i32>} : memref<16x640xf32, #tpu.memory_space<vmem>>, vector<16xf32>,
      %add3A_53 = arith.addf %add3A_46, %get3A_52 : vector<16xf32>
      %mul3A_54 = arith.constant 16 : i32
      %mul3A_55 = arith.muli %scan3A_27, %mul3A_54 : i32
      %get3A_56 = arith.constant 4 : i32
      %get3A_57 = arith.index_cast %get3A_56 : i32 to index
      %get3A_58 = arith.index_cast %mul3A_55 : i32 to index
      %get3A_59 = tpu.vector_load %arg6[%get3A_57, %get3A_58] {strides = array<i32>} : memref<16x640xf32, #tpu.memory_space<vmem>>, vector<16xf32>,
      %add3A_60 = arith.addf %add3A_53, %get3A_59 : vector<16xf32>
      %mul3A_61 = arith.constant 16 : i32
      %mul3A_62 = arith.muli %scan3A_27, %mul3A_61 : i32
      %get3A_63 = arith.constant 5 : i32
      %get3A_64 = arith.index_cast %get3A_63 : i32 to index
      %get3A_65 = arith.index_cast %mul3A_62 : i32 to index
      %get3A_66 = tpu.vector_load %arg6[%get3A_64, %get3A_65] {strides = array<i32>} : memref<16x640xf32, #tpu.memory_space<vmem>>, vector<16xf32>,
      %add3A_67 = arith.addf %add3A_60, %get3A_66 : vector<16xf32>
      %mul3A_68 = arith.constant 16 : i32
      %mul3A_69 = arith.muli %scan3A_27, %mul3A_68 : i32
      %get3A_70 = arith.constant 6 : i32
      %get3A_71 = arith.index_cast %get3A_70 : i32 to index
      %get3A_72 = arith.index_cast %mul3A_69 : i32 to index
      %get3A_73 = tpu.vector_load %arg6[%get3A_71, %get3A_72] {strides = array<i32>} : memref<16x640xf32, #tpu.memory_space<vmem>>, vector<16xf32>,
      %add3A_74 = arith.addf %add3A_67, %get3A_73 : vector<16xf32>
      %mul3A_75 = arith.constant 16 : i32
      %mul3A_76 = arith.muli %scan3A_27, %mul3A_75 : i32
      %get3A_77 = arith.constant 7 : i32
      %get3A_78 = arith.index_cast %get3A_77 : i32 to index
      %get3A_79 = arith.index_cast %mul3A_76 : i32 to index
      %get3A_80 = tpu.vector_load %arg6[%get3A_78, %get3A_79] {strides = array<i32>} : memref<16x640xf32, #tpu.memory_space<vmem>>, vector<16xf32>,
      %add3A_81 = arith.addf %add3A_74, %get3A_80 : vector<16xf32>
      %mul3A_82 = arith.constant 16 : i32
      %mul3A_83 = arith.muli %scan3A_27, %mul3A_82 : i32
      %get3A_84 = arith.constant 8 : i32
      %get3A_85 = arith.index_cast %get3A_84 : i32 to index
      %get3A_86 = arith.index_cast %mul3A_83 : i32 to index
      %get3A_87 = tpu.vector_load %arg6[%get3A_85, %get3A_86] {strides = array<i32>} : memref<16x640xf32, #tpu.memory_space<vmem>>, vector<16xf32>,
      %add3A_88 = arith.addf %add3A_81, %get3A_87 : vector<16xf32>
      %mul3A_89 = arith.constant 16 : i32
      %mul3A_90 = arith.muli %scan3A_27, %mul3A_89 : i32
      %get3A_91 = arith.constant 9 : i32
      %get3A_92 = arith.index_cast %get3A_91 : i32 to index
      %get3A_93 = arith.index_cast %mul3A_90 : i32 to index
      %get3A_94 = tpu.vector_load %arg6[%get3A_92, %get3A_93] {strides = array<i32>} : memref<16x640xf32, #tpu.memory_space<vmem>>, vector<16xf32>,
      %add3A_95 = arith.addf %add3A_88, %get3A_94 : vector<16xf32>
      %mul3A_96 = arith.constant 16 : i32
      %mul3A_97 = arith.muli %scan3A_27, %mul3A_96 : i32
      %get3A_98 = arith.constant 10 : i32
      %get3A_99 = arith.index_cast %get3A_98 : i32 to index
      %get3A_100 = arith.index_cast %mul3A_97 : i32 to index
      %get3A_101 = tpu.vector_load %arg6[%get3A_99, %get3A_100] {strides = array<i32>} : memref<16x640xf32, #tpu.memory_space<vmem>>, vector<16xf32>,
      %add3A_102 = arith.addf %add3A_95, %get3A_101 : vector<16xf32>
      %mul3A_103 = arith.constant 16 : i32
      %mul3A_104 = arith.muli %scan3A_27, %mul3A_103 : i32
      %get3A_105 = arith.constant 11 : i32
      %get3A_106 = arith.index_cast %get3A_105 : i32 to index
      %get3A_107 = arith.index_cast %mul3A_104 : i32 to index
      %get3A_108 = tpu.vector_load %arg6[%get3A_106, %get3A_107] {strides = array<i32>} : memref<16x640xf32, #tpu.memory_space<vmem>>, vector<16xf32>,
      %add3A_109 = arith.addf %add3A_102, %get3A_108 : vector<16xf32>
      %mul3A_110 = arith.constant 16 : i32
      %mul3A_111 = arith.muli %scan3A_27, %mul3A_110 : i32
      %get3A_112 = arith.constant 12 : i32
      %get3A_113 = arith.index_cast %get3A_112 : i32 to index
      %get3A_114 = arith.index_cast %mul3A_111 : i32 to index
      %get3A_115 = tpu.vector_load %arg6[%get3A_113, %get3A_114] {strides = array<i32>} : memref<16x640xf32, #tpu.memory_space<vmem>>, vector<16xf32>,
      %add3A_116 = arith.addf %add3A_109, %get3A_115 : vector<16xf32>
      %mul3A_117 = arith.constant 16 : i32
      %mul3A_118 = arith.muli %scan3A_27, %mul3A_117 : i32
      %get3A_119 = arith.constant 13 : i32
      %get3A_120 = arith.index_cast %get3A_119 : i32 to index
      %get3A_121 = arith.index_cast %mul3A_118 : i32 to index
      %get3A_122 = tpu.vector_load %arg6[%get3A_120, %get3A_121] {strides = array<i32>} : memref<16x640xf32, #tpu.memory_space<vmem>>, vector<16xf32>,
      %add3A_123 = arith.addf %add3A_116, %get3A_122 : vector<16xf32>
      %mul3A_124 = arith.constant 16 : i32
      %mul3A_125 = arith.muli %scan3A_27, %mul3A_124 : i32
      %get3A_126 = arith.constant 14 : i32
      %get3A_127 = arith.index_cast %get3A_126 : i32 to index
      %get3A_128 = arith.index_cast %mul3A_125 : i32 to index
      %get3A_129 = tpu.vector_load %arg6[%get3A_127, %get3A_128] {strides = array<i32>} : memref<16x640xf32, #tpu.memory_space<vmem>>, vector<16xf32>,
      %add3A_130 = arith.addf %add3A_123, %get3A_129 : vector<16xf32>
      %mul3A_131 = arith.constant 16 : i32
      %mul3A_132 = arith.muli %scan3A_27, %mul3A_131 : i32
      %get3A_133 = arith.constant 15 : i32
      %get3A_134 = arith.index_cast %get3A_133 : i32 to index
      %get3A_135 = arith.index_cast %mul3A_132 : i32 to index
      %get3A_136 = tpu.vector_load %arg6[%get3A_134, %get3A_135] {strides = array<i32>} : memref<16x640xf32, #tpu.memory_space<vmem>>, vector<16xf32>,
      %add3A_137 = arith.addf %add3A_130, %get3A_136 : vector<16xf32>
      %mul3A_138 = arith.constant 16 : i32
      %mul3A_139 = arith.muli %scan3A_27, %mul3A_138 : i32
      %swap3A = arith.index_cast %mul3A_139 : i32 to index
      %swap3A_140 = tpu.vector_load %arg7[%swap3A] {strides = array<i32>} : memref<640xf32, #tpu.memory_space<vmem>>, vector<16xf32>,
      tpu.vector_store %arg7[%swap3A], %add3A_137 {strides = array<i32>} : memref<640xf32, #tpu.memory_space<vmem>>, vector<16xf32>,
    }
    %scan3A_24 = arith.constant 40 : i32
    %mul3A_25 = arith.constant 640 : i32
    %mul3A_26 = arith.muli %arg1, %mul3A_25 : i32
    "tpu.region"() ({
      %run_scoped3A = tpu.sem_alloc : memref<!tpu.dma_semaphore, #tpu.memory_space<semaphore_mem>>
      %dma_start3A = arith.constant 0 : i32
      %dma_start3A_27 = tpu.memref_slice %arg3[%arg0, %dma_start3A] : memref<2x10240xf32, #tpu.memory_space<hbm>> -> memref<1x10240xf32, #tpu.memory_space<hbm>>
      %dma_start3A_28 = tpu.memref_squeeze %dma_start3A_27 : memref<1x10240xf32, #tpu.memory_space<hbm>> -> memref<10240xf32, #tpu.memory_space<hbm>>
      %dma_start3A_29 = tpu.memref_slice %dma_start3A_28[%mul3A_26] : memref<10240xf32, #tpu.memory_space<hbm>> -> memref<640xf32, #tpu.memory_space<hbm>>
      %dma_start3A_30 = arith.constant 0 : i32
      %dma_start3A_31 = tpu.memref_slice %arg3[%arg0, %dma_start3A_30] : memref<2x10240xf32, #tpu.memory_space<hbm>> -> memref<1x10240xf32, #tpu.memory_space<hbm>>
      %dma_start3A_32 = tpu.memref_squeeze %dma_start3A_31 : memref<1x10240xf32, #tpu.memory_space<hbm>> -> memref<10240xf32, #tpu.memory_space<hbm>>
      %dma_start3A_33 = tpu.memref_slice %dma_start3A_32[%mul3A_26] : memref<10240xf32, #tpu.memory_space<hbm>> -> memref<640xf32, #tpu.memory_space<hbm>>
      tpu.enqueue_dma source(%arg7 : memref<640xf32, #tpu.memory_space<vmem>>) target(%dma_start3A_33 : memref<640xf32, #tpu.memory_space<hbm>>) target_semaphore(%run_scoped3A : memref<!tpu.dma_semaphore, #tpu.memory_space<semaphore_mem>>)
      %dma_wait3A = arith.constant 0 : i32
      %dma_wait3A_34 = tpu.memref_slice %arg3[%arg0, %dma_wait3A] : memref<2x10240xf32, #tpu.memory_space<hbm>> -> memref<1x10240xf32, #tpu.memory_space<hbm>>
      %dma_wait3A_35 = tpu.memref_squeeze %dma_wait3A_34 : memref<1x10240xf32, #tpu.memory_space<hbm>> -> memref<10240xf32, #tpu.memory_space<hbm>>
      %dma_wait3A_36 = tpu.memref_slice %dma_wait3A_35[%mul3A_26] : memref<10240xf32, #tpu.memory_space<hbm>> -> memref<640xf32, #tpu.memory_space<hbm>>
      %dma_wait3A_37 = arith.constant 0 : i32
      %dma_wait3A_38 = tpu.memref_slice %arg3[%arg0, %dma_wait3A_37] : memref<2x10240xf32, #tpu.memory_space<hbm>> -> memref<1x10240xf32, #tpu.memory_space<hbm>>
      %dma_wait3A_39 = tpu.memref_squeeze %dma_wait3A_38 : memref<1x10240xf32, #tpu.memory_space<hbm>> -> memref<10240xf32, #tpu.memory_space<hbm>>
      %dma_wait3A_40 = tpu.memref_slice %dma_wait3A_39[%mul3A_26] : memref<10240xf32, #tpu.memory_space<hbm>> -> memref<640xf32, #tpu.memory_space<hbm>>
      tpu.wait_dma2 semaphore(%run_scoped3A : memref<!tpu.dma_semaphore, #tpu.memory_space<semaphore_mem>>) src(%arg7 : memref<640xf32, #tpu.memory_space<vmem>>) dst(%dma_wait3A_40 : memref<640xf32, #tpu.memory_space<hbm>>)
      tpu.yield
    }) : () -> ()
    return
  }
}

module attributes {stable_mosaic.version = 14 : i64} {
  func.func @_tc_prep_body(%arg0: i32, %arg1: memref<1000x2xf32, #tpu.memory_space<vmem>>, %arg2: memref<1000x128xf32, #tpu.memory_space<vmem>>, %arg3: memref<128x128xf32, #tpu.memory_space<vmem>>, %arg4: memref<1000x128xf32, #tpu.memory_space<vmem>>) attributes {dimension_semantics = [#tpu.dimension_semantics<arbitrary>], iteration_bounds = array<i64: 10>, scalar_prefetch = 0 : i64, scratch_operands = 0 : i64, tpu.core_type = #tpu.core_type<tc>, window_params = [{transform_indices = @transform_0, window_bounds = array<i64: 1000, 2>}, {transform_indices = @transform_1, window_bounds = array<i64: 1000, 128>}, {pipeline_mode = #tpu.pipeline_mode<synchronous>, transform_indices = @transform_2, window_bounds = array<i64: 128, 128>}, {transform_indices = @transform_3, window_bounds = array<i64: 1000, 128>}]} {
    %get3A = arith.constant 0 : index
    %get3A_0 = arith.constant 0 : index
    %get3A_1 = vector.load %arg1[%get3A, %get3A_0] : memref<1000x2xf32, #tpu.memory_space<vmem>>, vector<1000x2xf32>
    %reduce_sum3A = arith.constant dense<0.000000e+00> : vector<1000xf32>
    %reduce_sum3A_2 = vector.multi_reduction <add>, %get3A_1, %reduce_sum3A [1] : vector<1000x2xf32> to vector<1000xf32>
    %broadcast_in_dim3A = vector.shape_cast %reduce_sum3A_2 : vector<1000xf32> to vector<1000x1xf32>
    %add3A = arith.constant 1.000000e+00 : f32
    %add3A_3 = vector.broadcast %add3A : f32 to vector<1000x1xf32>
    %add3A_4 = arith.addf %broadcast_in_dim3A, %add3A_3 : vector<1000x1xf32>
    %rsqrt3A = math.rsqrt %add3A_4 : vector<1000x1xf32>
    %get3A_5 = arith.constant 0 : index
    %get3A_6 = arith.constant 0 : index
    %get3A_7 = vector.load %arg2[%get3A_5, %get3A_6] : memref<1000x128xf32, #tpu.memory_space<vmem>>, vector<1000x128xf32>
    %get3A_8 = arith.constant 0 : index
    %get3A_9 = arith.constant 0 : index
    %get3A_10 = vector.load %arg3[%get3A_8, %get3A_9] : memref<128x128xf32, #tpu.memory_space<vmem>>, vector<128x128xf32>
    %dot_general3A = arith.constant dense<0.000000e+00> : vector<1000x128xf32>
    %dot_general3A_11 = tpu.matmul %get3A_7, %get3A_10, %dot_general3A {dimension_numbers = #tpu.dot_dimension_numbers<[1], [0], [0], [1], [0, 0, 1, 1], [], []>, transpose_lhs_hint = false} : vector<1000x128xf32>, vector<128x128xf32>, vector<1000x128xf32> -> vector<1000x128xf32>
    %mul3A = vector.broadcast %rsqrt3A : vector<1000x1xf32> to vector<1000x128xf32>
    %mul3A_12 = arith.mulf %dot_general3A_11, %mul3A : vector<1000x128xf32>
    %swap3A = arith.constant 0 : index
    %swap3A_13 = arith.constant 0 : index
    %swap3A_14 = vector.load %arg4[%swap3A, %swap3A_13] : memref<1000x128xf32, #tpu.memory_space<vmem>>, vector<1000x128xf32>
    tpu.vector_store %arg4[%swap3A, %swap3A_13], %mul3A_12 {strides = array<i32>} : memref<1000x128xf32, #tpu.memory_space<vmem>>, vector<1000x128xf32>,
    return
  }
  func.func @transform_0(%arg0: i32) -> (i32, i32) {
    %c0_i32 = arith.constant 0 : i32
    %c0_i32_0 = arith.constant 0 : i32
    return %arg0, %c0_i32 : i32, i32
  }
  func.func @transform_1(%arg0: i32) -> (i32, i32) {
    %c0_i32 = arith.constant 0 : i32
    %c0_i32_0 = arith.constant 0 : i32
    return %arg0, %c0_i32 : i32, i32
  }
  func.func @transform_2(%arg0: i32) -> (i32, i32) {
    %c0_i32 = arith.constant 0 : i32
    %c0_i32_0 = arith.constant 0 : i32
    %c0_i32_1 = arith.constant 0 : i32
    return %c0_i32, %c0_i32_0 : i32, i32
  }
  func.func @transform_3(%arg0: i32) -> (i32, i32) {
    %c0_i32 = arith.constant 0 : i32
    %c0_i32_0 = arith.constant 0 : i32
    return %arg0, %c0_i32 : i32, i32
  }
}

module attributes {stable_mosaic.version = 14 : i64} {
  func.func @_tc_mid_body(%arg0: i32, %arg1: memref<2x1000x128xf32, #tpu.memory_space<vmem>>, %arg2: memref<1000x128xf32, #tpu.memory_space<vmem>>, %arg3: memref<1000x2xf32, #tpu.memory_space<vmem>>, %arg4: memref<128x128xf32, #tpu.memory_space<vmem>>, %arg5: memref<1x128xf32, #tpu.memory_space<vmem>>, %arg6: memref<1000x128xf32, #tpu.memory_space<vmem>>) attributes {dimension_semantics = [#tpu.dimension_semantics<arbitrary>], iteration_bounds = array<i64: 10>, scalar_prefetch = 0 : i64, scratch_operands = 0 : i64, tpu.core_type = #tpu.core_type<tc>, window_params = [{transform_indices = @transform_0, window_bounds = array<i64: 2, 1000, 128>}, {transform_indices = @transform_1, window_bounds = array<i64: 1000, 128>}, {transform_indices = @transform_2, window_bounds = array<i64: 1000, 2>}, {pipeline_mode = #tpu.pipeline_mode<synchronous>, transform_indices = @transform_3, window_bounds = array<i64: 128, 128>}, {pipeline_mode = #tpu.pipeline_mode<synchronous>, transform_indices = @transform_4, window_bounds = array<i64: 1, 128>}, {transform_indices = @transform_5, window_bounds = array<i64: 1000, 128>}]} {
    %get3A = arith.constant 0 : index
    %get3A_0 = arith.constant 0 : index
    %get3A_1 = vector.load %arg3[%get3A, %get3A_0] : memref<1000x2xf32, #tpu.memory_space<vmem>>, vector<1000x2xf32>
    %reduce_sum3A = arith.constant dense<0.000000e+00> : vector<1000xf32>
    %reduce_sum3A_2 = vector.multi_reduction <add>, %get3A_1, %reduce_sum3A [1] : vector<1000x2xf32> to vector<1000xf32>
    %broadcast_in_dim3A = vector.shape_cast %reduce_sum3A_2 : vector<1000xf32> to vector<1000x1xf32>
    %add3A = arith.constant 1.000000e+00 : f32
    %add3A_3 = vector.broadcast %add3A : f32 to vector<1000x1xf32>
    %add3A_4 = arith.addf %broadcast_in_dim3A, %add3A_3 : vector<1000x1xf32>
    %rsqrt3A = math.rsqrt %add3A_4 : vector<1000x1xf32>
    %get3A_5 = arith.constant 0 : index
    %get3A_6 = arith.constant 0 : index
    %get3A_7 = arith.constant 0 : index
    %get3A_8 = vector.load %arg1[%get3A_5, %get3A_6, %get3A_7] : memref<2x1000x128xf32, #tpu.memory_space<vmem>>, vector<1x1000x128xf32>
    %get3A_9 = vector.shape_cast %get3A_8 : vector<1x1000x128xf32> to vector<1000x128xf32>
    %get3A_10 = arith.constant 1 : index
    %get3A_11 = arith.constant 0 : index
    %get3A_12 = arith.constant 0 : index
    %get3A_13 = vector.load %arg1[%get3A_10, %get3A_11, %get3A_12] : memref<2x1000x128xf32, #tpu.memory_space<vmem>>, vector<1x1000x128xf32>
    %get3A_14 = vector.shape_cast %get3A_13 : vector<1x1000x128xf32> to vector<1000x128xf32>
    %add3A_15 = arith.addf %get3A_9, %get3A_14 : vector<1000x128xf32>
    %get3A_16 = arith.constant 0 : index
    %get3A_17 = arith.constant 0 : index
    %get3A_18 = vector.load %arg2[%get3A_16, %get3A_17] : memref<1000x128xf32, #tpu.memory_space<vmem>>, vector<1000x128xf32>
    %add3A_19 = arith.addf %add3A_15, %get3A_18 : vector<1000x128xf32>
    %mul3A = vector.broadcast %rsqrt3A : vector<1000x1xf32> to vector<1000x128xf32>
    %mul3A_20 = arith.mulf %add3A_19, %mul3A : vector<1000x128xf32>
    %get3A_21 = arith.constant 0 : index
    %get3A_22 = arith.constant 0 : index
    %get3A_23 = vector.load %arg5[%get3A_21, %get3A_22] : memref<1x128xf32, #tpu.memory_space<vmem>>, vector<1x128xf32>
    %add3A_24 = vector.broadcast %get3A_23 : vector<1x128xf32> to vector<1000x128xf32>
    %add3A_25 = arith.addf %mul3A_20, %add3A_24 : vector<1000x128xf32>
    %max3A = arith.constant 0.000000e+00 : f32
    %max3A_26 = vector.broadcast %max3A : f32 to vector<1000x128xf32>
    %max3A_27 = arith.maximumf %add3A_25, %max3A_26 : vector<1000x128xf32>
    %get3A_28 = arith.constant 0 : index
    %get3A_29 = arith.constant 0 : index
    %get3A_30 = vector.load %arg4[%get3A_28, %get3A_29] : memref<128x128xf32, #tpu.memory_space<vmem>>, vector<128x128xf32>
    %dot_general3A = arith.constant dense<0.000000e+00> : vector<1000x128xf32>
    %dot_general3A_31 = tpu.matmul %max3A_27, %get3A_30, %dot_general3A {dimension_numbers = #tpu.dot_dimension_numbers<[1], [0], [0], [1], [0, 0, 1, 1], [], []>, transpose_lhs_hint = false} : vector<1000x128xf32>, vector<128x128xf32>, vector<1000x128xf32> -> vector<1000x128xf32>
    %mul3A_32 = vector.broadcast %rsqrt3A : vector<1000x1xf32> to vector<1000x128xf32>
    %mul3A_33 = arith.mulf %dot_general3A_31, %mul3A_32 : vector<1000x128xf32>
    %swap3A = arith.constant 0 : index
    %swap3A_34 = arith.constant 0 : index
    %swap3A_35 = vector.load %arg6[%swap3A, %swap3A_34] : memref<1000x128xf32, #tpu.memory_space<vmem>>, vector<1000x128xf32>
    tpu.vector_store %arg6[%swap3A, %swap3A_34], %mul3A_33 {strides = array<i32>} : memref<1000x128xf32, #tpu.memory_space<vmem>>, vector<1000x128xf32>,
    return
  }
  func.func @transform_0(%arg0: i32) -> (i32, i32, i32) {
    %c0_i32 = arith.constant 0 : i32
    %c0_i32_0 = arith.constant 0 : i32
    %c0_i32_1 = arith.constant 0 : i32
    return %c0_i32, %arg0, %c0_i32_0 : i32, i32, i32
  }
  func.func @transform_1(%arg0: i32) -> (i32, i32) {
    %c0_i32 = arith.constant 0 : i32
    %c0_i32_0 = arith.constant 0 : i32
    return %arg0, %c0_i32 : i32, i32
  }
  func.func @transform_2(%arg0: i32) -> (i32, i32) {
    %c0_i32 = arith.constant 0 : i32
    %c0_i32_0 = arith.constant 0 : i32
    return %arg0, %c0_i32 : i32, i32
  }
  func.func @transform_3(%arg0: i32) -> (i32, i32) {
    %c0_i32 = arith.constant 0 : i32
    %c0_i32_0 = arith.constant 0 : i32
    %c0_i32_1 = arith.constant 0 : i32
    return %c0_i32, %c0_i32_0 : i32, i32
  }
  func.func @transform_4(%arg0: i32) -> (i32, i32) {
    %c0_i32 = arith.constant 0 : i32
    %c0_i32_0 = arith.constant 0 : i32
    %c0_i32_1 = arith.constant 0 : i32
    return %c0_i32, %c0_i32_0 : i32, i32
  }
  func.func @transform_5(%arg0: i32) -> (i32, i32) {
    %c0_i32 = arith.constant 0 : i32
    %c0_i32_0 = arith.constant 0 : i32
    return %arg0, %c0_i32 : i32, i32
  }
}

module attributes {stable_mosaic.version = 14 : i64} {
  func.func @_tc_final_body(%arg0: i32, %arg1: memref<2x1000x128xf32, #tpu.memory_space<vmem>>, %arg2: memref<1000x128xf32, #tpu.memory_space<vmem>>, %arg3: memref<1000x2xf32, #tpu.memory_space<vmem>>, %arg4: memref<1x128xf32, #tpu.memory_space<vmem>>, %arg5: memref<128x2xf32, #tpu.memory_space<vmem>>, %arg6: memref<1x2xf32, #tpu.memory_space<vmem>>, %arg7: memref<1000x2xf32, #tpu.memory_space<vmem>>) attributes {dimension_semantics = [#tpu.dimension_semantics<arbitrary>], iteration_bounds = array<i64: 10>, scalar_prefetch = 0 : i64, scratch_operands = 0 : i64, tpu.core_type = #tpu.core_type<tc>, window_params = [{transform_indices = @transform_0, window_bounds = array<i64: 2, 1000, 128>}, {transform_indices = @transform_1, window_bounds = array<i64: 1000, 128>}, {transform_indices = @transform_2, window_bounds = array<i64: 1000, 2>}, {pipeline_mode = #tpu.pipeline_mode<synchronous>, transform_indices = @transform_3, window_bounds = array<i64: 1, 128>}, {pipeline_mode = #tpu.pipeline_mode<synchronous>, transform_indices = @transform_4, window_bounds = array<i64: 128, 2>}, {pipeline_mode = #tpu.pipeline_mode<synchronous>, transform_indices = @transform_5, window_bounds = array<i64: 1, 2>}, {transform_indices = @transform_6, window_bounds = array<i64: 1000, 2>}]} {
    %get3A = arith.constant 0 : index
    %get3A_0 = arith.constant 0 : index
    %get3A_1 = vector.load %arg3[%get3A, %get3A_0] : memref<1000x2xf32, #tpu.memory_space<vmem>>, vector<1000x2xf32>
    %reduce_sum3A = arith.constant dense<0.000000e+00> : vector<1000xf32>
    %reduce_sum3A_2 = vector.multi_reduction <add>, %get3A_1, %reduce_sum3A [1] : vector<1000x2xf32> to vector<1000xf32>
    %broadcast_in_dim3A = vector.shape_cast %reduce_sum3A_2 : vector<1000xf32> to vector<1000x1xf32>
    %add3A = arith.constant 1.000000e+00 : f32
    %add3A_3 = vector.broadcast %add3A : f32 to vector<1000x1xf32>
    %add3A_4 = arith.addf %broadcast_in_dim3A, %add3A_3 : vector<1000x1xf32>
    %rsqrt3A = math.rsqrt %add3A_4 : vector<1000x1xf32>
    %get3A_5 = arith.constant 0 : index
    %get3A_6 = arith.constant 0 : index
    %get3A_7 = arith.constant 0 : index
    %get3A_8 = vector.load %arg1[%get3A_5, %get3A_6, %get3A_7] : memref<2x1000x128xf32, #tpu.memory_space<vmem>>, vector<1x1000x128xf32>
    %get3A_9 = vector.shape_cast %get3A_8 : vector<1x1000x128xf32> to vector<1000x128xf32>
    %get3A_10 = arith.constant 1 : index
    %get3A_11 = arith.constant 0 : index
    %get3A_12 = arith.constant 0 : index
    %get3A_13 = vector.load %arg1[%get3A_10, %get3A_11, %get3A_12] : memref<2x1000x128xf32, #tpu.memory_space<vmem>>, vector<1x1000x128xf32>
    %get3A_14 = vector.shape_cast %get3A_13 : vector<1x1000x128xf32> to vector<1000x128xf32>
    %add3A_15 = arith.addf %get3A_9, %get3A_14 : vector<1000x128xf32>
    %get3A_16 = arith.constant 0 : index
    %get3A_17 = arith.constant 0 : index
    %get3A_18 = vector.load %arg2[%get3A_16, %get3A_17] : memref<1000x128xf32, #tpu.memory_space<vmem>>, vector<1000x128xf32>
    %add3A_19 = arith.addf %add3A_15, %get3A_18 : vector<1000x128xf32>
    %mul3A = vector.broadcast %rsqrt3A : vector<1000x1xf32> to vector<1000x128xf32>
    %mul3A_20 = arith.mulf %add3A_19, %mul3A : vector<1000x128xf32>
    %get3A_21 = arith.constant 0 : index
    %get3A_22 = arith.constant 0 : index
    %get3A_23 = vector.load %arg4[%get3A_21, %get3A_22] : memref<1x128xf32, #tpu.memory_space<vmem>>, vector<1x128xf32>
    %add3A_24 = vector.broadcast %get3A_23 : vector<1x128xf32> to vector<1000x128xf32>
    %add3A_25 = arith.addf %mul3A_20, %add3A_24 : vector<1000x128xf32>
    %max3A = arith.constant 0.000000e+00 : f32
    %max3A_26 = vector.broadcast %max3A : f32 to vector<1000x128xf32>
    %max3A_27 = arith.maximumf %add3A_25, %max3A_26 : vector<1000x128xf32>
    %get3A_28 = arith.constant 0 : index
    %get3A_29 = arith.constant 0 : index
    %get3A_30 = vector.load %arg5[%get3A_28, %get3A_29] : memref<128x2xf32, #tpu.memory_space<vmem>>, vector<128x2xf32>
    %dot_general3A = arith.constant dense<0.000000e+00> : vector<1000x2xf32>
    %dot_general3A_31 = tpu.matmul %max3A_27, %get3A_30, %dot_general3A {dimension_numbers = #tpu.dot_dimension_numbers<[1], [0], [0], [1], [0, 0, 1, 1], [], []>, transpose_lhs_hint = false} : vector<1000x128xf32>, vector<128x2xf32>, vector<1000x2xf32> -> vector<1000x2xf32>
    %get3A_32 = arith.constant 0 : index
    %get3A_33 = arith.constant 0 : index
    %get3A_34 = vector.load %arg6[%get3A_32, %get3A_33] : memref<1x2xf32, #tpu.memory_space<vmem>>, vector<1x2xf32>
    %add3A_35 = vector.broadcast %get3A_34 : vector<1x2xf32> to vector<1000x2xf32>
    %add3A_36 = arith.addf %dot_general3A_31, %add3A_35 : vector<1000x2xf32>
    %swap3A = arith.constant 0 : index
    %swap3A_37 = arith.constant 0 : index
    %swap3A_38 = vector.load %arg7[%swap3A, %swap3A_37] : memref<1000x2xf32, #tpu.memory_space<vmem>>, vector<1000x2xf32>
    tpu.vector_store %arg7[%swap3A, %swap3A_37], %add3A_36 {strides = array<i32>} : memref<1000x2xf32, #tpu.memory_space<vmem>>, vector<1000x2xf32>,
    return
  }
  func.func @transform_0(%arg0: i32) -> (i32, i32, i32) {
    %c0_i32 = arith.constant 0 : i32
    %c0_i32_0 = arith.constant 0 : i32
    %c0_i32_1 = arith.constant 0 : i32
    return %c0_i32, %arg0, %c0_i32_0 : i32, i32, i32
  }
  func.func @transform_1(%arg0: i32) -> (i32, i32) {
    %c0_i32 = arith.constant 0 : i32
    %c0_i32_0 = arith.constant 0 : i32
    return %arg0, %c0_i32 : i32, i32
  }
  func.func @transform_2(%arg0: i32) -> (i32, i32) {
    %c0_i32 = arith.constant 0 : i32
    %c0_i32_0 = arith.constant 0 : i32
    return %arg0, %c0_i32 : i32, i32
  }
  func.func @transform_3(%arg0: i32) -> (i32, i32) {
    %c0_i32 = arith.constant 0 : i32
    %c0_i32_0 = arith.constant 0 : i32
    %c0_i32_1 = arith.constant 0 : i32
    return %c0_i32, %c0_i32_0 : i32, i32
  }
  func.func @transform_4(%arg0: i32) -> (i32, i32) {
    %c0_i32 = arith.constant 0 : i32
    %c0_i32_0 = arith.constant 0 : i32
    %c0_i32_1 = arith.constant 0 : i32
    return %c0_i32, %c0_i32_0 : i32, i32
  }
  func.func @transform_5(%arg0: i32) -> (i32, i32) {
    %c0_i32 = arith.constant 0 : i32
    %c0_i32_0 = arith.constant 0 : i32
    %c0_i32_1 = arith.constant 0 : i32
    return %c0_i32, %c0_i32_0 : i32, i32
  }
  func.func @transform_6(%arg0: i32) -> (i32, i32) {
    %c0_i32 = arith.constant 0 : i32
    %c0_i32_0 = arith.constant 0 : i32
    return %arg0, %c0_i32 : i32, i32
  }
}

</mosaic_0001>

<sc_bundles>
// kernel: kernel.11.cloned.1.call-start
scs
__scs_entry_jumppad:
0x0: {  	(pc) =	sbr.rel $0x88, $3  }
0x1: {  	(tag) =	ssettag $0x0;
	lr =	simm.s32 $0x1  }
0x2: {  	[smem:$0x3F99] =	sst lr;
	_ =	strace $0xD0000000  }
0x3: {  	_ = 	snop  }
0x4: {  	_ = 	snop  }
0x5: {  	_ = 	snop  }
0x6: {  	_ = 	snop  }
0x7: {  	_ = 	snop  }
__scs_overlays_trampoline_lowered:
0x8: {  	[smem:$0x3FA8] =	sst s0  }
0x9: {  	[smem:$0x3FA9] =	sst s1  }
0xa: {  	[smem:$0x3FAA] =	sst s2  }
0xb: {  	[smem:$0x3FAB] =	sst s3  }
0xc: {  	[smem:$0x3FAC] =	sst s4  }
0xd: {  	[smem:$0x3FAD] =	sst s5  }
0xe: {  	[smem:$0x3FAE] =	sst s6  }
0xf: {  	[smem:$0x3FAF] =	sst s7  }
0x10: {  	[smem:$0x3FB0] =	sst s8  }
0x11: {  	[smem:$0x3FB1] =	sst s9;
	s0 =	simm.s32 @!p0 $0x0  }
0x12: {  	s1 =	sld [smem:$0x3F97];
	s0 =	simm.s32 @p0 $0x1  }
0x13: {  	[smem:$0x3FB2] =	sst s0;
	s0 =	simm.s32 @!p1 $0x0  }
0x14: {  	s2 =	sld [smem:$0x3F96];
	s0 =	simm.s32 @p1 $0x1  }
0x15: {  	[smem:$0x3FB3] =	sst s0;
	s0 =	simm.s32 @!p2 $0x0  }
0x16: {  	s3 =	sld [smem:$0x3FDB];
	s0 =	simm.s32 @p2 $0x1  }
0x17: {  	s4 =	simm.s32 $0x1BF5;
	[smem:$0x3FB5] =	sst s0  }
0x18: {  	s0 =	sld [smem:$0x3F98];
	_ =	swait.ge [sflag:s4], $0x0  }
0x19: {  	s7 =	sld [smem:$0x3F99]  }
0x1a: {  	s8 =	sadd.s32 $0xFFFFE003, lr  }
0x1b: {  	s9 =	sadd.s32 $0xFFFFFEF7, lr;
	s5 =	simm.s32 $0xFFFFFFFF;
	p2 =	slt.u32 s8, $0xFFFFF086  }
0x1c: {  	p1 =	slt.u32 s9, $0xF7A;
	s5 =	simm.s32 @!p2 $0x0  }
0x1d: {  	s5 =	simm.s32 @p1 $0x1;
	p0 =	seq.s32 s7, s2  }
0x1e: {  	s7 =	smul.u32 @!p0 $0xF7A, s2;
	p2 =	seq.s32 @!p0 s5, $0x0  }
0x1f: {  	s9 =	smul.u32 $0xF7A, s1;
	s8 =	simm.s32 @!p0 $0x1BF5;
	p2 =	por !p2, p0  }
0x20: {  	[sflag:s8] =	ssyncset.s32 @!p0 $0xFFFFF086;
	s6 =	sadd.s32 @!p0 s3, s7;
	s7 =	simm.s32 @!p0 $0x108  }
0x21: {  	s3 =	sadd.s32 s3, s9;
	s6 =	sadd.s32 @!p0 $0x88, s6;
	s7 =	simm.s32 @p2 $0x1082  }
0x22: {  	[simem:s7], [sflag:s8] =	dma.local @!p0 [hbm:s6], $0xF7A  }
0x23: {  	s9 =	sor.u32 $0xD0000000, s2;
	s6 =	simm.s32 $0x108;
	_ =	swait.ge @!p0 [sflag:s8], $0x0  }
0x24: {  	s3 =	sadd.s32 $0x88, s3;
	s6 =	simm.s32 @!p1 $0x1082;
	[sflag:s4] =	ssyncset.s32 $0xFFFFF086  }
0x25: {  	[simem:s6], [sflag:s4] =	dma.local [hbm:s3], $0xF7A  }
0x26: {  	[smem:$0x3F99] =	sst s1;
	(tag) =	ssettag s2;
	_ =	strace s9  }
0x27: {  	s1 =	sld [smem:$0x3FA9]  }
0x28: {  	s2 =	sld [smem:$0x3FAA]  }
0x29: {  	s4 =	sld [smem:$0x3FAC]  }
0x2a: {  	p0 =	seq.s32 s5, $0x0;
	s5 =	sld [smem:$0x3FAD]  }
0x2b: {  	s6 =	sld [smem:$0x3FAE]  }
0x2c: {  	s7 =	sld [smem:$0x3FAF]  }
0x2d: {  	s3 =	simm.s32 $0x108;
	s8 =	sld [smem:$0x3FB0]  }
0x2e: {  	s3 =	simm.s32 @!p0 $0x1082;
	s9 =	sld [smem:$0x3FB1]  }
0x2f: {  	lr =	sadd.s32 s0, s3;
	s0 =	sld [smem:$0x3FA8]  }
0x30: {  	s3 =	sld [smem:$0x3FAB]  }
0x31: {  	[smem:$0x3FB4] =	sst s10  }
0x32: {  	s10 =	sld [smem:$0x3FB2];
	_ =	sdelay $0x3  }
0x33: {  	p0 =	seq.s32 s10, $0x1;
	s10 =	sld [smem:$0x3FB4];
	_ =	sdelay $0x3  }
0x34: {  	[smem:$0x3FB4] =	sst s10  }
0x35: {  	s10 =	sld [smem:$0x3FB3];
	_ =	sdelay $0x3  }
0x36: {  	p1 =	seq.s32 s10, $0x1;
	s10 =	sld [smem:$0x3FB4];
	_ =	sdelay $0x3  }
0x37: {  	[smem:$0x3FB4] =	sst s10  }
0x38: {  	s10 =	sld [smem:$0x3FB5]  }
0x39: {  	_ = 	snop;
	(pc) =	sbr.ind lr, $3  }
0x3a: {  	_ = 	snop  }
0x3b: {  	_ = 	snop  }
0x3c: {  	p2 =	seq.s32 s10, $0x1;
	s10 =	sld [smem:$0x3FB4]  }
0x3d: {  	_ =	shalt  }
0x3e: {  	_ =	shalt  }
0x3f: {  	_ =	shalt  }
0x40: {  	_ =	shalt  }
0x41: {  	_ =	shalt  }
0x42: {  	_ =	shalt  }
0x43: {  	_ =	shalt  }
0x44: {  	_ =	shalt  }
0x45: {  	_ =	shalt  }
0x46: {  	_ =	shalt  }
0x47: {  	_ =	shalt  }
0x48: {  	_ =	shalt  }
0x49: {  	_ =	shalt  }
0x4a: {  	_ =	shalt  }
0x4b: {  	_ =	shalt  }
0x4c: {  	_ =	shalt  }
0x4d: {  	_ =	shalt  }
0x4e: {  	_ =	shalt  }
0x4f: {  	_ =	shalt  }
0x50: {  	_ =	shalt  }
0x51: {  	_ =	shalt  }
0x52: {  	_ =	shalt  }
0x53: {  	_ =	shalt  }
0x54: {  	_ =	shalt  }
0x55: {  	_ =	shalt  }
0x56: {  	_ =	shalt  }
0x57: {  	_ =	shalt  }
0x58: {  	_ =	shalt  }
0x59: {  	_ =	shalt  }
0x5a: {  	_ =	shalt  }
0x5b: {  	_ =	shalt  }
0x5c: {  	_ =	shalt  }
0x5d: {  	_ =	shalt  }
0x5e: {  	_ =	shalt  }
0x5f: {  	_ =	shalt  }
0x60: {  	_ =	shalt  }
0x61: {  	_ =	shalt  }
0x62: {  	_ =	shalt  }
0x63: {  	_ =	shalt  }
0x64: {  	_ =	shalt  }
0x65: {  	_ =	shalt  }
0x66: {  	_ =	shalt  }
0x67: {  	_ =	shalt  }
0x68: {  	_ =	shalt  }
0x69: {  	_ =	shalt  }
0x6a: {  	_ =	shalt  }
0x6b: {  	_ =	shalt  }
0x6c: {  	_ =	shalt  }
0x6d: {  	_ =	shalt  }
0x6e: {  	_ =	shalt  }
0x6f: {  	_ =	shalt  }
0x70: {  	_ =	shalt  }
0x71: {  	_ =	shalt  }
0x72: {  	_ =	shalt  }
0x73: {  	_ =	shalt  }
0x74: {  	_ =	shalt  }
0x75: {  	_ =	shalt  }
0x76: {  	_ =	shalt  }
0x77: {  	_ =	shalt  }
0x78: {  	_ =	shalt  }
0x79: {  	_ =	shalt  }
0x7a: {  	_ =	shalt  }
0x7b: {  	_ =	shalt  }
0x7c: {  	_ =	shalt  }
0x7d: {  	_ =	shalt  }
0x7e: {  	_ =	shalt  }
0x7f: {  	_ =	shalt  }
0x80: {  	_ =	shalt  }
0x81: {  	_ =	shalt  }
0x82: {  	_ =	shalt  }
0x83: {  	_ =	shalt  }
0x84: {  	_ =	shalt  }
0x85: {  	_ =	shalt  }
0x86: {  	_ =	shalt  }
0x87: {  	_ =	shalt  }
.Lfunc_end0:
.L_simem_size_0:
called_computation.1_lowered:
.L_overlay_start_0:
0x88: {  	s2 =	sld [smem:$0x3FD9]  }
0x89: {  	s3 =	sld [smem:$0x3FFE];
	_ =	sdelay $0x1  }
0x8a: {  	s1 =	srdreg.scid  }
0x8b: {  	s0 =	sand.u32 $0x1, s1  }
0x8c: {  	s16 =	sshll.u32 s0, $0xA;
	s2 =	sadd.s32 s3, s2  }
0x8d: {  	s2 =	sadd.s32 s2, s16  }
0x8e: {  	[smem:$0x3FC0] =	sst s2  }
0x8f: {  	_ = 	snop  }
0x90: {  	(tm) =	ssettm $0x1  }
0x91: {  	s17 =	sld [smem:$0x3FFB];
	_ =	sdelay $0x3  }
0x92: {  	_ =	strace s17  }
0x93: {  	s2 =	sld [smem:$0x3FFC];
	_ =	sdelay $0x3  }
0x94: {  	_ =	strace s2  }
0x95: {  	s2 =	sld [smem:$0x3FFD];
	_ =	sdelay $0x3  }
0x96: {  	_ =	strace s2  }
0x97: {  	_ =	strace $0x8FFFFFFF  }
0x98: {  	s18 =	sld [smem:$0x3FDB];
	_ =	sdelay $0x1  }
0x99: {  	s19 =	simm.s32 $_scs_section_size  }
0x9a: {  	s4 =	simm.s32 $_size__tile_overlayer_lowered;
	s5 =	simm.s32 $_tile_overlayer_lowered  }
0x9b: {  	s22 =	simm.s32 $0x1BFF;
	s21 =	sshll.u32 s5, $0x1;
	s2 =	sadd.s32 s19, s18  }
0x9c: {  	s6 =	simm.s32 $0x0;
	s20 =	sshll.u32 s4, $0x1;
	s4 =	sadd.s32 s21, s2  }
0x9d: {  	[timem:s6], [sflag:s22] =	dma.local [hbm:s4], s20  }
0x9e: {  	_ =	swait.ge [sflag:s22], s20  }
0x9f: {  	s3 =	ssub.s32 $0x0, s20;
	[sflag:s22] =	ssyncset.done $0x0  }
0xa0: {  	[sflag:s22] =	ssyncadd.s32 s3;
	_ =	sdelay $0x1  }
0xa1: {  	s23 =	simm.s32 $0x1B8B  }
0xa2: {  	_ =	swait.ge [sflag:s23], $0x1  }
0xa3: {  	[sflag:s23] =	ssyncset.done $0x0  }
0xa4: {  	s25 =	simm.s32 $0x1B8E;
	s24 =	sld [smem:$0x3FFE];
	[sflag:s23] =	ssyncadd.s32 $0xFFFFFFFF  }
0xa5: {  	s26 =	simm.s32 $execute0_lowered;
	[smem:$0x3FD2] =	sst s25  }
0xa6: {  	s4 =	sshll.u32 s26, $0x1;
	_ =	strace $0x80000049;
	[dreg:$0x1] =	wrdreg $0xFFFFFFFF  }
0xa7: {  	s28 =	simm.s32 $_size_execute0_lowered;
	s2 =	sadd.s32 s2, s4;
	[dreg:$0x0] =	wrdreg $0x0  }
0xa8: {  	s4 =	sshll.u32 s28, $0x1;
	[dreg:$0x2] =	wrdreg s2  }
0xa9: {  	[dreg:$0x3] =	wrdreg s4  }
0xaa: {  	[dreg:$0x4] =	wrdreg $0xC0  }
0xab: {  	_ =	task [dreg:s6], $0x5FFFF  }
0xac: {  	[dreg:$0x1] =	wrdreg $0xFFFFFFFF  }
0xad: {  	[dreg:$0x0] =	wrdreg $0x60  }
0xae: {  	[dreg:$0x2] =	wrdreg s24  }
0xaf: {  	[dreg:$0x3] =	wrdreg $0xC0000  }
0xb0: {  	[dreg:$0x4] =	wrdreg $0x9  }
0xb1: {  	_ =	task.clear_ibuf [dreg:s6], $0x5FFFF;
	_ =	strace $0x90000049  }
0xb2: {  	s29 =	simm.s32 $0x9;
	_ =	strace $0x8000004B  }
0xb3: {  	_ =	swait.ge [sflag:s29], $0x1  }
0xb4: {  	[sflag:s29] =	ssyncadd.s32 $0xFFFFFFFF  }
0xb5: {  	_ =	strace $0x9000004B  }
0xb6: {  	_ =	sfence  }
0xb7: {  	s30 =	sld [smem:$0x0];
	_ =	sdelay $0x2  }
0xb8: {  	s31 =	sshll.u32 s1, $0xD;
	s1 =	sshrl.u32 s1, $0x2  }
0xb9: {  	s3 =	sand.u32 $0x4000, s31;
	s1 =	sadd.s32 s1, s30  }
0xba: {  	s0 =	sor.u32 s3, s0;
	s1 =	sshll.u32 s1, $0x11  }
0xbb: {  	s0 =	sor.u32 s1, s0  }
0xbc: {  	s0 =	sadd.s32 $0x8F2B, s0  }
0xbd: {  	[sflag:s0] =	ssyncadd.remote.s32 $0x1  }
0xbe: {  	_ =	sfence.sel $0xFFFF  }
0xbf: {  	[dreg:$0x0] =	wrdreg $0xFFFFFFFF;
	(pc) =	sbr.abs _section_cstart, $3  }
0xc0: {  	[dreg:$0x1] =	wrdreg $0xFFFFFFFF  }
0xc1: {  	_ =	task.clear_ibuf [dreg:s6], $0x2FFFF;
	_ =	strace $0x9FFFFFFF  }
0xc2: {  	(tm) =	ssettm $0x7FFFFFFF  }
0xc3: {  	_ =	shalt  }
tec
execute0_lowered:
.L_overlay_start_1:
0x0: {  	(tag) =	ssettag $0x1  }
0x1: {  	s0 =	rddreg [dreg:$0x0]  }
0x2: {  	s1 =	rddreg [dreg:$0x1];
	s2 =	simm.s32 $0x0;
	s3 =	srdreg.scid  }
0x3: {  	s9 =	stileid.u32;
	s28 =	simm.s32 $0x2;
	s31 =	simm.s32 $0x3  }
0x4: {  	[smem:$0x7FF] =	sst s2;
	s3 =	sand.u32 $0x1, s3;
	s7 =	smul.u32 $0x50000, s9  }
0x5: {  	s4 =	sadd.s32 $0x1AA00, s0;
	s6 =	sadd.s32 $0x2A00, s0;
	s29 =	smul.u32 $0x2800, s9  }
0x6: {  	_ =	strace $0x8000004A;
	s5 =	smul.u32 $0x28000, s3;
	s16 =	ssub.s32 $0x2, s3  }
0x7: {  	s3 =	sshll.u32 s3, $0x4;
	s8 =	sshrl.u32 s16, $0x1;
	s7 =	sshrl.u32 s7, $0x2  }
0x8: {  	s3 =	sor.u32 s9, s3;
	s0 =	sadd.s32 s5, s0;
	s17 =	sadd.s32 s7, s1  }
0x9: {  	s8 =	ssub.s32 s16, s8;
	s10 =	sadd.s32 $0x3800, s17;
	[dreg:$0xe] =	wrdreg s17  }
0xa: {  	s18 =	smul.u32 $0x6000, s3;
	s19 =	sadd.s32 $0x7000, s17;
	[dreg:$0x3] =	wrdreg s10  }
0xb: {  	s3 =	smul.u32 $0xC00, s3;
	s20 =	sadd.s32 $0xA800, s17;
	[dreg:$0x4] =	wrdreg s19  }
0xc: {  	s16 =	simm.s32 $0x1800;
	s21 =	sadd.s32 $0xE000, s17;
	[dreg:$0x5] =	wrdreg s20  }
0xd: {  	s22 =	sadd.s32 $0x11800, s17;
	s0 =	sadd.s32 $0x41C00, s0;
	[dreg:$0x6] =	wrdreg s21  }
0xe: {  	s30 =	smax.u32 s8, $0x1;
	s17 =	simm.s32 $0x4;
	[dreg:$0x7] =	wrdreg s22  }
0xf: {  	s7 =	sshrl.u32 s18, $0x3;
	s23 =	sadd.s32 s6, s3;
	[dreg:$0xc] =	wrdreg s30  }
0x10: {  	s18 =	simm.s32 $0x70;
	s0 =	sadd.s32 s29, s0;
	[dreg:$0x8] =	wrdreg s23  }
0x11: {  	s24 =	sadd.s32 s6, s7;
	s25 =	sadd.s32 $0x300, s23;
	[dreg:$0xd] =	wrdreg s0  }
0x12: {  	s20 =	simm.s32 $0x5000;
	[dreg:$0x9] =	wrdreg s25;
	s26 =	sadd.s32 $0x600, s24  }
0x13: {  	s22 =	simm.s32 $0x8800;
	s3 =	sadd.s32 $0x900, s24;
	[dreg:$0xa] =	wrdreg s26  }
0x14: {  	v0 =	vimm.f32 $0.0e+00;
	s23 =	simm.s32 $0x1;
	s7 =	simm.s32 $0x0;
	[dreg:$0xb] =	wrdreg s3  }
.LBB2_1:
0x15: {  	s8 =	simm.s32 $0x0;
	s9 =	simm.s32 $0x200  }
.LBB2_2:
0x16: {  	p0 =	sne.s32 s9, $0xDE00;
	[tilespmem:s8+$0x1870] =	vst v0  }
0x17: {  	[tilespmem:s8+$0x1800] =	vst v0  }
0x18: {  	[tilespmem:s8+$0x1810] =	vst v0  }
.Ltmp0:
0x19: {  	[tilespmem:s8+$0x1820] =	vst v0;
	(pc) =	sbr.rel @p0 .LBB2_2-.Ltmp0, $4  }
0x1a: {  	[tilespmem:s8+$0x1830] =	vst v0  }
0x1b: {  	[tilespmem:s8+$0x1840] =	vst v0  }
0x1c: {  	[tilespmem:s8+$0x1850] =	vst v0  }
0x1d: {  	[tilespmem:s8+$0x1860] =	vst v0;
	s8 =	sshra.s32 s9, $0x2;
	s9 =	sadd.s32 $0x200, s9  }
0x1e: {  	[tilespmem:s8+$0x1870] =	vst v0  }
0x1f: {  	[tilespmem:s8+$0x1800] =	vst v0  }
0x20: {  	[tilespmem:s8+$0x1810] =	vst v0  }
0x21: {  	[tilespmem:s8+$0x1820] =	vst v0  }
0x22: {  	[tilespmem:s8+$0x1830] =	vst v0  }
0x23: {  	[tilespmem:s8+$0x1840] =	vst v0  }
0x24: {  	[tilespmem:s8+$0x1850] =	vst v0  }
0x25: {  	[tilespmem:s8+$0x1860] =	vst v0;
	s0 =	rddreg [dreg:$0xe]  }
0x26: {  	[spmem:s0] =	stream.linear.scatter [tilespmem:s16], [sflag:$0x4], $0x3800, $0x38;
	v63 =	vld [tilespmem:$0x0]  }
0x27: {  	_ =	swait.ge [sflag:s17], $0x3800  }
0x28: {  	[sflag:s17] =	ssyncset.done $0x0  }
0x29: {  	s29 =	rddreg [dreg:$0x3];
	[sflag:s17] =	ssyncadd.s32 $0xFFFFC800  }
0x2a: {  	[spmem:s29] =	stream.linear.scatter [tilespmem:s16], [sflag:$0x4], $0x3800, $0x38;
	v63 =	vld [tilespmem:$0x0]  }
0x2b: {  	_ =	swait.ge [sflag:s17], $0x3800  }
0x2c: {  	[sflag:s17] =	ssyncset.done $0x0  }
0x2d: {  	s30 =	rddreg [dreg:$0x4];
	[sflag:s17] =	ssyncadd.s32 $0xFFFFC800  }
0x2e: {  	[spmem:s30] =	stream.linear.scatter [tilespmem:s16], [sflag:$0x4], $0x3800, $0x38;
	v63 =	vld [tilespmem:$0x0]  }
0x2f: {  	_ =	swait.ge [sflag:s17], $0x3800  }
0x30: {  	[sflag:s17] =	ssyncset.done $0x0  }
0x31: {  	s0 =	rddreg [dreg:$0x5];
	[sflag:s17] =	ssyncadd.s32 $0xFFFFC800  }
0x32: {  	[spmem:s0] =	stream.linear.scatter [tilespmem:s16], [sflag:$0x4], $0x3800, $0x38;
	v63 =	vld [tilespmem:$0x0]  }
0x33: {  	_ =	swait.ge [sflag:s17], $0x3800  }
0x34: {  	[sflag:s17] =	ssyncset.done $0x0  }
0x35: {  	s2 =	rddreg [dreg:$0x6];
	[sflag:s17] =	ssyncadd.s32 $0xFFFFC800  }
0x36: {  	[spmem:s2] =	stream.linear.scatter [tilespmem:s16], [sflag:$0x4], $0x3800, $0x38;
	v63 =	vld [tilespmem:$0x0]  }
0x37: {  	_ =	swait.ge [sflag:s17], $0x3800  }
0x38: {  	[sflag:s17] =	ssyncset.done $0x0  }
0x39: {  	s3 =	rddreg [dreg:$0x7];
	[sflag:s17] =	ssyncadd.s32 $0xFFFFC800  }
0x3a: {  	[spmem:s3] =	stream.linear.scatter [tilespmem:s16], [sflag:$0x4], $0x2800, $0x38;
	v63 =	vld [tilespmem:$0x0]  }
0x3b: {  	_ =	swait.ge [sflag:s17], $0x2800  }
0x3c: {  	[sflag:s17] =	ssyncset.done $0x0  }
0x3d: {  	[sflag:s17] =	ssyncadd.s32 $0xFFFFD800  }
0x3e: {  	[bflag:$0x0] =	sbarrier.arrive $0xFFFF  }
0x3f: {  	s2 =	simm.s32 $0x0;
	s5 =	rddreg [dreg:$0x8]  }
0x40: {  	[tilespmem:s2], [sflag:$0x4] =	stream.linear.gather [hbm4b:s5+s2], $0x1800, $0x38;
	v63 =	vld [tilespmem:$0x0]  }
0x41: {  	_ =	swait.ge [sflag:s17], $0x1800  }
0x42: {  	[sflag:s17] =	ssyncset.done $0x0  }
0x43: {  	[sflag:s17] =	ssyncadd.s32 $0xFFFFE800  }
0x44: {  	[tilespmem:s16], [sflag:$0x1] =	stream.indirect.gather [hbm4b:s4+s18], $0x80, s2, s18, $0xb8;
	v63 =	vld [tilespmem:$0x0]  }
0x45: {  	s6 =	simm.s32 $0x100  }
0x46: {  	[tilespmem:s20], [sflag:$0x2] =	stream.indirect.gather [hbm4b:s4+s18], $0x80, s6, s18, $0xb8;
	v63 =	vld [tilespmem:$0x0]  }
0x47: {  	s8 =	simm.s32 $0x200  }
0x48: {  	[tilespmem:s22], [sflag:$0x3] =	stream.indirect.gather [hbm4b:s4+s18], $0x80, s8, s18, $0xb8;
	v63 =	vld [tilespmem:$0x0]  }
0x49: {  	_ =	swait.ge [sflag:s23], $0x3800  }
0x4a: {  	[sflag:s23] =	ssyncset.done $0x0  }
0x4b: {  	s9 =	simm.s32 $0x80;
	[sflag:s23] =	ssyncadd.s32 $0xFFFFC800  }
0x4c: {  	[spmem:s1] =	stream.indirect.scatter.add.f32 [tilespmem:s16], [sflag:$0x4], $0x80, s9, s18, $0xb8;
	v63 =	vld [tilespmem:$0x0]  }
0x4d: {  	_ =	swait.ge [sflag:s17], $0x3800  }
0x4e: {  	[sflag:s17] =	ssyncset.done $0x0  }
0x4f: {  	s10 =	simm.s32 $0x300;
	[sflag:s17] =	ssyncadd.s32 $0xFFFFC800  }
0x50: {  	[tilespmem:s16], [sflag:$0x1] =	stream.indirect.gather [hbm4b:s4+s18], $0x80, s10, s18, $0xb8;
	v63 =	vld [tilespmem:$0x0]  }
0x51: {  	_ =	swait.ge [sflag:s28], $0x3800  }
0x52: {  	[sflag:s28] =	ssyncset.done $0x0  }
0x53: {  	s11 =	simm.s32 $0x180;
	[sflag:s28] =	ssyncadd.s32 $0xFFFFC800  }
0x54: {  	[spmem:s1] =	stream.indirect.scatter.add.f32 [tilespmem:s20], [sflag:$0x4], $0x80, s11, s18, $0xb8;
	v63 =	vld [tilespmem:$0x0]  }
0x55: {  	_ =	swait.ge [sflag:s17], $0x3800  }
0x56: {  	[sflag:s17] =	ssyncset.done $0x0  }
0x57: {  	s12 =	simm.s32 $0x400;
	[sflag:s17] =	ssyncadd.s32 $0xFFFFC800  }
0x58: {  	[tilespmem:s20], [sflag:$0x2] =	stream.indirect.gather [hbm4b:s4+s18], $0x80, s12, s18, $0xb8;
	v63 =	vld [tilespmem:$0x0]  }
0x59: {  	_ =	swait.ge [sflag:s31], $0x3800  }
0x5a: {  	[sflag:s31] =	ssyncset.done $0x0  }
0x5b: {  	s13 =	simm.s32 $0x280;
	[sflag:s31] =	ssyncadd.s32 $0xFFFFC800  }
0x5c: {  	[spmem:s1] =	stream.indirect.scatter.add.f32 [tilespmem:s22], [sflag:$0x4], $0x80, s13, s18, $0xb8;
	v63 =	vld [tilespmem:$0x0]  }
0x5d: {  	_ =	swait.ge [sflag:s17], $0x3800  }
0x5e: {  	[sflag:s17] =	ssyncset.done $0x0  }
0x5f: {  	s14 =	simm.s32 $0x500;
	[sflag:s17] =	ssyncadd.s32 $0xFFFFC800  }
0x60: {  	[tilespmem:s22], [sflag:$0x3] =	stream.indirect.gather [hbm4b:s4+s18], $0x80, s14, s18, $0xb8;
	v63 =	vld [tilespmem:$0x0]  }
0x61: {  	_ =	swait.ge [sflag:s23], $0x3800  }
0x62: {  	[sflag:s23] =	ssyncset.done $0x0  }
0x63: {  	s15 =	simm.s32 $0x380;
	[sflag:s23] =	ssyncadd.s32 $0xFFFFC800  }
0x64: {  	[spmem:s1] =	stream.indirect.scatter.add.f32 [tilespmem:s16], [sflag:$0x4], $0x80, s15, s18, $0xb8;
	v63 =	vld [tilespmem:$0x0]  }
0x65: {  	_ =	swait.ge [sflag:s17], $0x3800  }
0x66: {  	[sflag:s17] =	ssyncset.done $0x0  }
0x67: {  	s19 =	simm.s32 $0x600;
	[sflag:s17] =	ssyncadd.s32 $0xFFFFC800  }
0x68: {  	[tilespmem:s16], [sflag:$0x1] =	stream.indirect.gather [hbm4b:s4+s18], $0x80, s19, s18, $0xb8;
	v63 =	vld [tilespmem:$0x0]  }
0x69: {  	_ =	swait.ge [sflag:s28], $0x3800  }
0x6a: {  	[sflag:s28] =	ssyncset.done $0x0  }
0x6b: {  	s21 =	simm.s32 $0x480;
	[sflag:s28] =	ssyncadd.s32 $0xFFFFC800  }
0x6c: {  	[spmem:s1] =	stream.indirect.scatter.add.f32 [tilespmem:s20], [sflag:$0x4], $0x80, s21, s18, $0xb8;
	v63 =	vld [tilespmem:$0x0]  }
0x6d: {  	_ =	swait.ge [sflag:s17], $0x3800  }
0x6e: {  	[sflag:s17] =	ssyncset.done $0x0  }
0x6f: {  	s24 =	simm.s32 $0x700;
	[sflag:s17] =	ssyncadd.s32 $0xFFFFC800  }
0x70: {  	[tilespmem:s20], [sflag:$0x2] =	stream.indirect.gather [hbm4b:s4+s18], $0x80, s24, s18, $0xb8;
	v63 =	vld [tilespmem:$0x0]  }
0x71: {  	_ =	swait.ge [sflag:s31], $0x3800  }
0x72: {  	[sflag:s31] =	ssyncset.done $0x0  }
0x73: {  	s25 =	simm.s32 $0x580;
	[sflag:s31] =	ssyncadd.s32 $0xFFFFC800  }
0x74: {  	[spmem:s1] =	stream.indirect.scatter.add.f32 [tilespmem:s22], [sflag:$0x4], $0x80, s25, s18, $0xb8;
	v63 =	vld [tilespmem:$0x0]  }
0x75: {  	_ =	swait.ge [sflag:s17], $0x3800  }
0x76: {  	[sflag:s17] =	ssyncset.done $0x0  }
0x77: {  	s26 =	simm.s32 $0x800;
	[sflag:s17] =	ssyncadd.s32 $0xFFFFC800  }
0x78: {  	[tilespmem:s22], [sflag:$0x3] =	stream.indirect.gather [hbm4b:s4+s18], $0x80, s26, s18, $0xb8;
	v63 =	vld [tilespmem:$0x0]  }
0x79: {  	_ =	swait.ge [sflag:s23], $0x3800  }
0x7a: {  	[sflag:s23] =	ssyncset.done $0x0  }
0x7b: {  	s29 =	simm.s32 $0x680;
	[sflag:s23] =	ssyncadd.s32 $0xFFFFC800  }
0x7c: {  	[spmem:s1] =	stream.indirect.scatter.add.f32 [tilespmem:s16], [sflag:$0x4], $0x80, s29, s18, $0xb8;
	v63 =	vld [tilespmem:$0x0]  }
0x7d: {  	_ =	swait.ge [sflag:s17], $0x3800  }
0x7e: {  	[sflag:s17] =	ssyncset.done $0x0  }
0x7f: {  	s30 =	simm.s32 $0x900;
	[sflag:s17] =	ssyncadd.s32 $0xFFFFC800  }
0x80: {  	[tilespmem:s16], [sflag:$0x1] =	stream.indirect.gather [hbm4b:s4+s18], $0x80, s30, s18, $0xb8;
	v63 =	vld [tilespmem:$0x0]  }
0x81: {  	_ =	swait.ge [sflag:s28], $0x3800  }
0x82: {  	[sflag:s28] =	ssyncset.done $0x0  }
0x83: {  	s8 =	simm.s32 $0x780;
	[sflag:s28] =	ssyncadd.s32 $0xFFFFC800  }
0x84: {  	[spmem:s1] =	stream.indirect.scatter.add.f32 [tilespmem:s20], [sflag:$0x4], $0x80, s8, s18, $0xb8;
	v63 =	vld [tilespmem:$0x0]  }
0x85: {  	_ =	swait.ge [sflag:s17], $0x3800  }
0x86: {  	[sflag:s17] =	ssyncset.done $0x0  }
0x87: {  	s9 =	simm.s32 $0xA00;
	[sflag:s17] =	ssyncadd.s32 $0xFFFFC800  }
0x88: {  	[tilespmem:s20], [sflag:$0x2] =	stream.indirect.gather [hbm4b:s4+s18], $0x80, s9, s18, $0xb8;
	v63 =	vld [tilespmem:$0x0]  }
0x89: {  	_ =	swait.ge [sflag:s31], $0x3800  }
0x8a: {  	[sflag:s31] =	ssyncset.done $0x0  }
0x8b: {  	s10 =	simm.s32 $0x880;
	[sflag:s31] =	ssyncadd.s32 $0xFFFFC800  }
0x8c: {  	[spmem:s1] =	stream.indirect.scatter.add.f32 [tilespmem:s22], [sflag:$0x4], $0x80, s10, s18, $0xb8;
	v63 =	vld [tilespmem:$0x0]  }
0x8d: {  	_ =	swait.ge [sflag:s17], $0x3800  }
0x8e: {  	[sflag:s17] =	ssyncset.done $0x0  }
0x8f: {  	s11 =	simm.s32 $0xB00;
	[sflag:s17] =	ssyncadd.s32 $0xFFFFC800  }
0x90: {  	[tilespmem:s22], [sflag:$0x3] =	stream.indirect.gather [hbm4b:s4+s18], $0x80, s11, s18, $0xb8;
	v63 =	vld [tilespmem:$0x0]  }
0x91: {  	_ =	swait.ge [sflag:s23], $0x3800  }
0x92: {  	[sflag:s23] =	ssyncset.done $0x0  }
0x93: {  	s13 =	simm.s32 $0x980;
	[sflag:s23] =	ssyncadd.s32 $0xFFFFC800  }
0x94: {  	[spmem:s1] =	stream.indirect.scatter.add.f32 [tilespmem:s16], [sflag:$0x4], $0x80, s13, s18, $0xb8;
	v63 =	vld [tilespmem:$0x0]  }
0x95: {  	_ =	swait.ge [sflag:s17], $0x3800  }
0x96: {  	[sflag:s17] =	ssyncset.done $0x0  }
0x97: {  	s14 =	simm.s32 $0xC00;
	[sflag:s17] =	ssyncadd.s32 $0xFFFFC800  }
0x98: {  	[tilespmem:s16], [sflag:$0x1] =	stream.indirect.gather [hbm4b:s4+s18], $0x80, s14, s18, $0xb8;
	v63 =	vld [tilespmem:$0x0]  }
0x99: {  	_ =	swait.ge [sflag:s28], $0x3800  }
0x9a: {  	[sflag:s28] =	ssyncset.done $0x0  }
0x9b: {  	s15 =	simm.s32 $0xA80;
	[sflag:s28] =	ssyncadd.s32 $0xFFFFC800  }
0x9c: {  	[spmem:s1] =	stream.indirect.scatter.add.f32 [tilespmem:s20], [sflag:$0x4], $0x80, s15, s18, $0xb8;
	v63 =	vld [tilespmem:$0x0]  }
0x9d: {  	_ =	swait.ge [sflag:s17], $0x3800  }
0x9e: {  	[sflag:s17] =	ssyncset.done $0x0  }
0x9f: {  	s19 =	simm.s32 $0xD00;
	[sflag:s17] =	ssyncadd.s32 $0xFFFFC800  }
0xa0: {  	[tilespmem:s20], [sflag:$0x2] =	stream.indirect.gather [hbm4b:s4+s18], $0x80, s19, s18, $0xb8;
	v63 =	vld [tilespmem:$0x0]  }
0xa1: {  	_ =	swait.ge [sflag:s31], $0x3800  }
0xa2: {  	[sflag:s31] =	ssyncset.done $0x0  }
0xa3: {  	s21 =	simm.s32 $0xB80;
	[sflag:s31] =	ssyncadd.s32 $0xFFFFC800  }
0xa4: {  	[spmem:s1] =	stream.indirect.scatter.add.f32 [tilespmem:s22], [sflag:$0x4], $0x80, s21, s18, $0xb8;
	v63 =	vld [tilespmem:$0x0]  }
0xa5: {  	_ =	swait.ge [sflag:s17], $0x3800  }
0xa6: {  	[sflag:s17] =	ssyncset.done $0x0  }
0xa7: {  	s24 =	simm.s32 $0xE00;
	[sflag:s17] =	ssyncadd.s32 $0xFFFFC800  }
0xa8: {  	[tilespmem:s22], [sflag:$0x3] =	stream.indirect.gather [hbm4b:s4+s18], $0x80, s24, s18, $0xb8;
	v63 =	vld [tilespmem:$0x0]  }
0xa9: {  	_ =	swait.ge [sflag:s23], $0x3800  }
0xaa: {  	[sflag:s23] =	ssyncset.done $0x0  }
0xab: {  	s25 =	simm.s32 $0xC80;
	[sflag:s23] =	ssyncadd.s32 $0xFFFFC800  }
0xac: {  	[spmem:s1] =	stream.indirect.scatter.add.f32 [tilespmem:s16], [sflag:$0x4], $0x80, s25, s18, $0xb8;
	v63 =	vld [tilespmem:$0x0]  }
0xad: {  	_ =	swait.ge [sflag:s17], $0x3800  }
0xae: {  	[sflag:s17] =	ssyncset.done $0x0  }
0xaf: {  	s26 =	simm.s32 $0xF00;
	[sflag:s17] =	ssyncadd.s32 $0xFFFFC800  }
0xb0: {  	[tilespmem:s16], [sflag:$0x1] =	stream.indirect.gather [hbm4b:s4+s18], $0x80, s26, s18, $0xb8;
	v63 =	vld [tilespmem:$0x0]  }
0xb1: {  	_ =	swait.ge [sflag:s28], $0x3800  }
0xb2: {  	[sflag:s28] =	ssyncset.done $0x0  }
0xb3: {  	s29 =	simm.s32 $0xD80;
	[sflag:s28] =	ssyncadd.s32 $0xFFFFC800  }
0xb4: {  	[spmem:s1] =	stream.indirect.scatter.add.f32 [tilespmem:s20], [sflag:$0x4], $0x80, s29, s18, $0xb8;
	v63 =	vld [tilespmem:$0x0]  }
0xb5: {  	_ =	swait.ge [sflag:s17], $0x3800  }
0xb6: {  	[sflag:s17] =	ssyncset.done $0x0  }
0xb7: {  	s30 =	simm.s32 $0x1000;
	[sflag:s17] =	ssyncadd.s32 $0xFFFFC800  }
0xb8: {  	[tilespmem:s20], [sflag:$0x2] =	stream.indirect.gather [hbm4b:s4+s18], $0x80, s30, s18, $0xb8;
	v63 =	vld [tilespmem:$0x0]  }
0xb9: {  	_ =	swait.ge [sflag:s31], $0x3800  }
0xba: {  	[sflag:s31] =	ssyncset.done $0x0  }
0xbb: {  	s0 =	simm.s32 $0xE80;
	[sflag:s31] =	ssyncadd.s32 $0xFFFFC800  }
0xbc: {  	[spmem:s1] =	stream.indirect.scatter.add.f32 [tilespmem:s22], [sflag:$0x4], $0x80, s0, s18, $0xb8;
	v63 =	vld [tilespmem:$0x0]  }
0xbd: {  	_ =	swait.ge [sflag:s17], $0x3800  }
0xbe: {  	[sflag:s17] =	ssyncset.done $0x0  }
0xbf: {  	s9 =	simm.s32 $0x1100;
	[sflag:s17] =	ssyncadd.s32 $0xFFFFC800  }
0xc0: {  	[tilespmem:s22], [sflag:$0x3] =	stream.indirect.gather [hbm4b:s4+s18], $0x80, s9, s18, $0xb8;
	v63 =	vld [tilespmem:$0x0]  }
0xc1: {  	_ =	swait.ge [sflag:s23], $0x3800  }
0xc2: {  	[sflag:s23] =	ssyncset.done $0x0  }
0xc3: {  	s10 =	simm.s32 $0xF80;
	[sflag:s23] =	ssyncadd.s32 $0xFFFFC800  }
0xc4: {  	[spmem:s1] =	stream.indirect.scatter.add.f32 [tilespmem:s16], [sflag:$0x4], $0x80, s10, s18, $0xb8;
	v63 =	vld [tilespmem:$0x0]  }
0xc5: {  	_ =	swait.ge [sflag:s17], $0x3800  }
0xc6: {  	[sflag:s17] =	ssyncset.done $0x0  }
0xc7: {  	s11 =	simm.s32 $0x1200;
	[sflag:s17] =	ssyncadd.s32 $0xFFFFC800  }
0xc8: {  	[tilespmem:s16], [sflag:$0x1] =	stream.indirect.gather [hbm4b:s4+s18], $0x80, s11, s18, $0xb8;
	v63 =	vld [tilespmem:$0x0]  }
0xc9: {  	_ =	swait.ge [sflag:s28], $0x3800  }
0xca: {  	[sflag:s28] =	ssyncset.done $0x0  }
0xcb: {  	s13 =	simm.s32 $0x1080;
	[sflag:s28] =	ssyncadd.s32 $0xFFFFC800  }
0xcc: {  	[spmem:s1] =	stream.indirect.scatter.add.f32 [tilespmem:s20], [sflag:$0x4], $0x80, s13, s18, $0xb8;
	v63 =	vld [tilespmem:$0x0]  }
0xcd: {  	_ =	swait.ge [sflag:s17], $0x3800  }
0xce: {  	[sflag:s17] =	ssyncset.done $0x0  }
0xcf: {  	s14 =	simm.s32 $0x1300;
	[sflag:s17] =	ssyncadd.s32 $0xFFFFC800  }
0xd0: {  	[tilespmem:s20], [sflag:$0x2] =	stream.indirect.gather [hbm4b:s4+s18], $0x80, s14, s18, $0xb8;
	v63 =	vld [tilespmem:$0x0]  }
0xd1: {  	_ =	swait.ge [sflag:s31], $0x3800  }
0xd2: {  	[sflag:s31] =	ssyncset.done $0x0  }
0xd3: {  	s15 =	simm.s32 $0x1180;
	[sflag:s31] =	ssyncadd.s32 $0xFFFFC800  }
0xd4: {  	[spmem:s1] =	stream.indirect.scatter.add.f32 [tilespmem:s22], [sflag:$0x4], $0x80, s15, s18, $0xb8;
	v63 =	vld [tilespmem:$0x0]  }
0xd5: {  	_ =	swait.ge [sflag:s17], $0x3800  }
0xd6: {  	[sflag:s17] =	ssyncset.done $0x0  }
0xd7: {  	s19 =	simm.s32 $0x1400;
	[sflag:s17] =	ssyncadd.s32 $0xFFFFC800  }
0xd8: {  	[tilespmem:s22], [sflag:$0x3] =	stream.indirect.gather [hbm4b:s4+s18], $0x80, s19, s18, $0xb8;
	v63 =	vld [tilespmem:$0x0]  }
0xd9: {  	_ =	swait.ge [sflag:s23], $0x3800  }
0xda: {  	[sflag:s23] =	ssyncset.done $0x0  }
0xdb: {  	s21 =	simm.s32 $0x1280;
	[sflag:s23] =	ssyncadd.s32 $0xFFFFC800  }
0xdc: {  	[spmem:s1] =	stream.indirect.scatter.add.f32 [tilespmem:s16], [sflag:$0x4], $0x80, s21, s18, $0xb8;
	v63 =	vld [tilespmem:$0x0]  }
0xdd: {  	_ =	swait.ge [sflag:s17], $0x3800  }
0xde: {  	[sflag:s17] =	ssyncset.done $0x0  }
0xdf: {  	s0 =	simm.s32 $0x1500;
	[sflag:s17] =	ssyncadd.s32 $0xFFFFC800  }
0xe0: {  	[tilespmem:s16], [sflag:$0x1] =	stream.indirect.gather [hbm4b:s4+s18], $0x80, s0, s18, $0xb8;
	v63 =	vld [tilespmem:$0x0]  }
0xe1: {  	_ =	swait.ge [sflag:s28], $0x3800  }
0xe2: {  	[sflag:s28] =	ssyncset.done $0x0  }
0xe3: {  	s9 =	simm.s32 $0x1380;
	[sflag:s28] =	ssyncadd.s32 $0xFFFFC800  }
0xe4: {  	[spmem:s1] =	stream.indirect.scatter.add.f32 [tilespmem:s20], [sflag:$0x4], $0x80, s9, s18, $0xb8;
	v63 =	vld [tilespmem:$0x0]  }
0xe5: {  	_ =	swait.ge [sflag:s17], $0x3800  }
0xe6: {  	[sflag:s17] =	ssyncset.done $0x0  }
0xe7: {  	s10 =	simm.s32 $0x1600;
	[sflag:s17] =	ssyncadd.s32 $0xFFFFC800  }
0xe8: {  	[tilespmem:s20], [sflag:$0x2] =	stream.indirect.gather [hbm4b:s4+s18], $0x80, s10, s18, $0xb8;
	v63 =	vld [tilespmem:$0x0]  }
0xe9: {  	_ =	swait.ge [sflag:s31], $0x3800  }
0xea: {  	[sflag:s31] =	ssyncset.done $0x0  }
0xeb: {  	s11 =	simm.s32 $0x1480;
	[sflag:s31] =	ssyncadd.s32 $0xFFFFC800  }
0xec: {  	[spmem:s1] =	stream.indirect.scatter.add.f32 [tilespmem:s22], [sflag:$0x4], $0x80, s11, s18, $0xb8;
	v63 =	vld [tilespmem:$0x0]  }
0xed: {  	_ =	swait.ge [sflag:s17], $0x3800  }
0xee: {  	[sflag:s17] =	ssyncset.done $0x0  }
0xef: {  	s13 =	simm.s32 $0x1700;
	[sflag:s17] =	ssyncadd.s32 $0xFFFFC800  }
0xf0: {  	[tilespmem:s22], [sflag:$0x3] =	stream.indirect.gather [hbm4b:s4+s18], $0x80, s13, s18, $0xb8;
	v63 =	vld [tilespmem:$0x0]  }
0xf1: {  	_ =	swait.ge [sflag:s23], $0x3800  }
0xf2: {  	[sflag:s23] =	ssyncset.done $0x0  }
0xf3: {  	s14 =	simm.s32 $0x1580;
	[sflag:s23] =	ssyncadd.s32 $0xFFFFC800  }
0xf4: {  	[spmem:s1] =	stream.indirect.scatter.add.f32 [tilespmem:s16], [sflag:$0x4], $0x80, s14, s18, $0xb8;
	v63 =	vld [tilespmem:$0x0]  }
0xf5: {  	_ =	swait.ge [sflag:s17], $0x3800  }
0xf6: {  	[sflag:s17] =	ssyncset.done $0x0  }
0xf7: {  	[sflag:s17] =	ssyncadd.s32 $0xFFFFC800  }
0xf8: {  	_ =	swait.ge [sflag:s28], $0x3800  }
0xf9: {  	[sflag:s28] =	ssyncset.done $0x0  }
0xfa: {  	s15 =	simm.s32 $0x1680;
	[sflag:s28] =	ssyncadd.s32 $0xFFFFC800  }
0xfb: {  	[spmem:s1] =	stream.indirect.scatter.add.f32 [tilespmem:s20], [sflag:$0x4], $0x80, s15, s18, $0xb8;
	v63 =	vld [tilespmem:$0x0]  }
0xfc: {  	_ =	swait.ge [sflag:s17], $0x3800  }
0xfd: {  	[sflag:s17] =	ssyncset.done $0x0  }
0xfe: {  	[sflag:s17] =	ssyncadd.s32 $0xFFFFC800  }
0xff: {  	_ =	swait.ge [sflag:s31], $0x3800  }
0x100: {  	[sflag:s31] =	ssyncset.done $0x0  }
0x101: {  	s19 =	simm.s32 $0x1780;
	[sflag:s31] =	ssyncadd.s32 $0xFFFFC800  }
0x102: {  	[spmem:s1] =	stream.indirect.scatter.add.f32 [tilespmem:s22], [sflag:$0x4], $0x80, s19, s18, $0xb8;
	v63 =	vld [tilespmem:$0x0]  }
0x103: {  	_ =	swait.ge [sflag:s17], $0x3800  }
0x104: {  	[sflag:s17] =	ssyncset.done $0x0  }
0x105: {  	s21 =	rddreg [dreg:$0x9];
	[sflag:s17] =	ssyncadd.s32 $0xFFFFC800  }
0x106: {  	[tilespmem:s2], [sflag:$0x4] =	stream.linear.gather [hbm4b:s21+s2], $0x1800, $0x38;
	v63 =	vld [tilespmem:$0x0]  }
0x107: {  	_ =	swait.ge [sflag:s17], $0x1800  }
0x108: {  	[sflag:s17] =	ssyncset.done $0x0  }
0x109: {  	[sflag:s17] =	ssyncadd.s32 $0xFFFFE800  }
0x10a: {  	[tilespmem:s16], [sflag:$0x1] =	stream.indirect.gather [hbm4b:s4+s18], $0x80, s2, s18, $0xb8;
	v63 =	vld [tilespmem:$0x0]  }
0x10b: {  	s11 =	simm.s32 $0x100  }
0x10c: {  	[tilespmem:s20], [sflag:$0x2] =	stream.indirect.gather [hbm4b:s4+s18], $0x80, s11, s18, $0xb8;
	v63 =	vld [tilespmem:$0x0]  }
0x10d: {  	s5 =	simm.s32 $0x200  }
0x10e: {  	[tilespmem:s22], [sflag:$0x3] =	stream.indirect.gather [hbm4b:s4+s18], $0x80, s5, s18, $0xb8;
	v63 =	vld [tilespmem:$0x0]  }
0x10f: {  	_ =	swait.ge [sflag:s23], $0x3800  }
0x110: {  	[sflag:s23] =	ssyncset.done $0x0  }
0x111: {  	s3 =	simm.s32 $0x80;
	[sflag:s23] =	ssyncadd.s32 $0xFFFFC800  }
0x112: {  	[spmem:s1] =	stream.indirect.scatter.add.f32 [tilespmem:s16], [sflag:$0x4], $0x80, s3, s18, $0xb8;
	v63 =	vld [tilespmem:$0x0]  }
0x113: {  	_ =	swait.ge [sflag:s17], $0x3800  }
0x114: {  	[sflag:s17] =	ssyncset.done $0x0  }
0x115: {  	s6 =	simm.s32 $0x300;
	[sflag:s17] =	ssyncadd.s32 $0xFFFFC800  }
0x116: {  	[tilespmem:s16], [sflag:$0x1] =	stream.indirect.gather [hbm4b:s4+s18], $0x80, s6, s18, $0xb8;
	v63 =	vld [tilespmem:$0x0]  }
0x117: {  	_ =	swait.ge [sflag:s28], $0x3800  }
0x118: {  	[sflag:s28] =	ssyncset.done $0x0  }
0x119: {  	s9 =	simm.s32 $0x180;
	[sflag:s28] =	ssyncadd.s32 $0xFFFFC800  }
0x11a: {  	[spmem:s1] =	stream.indirect.scatter.add.f32 [tilespmem:s20], [sflag:$0x4], $0x80, s9, s18, $0xb8;
	v63 =	vld [tilespmem:$0x0]  }
0x11b: {  	_ =	swait.ge [sflag:s17], $0x3800  }
0x11c: {  	[sflag:s17] =	ssyncset.done $0x0  }
0x11d: {  	s10 =	simm.s32 $0x400;
	[sflag:s17] =	ssyncadd.s32 $0xFFFFC800  }
0x11e: {  	[tilespmem:s20], [sflag:$0x2] =	stream.indirect.gather [hbm4b:s4+s18], $0x80, s10, s18, $0xb8;
	v63 =	vld [tilespmem:$0x0]  }
0x11f: {  	_ =	swait.ge [sflag:s31], $0x3800  }
0x120: {  	[sflag:s31] =	ssyncset.done $0x0  }
0x121: {  	s12 =	simm.s32 $0x280;
	[sflag:s31] =	ssyncadd.s32 $0xFFFFC800  }
0x122: {  	[spmem:s1] =	stream.indirect.scatter.add.f32 [tilespmem:s22], [sflag:$0x4], $0x80, s12, s18, $0xb8;
	v63 =	vld [tilespmem:$0x0]  }
0x123: {  	_ =	swait.ge [sflag:s17], $0x3800  }
0x124: {  	[sflag:s17] =	ssyncset.done $0x0  }
0x125: {  	s3 =	simm.s32 $0x500;
	[sflag:s17] =	ssyncadd.s32 $0xFFFFC800  }
0x126: {  	[tilespmem:s22], [sflag:$0x3] =	stream.indirect.gather [hbm4b:s4+s18], $0x80, s3, s18, $0xb8;
	v63 =	vld [tilespmem:$0x0]  }
0x127: {  	_ =	swait.ge [sflag:s23], $0x3800  }
0x128: {  	[sflag:s23] =	ssyncset.done $0x0  }
0x129: {  	s12 =	simm.s32 $0x380;
	[sflag:s23] =	ssyncadd.s32 $0xFFFFC800  }
0x12a: {  	[spmem:s1] =	stream.indirect.scatter.add.f32 [tilespmem:s16], [sflag:$0x4], $0x80, s12, s18, $0xb8;
	v63 =	vld [tilespmem:$0x0]  }
0x12b: {  	_ =	swait.ge [sflag:s17], $0x3800  }
0x12c: {  	[sflag:s17] =	ssyncset.done $0x0  }
0x12d: {  	s13 =	simm.s32 $0x600;
	[sflag:s17] =	ssyncadd.s32 $0xFFFFC800  }
0x12e: {  	[tilespmem:s16], [sflag:$0x1] =	stream.indirect.gather [hbm4b:s4+s18], $0x80, s13, s18, $0xb8;
	v63 =	vld [tilespmem:$0x0]  }
0x12f: {  	_ =	swait.ge [sflag:s28], $0x3800  }
0x130: {  	[sflag:s28] =	ssyncset.done $0x0  }
0x131: {  	s14 =	simm.s32 $0x480;
	[sflag:s28] =	ssyncadd.s32 $0xFFFFC800  }
0x132: {  	[spmem:s1] =	stream.indirect.scatter.add.f32 [tilespmem:s20], [sflag:$0x4], $0x80, s14, s18, $0xb8;
	v63 =	vld [tilespmem:$0x0]  }
0x133: {  	_ =	swait.ge [sflag:s17], $0x3800  }
0x134: {  	[sflag:s17] =	ssyncset.done $0x0  }
0x135: {  	s15 =	simm.s32 $0x700;
	[sflag:s17] =	ssyncadd.s32 $0xFFFFC800  }
0x136: {  	[tilespmem:s20], [sflag:$0x2] =	stream.indirect.gather [hbm4b:s4+s18], $0x80, s15, s18, $0xb8;
	v63 =	vld [tilespmem:$0x0]  }
0x137: {  	_ =	swait.ge [sflag:s31], $0x3800  }
0x138: {  	[sflag:s31] =	ssyncset.done $0x0  }
0x139: {  	s19 =	simm.s32 $0x580;
	[sflag:s31] =	ssyncadd.s32 $0xFFFFC800  }
0x13a: {  	[spmem:s1] =	stream.indirect.scatter.add.f32 [tilespmem:s22], [sflag:$0x4], $0x80, s19, s18, $0xb8;
	v63 =	vld [tilespmem:$0x0]  }
0x13b: {  	_ =	swait.ge [sflag:s17], $0x3800  }
0x13c: {  	[sflag:s17] =	ssyncset.done $0x0  }
0x13d: {  	s21 =	simm.s32 $0x800;
	[sflag:s17] =	ssyncadd.s32 $0xFFFFC800  }
0x13e: {  	[tilespmem:s22], [sflag:$0x3] =	stream.indirect.gather [hbm4b:s4+s18], $0x80, s21, s18, $0xb8;
	v63 =	vld [tilespmem:$0x0]  }
0x13f: {  	_ =	swait.ge [sflag:s23], $0x3800  }
0x140: {  	[sflag:s23] =	ssyncset.done $0x0  }
0x141: {  	s0 =	simm.s32 $0x680;
	[sflag:s23] =	ssyncadd.s32 $0xFFFFC800  }
0x142: {  	[spmem:s1] =	stream.indirect.scatter.add.f32 [tilespmem:s16], [sflag:$0x4], $0x80, s0, s18, $0xb8;
	v63 =	vld [tilespmem:$0x0]  }
0x143: {  	_ =	swait.ge [sflag:s17], $0x3800  }
0x144: {  	[sflag:s17] =	ssyncset.done $0x0  }
0x145: {  	s5 =	simm.s32 $0x900;
	[sflag:s17] =	ssyncadd.s32 $0xFFFFC800  }
0x146: {  	[tilespmem:s16], [sflag:$0x1] =	stream.indirect.gather [hbm4b:s4+s18], $0x80, s5, s18, $0xb8;
	v63 =	vld [tilespmem:$0x0]  }
0x147: {  	_ =	swait.ge [sflag:s28], $0x3800  }
0x148: {  	[sflag:s28] =	ssyncset.done $0x0  }
0x149: {  	s6 =	simm.s32 $0x780;
	[sflag:s28] =	ssyncadd.s32 $0xFFFFC800  }
0x14a: {  	[spmem:s1] =	stream.indirect.scatter.add.f32 [tilespmem:s20], [sflag:$0x4], $0x80, s6, s18, $0xb8;
	v63 =	vld [tilespmem:$0x0]  }
0x14b: {  	_ =	swait.ge [sflag:s17], $0x3800  }
0x14c: {  	[sflag:s17] =	ssyncset.done $0x0  }
0x14d: {  	s8 =	simm.s32 $0xA00;
	[sflag:s17] =	ssyncadd.s32 $0xFFFFC800  }
0x14e: {  	[tilespmem:s20], [sflag:$0x2] =	stream.indirect.gather [hbm4b:s4+s18], $0x80, s8, s18, $0xb8;
	v63 =	vld [tilespmem:$0x0]  }
0x14f: {  	_ =	swait.ge [sflag:s31], $0x3800  }
0x150: {  	[sflag:s31] =	ssyncset.done $0x0  }
0x151: {  	s8 =	simm.s32 $0x880;
	[sflag:s31] =	ssyncadd.s32 $0xFFFFC800  }
0x152: {  	[spmem:s1] =	stream.indirect.scatter.add.f32 [tilespmem:s22], [sflag:$0x4], $0x80, s8, s18, $0xb8;
	v63 =	vld [tilespmem:$0x0]  }
0x153: {  	_ =	swait.ge [sflag:s17], $0x3800  }
0x154: {  	[sflag:s17] =	ssyncset.done $0x0  }
0x155: {  	s8 =	simm.s32 $0xB00;
	[sflag:s17] =	ssyncadd.s32 $0xFFFFC800  }
0x156: {  	[tilespmem:s22], [sflag:$0x3] =	stream.indirect.gather [hbm4b:s4+s18], $0x80, s8, s18, $0xb8;
	v63 =	vld [tilespmem:$0x0]  }
0x157: {  	_ =	swait.ge [sflag:s23], $0x3800  }
0x158: {  	[sflag:s23] =	ssyncset.done $0x0  }
0x159: {  	s8 =	simm.s32 $0x980;
	[sflag:s23] =	ssyncadd.s32 $0xFFFFC800  }
0x15a: {  	[spmem:s1] =	stream.indirect.scatter.add.f32 [tilespmem:s16], [sflag:$0x4], $0x80, s8, s18, $0xb8;
	v63 =	vld [tilespmem:$0x0]  }
0x15b: {  	_ =	swait.ge [sflag:s17], $0x3800  }
0x15c: {  	[sflag:s17] =	ssyncset.done $0x0  }
0x15d: {  	s8 =	simm.s32 $0xC00;
	[sflag:s17] =	ssyncadd.s32 $0xFFFFC800  }
0x15e: {  	[tilespmem:s16], [sflag:$0x1] =	stream.indirect.gather [hbm4b:s4+s18], $0x80, s8, s18, $0xb8;
	v63 =	vld [tilespmem:$0x0]  }
0x15f: {  	_ =	swait.ge [sflag:s28], $0x3800  }
0x160: {  	[sflag:s28] =	ssyncset.done $0x0  }
0x161: {  	s8 =	simm.s32 $0xA80;
	[sflag:s28] =	ssyncadd.s32 $0xFFFFC800  }
0x162: {  	[spmem:s1] =	stream.indirect.scatter.add.f32 [tilespmem:s20], [sflag:$0x4], $0x80, s8, s18, $0xb8;
	v63 =	vld [tilespmem:$0x0]  }
0x163: {  	_ =	swait.ge [sflag:s17], $0x3800  }
0x164: {  	[sflag:s17] =	ssyncset.done $0x0  }
0x165: {  	s8 =	simm.s32 $0xD00;
	[sflag:s17] =	ssyncadd.s32 $0xFFFFC800  }
0x166: {  	[tilespmem:s20], [sflag:$0x2] =	stream.indirect.gather [hbm4b:s4+s18], $0x80, s8, s18, $0xb8;
	v63 =	vld [tilespmem:$0x0]  }
0x167: {  	_ =	swait.ge [sflag:s31], $0x3800  }
0x168: {  	[sflag:s31] =	ssyncset.done $0x0  }
0x169: {  	s8 =	simm.s32 $0xB80;
	[sflag:s31] =	ssyncadd.s32 $0xFFFFC800  }
0x16a: {  	[spmem:s1] =	stream.indirect.scatter.add.f32 [tilespmem:s22], [sflag:$0x4], $0x80, s8, s18, $0xb8;
	v63 =	vld [tilespmem:$0x0]  }
0x16b: {  	_ =	swait.ge [sflag:s17], $0x3800  }
0x16c: {  	[sflag:s17] =	ssyncset.done $0x0  }
0x16d: {  	s8 =	simm.s32 $0xE00;
	[sflag:s17] =	ssyncadd.s32 $0xFFFFC800  }
0x16e: {  	[tilespmem:s22], [sflag:$0x3] =	stream.indirect.gather [hbm4b:s4+s18], $0x80, s8, s18, $0xb8;
	v63 =	vld [tilespmem:$0x0]  }
0x16f: {  	_ =	swait.ge [sflag:s23], $0x3800  }
0x170: {  	[sflag:s23] =	ssyncset.done $0x0  }
0x171: {  	s8 =	simm.s32 $0xC80;
	[sflag:s23] =	ssyncadd.s32 $0xFFFFC800  }
0x172: {  	[spmem:s1] =	stream.indirect.scatter.add.f32 [tilespmem:s16], [sflag:$0x4], $0x80, s8, s18, $0xb8;
	v63 =	vld [tilespmem:$0x0]  }
0x173: {  	_ =	swait.ge [sflag:s17], $0x3800  }
0x174: {  	[sflag:s17] =	ssyncset.done $0x0  }
0x175: {  	s8 =	simm.s32 $0xF00;
	[sflag:s17] =	ssyncadd.s32 $0xFFFFC800  }
0x176: {  	[tilespmem:s16], [sflag:$0x1] =	stream.indirect.gather [hbm4b:s4+s18], $0x80, s8, s18, $0xb8;
	v63 =	vld [tilespmem:$0x0]  }
0x177: {  	_ =	swait.ge [sflag:s28], $0x3800  }
0x178: {  	[sflag:s28] =	ssyncset.done $0x0  }
0x179: {  	s8 =	simm.s32 $0xD80;
	[sflag:s28] =	ssyncadd.s32 $0xFFFFC800  }
0x17a: {  	[spmem:s1] =	stream.indirect.scatter.add.f32 [tilespmem:s20], [sflag:$0x4], $0x80, s8, s18, $0xb8;
	v63 =	vld [tilespmem:$0x0]  }
0x17b: {  	_ =	swait.ge [sflag:s17], $0x3800  }
0x17c: {  	[sflag:s17] =	ssyncset.done $0x0  }
0x17d: {  	s8 =	simm.s32 $0x1000;
	[sflag:s17] =	ssyncadd.s32 $0xFFFFC800  }
0x17e: {  	[tilespmem:s20], [sflag:$0x2] =	stream.indirect.gather [hbm4b:s4+s18], $0x80, s8, s18, $0xb8;
	v63 =	vld [tilespmem:$0x0]  }
0x17f: {  	_ =	swait.ge [sflag:s31], $0x3800  }
0x180: {  	[sflag:s31] =	ssyncset.done $0x0  }
0x181: {  	s8 =	simm.s32 $0xE80;
	[sflag:s31] =	ssyncadd.s32 $0xFFFFC800  }
0x182: {  	[spmem:s1] =	stream.indirect.scatter.add.f32 [tilespmem:s22], [sflag:$0x4], $0x80, s8, s18, $0xb8;
	v63 =	vld [tilespmem:$0x0]  }
0x183: {  	_ =	swait.ge [sflag:s17], $0x3800  }
0x184: {  	[sflag:s17] =	ssyncset.done $0x0  }
0x185: {  	s24 =	simm.s32 $0x1100;
	[sflag:s17] =	ssyncadd.s32 $0xFFFFC800  }
0x186: {  	[tilespmem:s22], [sflag:$0x3] =	stream.indirect.gather [hbm4b:s4+s18], $0x80, s24, s18, $0xb8;
	v63 =	vld [tilespmem:$0x0]  }
0x187: {  	_ =	swait.ge [sflag:s23], $0x3800  }
0x188: {  	[sflag:s23] =	ssyncset.done $0x0  }
0x189: {  	s25 =	simm.s32 $0xF80;
	[sflag:s23] =	ssyncadd.s32 $0xFFFFC800  }
0x18a: {  	[spmem:s1] =	stream.indirect.scatter.add.f32 [tilespmem:s16], [sflag:$0x4], $0x80, s25, s18, $0xb8;
	v63 =	vld [tilespmem:$0x0]  }
0x18b: {  	_ =	swait.ge [sflag:s17], $0x3800  }
0x18c: {  	[sflag:s17] =	ssyncset.done $0x0  }
0x18d: {  	s26 =	simm.s32 $0x1200;
	[sflag:s17] =	ssyncadd.s32 $0xFFFFC800  }
0x18e: {  	[tilespmem:s16], [sflag:$0x1] =	stream.indirect.gather [hbm4b:s4+s18], $0x80, s26, s18, $0xb8;
	v63 =	vld [tilespmem:$0x0]  }
0x18f: {  	_ =	swait.ge [sflag:s28], $0x3800  }
0x190: {  	[sflag:s28] =	ssyncset.done $0x0  }
0x191: {  	s29 =	simm.s32 $0x1080;
	[sflag:s28] =	ssyncadd.s32 $0xFFFFC800  }
0x192: {  	[spmem:s1] =	stream.indirect.scatter.add.f32 [tilespmem:s20], [sflag:$0x4], $0x80, s29, s18, $0xb8;
	v63 =	vld [tilespmem:$0x0]  }
0x193: {  	_ =	swait.ge [sflag:s17], $0x3800  }
0x194: {  	[sflag:s17] =	ssyncset.done $0x0  }
0x195: {  	s30 =	simm.s32 $0x1300;
	[sflag:s17] =	ssyncadd.s32 $0xFFFFC800  }
0x196: {  	[tilespmem:s20], [sflag:$0x2] =	stream.indirect.gather [hbm4b:s4+s18], $0x80, s30, s18, $0xb8;
	v63 =	vld [tilespmem:$0x0]  }
0x197: {  	_ =	swait.ge [sflag:s31], $0x3800  }
0x198: {  	[sflag:s31] =	ssyncset.done $0x0  }
0x199: {  	s29 =	simm.s32 $0x1180;
	[sflag:s31] =	ssyncadd.s32 $0xFFFFC800  }
0x19a: {  	[spmem:s1] =	stream.indirect.scatter.add.f32 [tilespmem:s22], [sflag:$0x4], $0x80, s29, s18, $0xb8;
	v63 =	vld [tilespmem:$0x0]  }
0x19b: {  	_ =	swait.ge [sflag:s17], $0x3800  }
0x19c: {  	[sflag:s17] =	ssyncset.done $0x0  }
0x19d: {  	s30 =	simm.s32 $0x1400;
	[sflag:s17] =	ssyncadd.s32 $0xFFFFC800  }
0x19e: {  	[tilespmem:s22], [sflag:$0x3] =	stream.indirect.gather [hbm4b:s4+s18], $0x80, s30, s18, $0xb8;
	v63 =	vld [tilespmem:$0x0]  }
0x19f: {  	_ =	swait.ge [sflag:s23], $0x3800  }
0x1a0: {  	[sflag:s23] =	ssyncset.done $0x0  }
0x1a1: {  	s24 =	simm.s32 $0x1280;
	[sflag:s23] =	ssyncadd.s32 $0xFFFFC800  }
0x1a2: {  	[spmem:s1] =	stream.indirect.scatter.add.f32 [tilespmem:s16], [sflag:$0x4], $0x80, s24, s18, $0xb8;
	v63 =	vld [tilespmem:$0x0]  }
0x1a3: {  	_ =	swait.ge [sflag:s17], $0x3800  }
0x1a4: {  	[sflag:s17] =	ssyncset.done $0x0  }
0x1a5: {  	s25 =	simm.s32 $0x1500;
	[sflag:s17] =	ssyncadd.s32 $0xFFFFC800  }
0x1a6: {  	[tilespmem:s16], [sflag:$0x1] =	stream.indirect.gather [hbm4b:s4+s18], $0x80, s25, s18, $0xb8;
	v63 =	vld [tilespmem:$0x0]  }
0x1a7: {  	_ =	swait.ge [sflag:s28], $0x3800  }
0x1a8: {  	[sflag:s28] =	ssyncset.done $0x0  }
0x1a9: {  	s26 =	simm.s32 $0x1380;
	[sflag:s28] =	ssyncadd.s32 $0xFFFFC800  }
0x1aa: {  	[spmem:s1] =	stream.indirect.scatter.add.f32 [tilespmem:s20], [sflag:$0x4], $0x80, s26, s18, $0xb8;
	v63 =	vld [tilespmem:$0x0]  }
0x1ab: {  	_ =	swait.ge [sflag:s17], $0x3800  }
0x1ac: {  	[sflag:s17] =	ssyncset.done $0x0  }
0x1ad: {  	s29 =	simm.s32 $0x1600;
	[sflag:s17] =	ssyncadd.s32 $0xFFFFC800  }
0x1ae: {  	[tilespmem:s20], [sflag:$0x2] =	stream.indirect.gather [hbm4b:s4+s18], $0x80, s29, s18, $0xb8;
	v63 =	vld [tilespmem:$0x0]  }
0x1af: {  	_ =	swait.ge [sflag:s31], $0x3800  }
0x1b0: {  	[sflag:s31] =	ssyncset.done $0x0  }
0x1b1: {  	s30 =	simm.s32 $0x1480;
	[sflag:s31] =	ssyncadd.s32 $0xFFFFC800  }
0x1b2: {  	[spmem:s1] =	stream.indirect.scatter.add.f32 [tilespmem:s22], [sflag:$0x4], $0x80, s30, s18, $0xb8;
	v63 =	vld [tilespmem:$0x0]  }
0x1b3: {  	_ =	swait.ge [sflag:s17], $0x3800  }
0x1b4: {  	[sflag:s17] =	ssyncset.done $0x0  }
0x1b5: {  	s24 =	simm.s32 $0x1700;
	[sflag:s17] =	ssyncadd.s32 $0xFFFFC800  }
0x1b6: {  	[tilespmem:s22], [sflag:$0x3] =	stream.indirect.gather [hbm4b:s4+s18], $0x80, s24, s18, $0xb8;
	v63 =	vld [tilespmem:$0x0]  }
0x1b7: {  	_ =	swait.ge [sflag:s23], $0x3800  }
0x1b8: {  	[sflag:s23] =	ssyncset.done $0x0  }
0x1b9: {  	s25 =	simm.s32 $0x1580;
	[sflag:s23] =	ssyncadd.s32 $0xFFFFC800  }
0x1ba: {  	[spmem:s1] =	stream.indirect.scatter.add.f32 [tilespmem:s16], [sflag:$0x4], $0x80, s25, s18, $0xb8;
	v63 =	vld [tilespmem:$0x0]  }
0x1bb: {  	_ =	swait.ge [sflag:s17], $0x3800  }
0x1bc: {  	[sflag:s17] =	ssyncset.done $0x0  }
0x1bd: {  	[sflag:s17] =	ssyncadd.s32 $0xFFFFC800  }
0x1be: {  	_ =	swait.ge [sflag:s28], $0x3800  }
0x1bf: {  	[sflag:s28] =	ssyncset.done $0x0  }
0x1c0: {  	s26 =	simm.s32 $0x1680;
	[sflag:s28] =	ssyncadd.s32 $0xFFFFC800  }
0x1c1: {  	[spmem:s1] =	stream.indirect.scatter.add.f32 [tilespmem:s20], [sflag:$0x4], $0x80, s26, s18, $0xb8;
	v63 =	vld [tilespmem:$0x0]  }
0x1c2: {  	_ =	swait.ge [sflag:s17], $0x3800  }
0x1c3: {  	[sflag:s17] =	ssyncset.done $0x0  }
0x1c4: {  	[sflag:s17] =	ssyncadd.s32 $0xFFFFC800  }
0x1c5: {  	_ =	swait.ge [sflag:s31], $0x3800  }
0x1c6: {  	[sflag:s31] =	ssyncset.done $0x0  }
0x1c7: {  	s29 =	simm.s32 $0x1780;
	[sflag:s31] =	ssyncadd.s32 $0xFFFFC800  }
0x1c8: {  	[spmem:s1] =	stream.indirect.scatter.add.f32 [tilespmem:s22], [sflag:$0x4], $0x80, s29, s18, $0xb8;
	v63 =	vld [tilespmem:$0x0]  }
0x1c9: {  	_ =	swait.ge [sflag:s17], $0x3800  }
0x1ca: {  	[sflag:s17] =	ssyncset.done $0x0  }
0x1cb: {  	s30 =	rddreg [dreg:$0xa];
	[sflag:s17] =	ssyncadd.s32 $0xFFFFC800  }
0x1cc: {  	[tilespmem:s2], [sflag:$0x4] =	stream.linear.gather [hbm4b:s30+s2], $0x1800, $0x38;
	v63 =	vld [tilespmem:$0x0]  }
0x1cd: {  	_ =	swait.ge [sflag:s17], $0x1800  }
0x1ce: {  	[sflag:s17] =	ssyncset.done $0x0  }
0x1cf: {  	[sflag:s17] =	ssyncadd.s32 $0xFFFFE800  }
0x1d0: {  	[tilespmem:s16], [sflag:$0x1] =	stream.indirect.gather [hbm4b:s4+s18], $0x80, s2, s18, $0xb8;
	v63 =	vld [tilespmem:$0x0]  }
0x1d1: {  	_ = 	snop  }
0x1d2: {  	[tilespmem:s20], [sflag:$0x2] =	stream.indirect.gather [hbm4b:s4+s18], $0x80, s11, s18, $0xb8;
	v63 =	vld [tilespmem:$0x0]  }
0x1d3: {  	s24 =	simm.s32 $0x200  }
0x1d4: {  	[tilespmem:s22], [sflag:$0x3] =	stream.indirect.gather [hbm4b:s4+s18], $0x80, s24, s18, $0xb8;
	v63 =	vld [tilespmem:$0x0]  }
0x1d5: {  	_ =	swait.ge [sflag:s23], $0x3800  }
0x1d6: {  	[sflag:s23] =	ssyncset.done $0x0  }
0x1d7: {  	s25 =	simm.s32 $0x80;
	[sflag:s23] =	ssyncadd.s32 $0xFFFFC800  }
0x1d8: {  	[spmem:s1] =	stream.indirect.scatter.add.f32 [tilespmem:s16], [sflag:$0x4], $0x80, s25, s18, $0xb8;
	v63 =	vld [tilespmem:$0x0]  }
0x1d9: {  	_ =	swait.ge [sflag:s17], $0x3800  }
0x1da: {  	[sflag:s17] =	ssyncset.done $0x0  }
0x1db: {  	s26 =	simm.s32 $0x300;
	[sflag:s17] =	ssyncadd.s32 $0xFFFFC800  }
0x1dc: {  	[tilespmem:s16], [sflag:$0x1] =	stream.indirect.gather [hbm4b:s4+s18], $0x80, s26, s18, $0xb8;
	v63 =	vld [tilespmem:$0x0]  }
0x1dd: {  	_ =	swait.ge [sflag:s28], $0x3800  }
0x1de: {  	[sflag:s28] =	ssyncset.done $0x0  }
0x1df: {  	[sflag:s28] =	ssyncadd.s32 $0xFFFFC800  }
0x1e0: {  	[spmem:s1] =	stream.indirect.scatter.add.f32 [tilespmem:s20], [sflag:$0x4], $0x80, s9, s18, $0xb8;
	v63 =	vld [tilespmem:$0x0]  }
0x1e1: {  	_ =	swait.ge [sflag:s17], $0x3800  }
0x1e2: {  	[sflag:s17] =	ssyncset.done $0x0  }
0x1e3: {  	[sflag:s17] =	ssyncadd.s32 $0xFFFFC800  }
0x1e4: {  	[tilespmem:s20], [sflag:$0x2] =	stream.indirect.gather [hbm4b:s4+s18], $0x80, s10, s18, $0xb8;
	v63 =	vld [tilespmem:$0x0]  }
0x1e5: {  	_ =	swait.ge [sflag:s31], $0x3800  }
0x1e6: {  	[sflag:s31] =	ssyncset.done $0x0  }
0x1e7: {  	s29 =	simm.s32 $0x280;
	[sflag:s31] =	ssyncadd.s32 $0xFFFFC800  }
0x1e8: {  	[spmem:s1] =	stream.indirect.scatter.add.f32 [tilespmem:s22], [sflag:$0x4], $0x80, s29, s18, $0xb8;
	v63 =	vld [tilespmem:$0x0]  }
0x1e9: {  	_ =	swait.ge [sflag:s17], $0x3800  }
0x1ea: {  	[sflag:s17] =	ssyncset.done $0x0  }
0x1eb: {  	[sflag:s17] =	ssyncadd.s32 $0xFFFFC800  }
0x1ec: {  	[tilespmem:s22], [sflag:$0x3] =	stream.indirect.gather [hbm4b:s4+s18], $0x80, s3, s18, $0xb8;
	v63 =	vld [tilespmem:$0x0]  }
0x1ed: {  	_ =	swait.ge [sflag:s23], $0x3800  }
0x1ee: {  	[sflag:s23] =	ssyncset.done $0x0  }
0x1ef: {  	[sflag:s23] =	ssyncadd.s32 $0xFFFFC800  }
0x1f0: {  	[spmem:s1] =	stream.indirect.scatter.add.f32 [tilespmem:s16], [sflag:$0x4], $0x80, s12, s18, $0xb8;
	v63 =	vld [tilespmem:$0x0]  }
0x1f1: {  	_ =	swait.ge [sflag:s17], $0x3800  }
0x1f2: {  	[sflag:s17] =	ssyncset.done $0x0  }
0x1f3: {  	[sflag:s17] =	ssyncadd.s32 $0xFFFFC800  }
0x1f4: {  	[tilespmem:s16], [sflag:$0x1] =	stream.indirect.gather [hbm4b:s4+s18], $0x80, s13, s18, $0xb8;
	v63 =	vld [tilespmem:$0x0]  }
0x1f5: {  	_ =	swait.ge [sflag:s28], $0x3800  }
0x1f6: {  	[sflag:s28] =	ssyncset.done $0x0  }
0x1f7: {  	[sflag:s28] =	ssyncadd.s32 $0xFFFFC800  }
0x1f8: {  	[spmem:s1] =	stream.indirect.scatter.add.f32 [tilespmem:s20], [sflag:$0x4], $0x80, s14, s18, $0xb8;
	v63 =	vld [tilespmem:$0x0]  }
0x1f9: {  	_ =	swait.ge [sflag:s17], $0x3800  }
0x1fa: {  	[sflag:s17] =	ssyncset.done $0x0  }
0x1fb: {  	[sflag:s17] =	ssyncadd.s32 $0xFFFFC800  }
0x1fc: {  	[tilespmem:s20], [sflag:$0x2] =	stream.indirect.gather [hbm4b:s4+s18], $0x80, s15, s18, $0xb8;
	v63 =	vld [tilespmem:$0x0]  }
0x1fd: {  	_ =	swait.ge [sflag:s31], $0x3800  }
0x1fe: {  	[sflag:s31] =	ssyncset.done $0x0  }
0x1ff: {  	[sflag:s31] =	ssyncadd.s32 $0xFFFFC800  }
0x200: {  	[spmem:s1] =	stream.indirect.scatter.add.f32 [tilespmem:s22], [sflag:$0x4], $0x80, s19, s18, $0xb8;
	v63 =	vld [tilespmem:$0x0]  }
0x201: {  	_ =	swait.ge [sflag:s17], $0x3800  }
0x202: {  	[sflag:s17] =	ssyncset.done $0x0  }
0x203: {  	[sflag:s17] =	ssyncadd.s32 $0xFFFFC800  }
0x204: {  	[tilespmem:s22], [sflag:$0x3] =	stream.indirect.gather [hbm4b:s4+s18], $0x80, s21, s18, $0xb8;
	v63 =	vld [tilespmem:$0x0]  }
0x205: {  	_ =	swait.ge [sflag:s23], $0x3800  }
0x206: {  	[sflag:s23] =	ssyncset.done $0x0  }
0x207: {  	[sflag:s23] =	ssyncadd.s32 $0xFFFFC800  }
0x208: {  	[spmem:s1] =	stream.indirect.scatter.add.f32 [tilespmem:s16], [sflag:$0x4], $0x80, s0, s18, $0xb8;
	v63 =	vld [tilespmem:$0x0]  }
0x209: {  	_ =	swait.ge [sflag:s17], $0x3800  }
0x20a: {  	[sflag:s17] =	ssyncset.done $0x0  }
0x20b: {  	[sflag:s17] =	ssyncadd.s32 $0xFFFFC800  }
0x20c: {  	[tilespmem:s16], [sflag:$0x1] =	stream.indirect.gather [hbm4b:s4+s18], $0x80, s5, s18, $0xb8;
	v63 =	vld [tilespmem:$0x0]  }
0x20d: {  	_ =	swait.ge [sflag:s28], $0x3800  }
0x20e: {  	[sflag:s28] =	ssyncset.done $0x0  }
0x20f: {  	[sflag:s28] =	ssyncadd.s32 $0xFFFFC800  }
0x210: {  	[spmem:s1] =	stream.indirect.scatter.add.f32 [tilespmem:s20], [sflag:$0x4], $0x80, s6, s18, $0xb8;
	v63 =	vld [tilespmem:$0x0]  }
0x211: {  	_ =	swait.ge [sflag:s17], $0x3800  }
0x212: {  	[sflag:s17] =	ssyncset.done $0x0  }
0x213: {  	s30 =	simm.s32 $0xA00;
	[sflag:s17] =	ssyncadd.s32 $0xFFFFC800  }
0x214: {  	[tilespmem:s20], [sflag:$0x2] =	stream.indirect.gather [hbm4b:s4+s18], $0x80, s30, s18, $0xb8;
	v63 =	vld [tilespmem:$0x0]  }
0x215: {  	_ =	swait.ge [sflag:s31], $0x3800  }
0x216: {  	[sflag:s31] =	ssyncset.done $0x0  }
0x217: {  	s24 =	simm.s32 $0x880;
	[sflag:s31] =	ssyncadd.s32 $0xFFFFC800  }
0x218: {  	[spmem:s1] =	stream.indirect.scatter.add.f32 [tilespmem:s22], [sflag:$0x4], $0x80, s24, s18, $0xb8;
	v63 =	vld [tilespmem:$0x0]  }
0x219: {  	_ =	swait.ge [sflag:s17], $0x3800  }
0x21a: {  	[sflag:s17] =	ssyncset.done $0x0  }
0x21b: {  	s25 =	simm.s32 $0xB00;
	[sflag:s17] =	ssyncadd.s32 $0xFFFFC800  }
0x21c: {  	[tilespmem:s22], [sflag:$0x3] =	stream.indirect.gather [hbm4b:s4+s18], $0x80, s25, s18, $0xb8;
	v63 =	vld [tilespmem:$0x0]  }
0x21d: {  	_ =	swait.ge [sflag:s23], $0x3800  }
0x21e: {  	[sflag:s23] =	ssyncset.done $0x0  }
0x21f: {  	s26 =	simm.s32 $0x980;
	[sflag:s23] =	ssyncadd.s32 $0xFFFFC800  }
0x220: {  	[spmem:s1] =	stream.indirect.scatter.add.f32 [tilespmem:s16], [sflag:$0x4], $0x80, s26, s18, $0xb8;
	v63 =	vld [tilespmem:$0x0]  }
0x221: {  	_ =	swait.ge [sflag:s17], $0x3800  }
0x222: {  	[sflag:s17] =	ssyncset.done $0x0  }
0x223: {  	s29 =	simm.s32 $0xC00;
	[sflag:s17] =	ssyncadd.s32 $0xFFFFC800  }
0x224: {  	[tilespmem:s16], [sflag:$0x1] =	stream.indirect.gather [hbm4b:s4+s18], $0x80, s29, s18, $0xb8;
	v63 =	vld [tilespmem:$0x0]  }
0x225: {  	_ =	swait.ge [sflag:s28], $0x3800  }
0x226: {  	[sflag:s28] =	ssyncset.done $0x0  }
0x227: {  	s30 =	simm.s32 $0xA80;
	[sflag:s28] =	ssyncadd.s32 $0xFFFFC800  }
0x228: {  	[spmem:s1] =	stream.indirect.scatter.add.f32 [tilespmem:s20], [sflag:$0x4], $0x80, s30, s18, $0xb8;
	v63 =	vld [tilespmem:$0x0]  }
0x229: {  	_ =	swait.ge [sflag:s17], $0x3800  }
0x22a: {  	[sflag:s17] =	ssyncset.done $0x0  }
0x22b: {  	s8 =	simm.s32 $0xD00;
	[sflag:s17] =	ssyncadd.s32 $0xFFFFC800  }
0x22c: {  	[tilespmem:s20], [sflag:$0x2] =	stream.indirect.gather [hbm4b:s4+s18], $0x80, s8, s18, $0xb8;
	v63 =	vld [tilespmem:$0x0]  }
0x22d: {  	_ =	swait.ge [sflag:s31], $0x3800  }
0x22e: {  	[sflag:s31] =	ssyncset.done $0x0  }
0x22f: {  	s8 =	simm.s32 $0xB80;
	[sflag:s31] =	ssyncadd.s32 $0xFFFFC800  }
0x230: {  	[spmem:s1] =	stream.indirect.scatter.add.f32 [tilespmem:s22], [sflag:$0x4], $0x80, s8, s18, $0xb8;
	v63 =	vld [tilespmem:$0x0]  }
0x231: {  	_ =	swait.ge [sflag:s17], $0x3800  }
0x232: {  	[sflag:s17] =	ssyncset.done $0x0  }
0x233: {  	s8 =	simm.s32 $0xE00;
	[sflag:s17] =	ssyncadd.s32 $0xFFFFC800  }
0x234: {  	[tilespmem:s22], [sflag:$0x3] =	stream.indirect.gather [hbm4b:s4+s18], $0x80, s8, s18, $0xb8;
	v63 =	vld [tilespmem:$0x0]  }
0x235: {  	_ =	swait.ge [sflag:s23], $0x3800  }
0x236: {  	[sflag:s23] =	ssyncset.done $0x0  }
0x237: {  	s8 =	simm.s32 $0xC80;
	[sflag:s23] =	ssyncadd.s32 $0xFFFFC800  }
0x238: {  	[spmem:s1] =	stream.indirect.scatter.add.f32 [tilespmem:s16], [sflag:$0x4], $0x80, s8, s18, $0xb8;
	v63 =	vld [tilespmem:$0x0]  }
0x239: {  	_ =	swait.ge [sflag:s17], $0x3800  }
0x23a: {  	[sflag:s17] =	ssyncset.done $0x0  }
0x23b: {  	s8 =	simm.s32 $0xF00;
	[sflag:s17] =	ssyncadd.s32 $0xFFFFC800  }
0x23c: {  	[tilespmem:s16], [sflag:$0x1] =	stream.indirect.gather [hbm4b:s4+s18], $0x80, s8, s18, $0xb8;
	v63 =	vld [tilespmem:$0x0]  }
0x23d: {  	_ =	swait.ge [sflag:s28], $0x3800  }
0x23e: {  	[sflag:s28] =	ssyncset.done $0x0  }
0x23f: {  	s8 =	simm.s32 $0xD80;
	[sflag:s28] =	ssyncadd.s32 $0xFFFFC800  }
0x240: {  	[spmem:s1] =	stream.indirect.scatter.add.f32 [tilespmem:s20], [sflag:$0x4], $0x80, s8, s18, $0xb8;
	v63 =	vld [tilespmem:$0x0]  }
0x241: {  	_ =	swait.ge [sflag:s17], $0x3800  }
0x242: {  	[sflag:s17] =	ssyncset.done $0x0  }
0x243: {  	s8 =	simm.s32 $0x1000;
	[sflag:s17] =	ssyncadd.s32 $0xFFFFC800  }
0x244: {  	[tilespmem:s20], [sflag:$0x2] =	stream.indirect.gather [hbm4b:s4+s18], $0x80, s8, s18, $0xb8;
	v63 =	vld [tilespmem:$0x0]  }
0x245: {  	_ =	swait.ge [sflag:s31], $0x3800  }
0x246: {  	[sflag:s31] =	ssyncset.done $0x0  }
0x247: {  	s8 =	simm.s32 $0xE80;
	[sflag:s31] =	ssyncadd.s32 $0xFFFFC800  }
0x248: {  	[spmem:s1] =	stream.indirect.scatter.add.f32 [tilespmem:s22], [sflag:$0x4], $0x80, s8, s18, $0xb8;
	v63 =	vld [tilespmem:$0x0]  }
0x249: {  	_ =	swait.ge [sflag:s17], $0x3800  }
0x24a: {  	[sflag:s17] =	ssyncset.done $0x0  }
0x24b: {  	s8 =	simm.s32 $0x1100;
	[sflag:s17] =	ssyncadd.s32 $0xFFFFC800  }
0x24c: {  	[tilespmem:s22], [sflag:$0x3] =	stream.indirect.gather [hbm4b:s4+s18], $0x80, s8, s18, $0xb8;
	v63 =	vld [tilespmem:$0x0]  }
0x24d: {  	_ =	swait.ge [sflag:s23], $0x3800  }
0x24e: {  	[sflag:s23] =	ssyncset.done $0x0  }
0x24f: {  	s8 =	simm.s32 $0xF80;
	[sflag:s23] =	ssyncadd.s32 $0xFFFFC800  }
0x250: {  	[spmem:s1] =	stream.indirect.scatter.add.f32 [tilespmem:s16], [sflag:$0x4], $0x80, s8, s18, $0xb8;
	v63 =	vld [tilespmem:$0x0]  }
0x251: {  	_ =	swait.ge [sflag:s17], $0x3800  }
0x252: {  	[sflag:s17] =	ssyncset.done $0x0  }
0x253: {  	s8 =	simm.s32 $0x1200;
	[sflag:s17] =	ssyncadd.s32 $0xFFFFC800  }
0x254: {  	[tilespmem:s16], [sflag:$0x1] =	stream.indirect.gather [hbm4b:s4+s18], $0x80, s8, s18, $0xb8;
	v63 =	vld [tilespmem:$0x0]  }
0x255: {  	_ =	swait.ge [sflag:s28], $0x3800  }
0x256: {  	[sflag:s28] =	ssyncset.done $0x0  }
0x257: {  	s8 =	simm.s32 $0x1080;
	[sflag:s28] =	ssyncadd.s32 $0xFFFFC800  }
0x258: {  	[spmem:s1] =	stream.indirect.scatter.add.f32 [tilespmem:s20], [sflag:$0x4], $0x80, s8, s18, $0xb8;
	v63 =	vld [tilespmem:$0x0]  }
0x259: {  	_ =	swait.ge [sflag:s17], $0x3800  }
0x25a: {  	[sflag:s17] =	ssyncset.done $0x0  }
0x25b: {  	s8 =	simm.s32 $0x1300;
	[sflag:s17] =	ssyncadd.s32 $0xFFFFC800  }
0x25c: {  	[tilespmem:s20], [sflag:$0x2] =	stream.indirect.gather [hbm4b:s4+s18], $0x80, s8, s18, $0xb8;
	v63 =	vld [tilespmem:$0x0]  }
0x25d: {  	_ =	swait.ge [sflag:s31], $0x3800  }
0x25e: {  	[sflag:s31] =	ssyncset.done $0x0  }
0x25f: {  	s8 =	simm.s32 $0x1180;
	[sflag:s31] =	ssyncadd.s32 $0xFFFFC800  }
0x260: {  	[spmem:s1] =	stream.indirect.scatter.add.f32 [tilespmem:s22], [sflag:$0x4], $0x80, s8, s18, $0xb8;
	v63 =	vld [tilespmem:$0x0]  }
0x261: {  	_ =	swait.ge [sflag:s17], $0x3800  }
0x262: {  	[sflag:s17] =	ssyncset.done $0x0  }
0x263: {  	s8 =	simm.s32 $0x1400;
	[sflag:s17] =	ssyncadd.s32 $0xFFFFC800  }
0x264: {  	[tilespmem:s22], [sflag:$0x3] =	stream.indirect.gather [hbm4b:s4+s18], $0x80, s8, s18, $0xb8;
	v63 =	vld [tilespmem:$0x0]  }
0x265: {  	_ =	swait.ge [sflag:s23], $0x3800  }
0x266: {  	[sflag:s23] =	ssyncset.done $0x0  }
0x267: {  	s8 =	simm.s32 $0x1280;
	[sflag:s23] =	ssyncadd.s32 $0xFFFFC800  }
0x268: {  	[spmem:s1] =	stream.indirect.scatter.add.f32 [tilespmem:s16], [sflag:$0x4], $0x80, s8, s18, $0xb8;
	v63 =	vld [tilespmem:$0x0]  }
0x269: {  	_ =	swait.ge [sflag:s17], $0x3800  }
0x26a: {  	[sflag:s17] =	ssyncset.done $0x0  }
0x26b: {  	s8 =	simm.s32 $0x1500;
	[sflag:s17] =	ssyncadd.s32 $0xFFFFC800  }
0x26c: {  	[tilespmem:s16], [sflag:$0x1] =	stream.indirect.gather [hbm4b:s4+s18], $0x80, s8, s18, $0xb8;
	v63 =	vld [tilespmem:$0x0]  }
0x26d: {  	_ =	swait.ge [sflag:s28], $0x3800  }
0x26e: {  	[sflag:s28] =	ssyncset.done $0x0  }
0x26f: {  	s8 =	simm.s32 $0x1380;
	[sflag:s28] =	ssyncadd.s32 $0xFFFFC800  }
0x270: {  	[spmem:s1] =	stream.indirect.scatter.add.f32 [tilespmem:s20], [sflag:$0x4], $0x80, s8, s18, $0xb8;
	v63 =	vld [tilespmem:$0x0]  }
0x271: {  	_ =	swait.ge [sflag:s17], $0x3800  }
0x272: {  	[sflag:s17] =	ssyncset.done $0x0  }
0x273: {  	s8 =	simm.s32 $0x1600;
	[sflag:s17] =	ssyncadd.s32 $0xFFFFC800  }
0x274: {  	[tilespmem:s20], [sflag:$0x2] =	stream.indirect.gather [hbm4b:s4+s18], $0x80, s8, s18, $0xb8;
	v63 =	vld [tilespmem:$0x0]  }
0x275: {  	_ =	swait.ge [sflag:s31], $0x3800  }
0x276: {  	[sflag:s31] =	ssyncset.done $0x0  }
0x277: {  	s8 =	simm.s32 $0x1480;
	[sflag:s31] =	ssyncadd.s32 $0xFFFFC800  }
0x278: {  	[spmem:s1] =	stream.indirect.scatter.add.f32 [tilespmem:s22], [sflag:$0x4], $0x80, s8, s18, $0xb8;
	v63 =	vld [tilespmem:$0x0]  }
0x279: {  	_ =	swait.ge [sflag:s17], $0x3800  }
0x27a: {  	[sflag:s17] =	ssyncset.done $0x0  }
0x27b: {  	s8 =	simm.s32 $0x1700;
	[sflag:s17] =	ssyncadd.s32 $0xFFFFC800  }
0x27c: {  	[tilespmem:s22], [sflag:$0x3] =	stream.indirect.gather [hbm4b:s4+s18], $0x80, s8, s18, $0xb8;
	v63 =	vld [tilespmem:$0x0]  }
0x27d: {  	_ =	swait.ge [sflag:s23], $0x3800  }
0x27e: {  	[sflag:s23] =	ssyncset.done $0x0  }
0x27f: {  	s8 =	simm.s32 $0x1580;
	[sflag:s23] =	ssyncadd.s32 $0xFFFFC800  }
0x280: {  	[spmem:s1] =	stream.indirect.scatter.add.f32 [tilespmem:s16], [sflag:$0x4], $0x80, s8, s18, $0xb8;
	v63 =	vld [tilespmem:$0x0]  }
0x281: {  	_ =	swait.ge [sflag:s17], $0x3800  }
0x282: {  	[sflag:s17] =	ssyncset.done $0x0  }
0x283: {  	[sflag:s17] =	ssyncadd.s32 $0xFFFFC800  }
0x284: {  	_ =	swait.ge [sflag:s28], $0x3800  }
0x285: {  	[sflag:s28] =	ssyncset.done $0x0  }
0x286: {  	s8 =	simm.s32 $0x1680;
	[sflag:s28] =	ssyncadd.s32 $0xFFFFC800  }
0x287: {  	[spmem:s1] =	stream.indirect.scatter.add.f32 [tilespmem:s20], [sflag:$0x4], $0x80, s8, s18, $0xb8;
	v63 =	vld [tilespmem:$0x0]  }
0x288: {  	_ =	swait.ge [sflag:s17], $0x3800  }
0x289: {  	[sflag:s17] =	ssyncset.done $0x0  }
0x28a: {  	[sflag:s17] =	ssyncadd.s32 $0xFFFFC800  }
0x28b: {  	_ =	swait.ge [sflag:s31], $0x3800  }
0x28c: {  	[sflag:s31] =	ssyncset.done $0x0  }
0x28d: {  	s8 =	simm.s32 $0x1780;
	[sflag:s31] =	ssyncadd.s32 $0xFFFFC800  }
0x28e: {  	[spmem:s1] =	stream.indirect.scatter.add.f32 [tilespmem:s22], [sflag:$0x4], $0x80, s8, s18, $0xb8;
	v63 =	vld [tilespmem:$0x0]  }
0x28f: {  	_ =	swait.ge [sflag:s17], $0x3800  }
0x290: {  	[sflag:s17] =	ssyncset.done $0x0  }
0x291: {  	s8 =	rddreg [dreg:$0xb];
	[sflag:s17] =	ssyncadd.s32 $0xFFFFC800  }
0x292: {  	[tilespmem:s2], [sflag:$0x4] =	stream.linear.gather [hbm4b:s8+s2], $0x1800, $0x38;
	v63 =	vld [tilespmem:$0x0]  }
0x293: {  	_ =	swait.ge [sflag:s17], $0x1800  }
0x294: {  	[sflag:s17] =	ssyncset.done $0x0  }
0x295: {  	[sflag:s17] =	ssyncadd.s32 $0xFFFFE800  }
0x296: {  	[tilespmem:s16], [sflag:$0x1] =	stream.indirect.gather [hbm4b:s4+s18], $0x80, s2, s18, $0xb8;
	v63 =	vld [tilespmem:$0x0]  }
0x297: {  	s11 =	simm.s32 $0x100  }
0x298: {  	[tilespmem:s20], [sflag:$0x2] =	stream.indirect.gather [hbm4b:s4+s18], $0x80, s11, s18, $0xb8;
	v63 =	vld [tilespmem:$0x0]  }
0x299: {  	s8 =	simm.s32 $0x200  }
0x29a: {  	[tilespmem:s22], [sflag:$0x3] =	stream.indirect.gather [hbm4b:s4+s18], $0x80, s8, s18, $0xb8;
	v63 =	vld [tilespmem:$0x0]  }
0x29b: {  	_ =	swait.ge [sflag:s23], $0x3800  }
0x29c: {  	[sflag:s23] =	ssyncset.done $0x0  }
0x29d: {  	s11 =	simm.s32 $0x80;
	[sflag:s23] =	ssyncadd.s32 $0xFFFFC800  }
0x29e: {  	[spmem:s1] =	stream.indirect.scatter.add.f32 [tilespmem:s16], [sflag:$0x4], $0x80, s11, s18, $0xb8;
	v63 =	vld [tilespmem:$0x0]  }
0x29f: {  	_ =	swait.ge [sflag:s17], $0x3800  }
0x2a0: {  	[sflag:s17] =	ssyncset.done $0x0  }
0x2a1: {  	s8 =	simm.s32 $0x300;
	[sflag:s17] =	ssyncadd.s32 $0xFFFFC800  }
0x2a2: {  	[tilespmem:s16], [sflag:$0x1] =	stream.indirect.gather [hbm4b:s4+s18], $0x80, s8, s18, $0xb8;
	v63 =	vld [tilespmem:$0x0]  }
0x2a3: {  	_ =	swait.ge [sflag:s28], $0x3800  }
0x2a4: {  	[sflag:s28] =	ssyncset.done $0x0  }
0x2a5: {  	s9 =	simm.s32 $0x180;
	[sflag:s28] =	ssyncadd.s32 $0xFFFFC800  }
0x2a6: {  	[spmem:s1] =	stream.indirect.scatter.add.f32 [tilespmem:s20], [sflag:$0x4], $0x80, s9, s18, $0xb8;
	v63 =	vld [tilespmem:$0x0]  }
0x2a7: {  	_ =	swait.ge [sflag:s17], $0x3800  }
0x2a8: {  	[sflag:s17] =	ssyncset.done $0x0  }
0x2a9: {  	s10 =	simm.s32 $0x400;
	[sflag:s17] =	ssyncadd.s32 $0xFFFFC800  }
0x2aa: {  	[tilespmem:s20], [sflag:$0x2] =	stream.indirect.gather [hbm4b:s4+s18], $0x80, s10, s18, $0xb8;
	v63 =	vld [tilespmem:$0x0]  }
0x2ab: {  	_ =	swait.ge [sflag:s31], $0x3800  }
0x2ac: {  	[sflag:s31] =	ssyncset.done $0x0  }
0x2ad: {  	s11 =	simm.s32 $0x280;
	[sflag:s31] =	ssyncadd.s32 $0xFFFFC800  }
0x2ae: {  	[spmem:s1] =	stream.indirect.scatter.add.f32 [tilespmem:s22], [sflag:$0x4], $0x80, s11, s18, $0xb8;
	v63 =	vld [tilespmem:$0x0]  }
0x2af: {  	_ =	swait.ge [sflag:s17], $0x3800  }
0x2b0: {  	[sflag:s17] =	ssyncset.done $0x0  }
0x2b1: {  	s3 =	simm.s32 $0x500;
	[sflag:s17] =	ssyncadd.s32 $0xFFFFC800  }
0x2b2: {  	[tilespmem:s22], [sflag:$0x3] =	stream.indirect.gather [hbm4b:s4+s18], $0x80, s3, s18, $0xb8;
	v63 =	vld [tilespmem:$0x0]  }
0x2b3: {  	_ =	swait.ge [sflag:s23], $0x3800  }
0x2b4: {  	[sflag:s23] =	ssyncset.done $0x0  }
0x2b5: {  	s12 =	simm.s32 $0x380;
	[sflag:s23] =	ssyncadd.s32 $0xFFFFC800  }
0x2b6: {  	[spmem:s1] =	stream.indirect.scatter.add.f32 [tilespmem:s16], [sflag:$0x4], $0x80, s12, s18, $0xb8;
	v63 =	vld [tilespmem:$0x0]  }
0x2b7: {  	_ =	swait.ge [sflag:s17], $0x3800  }
0x2b8: {  	[sflag:s17] =	ssyncset.done $0x0  }
0x2b9: {  	s13 =	simm.s32 $0x600;
	[sflag:s17] =	ssyncadd.s32 $0xFFFFC800  }
0x2ba: {  	[tilespmem:s16], [sflag:$0x1] =	stream.indirect.gather [hbm4b:s4+s18], $0x80, s13, s18, $0xb8;
	v63 =	vld [tilespmem:$0x0]  }
0x2bb: {  	_ =	swait.ge [sflag:s28], $0x3800  }
0x2bc: {  	[sflag:s28] =	ssyncset.done $0x0  }
0x2bd: {  	s14 =	simm.s32 $0x480;
	[sflag:s28] =	ssyncadd.s32 $0xFFFFC800  }
0x2be: {  	[spmem:s1] =	stream.indirect.scatter.add.f32 [tilespmem:s20], [sflag:$0x4], $0x80, s14, s18, $0xb8;
	v63 =	vld [tilespmem:$0x0]  }
0x2bf: {  	_ =	swait.ge [sflag:s17], $0x3800  }
0x2c0: {  	[sflag:s17] =	ssyncset.done $0x0  }
0x2c1: {  	s15 =	simm.s32 $0x700;
	[sflag:s17] =	ssyncadd.s32 $0xFFFFC800  }
0x2c2: {  	[tilespmem:s20], [sflag:$0x2] =	stream.indirect.gather [hbm4b:s4+s18], $0x80, s15, s18, $0xb8;
	v63 =	vld [tilespmem:$0x0]  }
0x2c3: {  	_ =	swait.ge [sflag:s31], $0x3800  }
0x2c4: {  	[sflag:s31] =	ssyncset.done $0x0  }
0x2c5: {  	s19 =	simm.s32 $0x580;
	[sflag:s31] =	ssyncadd.s32 $0xFFFFC800  }
0x2c6: {  	[spmem:s1] =	stream.indirect.scatter.add.f32 [tilespmem:s22], [sflag:$0x4], $0x80, s19, s18, $0xb8;
	v63 =	vld [tilespmem:$0x0]  }
0x2c7: {  	_ =	swait.ge [sflag:s17], $0x3800  }
0x2c8: {  	[sflag:s17] =	ssyncset.done $0x0  }
0x2c9: {  	s21 =	simm.s32 $0x800;
	[sflag:s17] =	ssyncadd.s32 $0xFFFFC800  }
0x2ca: {  	[tilespmem:s22], [sflag:$0x3] =	stream.indirect.gather [hbm4b:s4+s18], $0x80, s21, s18, $0xb8;
	v63 =	vld [tilespmem:$0x0]  }
0x2cb: {  	_ =	swait.ge [sflag:s23], $0x3800  }
0x2cc: {  	[sflag:s23] =	ssyncset.done $0x0  }
0x2cd: {  	s0 =	simm.s32 $0x680;
	[sflag:s23] =	ssyncadd.s32 $0xFFFFC800  }
0x2ce: {  	[spmem:s1] =	stream.indirect.scatter.add.f32 [tilespmem:s16], [sflag:$0x4], $0x80, s0, s18, $0xb8;
	v63 =	vld [tilespmem:$0x0]  }
0x2cf: {  	_ =	swait.ge [sflag:s17], $0x3800  }
0x2d0: {  	[sflag:s17] =	ssyncset.done $0x0  }
0x2d1: {  	s5 =	simm.s32 $0x900;
	[sflag:s17] =	ssyncadd.s32 $0xFFFFC800  }
0x2d2: {  	[tilespmem:s16], [sflag:$0x1] =	stream.indirect.gather [hbm4b:s4+s18], $0x80, s5, s18, $0xb8;
	v63 =	vld [tilespmem:$0x0]  }
0x2d3: {  	_ =	swait.ge [sflag:s28], $0x3800  }
0x2d4: {  	[sflag:s28] =	ssyncset.done $0x0  }
0x2d5: {  	s6 =	simm.s32 $0x780;
	[sflag:s28] =	ssyncadd.s32 $0xFFFFC800  }
0x2d6: {  	[spmem:s1] =	stream.indirect.scatter.add.f32 [tilespmem:s20], [sflag:$0x4], $0x80, s6, s18, $0xb8;
	v63 =	vld [tilespmem:$0x0]  }
0x2d7: {  	_ =	swait.ge [sflag:s17], $0x3800  }
0x2d8: {  	[sflag:s17] =	ssyncset.done $0x0  }
0x2d9: {  	s12 =	simm.s32 $0xA00;
	[sflag:s17] =	ssyncadd.s32 $0xFFFFC800  }
0x2da: {  	[tilespmem:s20], [sflag:$0x2] =	stream.indirect.gather [hbm4b:s4+s18], $0x80, s12, s18, $0xb8;
	v63 =	vld [tilespmem:$0x0]  }
0x2db: {  	_ =	swait.ge [sflag:s31], $0x3800  }
0x2dc: {  	[sflag:s31] =	ssyncset.done $0x0  }
0x2dd: {  	s24 =	simm.s32 $0x880;
	[sflag:s31] =	ssyncadd.s32 $0xFFFFC800  }
0x2de: {  	[spmem:s1] =	stream.indirect.scatter.add.f32 [tilespmem:s22], [sflag:$0x4], $0x80, s24, s18, $0xb8;
	v63 =	vld [tilespmem:$0x0]  }
0x2df: {  	_ =	swait.ge [sflag:s17], $0x3800  }
0x2e0: {  	[sflag:s17] =	ssyncset.done $0x0  }
0x2e1: {  	s25 =	simm.s32 $0xB00;
	[sflag:s17] =	ssyncadd.s32 $0xFFFFC800  }
0x2e2: {  	[tilespmem:s22], [sflag:$0x3] =	stream.indirect.gather [hbm4b:s4+s18], $0x80, s25, s18, $0xb8;
	v63 =	vld [tilespmem:$0x0]  }
0x2e3: {  	_ =	swait.ge [sflag:s23], $0x3800  }
0x2e4: {  	[sflag:s23] =	ssyncset.done $0x0  }
0x2e5: {  	s26 =	simm.s32 $0x980;
	[sflag:s23] =	ssyncadd.s32 $0xFFFFC800  }
0x2e6: {  	[spmem:s1] =	stream.indirect.scatter.add.f32 [tilespmem:s16], [sflag:$0x4], $0x80, s26, s18, $0xb8;
	v63 =	vld [tilespmem:$0x0]  }
0x2e7: {  	_ =	swait.ge [sflag:s17], $0x3800  }
0x2e8: {  	[sflag:s17] =	ssyncset.done $0x0  }
0x2e9: {  	s29 =	simm.s32 $0xC00;
	[sflag:s17] =	ssyncadd.s32 $0xFFFFC800  }
0x2ea: {  	[tilespmem:s16], [sflag:$0x1] =	stream.indirect.gather [hbm4b:s4+s18], $0x80, s29, s18, $0xb8;
	v63 =	vld [tilespmem:$0x0]  }
0x2eb: {  	_ =	swait.ge [sflag:s28], $0x3800  }
0x2ec: {  	[sflag:s28] =	ssyncset.done $0x0  }
0x2ed: {  	s30 =	simm.s32 $0xA80;
	[sflag:s28] =	ssyncadd.s32 $0xFFFFC800  }
0x2ee: {  	[spmem:s1] =	stream.indirect.scatter.add.f32 [tilespmem:s20], [sflag:$0x4], $0x80, s30, s18, $0xb8;
	v63 =	vld [tilespmem:$0x0]  }
0x2ef: {  	_ =	swait.ge [sflag:s17], $0x3800  }
0x2f0: {  	[sflag:s17] =	ssyncset.done $0x0  }
0x2f1: {  	s13 =	simm.s32 $0xD00;
	[sflag:s17] =	ssyncadd.s32 $0xFFFFC800  }
0x2f2: {  	[tilespmem:s20], [sflag:$0x2] =	stream.indirect.gather [hbm4b:s4+s18], $0x80, s13, s18, $0xb8;
	v63 =	vld [tilespmem:$0x0]  }
0x2f3: {  	_ =	swait.ge [sflag:s31], $0x3800  }
0x2f4: {  	[sflag:s31] =	ssyncset.done $0x0  }
0x2f5: {  	s14 =	simm.s32 $0xB80;
	[sflag:s31] =	ssyncadd.s32 $0xFFFFC800  }
0x2f6: {  	[spmem:s1] =	stream.indirect.scatter.add.f32 [tilespmem:s22], [sflag:$0x4], $0x80, s14, s18, $0xb8;
	v63 =	vld [tilespmem:$0x0]  }
0x2f7: {  	_ =	swait.ge [sflag:s17], $0x3800  }
0x2f8: {  	[sflag:s17] =	ssyncset.done $0x0  }
0x2f9: {  	s15 =	simm.s32 $0xE00;
	[sflag:s17] =	ssyncadd.s32 $0xFFFFC800  }
0x2fa: {  	[tilespmem:s22], [sflag:$0x3] =	stream.indirect.gather [hbm4b:s4+s18], $0x80, s15, s18, $0xb8;
	v63 =	vld [tilespmem:$0x0]  }
0x2fb: {  	_ =	swait.ge [sflag:s23], $0x3800  }
0x2fc: {  	[sflag:s23] =	ssyncset.done $0x0  }
0x2fd: {  	s19 =	simm.s32 $0xC80;
	[sflag:s23] =	ssyncadd.s32 $0xFFFFC800  }
0x2fe: {  	[spmem:s1] =	stream.indirect.scatter.add.f32 [tilespmem:s16], [sflag:$0x4], $0x80, s19, s18, $0xb8;
	v63 =	vld [tilespmem:$0x0]  }
0x2ff: {  	_ =	swait.ge [sflag:s17], $0x3800  }
0x300: {  	[sflag:s17] =	ssyncset.done $0x0  }
0x301: {  	s21 =	simm.s32 $0xF00;
	[sflag:s17] =	ssyncadd.s32 $0xFFFFC800  }
0x302: {  	[tilespmem:s16], [sflag:$0x1] =	stream.indirect.gather [hbm4b:s4+s18], $0x80, s21, s18, $0xb8;
	v63 =	vld [tilespmem:$0x0]  }
0x303: {  	_ =	swait.ge [sflag:s28], $0x3800  }
0x304: {  	[sflag:s28] =	ssyncset.done $0x0  }
0x305: {  	s24 =	simm.s32 $0xD80;
	[sflag:s28] =	ssyncadd.s32 $0xFFFFC800  }
0x306: {  	[spmem:s1] =	stream.indirect.scatter.add.f32 [tilespmem:s20], [sflag:$0x4], $0x80, s24, s18, $0xb8;
	v63 =	vld [tilespmem:$0x0]  }
0x307: {  	_ =	swait.ge [sflag:s17], $0x3800  }
0x308: {  	[sflag:s17] =	ssyncset.done $0x0  }
0x309: {  	s25 =	simm.s32 $0x1000;
	[sflag:s17] =	ssyncadd.s32 $0xFFFFC800  }
0x30a: {  	[tilespmem:s20], [sflag:$0x2] =	stream.indirect.gather [hbm4b:s4+s18], $0x80, s25, s18, $0xb8;
	v63 =	vld [tilespmem:$0x0]  }
0x30b: {  	_ =	swait.ge [sflag:s31], $0x3800  }
0x30c: {  	[sflag:s31] =	ssyncset.done $0x0  }
0x30d: {  	s26 =	simm.s32 $0xE80;
	[sflag:s31] =	ssyncadd.s32 $0xFFFFC800  }
0x30e: {  	[spmem:s1] =	stream.indirect.scatter.add.f32 [tilespmem:s22], [sflag:$0x4], $0x80, s26, s18, $0xb8;
	v63 =	vld [tilespmem:$0x0]  }
0x30f: {  	_ =	swait.ge [sflag:s17], $0x3800  }
0x310: {  	[sflag:s17] =	ssyncset.done $0x0  }
0x311: {  	s29 =	simm.s32 $0x1100;
	[sflag:s17] =	ssyncadd.s32 $0xFFFFC800  }
0x312: {  	[tilespmem:s22], [sflag:$0x3] =	stream.indirect.gather [hbm4b:s4+s18], $0x80, s29, s18, $0xb8;
	v63 =	vld [tilespmem:$0x0]  }
0x313: {  	_ =	swait.ge [sflag:s23], $0x3800  }
0x314: {  	[sflag:s23] =	ssyncset.done $0x0  }
0x315: {  	s30 =	simm.s32 $0xF80;
	[sflag:s23] =	ssyncadd.s32 $0xFFFFC800  }
0x316: {  	[spmem:s1] =	stream.indirect.scatter.add.f32 [tilespmem:s16], [sflag:$0x4], $0x80, s30, s18, $0xb8;
	v63 =	vld [tilespmem:$0x0]  }
0x317: {  	_ =	swait.ge [sflag:s17], $0x3800  }
0x318: {  	[sflag:s17] =	ssyncset.done $0x0  }
0x319: {  	s2 =	simm.s32 $0x1200;
	[sflag:s17] =	ssyncadd.s32 $0xFFFFC800  }
0x31a: {  	[tilespmem:s16], [sflag:$0x1] =	stream.indirect.gather [hbm4b:s4+s18], $0x80, s2, s18, $0xb8;
	v63 =	vld [tilespmem:$0x0]  }
0x31b: {  	_ =	swait.ge [sflag:s28], $0x3800  }
0x31c: {  	[sflag:s28] =	ssyncset.done $0x0  }
0x31d: {  	s3 =	simm.s32 $0x1080;
	[sflag:s28] =	ssyncadd.s32 $0xFFFFC800  }
0x31e: {  	[spmem:s1] =	stream.indirect.scatter.add.f32 [tilespmem:s20], [sflag:$0x4], $0x80, s3, s18, $0xb8;
	v63 =	vld [tilespmem:$0x0]  }
0x31f: {  	_ =	swait.ge [sflag:s17], $0x3800  }
0x320: {  	[sflag:s17] =	ssyncset.done $0x0  }
0x321: {  	s5 =	simm.s32 $0x1300;
	[sflag:s17] =	ssyncadd.s32 $0xFFFFC800  }
0x322: {  	[tilespmem:s20], [sflag:$0x2] =	stream.indirect.gather [hbm4b:s4+s18], $0x80, s5, s18, $0xb8;
	v63 =	vld [tilespmem:$0x0]  }
0x323: {  	_ =	swait.ge [sflag:s31], $0x3800  }
0x324: {  	[sflag:s31] =	ssyncset.done $0x0  }
0x325: {  	s6 =	simm.s32 $0x1180;
	[sflag:s31] =	ssyncadd.s32 $0xFFFFC800  }
0x326: {  	[spmem:s1] =	stream.indirect.scatter.add.f32 [tilespmem:s22], [sflag:$0x4], $0x80, s6, s18, $0xb8;
	v63 =	vld [tilespmem:$0x0]  }
0x327: {  	_ =	swait.ge [sflag:s17], $0x3800  }
0x328: {  	[sflag:s17] =	ssyncset.done $0x0  }
0x329: {  	s8 =	simm.s32 $0x1400;
	[sflag:s17] =	ssyncadd.s32 $0xFFFFC800  }
0x32a: {  	[tilespmem:s22], [sflag:$0x3] =	stream.indirect.gather [hbm4b:s4+s18], $0x80, s8, s18, $0xb8;
	v63 =	vld [tilespmem:$0x0]  }
0x32b: {  	_ =	swait.ge [sflag:s23], $0x3800  }
0x32c: {  	[sflag:s23] =	ssyncset.done $0x0  }
0x32d: {  	s9 =	simm.s32 $0x1280;
	[sflag:s23] =	ssyncadd.s32 $0xFFFFC800  }
0x32e: {  	[spmem:s1] =	stream.indirect.scatter.add.f32 [tilespmem:s16], [sflag:$0x4], $0x80, s9, s18, $0xb8;
	v63 =	vld [tilespmem:$0x0]  }
0x32f: {  	_ =	swait.ge [sflag:s17], $0x3800  }
0x330: {  	[sflag:s17] =	ssyncset.done $0x0  }
0x331: {  	s10 =	simm.s32 $0x1500;
	[sflag:s17] =	ssyncadd.s32 $0xFFFFC800  }
0x332: {  	[tilespmem:s16], [sflag:$0x1] =	stream.indirect.gather [hbm4b:s4+s18], $0x80, s10, s18, $0xb8;
	v63 =	vld [tilespmem:$0x0]  }
0x333: {  	_ =	swait.ge [sflag:s28], $0x3800  }
0x334: {  	[sflag:s28] =	ssyncset.done $0x0  }
0x335: {  	s11 =	simm.s32 $0x1380;
	[sflag:s28] =	ssyncadd.s32 $0xFFFFC800  }
0x336: {  	[spmem:s1] =	stream.indirect.scatter.add.f32 [tilespmem:s20], [sflag:$0x4], $0x80, s11, s18, $0xb8;
	v63 =	vld [tilespmem:$0x0]  }
0x337: {  	_ =	swait.ge [sflag:s17], $0x3800  }
0x338: {  	[sflag:s17] =	ssyncset.done $0x0  }
0x339: {  	s12 =	simm.s32 $0x1600;
	[sflag:s17] =	ssyncadd.s32 $0xFFFFC800  }
0x33a: {  	[tilespmem:s20], [sflag:$0x2] =	stream.indirect.gather [hbm4b:s4+s18], $0x80, s12, s18, $0xb8;
	v63 =	vld [tilespmem:$0x0]  }
0x33b: {  	_ =	swait.ge [sflag:s31], $0x3800  }
0x33c: {  	[sflag:s31] =	ssyncset.done $0x0  }
0x33d: {  	s13 =	simm.s32 $0x1480;
	[sflag:s31] =	ssyncadd.s32 $0xFFFFC800  }
0x33e: {  	[spmem:s1] =	stream.indirect.scatter.add.f32 [tilespmem:s22], [sflag:$0x4], $0x80, s13, s18, $0xb8;
	v63 =	vld [tilespmem:$0x0]  }
0x33f: {  	_ =	swait.ge [sflag:s17], $0x3800  }
0x340: {  	[sflag:s17] =	ssyncset.done $0x0  }
0x341: {  	s14 =	simm.s32 $0x1700;
	[sflag:s17] =	ssyncadd.s32 $0xFFFFC800  }
0x342: {  	[tilespmem:s22], [sflag:$0x3] =	stream.indirect.gather [hbm4b:s4+s18], $0x80, s14, s18, $0xb8;
	v63 =	vld [tilespmem:$0x0]  }
0x343: {  	_ =	swait.ge [sflag:s23], $0x3800  }
0x344: {  	[sflag:s23] =	ssyncset.done $0x0  }
0x345: {  	s15 =	simm.s32 $0x1580;
	[sflag:s23] =	ssyncadd.s32 $0xFFFFC800  }
0x346: {  	[spmem:s1] =	stream.indirect.scatter.add.f32 [tilespmem:s16], [sflag:$0x4], $0x80, s15, s18, $0xb8;
	v63 =	vld [tilespmem:$0x0]  }
0x347: {  	_ =	swait.ge [sflag:s17], $0x3800  }
0x348: {  	[sflag:s17] =	ssyncset.done $0x0  }
0x349: {  	[sflag:s17] =	ssyncadd.s32 $0xFFFFC800  }
0x34a: {  	_ =	swait.ge [sflag:s28], $0x3800  }
0x34b: {  	[sflag:s28] =	ssyncset.done $0x0  }
0x34c: {  	s19 =	simm.s32 $0x1680;
	[sflag:s28] =	ssyncadd.s32 $0xFFFFC800  }
0x34d: {  	[spmem:s1] =	stream.indirect.scatter.add.f32 [tilespmem:s20], [sflag:$0x4], $0x80, s19, s18, $0xb8;
	v63 =	vld [tilespmem:$0x0]  }
0x34e: {  	_ =	swait.ge [sflag:s17], $0x3800  }
0x34f: {  	[sflag:s17] =	ssyncset.done $0x0  }
0x350: {  	[sflag:s17] =	ssyncadd.s32 $0xFFFFC800  }
0x351: {  	_ =	swait.ge [sflag:s31], $0x3800  }
0x352: {  	[sflag:s31] =	ssyncset.done $0x0  }
0x353: {  	s21 =	simm.s32 $0x1780;
	[sflag:s31] =	ssyncadd.s32 $0xFFFFC800  }
0x354: {  	[spmem:s1] =	stream.indirect.scatter.add.f32 [tilespmem:s22], [sflag:$0x4], $0x80, s21, s18, $0xb8;
	v63 =	vld [tilespmem:$0x0]  }
0x355: {  	_ =	swait.ge [sflag:s17], $0x3800  }
0x356: {  	[sflag:s17] =	ssyncset.done $0x0  }
0x357: {  	[sflag:s17] =	ssyncadd.s32 $0xFFFFC800  }
0x358: {  	s24 =	stileid.u32;
	[bflag:$0x0] =	sbarrier.arrive $0xFFFF  }
0x359: {  	s8 =	sshll.u32 s24, $0x6;
	s25 =	rddreg [dreg:$0xe]  }
0x35a: {  	s8 =	sor.u32 $0x1C04, s8;
	s29 =	rddreg [dreg:$0xd];
	s26 =	sshrl.u32 s25, $0x3  }
0x35b: {  	[hbm:s29], [sflag:s8] =	dma.local [spmem:s26], $0x2800  }
0x35c: {  	_ =	swait.ge [sflag:s17], $0x2800  }
0x35d: {  	s7 =	sadd.s32 $0x1, s7;
	s30 =	rddreg [dreg:$0xc]  }
0x35e: {  	p0 =	sne.s32 s7, s30  }
.Ltmp1:
0x35f: {  	_ = 	snop;
	(pc) =	sbr.rel @p0 .LBB2_1-.Ltmp1, $3  }
0x360: {  	_ =	sdelay $0x1  }
0x361: {  	[sflag:s17] =	ssyncset.done $0x0  }
0x362: {  	[sflag:s17] =	ssyncadd.s32 $0xFFFFD800  }
0x363: {  	_ =	sfence.sel $0x180000  }
0x364: {  	[bflag:$0x0] =	sbarrier.arrive $0xFFFF  }
0x365: {  	_ =	strace $0x9000004A  }
0x366: {  	s0 =	stileid.u32;
	[bflag:$0x2] =	sbarrier.arrive $0xFFFF  }
0x367: {  	p0 =	sne.s32 s0, $0x0;
	s0 =	rddreg [dreg:$0x2]  }
0x368: {  	s0 =	sadd.s32 @!p0 $0x100000, s0  }
0x369: {  	[sflag:s0] =	ssyncadd.tile.s32 @!p0 $0x1;
	_ =	shalt  }
.Lfunc_end2:
_tile_overlayer_lowered:
.L_overlay_start_2:
0x36a: {  	(tag) =	ssettag $0x2  }
0x36b: {  	s0 =	rddreg [dreg:$0x0];
	s2 =	stileid.u32  }
0x36c: {  	s1 =	rddreg [dreg:$0x1];
	p0 =	sne.s32 s2, $0x0  }
0x36d: {  	s3 =	rddreg [dreg:$0x2];
	[bflag:$0x3] =	sbarrier.arrive $0xFFFF;
	s2 =	simm.s32 @!p0 $0x1C04  }
0x36e: {  	[timem:s3], [sflag:s2] =	dma.local @!p0 [hbm:s0], s1  }
0x36f: {  	s0 =	simm.s32 @!p0 $0x4  }
0x370: {  	_ =	swait.ge @!p0 [sflag:s0], s1  }
0x371: {  	s1 =	ssub.s32 @!p0 $0x0, s1;
	[sflag:s0] =	ssyncset.done @!p0 $0x0  }
0x372: {  	[sflag:s0] =	ssyncadd.s32 @!p0 s1  }
0x373: {  	[bflag:$0x3] =	sbarrier.arrive $0xFFFF  }
0x374: {  	_ =	shalt  }

// kernel: kernel.14.cloned.1.call-start
scs
__scs_entry_jumppad:
0x0: {  	(pc) =	sbr.rel $0x88, $3  }
0x1: {  	(tag) =	ssettag $0x0;
	lr =	simm.s32 $0x1  }
0x2: {  	[smem:$0x3F99] =	sst lr;
	_ =	strace $0xD0000000  }
0x3: {  	_ = 	snop  }
0x4: {  	_ = 	snop  }
0x5: {  	_ = 	snop  }
0x6: {  	_ = 	snop  }
0x7: {  	_ = 	snop  }
__scs_overlays_trampoline_lowered:
0x8: {  	[smem:$0x3FA8] =	sst s0  }
0x9: {  	[smem:$0x3FA9] =	sst s1  }
0xa: {  	[smem:$0x3FAA] =	sst s2  }
0xb: {  	[smem:$0x3FAB] =	sst s3  }
0xc: {  	[smem:$0x3FAC] =	sst s4  }
0xd: {  	[smem:$0x3FAD] =	sst s5  }
0xe: {  	[smem:$0x3FAE] =	sst s6  }
0xf: {  	[smem:$0x3FAF] =	sst s7  }
0x10: {  	[smem:$0x3FB0] =	sst s8  }
0x11: {  	[smem:$0x3FB1] =	sst s9;
	s0 =	simm.s32 @!p0 $0x0  }
0x12: {  	s1 =	sld [smem:$0x3F97];
	s0 =	simm.s32 @p0 $0x1  }
0x13: {  	[smem:$0x3FB2] =	sst s0;
	s0 =	simm.s32 @!p1 $0x0  }
0x14: {  	s2 =	sld [smem:$0x3F96];
	s0 =	simm.s32 @p1 $0x1  }
0x15: {  	[smem:$0x3FB3] =	sst s0;
	s0 =	simm.s32 @!p2 $0x0  }
0x16: {  	s3 =	sld [smem:$0x3FDB];
	s0 =	simm.s32 @p2 $0x1  }
0x17: {  	s4 =	simm.s32 $0x1BF5;
	[smem:$0x3FB5] =	sst s0  }
0x18: {  	s0 =	sld [smem:$0x3F98];
	_ =	swait.ge [sflag:s4], $0x0  }
0x19: {  	s7 =	sld [smem:$0x3F99]  }
0x1a: {  	s8 =	sadd.s32 $0xFFFFE003, lr  }
0x1b: {  	s9 =	sadd.s32 $0xFFFFFEF7, lr;
	s5 =	simm.s32 $0xFFFFFFFF;
	p2 =	slt.u32 s8, $0xFFFFF086  }
0x1c: {  	p1 =	slt.u32 s9, $0xF7A;
	s5 =	simm.s32 @!p2 $0x0  }
0x1d: {  	s5 =	simm.s32 @p1 $0x1;
	p0 =	seq.s32 s7, s2  }
0x1e: {  	s7 =	smul.u32 @!p0 $0xF7A, s2;
	p2 =	seq.s32 @!p0 s5, $0x0  }
0x1f: {  	s9 =	smul.u32 $0xF7A, s1;
	s8 =	simm.s32 @!p0 $0x1BF5;
	p2 =	por !p2, p0  }
0x20: {  	[sflag:s8] =	ssyncset.s32 @!p0 $0xFFFFF086;
	s6 =	sadd.s32 @!p0 s3, s7;
	s7 =	simm.s32 @!p0 $0x108  }
0x21: {  	s3 =	sadd.s32 s3, s9;
	s6 =	sadd.s32 @!p0 $0x88, s6;
	s7 =	simm.s32 @p2 $0x1082  }
0x22: {  	[simem:s7], [sflag:s8] =	dma.local @!p0 [hbm:s6], $0xF7A  }
0x23: {  	s9 =	sor.u32 $0xD0000000, s2;
	s6 =	simm.s32 $0x108;
	_ =	swait.ge @!p0 [sflag:s8], $0x0  }
0x24: {  	s3 =	sadd.s32 $0x88, s3;
	s6 =	simm.s32 @!p1 $0x1082;
	[sflag:s4] =	ssyncset.s32 $0xFFFFF086  }
0x25: {  	[simem:s6], [sflag:s4] =	dma.local [hbm:s3], $0xF7A  }
0x26: {  	[smem:$0x3F99] =	sst s1;
	(tag) =	ssettag s2;
	_ =	strace s9  }
0x27: {  	s1 =	sld [smem:$0x3FA9]  }
0x28: {  	s2 =	sld [smem:$0x3FAA]  }
0x29: {  	s4 =	sld [smem:$0x3FAC]  }
0x2a: {  	p0 =	seq.s32 s5, $0x0;
	s5 =	sld [smem:$0x3FAD]  }
0x2b: {  	s6 =	sld [smem:$0x3FAE]  }
0x2c: {  	s7 =	sld [smem:$0x3FAF]  }
0x2d: {  	s3 =	simm.s32 $0x108;
	s8 =	sld [smem:$0x3FB0]  }
0x2e: {  	s3 =	simm.s32 @!p0 $0x1082;
	s9 =	sld [smem:$0x3FB1]  }
0x2f: {  	lr =	sadd.s32 s0, s3;
	s0 =	sld [smem:$0x3FA8]  }
0x30: {  	s3 =	sld [smem:$0x3FAB]  }
0x31: {  	[smem:$0x3FB4] =	sst s10  }
0x32: {  	s10 =	sld [smem:$0x3FB2];
	_ =	sdelay $0x3  }
0x33: {  	p0 =	seq.s32 s10, $0x1;
	s10 =	sld [smem:$0x3FB4];
	_ =	sdelay $0x3  }
0x34: {  	[smem:$0x3FB4] =	sst s10  }
0x35: {  	s10 =	sld [smem:$0x3FB3];
	_ =	sdelay $0x3  }
0x36: {  	p1 =	seq.s32 s10, $0x1;
	s10 =	sld [smem:$0x3FB4];
	_ =	sdelay $0x3  }
0x37: {  	[smem:$0x3FB4] =	sst s10  }
0x38: {  	s10 =	sld [smem:$0x3FB5]  }
0x39: {  	_ = 	snop;
	(pc) =	sbr.ind lr, $3  }
0x3a: {  	_ = 	snop  }
0x3b: {  	_ = 	snop  }
0x3c: {  	p2 =	seq.s32 s10, $0x1;
	s10 =	sld [smem:$0x3FB4]  }
0x3d: {  	_ =	shalt  }
0x3e: {  	_ =	shalt  }
0x3f: {  	_ =	shalt  }
0x40: {  	_ =	shalt  }
0x41: {  	_ =	shalt  }
0x42: {  	_ =	shalt  }
0x43: {  	_ =	shalt  }
0x44: {  	_ =	shalt  }
0x45: {  	_ =	shalt  }
0x46: {  	_ =	shalt  }
0x47: {  	_ =	shalt  }
0x48: {  	_ =	shalt  }
0x49: {  	_ =	shalt  }
0x4a: {  	_ =	shalt  }
0x4b: {  	_ =	shalt  }
0x4c: {  	_ =	shalt  }
0x4d: {  	_ =	shalt  }
0x4e: {  	_ =	shalt  }
0x4f: {  	_ =	shalt  }
0x50: {  	_ =	shalt  }
0x51: {  	_ =	shalt  }
0x52: {  	_ =	shalt  }
0x53: {  	_ =	shalt  }
0x54: {  	_ =	shalt  }
0x55: {  	_ =	shalt  }
0x56: {  	_ =	shalt  }
0x57: {  	_ =	shalt  }
0x58: {  	_ =	shalt  }
0x59: {  	_ =	shalt  }
0x5a: {  	_ =	shalt  }
0x5b: {  	_ =	shalt  }
0x5c: {  	_ =	shalt  }
0x5d: {  	_ =	shalt  }
0x5e: {  	_ =	shalt  }
0x5f: {  	_ =	shalt  }
0x60: {  	_ =	shalt  }
0x61: {  	_ =	shalt  }
0x62: {  	_ =	shalt  }
0x63: {  	_ =	shalt  }
0x64: {  	_ =	shalt  }
0x65: {  	_ =	shalt  }
0x66: {  	_ =	shalt  }
0x67: {  	_ =	shalt  }
0x68: {  	_ =	shalt  }
0x69: {  	_ =	shalt  }
0x6a: {  	_ =	shalt  }
0x6b: {  	_ =	shalt  }
0x6c: {  	_ =	shalt  }
0x6d: {  	_ =	shalt  }
0x6e: {  	_ =	shalt  }
0x6f: {  	_ =	shalt  }
0x70: {  	_ =	shalt  }
0x71: {  	_ =	shalt  }
0x72: {  	_ =	shalt  }
0x73: {  	_ =	shalt  }
0x74: {  	_ =	shalt  }
0x75: {  	_ =	shalt  }
0x76: {  	_ =	shalt  }
0x77: {  	_ =	shalt  }
0x78: {  	_ =	shalt  }
0x79: {  	_ =	shalt  }
0x7a: {  	_ =	shalt  }
0x7b: {  	_ =	shalt  }
0x7c: {  	_ =	shalt  }
0x7d: {  	_ =	shalt  }
0x7e: {  	_ =	shalt  }
0x7f: {  	_ =	shalt  }
0x80: {  	_ =	shalt  }
0x81: {  	_ =	shalt  }
0x82: {  	_ =	shalt  }
0x83: {  	_ =	shalt  }
0x84: {  	_ =	shalt  }
0x85: {  	_ =	shalt  }
0x86: {  	_ =	shalt  }
0x87: {  	_ =	shalt  }
.Lfunc_end0:
.L_simem_size_0:
called_computation.2_lowered:
.L_overlay_start_0:
0x88: {  	s2 =	sld [smem:$0x3FD9]  }
0x89: {  	s3 =	sld [smem:$0x3FFE];
	_ =	sdelay $0x1  }
0x8a: {  	s1 =	srdreg.scid  }
0x8b: {  	s0 =	sand.u32 $0x1, s1  }
0x8c: {  	s16 =	sshll.u32 s0, $0xA;
	s2 =	sadd.s32 s3, s2  }
0x8d: {  	s2 =	sadd.s32 s2, s16  }
0x8e: {  	[smem:$0x3FC0] =	sst s2  }
0x8f: {  	_ = 	snop  }
0x90: {  	(tm) =	ssettm $0x1  }
0x91: {  	s17 =	sld [smem:$0x3FFB];
	_ =	sdelay $0x3  }
0x92: {  	_ =	strace s17  }
0x93: {  	s2 =	sld [smem:$0x3FFC];
	_ =	sdelay $0x3  }
0x94: {  	_ =	strace s2  }
0x95: {  	s2 =	sld [smem:$0x3FFD];
	_ =	sdelay $0x3  }
0x96: {  	_ =	strace s2  }
0x97: {  	_ =	strace $0x8FFFFFFF  }
0x98: {  	s18 =	sld [smem:$0x3FDB];
	_ =	sdelay $0x1  }
0x99: {  	s19 =	simm.s32 $_scs_section_size  }
0x9a: {  	s4 =	simm.s32 $_size__tile_overlayer_lowered;
	s5 =	simm.s32 $_tile_overlayer_lowered  }
0x9b: {  	s22 =	simm.s32 $0x1BFF;
	s21 =	sshll.u32 s5, $0x1;
	s2 =	sadd.s32 s19, s18  }
0x9c: {  	s6 =	simm.s32 $0x0;
	s20 =	sshll.u32 s4, $0x1;
	s4 =	sadd.s32 s21, s2  }
0x9d: {  	[timem:s6], [sflag:s22] =	dma.local [hbm:s4], s20  }
0x9e: {  	_ =	swait.ge [sflag:s22], s20  }
0x9f: {  	s3 =	ssub.s32 $0x0, s20;
	[sflag:s22] =	ssyncset.done $0x0  }
0xa0: {  	[sflag:s22] =	ssyncadd.s32 s3;
	_ =	sdelay $0x1  }
0xa1: {  	s23 =	simm.s32 $0x1B8B  }
0xa2: {  	_ =	swait.ge [sflag:s23], $0x1  }
0xa3: {  	[sflag:s23] =	ssyncset.done $0x0  }
0xa4: {  	s25 =	simm.s32 $0x1B8E;
	s24 =	sld [smem:$0x3FFE];
	[sflag:s23] =	ssyncadd.s32 $0xFFFFFFFF  }
0xa5: {  	s26 =	simm.s32 $execute0_lowered;
	[smem:$0x3FD2] =	sst s25  }
0xa6: {  	s4 =	sshll.u32 s26, $0x1;
	_ =	strace $0x8000004C;
	[dreg:$0x1] =	wrdreg $0xFFFFFFFF  }
0xa7: {  	s28 =	simm.s32 $_size_execute0_lowered;
	s2 =	sadd.s32 s2, s4;
	[dreg:$0x0] =	wrdreg $0x0  }
0xa8: {  	s4 =	sshll.u32 s28, $0x1;
	[dreg:$0x2] =	wrdreg s2  }
0xa9: {  	[dreg:$0x3] =	wrdreg s4  }
0xaa: {  	[dreg:$0x4] =	wrdreg $0xC0  }
0xab: {  	_ =	task [dreg:s6], $0x5FFFF  }
0xac: {  	[dreg:$0x1] =	wrdreg $0xFFFFFFFF  }
0xad: {  	[dreg:$0x0] =	wrdreg $0x60  }
0xae: {  	[dreg:$0x2] =	wrdreg s24  }
0xaf: {  	[dreg:$0x3] =	wrdreg $0xC0000  }
0xb0: {  	[dreg:$0x4] =	wrdreg $0x9  }
0xb1: {  	_ =	task.clear_ibuf [dreg:s6], $0x5FFFF;
	_ =	strace $0x9000004C  }
0xb2: {  	s29 =	simm.s32 $0x9;
	_ =	strace $0x8000004E  }
0xb3: {  	_ =	swait.ge [sflag:s29], $0x1  }
0xb4: {  	[sflag:s29] =	ssyncadd.s32 $0xFFFFFFFF  }
0xb5: {  	_ =	strace $0x9000004E  }
0xb6: {  	_ =	sfence  }
0xb7: {  	s30 =	sld [smem:$0x0];
	_ =	sdelay $0x2  }
0xb8: {  	s31 =	sshll.u32 s1, $0xD;
	s1 =	sshrl.u32 s1, $0x2  }
0xb9: {  	s3 =	sand.u32 $0x4000, s31;
	s1 =	sadd.s32 s1, s30  }
0xba: {  	s0 =	sor.u32 s3, s0;
	s1 =	sshll.u32 s1, $0x11  }
0xbb: {  	s0 =	sor.u32 s1, s0  }
0xbc: {  	s0 =	sadd.s32 $0x8F2B, s0  }
0xbd: {  	[sflag:s0] =	ssyncadd.remote.s32 $0x1  }
0xbe: {  	_ =	sfence.sel $0xFFFF  }
0xbf: {  	[dreg:$0x0] =	wrdreg $0xFFFFFFFF;
	(pc) =	sbr.abs _section_cstart, $3  }
0xc0: {  	[dreg:$0x1] =	wrdreg $0xFFFFFFFF  }
0xc1: {  	_ =	task.clear_ibuf [dreg:s6], $0x2FFFF;
	_ =	strace $0x9FFFFFFF  }
0xc2: {  	(tm) =	ssettm $0x7FFFFFFF  }
0xc3: {  	_ =	shalt  }
tec
execute0_lowered:
.L_overlay_start_1:
0x0: {  	(tag) =	ssettag $0x1  }
0x1: {  	s0 =	rddreg [dreg:$0x0]  }
0x2: {  	s1 =	rddreg [dreg:$0x1];
	s2 =	simm.s32 $0x0;
	s3 =	srdreg.scid  }
0x3: {  	s9 =	stileid.u32;
	s28 =	simm.s32 $0x2;
	s31 =	simm.s32 $0x3  }
0x4: {  	[smem:$0x7FF] =	sst s2;
	s3 =	sand.u32 $0x1, s3;
	s7 =	smul.u32 $0x50000, s9  }
0x5: {  	s4 =	sadd.s32 $0x1AA00, s0;
	s6 =	sadd.s32 $0x2A00, s0;
	s29 =	smul.u32 $0x2800, s9  }
0x6: {  	_ =	strace $0x8000004D;
	s5 =	smul.u32 $0x28000, s3;
	s16 =	ssub.s32 $0x2, s3  }
0x7: {  	s3 =	sshll.u32 s3, $0x4;
	s8 =	sshrl.u32 s16, $0x1;
	s7 =	sshrl.u32 s7, $0x2  }
0x8: {  	s3 =	sor.u32 s9, s3;
	s0 =	sadd.s32 s5, s0;
	s17 =	sadd.s32 s7, s1  }
0x9: {  	s8 =	ssub.s32 s16, s8;
	s10 =	sadd.s32 $0x3800, s17;
	[dreg:$0xe] =	wrdreg s17  }
0xa: {  	s18 =	smul.u32 $0x6000, s3;
	s19 =	sadd.s32 $0x7000, s17;
	[dreg:$0x3] =	wrdreg s10  }
0xb: {  	s3 =	smul.u32 $0xC00, s3;
	s20 =	sadd.s32 $0xA800, s17;
	[dreg:$0x4] =	wrdreg s19  }
0xc: {  	s16 =	simm.s32 $0x1800;
	s21 =	sadd.s32 $0xE000, s17;
	[dreg:$0x5] =	wrdreg s20  }
0xd: {  	s22 =	sadd.s32 $0x11800, s17;
	s0 =	sadd.s32 $0x41C00, s0;
	[dreg:$0x6] =	wrdreg s21  }
0xe: {  	s30 =	smax.u32 s8, $0x1;
	s17 =	simm.s32 $0x4;
	[dreg:$0x7] =	wrdreg s22  }
0xf: {  	s7 =	sshrl.u32 s18, $0x3;
	s23 =	sadd.s32 s6, s3;
	[dreg:$0xc] =	wrdreg s30  }
0x10: {  	s18 =	simm.s32 $0x70;
	s0 =	sadd.s32 s29, s0;
	[dreg:$0x8] =	wrdreg s23  }
0x11: {  	s24 =	sadd.s32 s6, s7;
	s25 =	sadd.s32 $0x300, s23;
	[dreg:$0xd] =	wrdreg s0  }
0x12: {  	s20 =	simm.s32 $0x5000;
	[dreg:$0x9] =	wrdreg s25;
	s26 =	sadd.s32 $0x600, s24  }
0x13: {  	s22 =	simm.s32 $0x8800;
	s3 =	sadd.s32 $0x900, s24;
	[dreg:$0xa] =	wrdreg s26  }
0x14: {  	v0 =	vimm.f32 $0.0e+00;
	s23 =	simm.s32 $0x1;
	s7 =	simm.s32 $0x0;
	[dreg:$0xb] =	wrdreg s3  }
.LBB2_1:
0x15: {  	s8 =	simm.s32 $0x0;
	s9 =	simm.s32 $0x200  }
.LBB2_2:
0x16: {  	p0 =	sne.s32 s9, $0xDE00;
	[tilespmem:s8+$0x1870] =	vst v0  }
0x17: {  	[tilespmem:s8+$0x1800] =	vst v0  }
0x18: {  	[tilespmem:s8+$0x1810] =	vst v0  }
.Ltmp0:
0x19: {  	[tilespmem:s8+$0x1820] =	vst v0;
	(pc) =	sbr.rel @p0 .LBB2_2-.Ltmp0, $4  }
0x1a: {  	[tilespmem:s8+$0x1830] =	vst v0  }
0x1b: {  	[tilespmem:s8+$0x1840] =	vst v0  }
0x1c: {  	[tilespmem:s8+$0x1850] =	vst v0  }
0x1d: {  	[tilespmem:s8+$0x1860] =	vst v0;
	s8 =	sshra.s32 s9, $0x2;
	s9 =	sadd.s32 $0x200, s9  }
0x1e: {  	[tilespmem:s8+$0x1870] =	vst v0  }
0x1f: {  	[tilespmem:s8+$0x1800] =	vst v0  }
0x20: {  	[tilespmem:s8+$0x1810] =	vst v0  }
0x21: {  	[tilespmem:s8+$0x1820] =	vst v0  }
0x22: {  	[tilespmem:s8+$0x1830] =	vst v0  }
0x23: {  	[tilespmem:s8+$0x1840] =	vst v0  }
0x24: {  	[tilespmem:s8+$0x1850] =	vst v0  }
0x25: {  	[tilespmem:s8+$0x1860] =	vst v0;
	s0 =	rddreg [dreg:$0xe]  }
0x26: {  	[spmem:s0] =	stream.linear.scatter [tilespmem:s16], [sflag:$0x4], $0x3800, $0x38;
	v63 =	vld [tilespmem:$0x0]  }
0x27: {  	_ =	swait.ge [sflag:s17], $0x3800  }
0x28: {  	[sflag:s17] =	ssyncset.done $0x0  }
0x29: {  	s29 =	rddreg [dreg:$0x3];
	[sflag:s17] =	ssyncadd.s32 $0xFFFFC800  }
0x2a: {  	[spmem:s29] =	stream.linear.scatter [tilespmem:s16], [sflag:$0x4], $0x3800, $0x38;
	v63 =	vld [tilespmem:$0x0]  }
0x2b: {  	_ =	swait.ge [sflag:s17], $0x3800  }
0x2c: {  	[sflag:s17] =	ssyncset.done $0x0  }
0x2d: {  	s30 =	rddreg [dreg:$0x4];
	[sflag:s17] =	ssyncadd.s32 $0xFFFFC800  }
0x2e: {  	[spmem:s30] =	stream.linear.scatter [tilespmem:s16], [sflag:$0x4], $0x3800, $0x38;
	v63 =	vld [tilespmem:$0x0]  }
0x2f: {  	_ =	swait.ge [sflag:s17], $0x3800  }
0x30: {  	[sflag:s17] =	ssyncset.done $0x0  }
0x31: {  	s0 =	rddreg [dreg:$0x5];
	[sflag:s17] =	ssyncadd.s32 $0xFFFFC800  }
0x32: {  	[spmem:s0] =	stream.linear.scatter [tilespmem:s16], [sflag:$0x4], $0x3800, $0x38;
	v63 =	vld [tilespmem:$0x0]  }
0x33: {  	_ =	swait.ge [sflag:s17], $0x3800  }
0x34: {  	[sflag:s17] =	ssyncset.done $0x0  }
0x35: {  	s2 =	rddreg [dreg:$0x6];
	[sflag:s17] =	ssyncadd.s32 $0xFFFFC800  }
0x36: {  	[spmem:s2] =	stream.linear.scatter [tilespmem:s16], [sflag:$0x4], $0x3800, $0x38;
	v63 =	vld [tilespmem:$0x0]  }
0x37: {  	_ =	swait.ge [sflag:s17], $0x3800  }
0x38: {  	[sflag:s17] =	ssyncset.done $0x0  }
0x39: {  	s3 =	rddreg [dreg:$0x7];
	[sflag:s17] =	ssyncadd.s32 $0xFFFFC800  }
0x3a: {  	[spmem:s3] =	stream.linear.scatter [tilespmem:s16], [sflag:$0x4], $0x2800, $0x38;
	v63 =	vld [tilespmem:$0x0]  }
0x3b: {  	_ =	swait.ge [sflag:s17], $0x2800  }
0x3c: {  	[sflag:s17] =	ssyncset.done $0x0  }
0x3d: {  	[sflag:s17] =	ssyncadd.s32 $0xFFFFD800  }
0x3e: {  	[bflag:$0x0] =	sbarrier.arrive $0xFFFF  }
0x3f: {  	s2 =	simm.s32 $0x0;
	s5 =	rddreg [dreg:$0x8]  }
0x40: {  	[tilespmem:s2], [sflag:$0x4] =	stream.linear.gather [hbm4b:s5+s2], $0x1800, $0x38;
	v63 =	vld [tilespmem:$0x0]  }
0x41: {  	_ =	swait.ge [sflag:s17], $0x1800  }
0x42: {  	[sflag:s17] =	ssyncset.done $0x0  }
0x43: {  	[sflag:s17] =	ssyncadd.s32 $0xFFFFE800  }
0x44: {  	[tilespmem:s16], [sflag:$0x1] =	stream.indirect.gather [hbm4b:s4+s18], $0x80, s2, s18, $0xb8;
	v63 =	vld [tilespmem:$0x0]  }
0x45: {  	s6 =	simm.s32 $0x100  }
0x46: {  	[tilespmem:s20], [sflag:$0x2] =	stream.indirect.gather [hbm4b:s4+s18], $0x80, s6, s18, $0xb8;
	v63 =	vld [tilespmem:$0x0]  }
0x47: {  	s8 =	simm.s32 $0x200  }
0x48: {  	[tilespmem:s22], [sflag:$0x3] =	stream.indirect.gather [hbm4b:s4+s18], $0x80, s8, s18, $0xb8;
	v63 =	vld [tilespmem:$0x0]  }
0x49: {  	_ =	swait.ge [sflag:s23], $0x3800  }
0x4a: {  	[sflag:s23] =	ssyncset.done $0x0  }
0x4b: {  	s9 =	simm.s32 $0x80;
	[sflag:s23] =	ssyncadd.s32 $0xFFFFC800  }
0x4c: {  	[spmem:s1] =	stream.indirect.scatter.add.f32 [tilespmem:s16], [sflag:$0x4], $0x80, s9, s18, $0xb8;
	v63 =	vld [tilespmem:$0x0]  }
0x4d: {  	_ =	swait.ge [sflag:s17], $0x3800  }
0x4e: {  	[sflag:s17] =	ssyncset.done $0x0  }
0x4f: {  	s10 =	simm.s32 $0x300;
	[sflag:s17] =	ssyncadd.s32 $0xFFFFC800  }
0x50: {  	[tilespmem:s16], [sflag:$0x1] =	stream.indirect.gather [hbm4b:s4+s18], $0x80, s10, s18, $0xb8;
	v63 =	vld [tilespmem:$0x0]  }
0x51: {  	_ =	swait.ge [sflag:s28], $0x3800  }
0x52: {  	[sflag:s28] =	ssyncset.done $0x0  }
0x53: {  	s11 =	simm.s32 $0x180;
	[sflag:s28] =	ssyncadd.s32 $0xFFFFC800  }
0x54: {  	[spmem:s1] =	stream.indirect.scatter.add.f32 [tilespmem:s20], [sflag:$0x4], $0x80, s11, s18, $0xb8;
	v63 =	vld [tilespmem:$0x0]  }
0x55: {  	_ =	swait.ge [sflag:s17], $0x3800  }
0x56: {  	[sflag:s17] =	ssyncset.done $0x0  }
0x57: {  	s12 =	simm.s32 $0x400;
	[sflag:s17] =	ssyncadd.s32 $0xFFFFC800  }
0x58: {  	[tilespmem:s20], [sflag:$0x2] =	stream.indirect.gather [hbm4b:s4+s18], $0x80, s12, s18, $0xb8;
	v63 =	vld [tilespmem:$0x0]  }
0x59: {  	_ =	swait.ge [sflag:s31], $0x3800  }
0x5a: {  	[sflag:s31] =	ssyncset.done $0x0  }
0x5b: {  	s13 =	simm.s32 $0x280;
	[sflag:s31] =	ssyncadd.s32 $0xFFFFC800  }
0x5c: {  	[spmem:s1] =	stream.indirect.scatter.add.f32 [tilespmem:s22], [sflag:$0x4], $0x80, s13, s18, $0xb8;
	v63 =	vld [tilespmem:$0x0]  }
0x5d: {  	_ =	swait.ge [sflag:s17], $0x3800  }
0x5e: {  	[sflag:s17] =	ssyncset.done $0x0  }
0x5f: {  	s14 =	simm.s32 $0x500;
	[sflag:s17] =	ssyncadd.s32 $0xFFFFC800  }
0x60: {  	[tilespmem:s22], [sflag:$0x3] =	stream.indirect.gather [hbm4b:s4+s18], $0x80, s14, s18, $0xb8;
	v63 =	vld [tilespmem:$0x0]  }
0x61: {  	_ =	swait.ge [sflag:s23], $0x3800  }
0x62: {  	[sflag:s23] =	ssyncset.done $0x0  }
0x63: {  	s15 =	simm.s32 $0x380;
	[sflag:s23] =	ssyncadd.s32 $0xFFFFC800  }
0x64: {  	[spmem:s1] =	stream.indirect.scatter.add.f32 [tilespmem:s16], [sflag:$0x4], $0x80, s15, s18, $0xb8;
	v63 =	vld [tilespmem:$0x0]  }
0x65: {  	_ =	swait.ge [sflag:s17], $0x3800  }
0x66: {  	[sflag:s17] =	ssyncset.done $0x0  }
0x67: {  	s19 =	simm.s32 $0x600;
	[sflag:s17] =	ssyncadd.s32 $0xFFFFC800  }
0x68: {  	[tilespmem:s16], [sflag:$0x1] =	stream.indirect.gather [hbm4b:s4+s18], $0x80, s19, s18, $0xb8;
	v63 =	vld [tilespmem:$0x0]  }
0x69: {  	_ =	swait.ge [sflag:s28], $0x3800  }
0x6a: {  	[sflag:s28] =	ssyncset.done $0x0  }
0x6b: {  	s21 =	simm.s32 $0x480;
	[sflag:s28] =	ssyncadd.s32 $0xFFFFC800  }
0x6c: {  	[spmem:s1] =	stream.indirect.scatter.add.f32 [tilespmem:s20], [sflag:$0x4], $0x80, s21, s18, $0xb8;
	v63 =	vld [tilespmem:$0x0]  }
0x6d: {  	_ =	swait.ge [sflag:s17], $0x3800  }
0x6e: {  	[sflag:s17] =	ssyncset.done $0x0  }
0x6f: {  	s24 =	simm.s32 $0x700;
	[sflag:s17] =	ssyncadd.s32 $0xFFFFC800  }
0x70: {  	[tilespmem:s20], [sflag:$0x2] =	stream.indirect.gather [hbm4b:s4+s18], $0x80, s24, s18, $0xb8;
	v63 =	vld [tilespmem:$0x0]  }
0x71: {  	_ =	swait.ge [sflag:s31], $0x3800  }
0x72: {  	[sflag:s31] =	ssyncset.done $0x0  }
0x73: {  	s25 =	simm.s32 $0x580;
	[sflag:s31] =	ssyncadd.s32 $0xFFFFC800  }
0x74: {  	[spmem:s1] =	stream.indirect.scatter.add.f32 [tilespmem:s22], [sflag:$0x4], $0x80, s25, s18, $0xb8;
	v63 =	vld [tilespmem:$0x0]  }
0x75: {  	_ =	swait.ge [sflag:s17], $0x3800  }
0x76: {  	[sflag:s17] =	ssyncset.done $0x0  }
0x77: {  	s26 =	simm.s32 $0x800;
	[sflag:s17] =	ssyncadd.s32 $0xFFFFC800  }
0x78: {  	[tilespmem:s22], [sflag:$0x3] =	stream.indirect.gather [hbm4b:s4+s18], $0x80, s26, s18, $0xb8;
	v63 =	vld [tilespmem:$0x0]  }
0x79: {  	_ =	swait.ge [sflag:s23], $0x3800  }
0x7a: {  	[sflag:s23] =	ssyncset.done $0x0  }
0x7b: {  	s29 =	simm.s32 $0x680;
	[sflag:s23] =	ssyncadd.s32 $0xFFFFC800  }
0x7c: {  	[spmem:s1] =	stream.indirect.scatter.add.f32 [tilespmem:s16], [sflag:$0x4], $0x80, s29, s18, $0xb8;
	v63 =	vld [tilespmem:$0x0]  }
0x7d: {  	_ =	swait.ge [sflag:s17], $0x3800  }
0x7e: {  	[sflag:s17] =	ssyncset.done $0x0  }
0x7f: {  	s30 =	simm.s32 $0x900;
	[sflag:s17] =	ssyncadd.s32 $0xFFFFC800  }
0x80: {  	[tilespmem:s16], [sflag:$0x1] =	stream.indirect.gather [hbm4b:s4+s18], $0x80, s30, s18, $0xb8;
	v63 =	vld [tilespmem:$0x0]  }
0x81: {  	_ =	swait.ge [sflag:s28], $0x3800  }
0x82: {  	[sflag:s28] =	ssyncset.done $0x0  }
0x83: {  	s8 =	simm.s32 $0x780;
	[sflag:s28] =	ssyncadd.s32 $0xFFFFC800  }
0x84: {  	[spmem:s1] =	stream.indirect.scatter.add.f32 [tilespmem:s20], [sflag:$0x4], $0x80, s8, s18, $0xb8;
	v63 =	vld [tilespmem:$0x0]  }
0x85: {  	_ =	swait.ge [sflag:s17], $0x3800  }
0x86: {  	[sflag:s17] =	ssyncset.done $0x0  }
0x87: {  	s9 =	simm.s32 $0xA00;
	[sflag:s17] =	ssyncadd.s32 $0xFFFFC800  }
0x88: {  	[tilespmem:s20], [sflag:$0x2] =	stream.indirect.gather [hbm4b:s4+s18], $0x80, s9, s18, $0xb8;
	v63 =	vld [tilespmem:$0x0]  }
0x89: {  	_ =	swait.ge [sflag:s31], $0x3800  }
0x8a: {  	[sflag:s31] =	ssyncset.done $0x0  }
0x8b: {  	s10 =	simm.s32 $0x880;
	[sflag:s31] =	ssyncadd.s32 $0xFFFFC800  }
0x8c: {  	[spmem:s1] =	stream.indirect.scatter.add.f32 [tilespmem:s22], [sflag:$0x4], $0x80, s10, s18, $0xb8;
	v63 =	vld [tilespmem:$0x0]  }
0x8d: {  	_ =	swait.ge [sflag:s17], $0x3800  }
0x8e: {  	[sflag:s17] =	ssyncset.done $0x0  }
0x8f: {  	s11 =	simm.s32 $0xB00;
	[sflag:s17] =	ssyncadd.s32 $0xFFFFC800  }
0x90: {  	[tilespmem:s22], [sflag:$0x3] =	stream.indirect.gather [hbm4b:s4+s18], $0x80, s11, s18, $0xb8;
	v63 =	vld [tilespmem:$0x0]  }
0x91: {  	_ =	swait.ge [sflag:s23], $0x3800  }
0x92: {  	[sflag:s23] =	ssyncset.done $0x0  }
0x93: {  	s13 =	simm.s32 $0x980;
	[sflag:s23] =	ssyncadd.s32 $0xFFFFC800  }
0x94: {  	[spmem:s1] =	stream.indirect.scatter.add.f32 [tilespmem:s16], [sflag:$0x4], $0x80, s13, s18, $0xb8;
	v63 =	vld [tilespmem:$0x0]  }
0x95: {  	_ =	swait.ge [sflag:s17], $0x3800  }
0x96: {  	[sflag:s17] =	ssyncset.done $0x0  }
0x97: {  	s14 =	simm.s32 $0xC00;
	[sflag:s17] =	ssyncadd.s32 $0xFFFFC800  }
0x98: {  	[tilespmem:s16], [sflag:$0x1] =	stream.indirect.gather [hbm4b:s4+s18], $0x80, s14, s18, $0xb8;
	v63 =	vld [tilespmem:$0x0]  }
0x99: {  	_ =	swait.ge [sflag:s28], $0x3800  }
0x9a: {  	[sflag:s28] =	ssyncset.done $0x0  }
0x9b: {  	s15 =	simm.s32 $0xA80;
	[sflag:s28] =	ssyncadd.s32 $0xFFFFC800  }
0x9c: {  	[spmem:s1] =	stream.indirect.scatter.add.f32 [tilespmem:s20], [sflag:$0x4], $0x80, s15, s18, $0xb8;
	v63 =	vld [tilespmem:$0x0]  }
0x9d: {  	_ =	swait.ge [sflag:s17], $0x3800  }
0x9e: {  	[sflag:s17] =	ssyncset.done $0x0  }
0x9f: {  	s19 =	simm.s32 $0xD00;
	[sflag:s17] =	ssyncadd.s32 $0xFFFFC800  }
0xa0: {  	[tilespmem:s20], [sflag:$0x2] =	stream.indirect.gather [hbm4b:s4+s18], $0x80, s19, s18, $0xb8;
	v63 =	vld [tilespmem:$0x0]  }
0xa1: {  	_ =	swait.ge [sflag:s31], $0x3800  }
0xa2: {  	[sflag:s31] =	ssyncset.done $0x0  }
0xa3: {  	s21 =	simm.s32 $0xB80;
	[sflag:s31] =	ssyncadd.s32 $0xFFFFC800  }
0xa4: {  	[spmem:s1] =	stream.indirect.scatter.add.f32 [tilespmem:s22], [sflag:$0x4], $0x80, s21, s18, $0xb8;
	v63 =	vld [tilespmem:$0x0]  }
0xa5: {  	_ =	swait.ge [sflag:s17], $0x3800  }
0xa6: {  	[sflag:s17] =	ssyncset.done $0x0  }
0xa7: {  	s24 =	simm.s32 $0xE00;
	[sflag:s17] =	ssyncadd.s32 $0xFFFFC800  }
0xa8: {  	[tilespmem:s22], [sflag:$0x3] =	stream.indirect.gather [hbm4b:s4+s18], $0x80, s24, s18, $0xb8;
	v63 =	vld [tilespmem:$0x0]  }
0xa9: {  	_ =	swait.ge [sflag:s23], $0x3800  }
0xaa: {  	[sflag:s23] =	ssyncset.done $0x0  }
0xab: {  	s25 =	simm.s32 $0xC80;
	[sflag:s23] =	ssyncadd.s32 $0xFFFFC800  }
0xac: {  	[spmem:s1] =	stream.indirect.scatter.add.f32 [tilespmem:s16], [sflag:$0x4], $0x80, s25, s18, $0xb8;
	v63 =	vld [tilespmem:$0x0]  }
0xad: {  	_ =	swait.ge [sflag:s17], $0x3800  }
0xae: {  	[sflag:s17] =	ssyncset.done $0x0  }
0xaf: {  	s26 =	simm.s32 $0xF00;
	[sflag:s17] =	ssyncadd.s32 $0xFFFFC800  }
0xb0: {  	[tilespmem:s16], [sflag:$0x1] =	stream.indirect.gather [hbm4b:s4+s18], $0x80, s26, s18, $0xb8;
	v63 =	vld [tilespmem:$0x0]  }
0xb1: {  	_ =	swait.ge [sflag:s28], $0x3800  }
0xb2: {  	[sflag:s28] =	ssyncset.done $0x0  }
0xb3: {  	s29 =	simm.s32 $0xD80;
	[sflag:s28] =	ssyncadd.s32 $0xFFFFC800  }
0xb4: {  	[spmem:s1] =	stream.indirect.scatter.add.f32 [tilespmem:s20], [sflag:$0x4], $0x80, s29, s18, $0xb8;
	v63 =	vld [tilespmem:$0x0]  }
0xb5: {  	_ =	swait.ge [sflag:s17], $0x3800  }
0xb6: {  	[sflag:s17] =	ssyncset.done $0x0  }
0xb7: {  	s30 =	simm.s32 $0x1000;
	[sflag:s17] =	ssyncadd.s32 $0xFFFFC800  }
0xb8: {  	[tilespmem:s20], [sflag:$0x2] =	stream.indirect.gather [hbm4b:s4+s18], $0x80, s30, s18, $0xb8;
	v63 =	vld [tilespmem:$0x0]  }
0xb9: {  	_ =	swait.ge [sflag:s31], $0x3800  }
0xba: {  	[sflag:s31] =	ssyncset.done $0x0  }
0xbb: {  	s0 =	simm.s32 $0xE80;
	[sflag:s31] =	ssyncadd.s32 $0xFFFFC800  }
0xbc: {  	[spmem:s1] =	stream.indirect.scatter.add.f32 [tilespmem:s22], [sflag:$0x4], $0x80, s0, s18, $0xb8;
	v63 =	vld [tilespmem:$0x0]  }
0xbd: {  	_ =	swait.ge [sflag:s17], $0x3800  }
0xbe: {  	[sflag:s17] =	ssyncset.done $0x0  }
0xbf: {  	s9 =	simm.s32 $0x1100;
	[sflag:s17] =	ssyncadd.s32 $0xFFFFC800  }
0xc0: {  	[tilespmem:s22], [sflag:$0x3] =	stream.indirect.gather [hbm4b:s4+s18], $0x80, s9, s18, $0xb8;
	v63 =	vld [tilespmem:$0x0]  }
0xc1: {  	_ =	swait.ge [sflag:s23], $0x3800  }
0xc2: {  	[sflag:s23] =	ssyncset.done $0x0  }
0xc3: {  	s10 =	simm.s32 $0xF80;
	[sflag:s23] =	ssyncadd.s32 $0xFFFFC800  }
0xc4: {  	[spmem:s1] =	stream.indirect.scatter.add.f32 [tilespmem:s16], [sflag:$0x4], $0x80, s10, s18, $0xb8;
	v63 =	vld [tilespmem:$0x0]  }
0xc5: {  	_ =	swait.ge [sflag:s17], $0x3800  }
0xc6: {  	[sflag:s17] =	ssyncset.done $0x0  }
0xc7: {  	s11 =	simm.s32 $0x1200;
	[sflag:s17] =	ssyncadd.s32 $0xFFFFC800  }
0xc8: {  	[tilespmem:s16], [sflag:$0x1] =	stream.indirect.gather [hbm4b:s4+s18], $0x80, s11, s18, $0xb8;
	v63 =	vld [tilespmem:$0x0]  }
0xc9: {  	_ =	swait.ge [sflag:s28], $0x3800  }
0xca: {  	[sflag:s28] =	ssyncset.done $0x0  }
0xcb: {  	s13 =	simm.s32 $0x1080;
	[sflag:s28] =	ssyncadd.s32 $0xFFFFC800  }
0xcc: {  	[spmem:s1] =	stream.indirect.scatter.add.f32 [tilespmem:s20], [sflag:$0x4], $0x80, s13, s18, $0xb8;
	v63 =	vld [tilespmem:$0x0]  }
0xcd: {  	_ =	swait.ge [sflag:s17], $0x3800  }
0xce: {  	[sflag:s17] =	ssyncset.done $0x0  }
0xcf: {  	s14 =	simm.s32 $0x1300;
	[sflag:s17] =	ssyncadd.s32 $0xFFFFC800  }
0xd0: {  	[tilespmem:s20], [sflag:$0x2] =	stream.indirect.gather [hbm4b:s4+s18], $0x80, s14, s18, $0xb8;
	v63 =	vld [tilespmem:$0x0]  }
0xd1: {  	_ =	swait.ge [sflag:s31], $0x3800  }
0xd2: {  	[sflag:s31] =	ssyncset.done $0x0  }
0xd3: {  	s15 =	simm.s32 $0x1180;
	[sflag:s31] =	ssyncadd.s32 $0xFFFFC800  }
0xd4: {  	[spmem:s1] =	stream.indirect.scatter.add.f32 [tilespmem:s22], [sflag:$0x4], $0x80, s15, s18, $0xb8;
	v63 =	vld [tilespmem:$0x0]  }
0xd5: {  	_ =	swait.ge [sflag:s17], $0x3800  }
0xd6: {  	[sflag:s17] =	ssyncset.done $0x0  }
0xd7: {  	s19 =	simm.s32 $0x1400;
	[sflag:s17] =	ssyncadd.s32 $0xFFFFC800  }
0xd8: {  	[tilespmem:s22], [sflag:$0x3] =	stream.indirect.gather [hbm4b:s4+s18], $0x80, s19, s18, $0xb8;
	v63 =	vld [tilespmem:$0x0]  }
0xd9: {  	_ =	swait.ge [sflag:s23], $0x3800  }
0xda: {  	[sflag:s23] =	ssyncset.done $0x0  }
0xdb: {  	s21 =	simm.s32 $0x1280;
	[sflag:s23] =	ssyncadd.s32 $0xFFFFC800  }
0xdc: {  	[spmem:s1] =	stream.indirect.scatter.add.f32 [tilespmem:s16], [sflag:$0x4], $0x80, s21, s18, $0xb8;
	v63 =	vld [tilespmem:$0x0]  }
0xdd: {  	_ =	swait.ge [sflag:s17], $0x3800  }
0xde: {  	[sflag:s17] =	ssyncset.done $0x0  }
0xdf: {  	s0 =	simm.s32 $0x1500;
	[sflag:s17] =	ssyncadd.s32 $0xFFFFC800  }
0xe0: {  	[tilespmem:s16], [sflag:$0x1] =	stream.indirect.gather [hbm4b:s4+s18], $0x80, s0, s18, $0xb8;
	v63 =	vld [tilespmem:$0x0]  }
0xe1: {  	_ =	swait.ge [sflag:s28], $0x3800  }
0xe2: {  	[sflag:s28] =	ssyncset.done $0x0  }
0xe3: {  	s9 =	simm.s32 $0x1380;
	[sflag:s28] =	ssyncadd.s32 $0xFFFFC800  }
0xe4: {  	[spmem:s1] =	stream.indirect.scatter.add.f32 [tilespmem:s20], [sflag:$0x4], $0x80, s9, s18, $0xb8;
	v63 =	vld [tilespmem:$0x0]  }
0xe5: {  	_ =	swait.ge [sflag:s17], $0x3800  }
0xe6: {  	[sflag:s17] =	ssyncset.done $0x0  }
0xe7: {  	s10 =	simm.s32 $0x1600;
	[sflag:s17] =	ssyncadd.s32 $0xFFFFC800  }
0xe8: {  	[tilespmem:s20], [sflag:$0x2] =	stream.indirect.gather [hbm4b:s4+s18], $0x80, s10, s18, $0xb8;
	v63 =	vld [tilespmem:$0x0]  }
0xe9: {  	_ =	swait.ge [sflag:s31], $0x3800  }
0xea: {  	[sflag:s31] =	ssyncset.done $0x0  }
0xeb: {  	s11 =	simm.s32 $0x1480;
	[sflag:s31] =	ssyncadd.s32 $0xFFFFC800  }
0xec: {  	[spmem:s1] =	stream.indirect.scatter.add.f32 [tilespmem:s22], [sflag:$0x4], $0x80, s11, s18, $0xb8;
	v63 =	vld [tilespmem:$0x0]  }
0xed: {  	_ =	swait.ge [sflag:s17], $0x3800  }
0xee: {  	[sflag:s17] =	ssyncset.done $0x0  }
0xef: {  	s13 =	simm.s32 $0x1700;
	[sflag:s17] =	ssyncadd.s32 $0xFFFFC800  }
0xf0: {  	[tilespmem:s22], [sflag:$0x3] =	stream.indirect.gather [hbm4b:s4+s18], $0x80, s13, s18, $0xb8;
	v63 =	vld [tilespmem:$0x0]  }
0xf1: {  	_ =	swait.ge [sflag:s23], $0x3800  }
0xf2: {  	[sflag:s23] =	ssyncset.done $0x0  }
0xf3: {  	s14 =	simm.s32 $0x1580;
	[sflag:s23] =	ssyncadd.s32 $0xFFFFC800  }
0xf4: {  	[spmem:s1] =	stream.indirect.scatter.add.f32 [tilespmem:s16], [sflag:$0x4], $0x80, s14, s18, $0xb8;
	v63 =	vld [tilespmem:$0x0]  }
0xf5: {  	_ =	swait.ge [sflag:s17], $0x3800  }
0xf6: {  	[sflag:s17] =	ssyncset.done $0x0  }
0xf7: {  	[sflag:s17] =	ssyncadd.s32 $0xFFFFC800  }
0xf8: {  	_ =	swait.ge [sflag:s28], $0x3800  }
0xf9: {  	[sflag:s28] =	ssyncset.done $0x0  }
0xfa: {  	s15 =	simm.s32 $0x1680;
	[sflag:s28] =	ssyncadd.s32 $0xFFFFC800  }
0xfb: {  	[spmem:s1] =	stream.indirect.scatter.add.f32 [tilespmem:s20], [sflag:$0x4], $0x80, s15, s18, $0xb8;
	v63 =	vld [tilespmem:$0x0]  }
0xfc: {  	_ =	swait.ge [sflag:s17], $0x3800  }
0xfd: {  	[sflag:s17] =	ssyncset.done $0x0  }
0xfe: {  	[sflag:s17] =	ssyncadd.s32 $0xFFFFC800  }
0xff: {  	_ =	swait.ge [sflag:s31], $0x3800  }
0x100: {  	[sflag:s31] =	ssyncset.done $0x0  }
0x101: {  	s19 =	simm.s32 $0x1780;
	[sflag:s31] =	ssyncadd.s32 $0xFFFFC800  }
0x102: {  	[spmem:s1] =	stream.indirect.scatter.add.f32 [tilespmem:s22], [sflag:$0x4], $0x80, s19, s18, $0xb8;
	v63 =	vld [tilespmem:$0x0]  }
0x103: {  	_ =	swait.ge [sflag:s17], $0x3800  }
0x104: {  	[sflag:s17] =	ssyncset.done $0x0  }
0x105: {  	s21 =	rddreg [dreg:$0x9];
	[sflag:s17] =	ssyncadd.s32 $0xFFFFC800  }
0x106: {  	[tilespmem:s2], [sflag:$0x4] =	stream.linear.gather [hbm4b:s21+s2], $0x1800, $0x38;
	v63 =	vld [tilespmem:$0x0]  }
0x107: {  	_ =	swait.ge [sflag:s17], $0x1800  }
0x108: {  	[sflag:s17] =	ssyncset.done $0x0  }
0x109: {  	[sflag:s17] =	ssyncadd.s32 $0xFFFFE800  }
0x10a: {  	[tilespmem:s16], [sflag:$0x1] =	stream.indirect.gather [hbm4b:s4+s18], $0x80, s2, s18, $0xb8;
	v63 =	vld [tilespmem:$0x0]  }
0x10b: {  	s11 =	simm.s32 $0x100  }
0x10c: {  	[tilespmem:s20], [sflag:$0x2] =	stream.indirect.gather [hbm4b:s4+s18], $0x80, s11, s18, $0xb8;
	v63 =	vld [tilespmem:$0x0]  }
0x10d: {  	s5 =	simm.s32 $0x200  }
0x10e: {  	[tilespmem:s22], [sflag:$0x3] =	stream.indirect.gather [hbm4b:s4+s18], $0x80, s5, s18, $0xb8;
	v63 =	vld [tilespmem:$0x0]  }
0x10f: {  	_ =	swait.ge [sflag:s23], $0x3800  }
0x110: {  	[sflag:s23] =	ssyncset.done $0x0  }
0x111: {  	s3 =	simm.s32 $0x80;
	[sflag:s23] =	ssyncadd.s32 $0xFFFFC800  }
0x112: {  	[spmem:s1] =	stream.indirect.scatter.add.f32 [tilespmem:s16], [sflag:$0x4], $0x80, s3, s18, $0xb8;
	v63 =	vld [tilespmem:$0x0]  }
0x113: {  	_ =	swait.ge [sflag:s17], $0x3800  }
0x114: {  	[sflag:s17] =	ssyncset.done $0x0  }
0x115: {  	s6 =	simm.s32 $0x300;
	[sflag:s17] =	ssyncadd.s32 $0xFFFFC800  }
0x116: {  	[tilespmem:s16], [sflag:$0x1] =	stream.indirect.gather [hbm4b:s4+s18], $0x80, s6, s18, $0xb8;
	v63 =	vld [tilespmem:$0x0]  }
0x117: {  	_ =	swait.ge [sflag:s28], $0x3800  }
0x118: {  	[sflag:s28] =	ssyncset.done $0x0  }
0x119: {  	s9 =	simm.s32 $0x180;
	[sflag:s28] =	ssyncadd.s32 $0xFFFFC800  }
0x11a: {  	[spmem:s1] =	stream.indirect.scatter.add.f32 [tilespmem:s20], [sflag:$0x4], $0x80, s9, s18, $0xb8;
	v63 =	vld [tilespmem:$0x0]  }
0x11b: {  	_ =	swait.ge [sflag:s17], $0x3800  }
0x11c: {  	[sflag:s17] =	ssyncset.done $0x0  }
0x11d: {  	s10 =	simm.s32 $0x400;
	[sflag:s17] =	ssyncadd.s32 $0xFFFFC800  }
0x11e: {  	[tilespmem:s20], [sflag:$0x2] =	stream.indirect.gather [hbm4b:s4+s18], $0x80, s10, s18, $0xb8;
	v63 =	vld [tilespmem:$0x0]  }
0x11f: {  	_ =	swait.ge [sflag:s31], $0x3800  }
0x120: {  	[sflag:s31] =	ssyncset.done $0x0  }
0x121: {  	s12 =	simm.s32 $0x280;
	[sflag:s31] =	ssyncadd.s32 $0xFFFFC800  }
0x122: {  	[spmem:s1] =	stream.indirect.scatter.add.f32 [tilespmem:s22], [sflag:$0x4], $0x80, s12, s18, $0xb8;
	v63 =	vld [tilespmem:$0x0]  }
0x123: {  	_ =	swait.ge [sflag:s17], $0x3800  }
0x124: {  	[sflag:s17] =	ssyncset.done $0x0  }
0x125: {  	s3 =	simm.s32 $0x500;
	[sflag:s17] =	ssyncadd.s32 $0xFFFFC800  }
0x126: {  	[tilespmem:s22], [sflag:$0x3] =	stream.indirect.gather [hbm4b:s4+s18], $0x80, s3, s18, $0xb8;
	v63 =	vld [tilespmem:$0x0]  }
0x127: {  	_ =	swait.ge [sflag:s23], $0x3800  }
0x128: {  	[sflag:s23] =	ssyncset.done $0x0  }
0x129: {  	s12 =	simm.s32 $0x380;
	[sflag:s23] =	ssyncadd.s32 $0xFFFFC800  }
0x12a: {  	[spmem:s1] =	stream.indirect.scatter.add.f32 [tilespmem:s16], [sflag:$0x4], $0x80, s12, s18, $0xb8;
	v63 =	vld [tilespmem:$0x0]  }
0x12b: {  	_ =	swait.ge [sflag:s17], $0x3800  }
0x12c: {  	[sflag:s17] =	ssyncset.done $0x0  }
0x12d: {  	s13 =	simm.s32 $0x600;
	[sflag:s17] =	ssyncadd.s32 $0xFFFFC800  }
0x12e: {  	[tilespmem:s16], [sflag:$0x1] =	stream.indirect.gather [hbm4b:s4+s18], $0x80, s13, s18, $0xb8;
	v63 =	vld [tilespmem:$0x0]  }
0x12f: {  	_ =	swait.ge [sflag:s28], $0x3800  }
0x130: {  	[sflag:s28] =	ssyncset.done $0x0  }
0x131: {  	s14 =	simm.s32 $0x480;
	[sflag:s28] =	ssyncadd.s32 $0xFFFFC800  }
0x132: {  	[spmem:s1] =	stream.indirect.scatter.add.f32 [tilespmem:s20], [sflag:$0x4], $0x80, s14, s18, $0xb8;
	v63 =	vld [tilespmem:$0x0]  }
0x133: {  	_ =	swait.ge [sflag:s17], $0x3800  }
0x134: {  	[sflag:s17] =	ssyncset.done $0x0  }
0x135: {  	s15 =	simm.s32 $0x700;
	[sflag:s17] =	ssyncadd.s32 $0xFFFFC800  }
0x136: {  	[tilespmem:s20], [sflag:$0x2] =	stream.indirect.gather [hbm4b:s4+s18], $0x80, s15, s18, $0xb8;
	v63 =	vld [tilespmem:$0x0]  }
0x137: {  	_ =	swait.ge [sflag:s31], $0x3800  }
0x138: {  	[sflag:s31] =	ssyncset.done $0x0  }
0x139: {  	s19 =	simm.s32 $0x580;
	[sflag:s31] =	ssyncadd.s32 $0xFFFFC800  }
0x13a: {  	[spmem:s1] =	stream.indirect.scatter.add.f32 [tilespmem:s22], [sflag:$0x4], $0x80, s19, s18, $0xb8;
	v63 =	vld [tilespmem:$0x0]  }
0x13b: {  	_ =	swait.ge [sflag:s17], $0x3800  }
0x13c: {  	[sflag:s17] =	ssyncset.done $0x0  }
0x13d: {  	s21 =	simm.s32 $0x800;
	[sflag:s17] =	ssyncadd.s32 $0xFFFFC800  }
0x13e: {  	[tilespmem:s22], [sflag:$0x3] =	stream.indirect.gather [hbm4b:s4+s18], $0x80, s21, s18, $0xb8;
	v63 =	vld [tilespmem:$0x0]  }
0x13f: {  	_ =	swait.ge [sflag:s23], $0x3800  }
0x140: {  	[sflag:s23] =	ssyncset.done $0x0  }
0x141: {  	s0 =	simm.s32 $0x680;
	[sflag:s23] =	ssyncadd.s32 $0xFFFFC800  }
0x142: {  	[spmem:s1] =	stream.indirect.scatter.add.f32 [tilespmem:s16], [sflag:$0x4], $0x80, s0, s18, $0xb8;
	v63 =	vld [tilespmem:$0x0]  }
0x143: {  	_ =	swait.ge [sflag:s17], $0x3800  }
0x144: {  	[sflag:s17] =	ssyncset.done $0x0  }
0x145: {  	s5 =	simm.s32 $0x900;
	[sflag:s17] =	ssyncadd.s32 $0xFFFFC800  }
0x146: {  	[tilespmem:s16], [sflag:$0x1] =	stream.indirect.gather [hbm4b:s4+s18], $0x80, s5, s18, $0xb8;
	v63 =	vld [tilespmem:$0x0]  }
0x147: {  	_ =	swait.ge [sflag:s28], $0x3800  }
0x148: {  	[sflag:s28] =	ssyncset.done $0x0  }
0x149: {  	s6 =	simm.s32 $0x780;
	[sflag:s28] =	ssyncadd.s32 $0xFFFFC800  }
0x14a: {  	[spmem:s1] =	stream.indirect.scatter.add.f32 [tilespmem:s20], [sflag:$0x4], $0x80, s6, s18, $0xb8;
	v63 =	vld [tilespmem:$0x0]  }
0x14b: {  	_ =	swait.ge [sflag:s17], $0x3800  }
0x14c: {  	[sflag:s17] =	ssyncset.done $0x0  }
0x14d: {  	s8 =	simm.s32 $0xA00;
	[sflag:s17] =	ssyncadd.s32 $0xFFFFC800  }
0x14e: {  	[tilespmem:s20], [sflag:$0x2] =	stream.indirect.gather [hbm4b:s4+s18], $0x80, s8, s18, $0xb8;
	v63 =	vld [tilespmem:$0x0]  }
0x14f: {  	_ =	swait.ge [sflag:s31], $0x3800  }
0x150: {  	[sflag:s31] =	ssyncset.done $0x0  }
0x151: {  	s8 =	simm.s32 $0x880;
	[sflag:s31] =	ssyncadd.s32 $0xFFFFC800  }
0x152: {  	[spmem:s1] =	stream.indirect.scatter.add.f32 [tilespmem:s22], [sflag:$0x4], $0x80, s8, s18, $0xb8;
	v63 =	vld [tilespmem:$0x0]  }
0x153: {  	_ =	swait.ge [sflag:s17], $0x3800  }
0x154: {  	[sflag:s17] =	ssyncset.done $0x0  }
0x155: {  	s8 =	simm.s32 $0xB00;
	[sflag:s17] =	ssyncadd.s32 $0xFFFFC800  }
0x156: {  	[tilespmem:s22], [sflag:$0x3] =	stream.indirect.gather [hbm4b:s4+s18], $0x80, s8, s18, $0xb8;
	v63 =	vld [tilespmem:$0x0]  }
0x157: {  	_ =	swait.ge [sflag:s23], $0x3800  }
0x158: {  	[sflag:s23] =	ssyncset.done $0x0  }
0x159: {  	s8 =	simm.s32 $0x980;
	[sflag:s23] =	ssyncadd.s32 $0xFFFFC800  }
0x15a: {  	[spmem:s1] =	stream.indirect.scatter.add.f32 [tilespmem:s16], [sflag:$0x4], $0x80, s8, s18, $0xb8;
	v63 =	vld [tilespmem:$0x0]  }
0x15b: {  	_ =	swait.ge [sflag:s17], $0x3800  }
0x15c: {  	[sflag:s17] =	ssyncset.done $0x0  }
0x15d: {  	s8 =	simm.s32 $0xC00;
	[sflag:s17] =	ssyncadd.s32 $0xFFFFC800  }
0x15e: {  	[tilespmem:s16], [sflag:$0x1] =	stream.indirect.gather [hbm4b:s4+s18], $0x80, s8, s18, $0xb8;
	v63 =	vld [tilespmem:$0x0]  }
0x15f: {  	_ =	swait.ge [sflag:s28], $0x3800  }
0x160: {  	[sflag:s28] =	ssyncset.done $0x0  }
0x161: {  	s8 =	simm.s32 $0xA80;
	[sflag:s28] =	ssyncadd.s32 $0xFFFFC800  }
0x162: {  	[spmem:s1] =	stream.indirect.scatter.add.f32 [tilespmem:s20], [sflag:$0x4], $0x80, s8, s18, $0xb8;
	v63 =	vld [tilespmem:$0x0]  }
0x163: {  	_ =	swait.ge [sflag:s17], $0x3800  }
0x164: {  	[sflag:s17] =	ssyncset.done $0x0  }
0x165: {  	s8 =	simm.s32 $0xD00;
	[sflag:s17] =	ssyncadd.s32 $0xFFFFC800  }
0x166: {  	[tilespmem:s20], [sflag:$0x2] =	stream.indirect.gather [hbm4b:s4+s18], $0x80, s8, s18, $0xb8;
	v63 =	vld [tilespmem:$0x0]  }
0x167: {  	_ =	swait.ge [sflag:s31], $0x3800  }
0x168: {  	[sflag:s31] =	ssyncset.done $0x0  }
0x169: {  	s8 =	simm.s32 $0xB80;
	[sflag:s31] =	ssyncadd.s32 $0xFFFFC800  }
0x16a: {  	[spmem:s1] =	stream.indirect.scatter.add.f32 [tilespmem:s22], [sflag:$0x4], $0x80, s8, s18, $0xb8;
	v63 =	vld [tilespmem:$0x0]  }
0x16b: {  	_ =	swait.ge [sflag:s17], $0x3800  }
0x16c: {  	[sflag:s17] =	ssyncset.done $0x0  }
0x16d: {  	s8 =	simm.s32 $0xE00;
	[sflag:s17] =	ssyncadd.s32 $0xFFFFC800  }
0x16e: {  	[tilespmem:s22], [sflag:$0x3] =	stream.indirect.gather [hbm4b:s4+s18], $0x80, s8, s18, $0xb8;
	v63 =	vld [tilespmem:$0x0]  }
0x16f: {  	_ =	swait.ge [sflag:s23], $0x3800  }
0x170: {  	[sflag:s23] =	ssyncset.done $0x0  }
0x171: {  	s8 =	simm.s32 $0xC80;
	[sflag:s23] =	ssyncadd.s32 $0xFFFFC800  }
0x172: {  	[spmem:s1] =	stream.indirect.scatter.add.f32 [tilespmem:s16], [sflag:$0x4], $0x80, s8, s18, $0xb8;
	v63 =	vld [tilespmem:$0x0]  }
0x173: {  	_ =	swait.ge [sflag:s17], $0x3800  }
0x174: {  	[sflag:s17] =	ssyncset.done $0x0  }
0x175: {  	s8 =	simm.s32 $0xF00;
	[sflag:s17] =	ssyncadd.s32 $0xFFFFC800  }
0x176: {  	[tilespmem:s16], [sflag:$0x1] =	stream.indirect.gather [hbm4b:s4+s18], $0x80, s8, s18, $0xb8;
	v63 =	vld [tilespmem:$0x0]  }
0x177: {  	_ =	swait.ge [sflag:s28], $0x3800  }
0x178: {  	[sflag:s28] =	ssyncset.done $0x0  }
0x179: {  	s8 =	simm.s32 $0xD80;
	[sflag:s28] =	ssyncadd.s32 $0xFFFFC800  }
0x17a: {  	[spmem:s1] =	stream.indirect.scatter.add.f32 [tilespmem:s20], [sflag:$0x4], $0x80, s8, s18, $0xb8;
	v63 =	vld [tilespmem:$0x0]  }
0x17b: {  	_ =	swait.ge [sflag:s17], $0x3800  }
0x17c: {  	[sflag:s17] =	ssyncset.done $0x0  }
0x17d: {  	s8 =	simm.s32 $0x1000;
	[sflag:s17] =	ssyncadd.s32 $0xFFFFC800  }
0x17e: {  	[tilespmem:s20], [sflag:$0x2] =	stream.indirect.gather [hbm4b:s4+s18], $0x80, s8, s18, $0xb8;
	v63 =	vld [tilespmem:$0x0]  }
0x17f: {  	_ =	swait.ge [sflag:s31], $0x3800  }
0x180: {  	[sflag:s31] =	ssyncset.done $0x0  }
0x181: {  	s8 =	simm.s32 $0xE80;
	[sflag:s31] =	ssyncadd.s32 $0xFFFFC800  }
0x182: {  	[spmem:s1] =	stream.indirect.scatter.add.f32 [tilespmem:s22], [sflag:$0x4], $0x80, s8, s18, $0xb8;
	v63 =	vld [tilespmem:$0x0]  }
0x183: {  	_ =	swait.ge [sflag:s17], $0x3800  }
0x184: {  	[sflag:s17] =	ssyncset.done $0x0  }
0x185: {  	s24 =	simm.s32 $0x1100;
	[sflag:s17] =	ssyncadd.s32 $0xFFFFC800  }
0x186: {  	[tilespmem:s22], [sflag:$0x3] =	stream.indirect.gather [hbm4b:s4+s18], $0x80, s24, s18, $0xb8;
	v63 =	vld [tilespmem:$0x0]  }
0x187: {  	_ =	swait.ge [sflag:s23], $0x3800  }
0x188: {  	[sflag:s23] =	ssyncset.done $0x0  }
0x189: {  	s25 =	simm.s32 $0xF80;
	[sflag:s23] =	ssyncadd.s32 $0xFFFFC800  }
0x18a: {  	[spmem:s1] =	stream.indirect.scatter.add.f32 [tilespmem:s16], [sflag:$0x4], $0x80, s25, s18, $0xb8;
	v63 =	vld [tilespmem:$0x0]  }
0x18b: {  	_ =	swait.ge [sflag:s17], $0x3800  }
0x18c: {  	[sflag:s17] =	ssyncset.done $0x0  }
0x18d: {  	s26 =	simm.s32 $0x1200;
	[sflag:s17] =	ssyncadd.s32 $0xFFFFC800  }
0x18e: {  	[tilespmem:s16], [sflag:$0x1] =	stream.indirect.gather [hbm4b:s4+s18], $0x80, s26, s18, $0xb8;
	v63 =	vld [tilespmem:$0x0]  }
0x18f: {  	_ =	swait.ge [sflag:s28], $0x3800  }
0x190: {  	[sflag:s28] =	ssyncset.done $0x0  }
0x191: {  	s29 =	simm.s32 $0x1080;
	[sflag:s28] =	ssyncadd.s32 $0xFFFFC800  }
0x192: {  	[spmem:s1] =	stream.indirect.scatter.add.f32 [tilespmem:s20], [sflag:$0x4], $0x80, s29, s18, $0xb8;
	v63 =	vld [tilespmem:$0x0]  }
0x193: {  	_ =	swait.ge [sflag:s17], $0x3800  }
0x194: {  	[sflag:s17] =	ssyncset.done $0x0  }
0x195: {  	s30 =	simm.s32 $0x1300;
	[sflag:s17] =	ssyncadd.s32 $0xFFFFC800  }
0x196: {  	[tilespmem:s20], [sflag:$0x2] =	stream.indirect.gather [hbm4b:s4+s18], $0x80, s30, s18, $0xb8;
	v63 =	vld [tilespmem:$0x0]  }
0x197: {  	_ =	swait.ge [sflag:s31], $0x3800  }
0x198: {  	[sflag:s31] =	ssyncset.done $0x0  }
0x199: {  	s29 =	simm.s32 $0x1180;
	[sflag:s31] =	ssyncadd.s32 $0xFFFFC800  }
0x19a: {  	[spmem:s1] =	stream.indirect.scatter.add.f32 [tilespmem:s22], [sflag:$0x4], $0x80, s29, s18, $0xb8;
	v63 =	vld [tilespmem:$0x0]  }
0x19b: {  	_ =	swait.ge [sflag:s17], $0x3800  }
0x19c: {  	[sflag:s17] =	ssyncset.done $0x0  }
0x19d: {  	s30 =	simm.s32 $0x1400;
	[sflag:s17] =	ssyncadd.s32 $0xFFFFC800  }
0x19e: {  	[tilespmem:s22], [sflag:$0x3] =	stream.indirect.gather [hbm4b:s4+s18], $0x80, s30, s18, $0xb8;
	v63 =	vld [tilespmem:$0x0]  }
0x19f: {  	_ =	swait.ge [sflag:s23], $0x3800  }
0x1a0: {  	[sflag:s23] =	ssyncset.done $0x0  }
0x1a1: {  	s24 =	simm.s32 $0x1280;
	[sflag:s23] =	ssyncadd.s32 $0xFFFFC800  }
0x1a2: {  	[spmem:s1] =	stream.indirect.scatter.add.f32 [tilespmem:s16], [sflag:$0x4], $0x80, s24, s18, $0xb8;
	v63 =	vld [tilespmem:$0x0]  }
0x1a3: {  	_ =	swait.ge [sflag:s17], $0x3800  }
0x1a4: {  	[sflag:s17] =	ssyncset.done $0x0  }
0x1a5: {  	s25 =	simm.s32 $0x1500;
	[sflag:s17] =	ssyncadd.s32 $0xFFFFC800  }
0x1a6: {  	[tilespmem:s16], [sflag:$0x1] =	stream.indirect.gather [hbm4b:s4+s18], $0x80, s25, s18, $0xb8;
	v63 =	vld [tilespmem:$0x0]  }
0x1a7: {  	_ =	swait.ge [sflag:s28], $0x3800  }
0x1a8: {  	[sflag:s28] =	ssyncset.done $0x0  }
0x1a9: {  	s26 =	simm.s32 $0x1380;
	[sflag:s28] =	ssyncadd.s32 $0xFFFFC800  }
0x1aa: {  	[spmem:s1] =	stream.indirect.scatter.add.f32 [tilespmem:s20], [sflag:$0x4], $0x80, s26, s18, $0xb8;
	v63 =	vld [tilespmem:$0x0]  }
0x1ab: {  	_ =	swait.ge [sflag:s17], $0x3800  }
0x1ac: {  	[sflag:s17] =	ssyncset.done $0x0  }
0x1ad: {  	s29 =	simm.s32 $0x1600;
	[sflag:s17] =	ssyncadd.s32 $0xFFFFC800  }
0x1ae: {  	[tilespmem:s20], [sflag:$0x2] =	stream.indirect.gather [hbm4b:s4+s18], $0x80, s29, s18, $0xb8;
	v63 =	vld [tilespmem:$0x0]  }
0x1af: {  	_ =	swait.ge [sflag:s31], $0x3800  }
0x1b0: {  	[sflag:s31] =	ssyncset.done $0x0  }
0x1b1: {  	s30 =	simm.s32 $0x1480;
	[sflag:s31] =	ssyncadd.s32 $0xFFFFC800  }
0x1b2: {  	[spmem:s1] =	stream.indirect.scatter.add.f32 [tilespmem:s22], [sflag:$0x4], $0x80, s30, s18, $0xb8;
	v63 =	vld [tilespmem:$0x0]  }
0x1b3: {  	_ =	swait.ge [sflag:s17], $0x3800  }
0x1b4: {  	[sflag:s17] =	ssyncset.done $0x0  }
0x1b5: {  	s24 =	simm.s32 $0x1700;
	[sflag:s17] =	ssyncadd.s32 $0xFFFFC800  }
0x1b6: {  	[tilespmem:s22], [sflag:$0x3] =	stream.indirect.gather [hbm4b:s4+s18], $0x80, s24, s18, $0xb8;
	v63 =	vld [tilespmem:$0x0]  }
0x1b7: {  	_ =	swait.ge [sflag:s23], $0x3800  }
0x1b8: {  	[sflag:s23] =	ssyncset.done $0x0  }
0x1b9: {  	s25 =	simm.s32 $0x1580;
	[sflag:s23] =	ssyncadd.s32 $0xFFFFC800  }
0x1ba: {  	[spmem:s1] =	stream.indirect.scatter.add.f32 [tilespmem:s16], [sflag:$0x4], $0x80, s25, s18, $0xb8;
	v63 =	vld [tilespmem:$0x0]  }
0x1bb: {  	_ =	swait.ge [sflag:s17], $0x3800  }
0x1bc: {  	[sflag:s17] =	ssyncset.done $0x0  }
0x1bd: {  	[sflag:s17] =	ssyncadd.s32 $0xFFFFC800  }
0x1be: {  	_ =	swait.ge [sflag:s28], $0x3800  }
0x1bf: {  	[sflag:s28] =	ssyncset.done $0x0  }
0x1c0: {  	s26 =	simm.s32 $0x1680;
	[sflag:s28] =	ssyncadd.s32 $0xFFFFC800  }
0x1c1: {  	[spmem:s1] =	stream.indirect.scatter.add.f32 [tilespmem:s20], [sflag:$0x4], $0x80, s26, s18, $0xb8;
	v63 =	vld [tilespmem:$0x0]  }
0x1c2: {  	_ =	swait.ge [sflag:s17], $0x3800  }
0x1c3: {  	[sflag:s17] =	ssyncset.done $0x0  }
0x1c4: {  	[sflag:s17] =	ssyncadd.s32 $0xFFFFC800  }
0x1c5: {  	_ =	swait.ge [sflag:s31], $0x3800  }
0x1c6: {  	[sflag:s31] =	ssyncset.done $0x0  }
0x1c7: {  	s29 =	simm.s32 $0x1780;
	[sflag:s31] =	ssyncadd.s32 $0xFFFFC800  }
0x1c8: {  	[spmem:s1] =	stream.indirect.scatter.add.f32 [tilespmem:s22], [sflag:$0x4], $0x80, s29, s18, $0xb8;
	v63 =	vld [tilespmem:$0x0]  }
0x1c9: {  	_ =	swait.ge [sflag:s17], $0x3800  }
0x1ca: {  	[sflag:s17] =	ssyncset.done $0x0  }
0x1cb: {  	s30 =	rddreg [dreg:$0xa];
	[sflag:s17] =	ssyncadd.s32 $0xFFFFC800  }
0x1cc: {  	[tilespmem:s2], [sflag:$0x4] =	stream.linear.gather [hbm4b:s30+s2], $0x1800, $0x38;
	v63 =	vld [tilespmem:$0x0]  }
0x1cd: {  	_ =	swait.ge [sflag:s17], $0x1800  }
0x1ce: {  	[sflag:s17] =	ssyncset.done $0x0  }
0x1cf: {  	[sflag:s17] =	ssyncadd.s32 $0xFFFFE800  }
0x1d0: {  	[tilespmem:s16], [sflag:$0x1] =	stream.indirect.gather [hbm4b:s4+s18], $0x80, s2, s18, $0xb8;
	v63 =	vld [tilespmem:$0x0]  }
0x1d1: {  	_ = 	snop  }
0x1d2: {  	[tilespmem:s20], [sflag:$0x2] =	stream.indirect.gather [hbm4b:s4+s18], $0x80, s11, s18, $0xb8;
	v63 =	vld [tilespmem:$0x0]  }
0x1d3: {  	s24 =	simm.s32 $0x200  }
0x1d4: {  	[tilespmem:s22], [sflag:$0x3] =	stream.indirect.gather [hbm4b:s4+s18], $0x80, s24, s18, $0xb8;
	v63 =	vld [tilespmem:$0x0]  }
0x1d5: {  	_ =	swait.ge [sflag:s23], $0x3800  }
0x1d6: {  	[sflag:s23] =	ssyncset.done $0x0  }
0x1d7: {  	s25 =	simm.s32 $0x80;
	[sflag:s23] =	ssyncadd.s32 $0xFFFFC800  }
0x1d8: {  	[spmem:s1] =	stream.indirect.scatter.add.f32 [tilespmem:s16], [sflag:$0x4], $0x80, s25, s18, $0xb8;
	v63 =	vld [tilespmem:$0x0]  }
0x1d9: {  	_ =	swait.ge [sflag:s17], $0x3800  }
0x1da: {  	[sflag:s17] =	ssyncset.done $0x0  }
0x1db: {  	s26 =	simm.s32 $0x300;
	[sflag:s17] =	ssyncadd.s32 $0xFFFFC800  }
0x1dc: {  	[tilespmem:s16], [sflag:$0x1] =	stream.indirect.gather [hbm4b:s4+s18], $0x80, s26, s18, $0xb8;
	v63 =	vld [tilespmem:$0x0]  }
0x1dd: {  	_ =	swait.ge [sflag:s28], $0x3800  }
0x1de: {  	[sflag:s28] =	ssyncset.done $0x0  }
0x1df: {  	[sflag:s28] =	ssyncadd.s32 $0xFFFFC800  }
0x1e0: {  	[spmem:s1] =	stream.indirect.scatter.add.f32 [tilespmem:s20], [sflag:$0x4], $0x80, s9, s18, $0xb8;
	v63 =	vld [tilespmem:$0x0]  }
0x1e1: {  	_ =	swait.ge [sflag:s17], $0x3800  }
0x1e2: {  	[sflag:s17] =	ssyncset.done $0x0  }
0x1e3: {  	[sflag:s17] =	ssyncadd.s32 $0xFFFFC800  }
0x1e4: {  	[tilespmem:s20], [sflag:$0x2] =	stream.indirect.gather [hbm4b:s4+s18], $0x80, s10, s18, $0xb8;
	v63 =	vld [tilespmem:$0x0]  }
0x1e5: {  	_ =	swait.ge [sflag:s31], $0x3800  }
0x1e6: {  	[sflag:s31] =	ssyncset.done $0x0  }
0x1e7: {  	s29 =	simm.s32 $0x280;
	[sflag:s31] =	ssyncadd.s32 $0xFFFFC800  }
0x1e8: {  	[spmem:s1] =	stream.indirect.scatter.add.f32 [tilespmem:s22], [sflag:$0x4], $0x80, s29, s18, $0xb8;
	v63 =	vld [tilespmem:$0x0]  }
0x1e9: {  	_ =	swait.ge [sflag:s17], $0x3800  }
0x1ea: {  	[sflag:s17] =	ssyncset.done $0x0  }
0x1eb: {  	[sflag:s17] =	ssyncadd.s32 $0xFFFFC800  }
0x1ec: {  	[tilespmem:s22], [sflag:$0x3] =	stream.indirect.gather [hbm4b:s4+s18], $0x80, s3, s18, $0xb8;
	v63 =	vld [tilespmem:$0x0]  }
0x1ed: {  	_ =	swait.ge [sflag:s23], $0x3800  }
0x1ee: {  	[sflag:s23] =	ssyncset.done $0x0  }
0x1ef: {  	[sflag:s23] =	ssyncadd.s32 $0xFFFFC800  }
0x1f0: {  	[spmem:s1] =	stream.indirect.scatter.add.f32 [tilespmem:s16], [sflag:$0x4], $0x80, s12, s18, $0xb8;
	v63 =	vld [tilespmem:$0x0]  }
0x1f1: {  	_ =	swait.ge [sflag:s17], $0x3800  }
0x1f2: {  	[sflag:s17] =	ssyncset.done $0x0  }
0x1f3: {  	[sflag:s17] =	ssyncadd.s32 $0xFFFFC800  }
0x1f4: {  	[tilespmem:s16], [sflag:$0x1] =	stream.indirect.gather [hbm4b:s4+s18], $0x80, s13, s18, $0xb8;
	v63 =	vld [tilespmem:$0x0]  }
0x1f5: {  	_ =	swait.ge [sflag:s28], $0x3800  }
0x1f6: {  	[sflag:s28] =	ssyncset.done $0x0  }
0x1f7: {  	[sflag:s28] =	ssyncadd.s32 $0xFFFFC800  }
0x1f8: {  	[spmem:s1] =	stream.indirect.scatter.add.f32 [tilespmem:s20], [sflag:$0x4], $0x80, s14, s18, $0xb8;
	v63 =	vld [tilespmem:$0x0]  }
0x1f9: {  	_ =	swait.ge [sflag:s17], $0x3800  }
0x1fa: {  	[sflag:s17] =	ssyncset.done $0x0  }
0x1fb: {  	[sflag:s17] =	ssyncadd.s32 $0xFFFFC800  }
0x1fc: {  	[tilespmem:s20], [sflag:$0x2] =	stream.indirect.gather [hbm4b:s4+s18], $0x80, s15, s18, $0xb8;
	v63 =	vld [tilespmem:$0x0]  }
0x1fd: {  	_ =	swait.ge [sflag:s31], $0x3800  }
0x1fe: {  	[sflag:s31] =	ssyncset.done $0x0  }
0x1ff: {  	[sflag:s31] =	ssyncadd.s32 $0xFFFFC800  }
0x200: {  	[spmem:s1] =	stream.indirect.scatter.add.f32 [tilespmem:s22], [sflag:$0x4], $0x80, s19, s18, $0xb8;
	v63 =	vld [tilespmem:$0x0]  }
0x201: {  	_ =	swait.ge [sflag:s17], $0x3800  }
0x202: {  	[sflag:s17] =	ssyncset.done $0x0  }
0x203: {  	[sflag:s17] =	ssyncadd.s32 $0xFFFFC800  }
0x204: {  	[tilespmem:s22], [sflag:$0x3] =	stream.indirect.gather [hbm4b:s4+s18], $0x80, s21, s18, $0xb8;
	v63 =	vld [tilespmem:$0x0]  }
0x205: {  	_ =	swait.ge [sflag:s23], $0x3800  }
0x206: {  	[sflag:s23] =	ssyncset.done $0x0  }
0x207: {  	[sflag:s23] =	ssyncadd.s32 $0xFFFFC800  }
0x208: {  	[spmem:s1] =	stream.indirect.scatter.add.f32 [tilespmem:s16], [sflag:$0x4], $0x80, s0, s18, $0xb8;
	v63 =	vld [tilespmem:$0x0]  }
0x209: {  	_ =	swait.ge [sflag:s17], $0x3800  }
0x20a: {  	[sflag:s17] =	ssyncset.done $0x0  }
0x20b: {  	[sflag:s17] =	ssyncadd.s32 $0xFFFFC800  }
0x20c: {  	[tilespmem:s16], [sflag:$0x1] =	stream.indirect.gather [hbm4b:s4+s18], $0x80, s5, s18, $0xb8;
	v63 =	vld [tilespmem:$0x0]  }
0x20d: {  	_ =	swait.ge [sflag:s28], $0x3800  }
0x20e: {  	[sflag:s28] =	ssyncset.done $0x0  }
0x20f: {  	[sflag:s28] =	ssyncadd.s32 $0xFFFFC800  }
0x210: {  	[spmem:s1] =	stream.indirect.scatter.add.f32 [tilespmem:s20], [sflag:$0x4], $0x80, s6, s18, $0xb8;
	v63 =	vld [tilespmem:$0x0]  }
0x211: {  	_ =	swait.ge [sflag:s17], $0x3800  }
0x212: {  	[sflag:s17] =	ssyncset.done $0x0  }
0x213: {  	s30 =	simm.s32 $0xA00;
	[sflag:s17] =	ssyncadd.s32 $0xFFFFC800  }
0x214: {  	[tilespmem:s20], [sflag:$0x2] =	stream.indirect.gather [hbm4b:s4+s18], $0x80, s30, s18, $0xb8;
	v63 =	vld [tilespmem:$0x0]  }
0x215: {  	_ =	swait.ge [sflag:s31], $0x3800  }
0x216: {  	[sflag:s31] =	ssyncset.done $0x0  }
0x217: {  	s24 =	simm.s32 $0x880;
	[sflag:s31] =	ssyncadd.s32 $0xFFFFC800  }
0x218: {  	[spmem:s1] =	stream.indirect.scatter.add.f32 [tilespmem:s22], [sflag:$0x4], $0x80, s24, s18, $0xb8;
	v63 =	vld [tilespmem:$0x0]  }
0x219: {  	_ =	swait.ge [sflag:s17], $0x3800  }
0x21a: {  	[sflag:s17] =	ssyncset.done $0x0  }
0x21b: {  	s25 =	simm.s32 $0xB00;
	[sflag:s17] =	ssyncadd.s32 $0xFFFFC800  }
0x21c: {  	[tilespmem:s22], [sflag:$0x3] =	stream.indirect.gather [hbm4b:s4+s18], $0x80, s25, s18, $0xb8;
	v63 =	vld [tilespmem:$0x0]  }
0x21d: {  	_ =	swait.ge [sflag:s23], $0x3800  }
0x21e: {  	[sflag:s23] =	ssyncset.done $0x0  }
0x21f: {  	s26 =	simm.s32 $0x980;
	[sflag:s23] =	ssyncadd.s32 $0xFFFFC800  }
0x220: {  	[spmem:s1] =	stream.indirect.scatter.add.f32 [tilespmem:s16], [sflag:$0x4], $0x80, s26, s18, $0xb8;
	v63 =	vld [tilespmem:$0x0]  }
0x221: {  	_ =	swait.ge [sflag:s17], $0x3800  }
0x222: {  	[sflag:s17] =	ssyncset.done $0x0  }
0x223: {  	s29 =	simm.s32 $0xC00;
	[sflag:s17] =	ssyncadd.s32 $0xFFFFC800  }
0x224: {  	[tilespmem:s16], [sflag:$0x1] =	stream.indirect.gather [hbm4b:s4+s18], $0x80, s29, s18, $0xb8;
	v63 =	vld [tilespmem:$0x0]  }
0x225: {  	_ =	swait.ge [sflag:s28], $0x3800  }
0x226: {  	[sflag:s28] =	ssyncset.done $0x0  }
0x227: {  	s30 =	simm.s32 $0xA80;
	[sflag:s28] =	ssyncadd.s32 $0xFFFFC800  }
0x228: {  	[spmem:s1] =	stream.indirect.scatter.add.f32 [tilespmem:s20], [sflag:$0x4], $0x80, s30, s18, $0xb8;
	v63 =	vld [tilespmem:$0x0]  }
0x229: {  	_ =	swait.ge [sflag:s17], $0x3800  }
0x22a: {  	[sflag:s17] =	ssyncset.done $0x0  }
0x22b: {  	s8 =	simm.s32 $0xD00;
	[sflag:s17] =	ssyncadd.s32 $0xFFFFC800  }
0x22c: {  	[tilespmem:s20], [sflag:$0x2] =	stream.indirect.gather [hbm4b:s4+s18], $0x80, s8, s18, $0xb8;
	v63 =	vld [tilespmem:$0x0]  }
0x22d: {  	_ =	swait.ge [sflag:s31], $0x3800  }
0x22e: {  	[sflag:s31] =	ssyncset.done $0x0  }
0x22f: {  	s8 =	simm.s32 $0xB80;
	[sflag:s31] =	ssyncadd.s32 $0xFFFFC800  }
0x230: {  	[spmem:s1] =	stream.indirect.scatter.add.f32 [tilespmem:s22], [sflag:$0x4], $0x80, s8, s18, $0xb8;
	v63 =	vld [tilespmem:$0x0]  }
0x231: {  	_ =	swait.ge [sflag:s17], $0x3800  }
0x232: {  	[sflag:s17] =	ssyncset.done $0x0  }
0x233: {  	s8 =	simm.s32 $0xE00;
	[sflag:s17] =	ssyncadd.s32 $0xFFFFC800  }
0x234: {  	[tilespmem:s22], [sflag:$0x3] =	stream.indirect.gather [hbm4b:s4+s18], $0x80, s8, s18, $0xb8;
	v63 =	vld [tilespmem:$0x0]  }
0x235: {  	_ =	swait.ge [sflag:s23], $0x3800  }
0x236: {  	[sflag:s23] =	ssyncset.done $0x0  }
0x237: {  	s8 =	simm.s32 $0xC80;
	[sflag:s23] =	ssyncadd.s32 $0xFFFFC800  }
0x238: {  	[spmem:s1] =	stream.indirect.scatter.add.f32 [tilespmem:s16], [sflag:$0x4], $0x80, s8, s18, $0xb8;
	v63 =	vld [tilespmem:$0x0]  }
0x239: {  	_ =	swait.ge [sflag:s17], $0x3800  }
0x23a: {  	[sflag:s17] =	ssyncset.done $0x0  }
0x23b: {  	s8 =	simm.s32 $0xF00;
	[sflag:s17] =	ssyncadd.s32 $0xFFFFC800  }
0x23c: {  	[tilespmem:s16], [sflag:$0x1] =	stream.indirect.gather [hbm4b:s4+s18], $0x80, s8, s18, $0xb8;
	v63 =	vld [tilespmem:$0x0]  }
0x23d: {  	_ =	swait.ge [sflag:s28], $0x3800  }
0x23e: {  	[sflag:s28] =	ssyncset.done $0x0  }
0x23f: {  	s8 =	simm.s32 $0xD80;
	[sflag:s28] =	ssyncadd.s32 $0xFFFFC800  }
0x240: {  	[spmem:s1] =	stream.indirect.scatter.add.f32 [tilespmem:s20], [sflag:$0x4], $0x80, s8, s18, $0xb8;
	v63 =	vld [tilespmem:$0x0]  }
0x241: {  	_ =	swait.ge [sflag:s17], $0x3800  }
0x242: {  	[sflag:s17] =	ssyncset.done $0x0  }
0x243: {  	s8 =	simm.s32 $0x1000;
	[sflag:s17] =	ssyncadd.s32 $0xFFFFC800  }
0x244: {  	[tilespmem:s20], [sflag:$0x2] =	stream.indirect.gather [hbm4b:s4+s18], $0x80, s8, s18, $0xb8;
	v63 =	vld [tilespmem:$0x0]  }
0x245: {  	_ =	swait.ge [sflag:s31], $0x3800  }
0x246: {  	[sflag:s31] =	ssyncset.done $0x0  }
0x247: {  	s8 =	simm.s32 $0xE80;
	[sflag:s31] =	ssyncadd.s32 $0xFFFFC800  }
0x248: {  	[spmem:s1] =	stream.indirect.scatter.add.f32 [tilespmem:s22], [sflag:$0x4], $0x80, s8, s18, $0xb8;
	v63 =	vld [tilespmem:$0x0]  }
0x249: {  	_ =	swait.ge [sflag:s17], $0x3800  }
0x24a: {  	[sflag:s17] =	ssyncset.done $0x0  }
0x24b: {  	s8 =	simm.s32 $0x1100;
	[sflag:s17] =	ssyncadd.s32 $0xFFFFC800  }
0x24c: {  	[tilespmem:s22], [sflag:$0x3] =	stream.indirect.gather [hbm4b:s4+s18], $0x80, s8, s18, $0xb8;
	v63 =	vld [tilespmem:$0x0]  }
0x24d: {  	_ =	swait.ge [sflag:s23], $0x3800  }
0x24e: {  	[sflag:s23] =	ssyncset.done $0x0  }
0x24f: {  	s8 =	simm.s32 $0xF80;
	[sflag:s23] =	ssyncadd.s32 $0xFFFFC800  }
0x250: {  	[spmem:s1] =	stream.indirect.scatter.add.f32 [tilespmem:s16], [sflag:$0x4], $0x80, s8, s18, $0xb8;
	v63 =	vld [tilespmem:$0x0]  }
0x251: {  	_ =	swait.ge [sflag:s17], $0x3800  }
0x252: {  	[sflag:s17] =	ssyncset.done $0x0  }
0x253: {  	s8 =	simm.s32 $0x1200;
	[sflag:s17] =	ssyncadd.s32 $0xFFFFC800  }
0x254: {  	[tilespmem:s16], [sflag:$0x1] =	stream.indirect.gather [hbm4b:s4+s18], $0x80, s8, s18, $0xb8;
	v63 =	vld [tilespmem:$0x0]  }
0x255: {  	_ =	swait.ge [sflag:s28], $0x3800  }
0x256: {  	[sflag:s28] =	ssyncset.done $0x0  }
0x257: {  	s8 =	simm.s32 $0x1080;
	[sflag:s28] =	ssyncadd.s32 $0xFFFFC800  }
0x258: {  	[spmem:s1] =	stream.indirect.scatter.add.f32 [tilespmem:s20], [sflag:$0x4], $0x80, s8, s18, $0xb8;
	v63 =	vld [tilespmem:$0x0]  }
0x259: {  	_ =	swait.ge [sflag:s17], $0x3800  }
0x25a: {  	[sflag:s17] =	ssyncset.done $0x0  }
0x25b: {  	s8 =	simm.s32 $0x1300;
	[sflag:s17] =	ssyncadd.s32 $0xFFFFC800  }
0x25c: {  	[tilespmem:s20], [sflag:$0x2] =	stream.indirect.gather [hbm4b:s4+s18], $0x80, s8, s18, $0xb8;
	v63 =	vld [tilespmem:$0x0]  }
0x25d: {  	_ =	swait.ge [sflag:s31], $0x3800  }
0x25e: {  	[sflag:s31] =	ssyncset.done $0x0  }
0x25f: {  	s8 =	simm.s32 $0x1180;
	[sflag:s31] =	ssyncadd.s32 $0xFFFFC800  }
0x260: {  	[spmem:s1] =	stream.indirect.scatter.add.f32 [tilespmem:s22], [sflag:$0x4], $0x80, s8, s18, $0xb8;
	v63 =	vld [tilespmem:$0x0]  }
0x261: {  	_ =	swait.ge [sflag:s17], $0x3800  }
0x262: {  	[sflag:s17] =	ssyncset.done $0x0  }
0x263: {  	s8 =	simm.s32 $0x1400;
	[sflag:s17] =	ssyncadd.s32 $0xFFFFC800  }
0x264: {  	[tilespmem:s22], [sflag:$0x3] =	stream.indirect.gather [hbm4b:s4+s18], $0x80, s8, s18, $0xb8;
	v63 =	vld [tilespmem:$0x0]  }
0x265: {  	_ =	swait.ge [sflag:s23], $0x3800  }
0x266: {  	[sflag:s23] =	ssyncset.done $0x0  }
0x267: {  	s8 =	simm.s32 $0x1280;
	[sflag:s23] =	ssyncadd.s32 $0xFFFFC800  }
0x268: {  	[spmem:s1] =	stream.indirect.scatter.add.f32 [tilespmem:s16], [sflag:$0x4], $0x80, s8, s18, $0xb8;
	v63 =	vld [tilespmem:$0x0]  }
0x269: {  	_ =	swait.ge [sflag:s17], $0x3800  }
0x26a: {  	[sflag:s17] =	ssyncset.done $0x0  }
0x26b: {  	s8 =	simm.s32 $0x1500;
	[sflag:s17] =	ssyncadd.s32 $0xFFFFC800  }
0x26c: {  	[tilespmem:s16], [sflag:$0x1] =	stream.indirect.gather [hbm4b:s4+s18], $0x80, s8, s18, $0xb8;
	v63 =	vld [tilespmem:$0x0]  }
0x26d: {  	_ =	swait.ge [sflag:s28], $0x3800  }
0x26e: {  	[sflag:s28] =	ssyncset.done $0x0  }
0x26f: {  	s8 =	simm.s32 $0x1380;
	[sflag:s28] =	ssyncadd.s32 $0xFFFFC800  }
0x270: {  	[spmem:s1] =	stream.indirect.scatter.add.f32 [tilespmem:s20], [sflag:$0x4], $0x80, s8, s18, $0xb8;
	v63 =	vld [tilespmem:$0x0]  }
0x271: {  	_ =	swait.ge [sflag:s17], $0x3800  }
0x272: {  	[sflag:s17] =	ssyncset.done $0x0  }
0x273: {  	s8 =	simm.s32 $0x1600;
	[sflag:s17] =	ssyncadd.s32 $0xFFFFC800  }
0x274: {  	[tilespmem:s20], [sflag:$0x2] =	stream.indirect.gather [hbm4b:s4+s18], $0x80, s8, s18, $0xb8;
	v63 =	vld [tilespmem:$0x0]  }
0x275: {  	_ =	swait.ge [sflag:s31], $0x3800  }
0x276: {  	[sflag:s31] =	ssyncset.done $0x0  }
0x277: {  	s8 =	simm.s32 $0x1480;
	[sflag:s31] =	ssyncadd.s32 $0xFFFFC800  }
0x278: {  	[spmem:s1] =	stream.indirect.scatter.add.f32 [tilespmem:s22], [sflag:$0x4], $0x80, s8, s18, $0xb8;
	v63 =	vld [tilespmem:$0x0]  }
0x279: {  	_ =	swait.ge [sflag:s17], $0x3800  }
0x27a: {  	[sflag:s17] =	ssyncset.done $0x0  }
0x27b: {  	s8 =	simm.s32 $0x1700;
	[sflag:s17] =	ssyncadd.s32 $0xFFFFC800  }
0x27c: {  	[tilespmem:s22], [sflag:$0x3] =	stream.indirect.gather [hbm4b:s4+s18], $0x80, s8, s18, $0xb8;
	v63 =	vld [tilespmem:$0x0]  }
0x27d: {  	_ =	swait.ge [sflag:s23], $0x3800  }
0x27e: {  	[sflag:s23] =	ssyncset.done $0x0  }
0x27f: {  	s8 =	simm.s32 $0x1580;
	[sflag:s23] =	ssyncadd.s32 $0xFFFFC800  }
0x280: {  	[spmem:s1] =	stream.indirect.scatter.add.f32 [tilespmem:s16], [sflag:$0x4], $0x80, s8, s18, $0xb8;
	v63 =	vld [tilespmem:$0x0]  }
0x281: {  	_ =	swait.ge [sflag:s17], $0x3800  }
0x282: {  	[sflag:s17] =	ssyncset.done $0x0  }
0x283: {  	[sflag:s17] =	ssyncadd.s32 $0xFFFFC800  }
0x284: {  	_ =	swait.ge [sflag:s28], $0x3800  }
0x285: {  	[sflag:s28] =	ssyncset.done $0x0  }
0x286: {  	s8 =	simm.s32 $0x1680;
	[sflag:s28] =	ssyncadd.s32 $0xFFFFC800  }
0x287: {  	[spmem:s1] =	stream.indirect.scatter.add.f32 [tilespmem:s20], [sflag:$0x4], $0x80, s8, s18, $0xb8;
	v63 =	vld [tilespmem:$0x0]  }
0x288: {  	_ =	swait.ge [sflag:s17], $0x3800  }
0x289: {  	[sflag:s17] =	ssyncset.done $0x0  }
0x28a: {  	[sflag:s17] =	ssyncadd.s32 $0xFFFFC800  }
0x28b: {  	_ =	swait.ge [sflag:s31], $0x3800  }
0x28c: {  	[sflag:s31] =	ssyncset.done $0x0  }
0x28d: {  	s8 =	simm.s32 $0x1780;
	[sflag:s31] =	ssyncadd.s32 $0xFFFFC800  }
0x28e: {  	[spmem:s1] =	stream.indirect.scatter.add.f32 [tilespmem:s22], [sflag:$0x4], $0x80, s8, s18, $0xb8;
	v63 =	vld [tilespmem:$0x0]  }
0x28f: {  	_ =	swait.ge [sflag:s17], $0x3800  }
0x290: {  	[sflag:s17] =	ssyncset.done $0x0  }
0x291: {  	s8 =	rddreg [dreg:$0xb];
	[sflag:s17] =	ssyncadd.s32 $0xFFFFC800  }
0x292: {  	[tilespmem:s2], [sflag:$0x4] =	stream.linear.gather [hbm4b:s8+s2], $0x1800, $0x38;
	v63 =	vld [tilespmem:$0x0]  }
0x293: {  	_ =	swait.ge [sflag:s17], $0x1800  }
0x294: {  	[sflag:s17] =	ssyncset.done $0x0  }
0x295: {  	[sflag:s17] =	ssyncadd.s32 $0xFFFFE800  }
0x296: {  	[tilespmem:s16], [sflag:$0x1] =	stream.indirect.gather [hbm4b:s4+s18], $0x80, s2, s18, $0xb8;
	v63 =	vld [tilespmem:$0x0]  }
0x297: {  	s11 =	simm.s32 $0x100  }
0x298: {  	[tilespmem:s20], [sflag:$0x2] =	stream.indirect.gather [hbm4b:s4+s18], $0x80, s11, s18, $0xb8;
	v63 =	vld [tilespmem:$0x0]  }
0x299: {  	s8 =	simm.s32 $0x200  }
0x29a: {  	[tilespmem:s22], [sflag:$0x3] =	stream.indirect.gather [hbm4b:s4+s18], $0x80, s8, s18, $0xb8;
	v63 =	vld [tilespmem:$0x0]  }
0x29b: {  	_ =	swait.ge [sflag:s23], $0x3800  }
0x29c: {  	[sflag:s23] =	ssyncset.done $0x0  }
0x29d: {  	s11 =	simm.s32 $0x80;
	[sflag:s23] =	ssyncadd.s32 $0xFFFFC800  }
0x29e: {  	[spmem:s1] =	stream.indirect.scatter.add.f32 [tilespmem:s16], [sflag:$0x4], $0x80, s11, s18, $0xb8;
	v63 =	vld [tilespmem:$0x0]  }
0x29f: {  	_ =	swait.ge [sflag:s17], $0x3800  }
0x2a0: {  	[sflag:s17] =	ssyncset.done $0x0  }
0x2a1: {  	s8 =	simm.s32 $0x300;
	[sflag:s17] =	ssyncadd.s32 $0xFFFFC800  }
0x2a2: {  	[tilespmem:s16], [sflag:$0x1] =	stream.indirect.gather [hbm4b:s4+s18], $0x80, s8, s18, $0xb8;
	v63 =	vld [tilespmem:$0x0]  }
0x2a3: {  	_ =	swait.ge [sflag:s28], $0x3800  }
0x2a4: {  	[sflag:s28] =	ssyncset.done $0x0  }
0x2a5: {  	s9 =	simm.s32 $0x180;
	[sflag:s28] =	ssyncadd.s32 $0xFFFFC800  }
0x2a6: {  	[spmem:s1] =	stream.indirect.scatter.add.f32 [tilespmem:s20], [sflag:$0x4], $0x80, s9, s18, $0xb8;
	v63 =	vld [tilespmem:$0x0]  }
0x2a7: {  	_ =	swait.ge [sflag:s17], $0x3800  }
0x2a8: {  	[sflag:s17] =	ssyncset.done $0x0  }
0x2a9: {  	s10 =	simm.s32 $0x400;
	[sflag:s17] =	ssyncadd.s32 $0xFFFFC800  }
0x2aa: {  	[tilespmem:s20], [sflag:$0x2] =	stream.indirect.gather [hbm4b:s4+s18], $0x80, s10, s18, $0xb8;
	v63 =	vld [tilespmem:$0x0]  }
0x2ab: {  	_ =	swait.ge [sflag:s31], $0x3800  }
0x2ac: {  	[sflag:s31] =	ssyncset.done $0x0  }
0x2ad: {  	s11 =	simm.s32 $0x280;
	[sflag:s31] =	ssyncadd.s32 $0xFFFFC800  }
0x2ae: {  	[spmem:s1] =	stream.indirect.scatter.add.f32 [tilespmem:s22], [sflag:$0x4], $0x80, s11, s18, $0xb8;
	v63 =	vld [tilespmem:$0x0]  }
0x2af: {  	_ =	swait.ge [sflag:s17], $0x3800  }
0x2b0: {  	[sflag:s17] =	ssyncset.done $0x0  }
0x2b1: {  	s3 =	simm.s32 $0x500;
	[sflag:s17] =	ssyncadd.s32 $0xFFFFC800  }
0x2b2: {  	[tilespmem:s22], [sflag:$0x3] =	stream.indirect.gather [hbm4b:s4+s18], $0x80, s3, s18, $0xb8;
	v63 =	vld [tilespmem:$0x0]  }
0x2b3: {  	_ =	swait.ge [sflag:s23], $0x3800  }
0x2b4: {  	[sflag:s23] =	ssyncset.done $0x0  }
0x2b5: {  	s12 =	simm.s32 $0x380;
	[sflag:s23] =	ssyncadd.s32 $0xFFFFC800  }
0x2b6: {  	[spmem:s1] =	stream.indirect.scatter.add.f32 [tilespmem:s16], [sflag:$0x4], $0x80, s12, s18, $0xb8;
	v63 =	vld [tilespmem:$0x0]  }
0x2b7: {  	_ =	swait.ge [sflag:s17], $0x3800  }
0x2b8: {  	[sflag:s17] =	ssyncset.done $0x0  }
0x2b9: {  	s13 =	simm.s32 $0x600;
	[sflag:s17] =	ssyncadd.s32 $0xFFFFC800  }
0x2ba: {  	[tilespmem:s16], [sflag:$0x1] =	stream.indirect.gather [hbm4b:s4+s18], $0x80, s13, s18, $0xb8;
	v63 =	vld [tilespmem:$0x0]  }
0x2bb: {  	_ =	swait.ge [sflag:s28], $0x3800  }
0x2bc: {  	[sflag:s28] =	ssyncset.done $0x0  }
0x2bd: {  	s14 =	simm.s32 $0x480;
	[sflag:s28] =	ssyncadd.s32 $0xFFFFC800  }
0x2be: {  	[spmem:s1] =	stream.indirect.scatter.add.f32 [tilespmem:s20], [sflag:$0x4], $0x80, s14, s18, $0xb8;
	v63 =	vld [tilespmem:$0x0]  }
0x2bf: {  	_ =	swait.ge [sflag:s17], $0x3800  }
0x2c0: {  	[sflag:s17] =	ssyncset.done $0x0  }
0x2c1: {  	s15 =	simm.s32 $0x700;
	[sflag:s17] =	ssyncadd.s32 $0xFFFFC800  }
0x2c2: {  	[tilespmem:s20], [sflag:$0x2] =	stream.indirect.gather [hbm4b:s4+s18], $0x80, s15, s18, $0xb8;
	v63 =	vld [tilespmem:$0x0]  }
0x2c3: {  	_ =	swait.ge [sflag:s31], $0x3800  }
0x2c4: {  	[sflag:s31] =	ssyncset.done $0x0  }
0x2c5: {  	s19 =	simm.s32 $0x580;
	[sflag:s31] =	ssyncadd.s32 $0xFFFFC800  }
0x2c6: {  	[spmem:s1] =	stream.indirect.scatter.add.f32 [tilespmem:s22], [sflag:$0x4], $0x80, s19, s18, $0xb8;
	v63 =	vld [tilespmem:$0x0]  }
0x2c7: {  	_ =	swait.ge [sflag:s17], $0x3800  }
0x2c8: {  	[sflag:s17] =	ssyncset.done $0x0  }
0x2c9: {  	s21 =	simm.s32 $0x800;
	[sflag:s17] =	ssyncadd.s32 $0xFFFFC800  }
0x2ca: {  	[tilespmem:s22], [sflag:$0x3] =	stream.indirect.gather [hbm4b:s4+s18], $0x80, s21, s18, $0xb8;
	v63 =	vld [tilespmem:$0x0]  }
0x2cb: {  	_ =	swait.ge [sflag:s23], $0x3800  }
0x2cc: {  	[sflag:s23] =	ssyncset.done $0x0  }
0x2cd: {  	s0 =	simm.s32 $0x680;
	[sflag:s23] =	ssyncadd.s32 $0xFFFFC800  }
0x2ce: {  	[spmem:s1] =	stream.indirect.scatter.add.f32 [tilespmem:s16], [sflag:$0x4], $0x80, s0, s18, $0xb8;
	v63 =	vld [tilespmem:$0x0]  }
0x2cf: {  	_ =	swait.ge [sflag:s17], $0x3800  }
0x2d0: {  	[sflag:s17] =	ssyncset.done $0x0  }
0x2d1: {  	s5 =	simm.s32 $0x900;
	[sflag:s17] =	ssyncadd.s32 $0xFFFFC800  }
0x2d2: {  	[tilespmem:s16], [sflag:$0x1] =	stream.indirect.gather [hbm4b:s4+s18], $0x80, s5, s18, $0xb8;
	v63 =	vld [tilespmem:$0x0]  }
0x2d3: {  	_ =	swait.ge [sflag:s28], $0x3800  }
0x2d4: {  	[sflag:s28] =	ssyncset.done $0x0  }
0x2d5: {  	s6 =	simm.s32 $0x780;
	[sflag:s28] =	ssyncadd.s32 $0xFFFFC800  }
0x2d6: {  	[spmem:s1] =	stream.indirect.scatter.add.f32 [tilespmem:s20], [sflag:$0x4], $0x80, s6, s18, $0xb8;
	v63 =	vld [tilespmem:$0x0]  }
0x2d7: {  	_ =	swait.ge [sflag:s17], $0x3800  }
0x2d8: {  	[sflag:s17] =	ssyncset.done $0x0  }
0x2d9: {  	s12 =	simm.s32 $0xA00;
	[sflag:s17] =	ssyncadd.s32 $0xFFFFC800  }
0x2da: {  	[tilespmem:s20], [sflag:$0x2] =	stream.indirect.gather [hbm4b:s4+s18], $0x80, s12, s18, $0xb8;
	v63 =	vld [tilespmem:$0x0]  }
0x2db: {  	_ =	swait.ge [sflag:s31], $0x3800  }
0x2dc: {  	[sflag:s31] =	ssyncset.done $0x0  }
0x2dd: {  	s24 =	simm.s32 $0x880;
	[sflag:s31] =	ssyncadd.s32 $0xFFFFC800  }
0x2de: {  	[spmem:s1] =	stream.indirect.scatter.add.f32 [tilespmem:s22], [sflag:$0x4], $0x80, s24, s18, $0xb8;
	v63 =	vld [tilespmem:$0x0]  }
0x2df: {  	_ =	swait.ge [sflag:s17], $0x3800  }
0x2e0: {  	[sflag:s17] =	ssyncset.done $0x0  }
0x2e1: {  	s25 =	simm.s32 $0xB00;
	[sflag:s17] =	ssyncadd.s32 $0xFFFFC800  }
0x2e2: {  	[tilespmem:s22], [sflag:$0x3] =	stream.indirect.gather [hbm4b:s4+s18], $0x80, s25, s18, $0xb8;
	v63 =	vld [tilespmem:$0x0]  }
0x2e3: {  	_ =	swait.ge [sflag:s23], $0x3800  }
0x2e4: {  	[sflag:s23] =	ssyncset.done $0x0  }
0x2e5: {  	s26 =	simm.s32 $0x980;
	[sflag:s23] =	ssyncadd.s32 $0xFFFFC800  }
0x2e6: {  	[spmem:s1] =	stream.indirect.scatter.add.f32 [tilespmem:s16], [sflag:$0x4], $0x80, s26, s18, $0xb8;
	v63 =	vld [tilespmem:$0x0]  }
0x2e7: {  	_ =	swait.ge [sflag:s17], $0x3800  }
0x2e8: {  	[sflag:s17] =	ssyncset.done $0x0  }
0x2e9: {  	s29 =	simm.s32 $0xC00;
	[sflag:s17] =	ssyncadd.s32 $0xFFFFC800  }
0x2ea: {  	[tilespmem:s16], [sflag:$0x1] =	stream.indirect.gather [hbm4b:s4+s18], $0x80, s29, s18, $0xb8;
	v63 =	vld [tilespmem:$0x0]  }
0x2eb: {  	_ =	swait.ge [sflag:s28], $0x3800  }
0x2ec: {  	[sflag:s28] =	ssyncset.done $0x0  }
0x2ed: {  	s30 =	simm.s32 $0xA80;
	[sflag:s28] =	ssyncadd.s32 $0xFFFFC800  }
0x2ee: {  	[spmem:s1] =	stream.indirect.scatter.add.f32 [tilespmem:s20], [sflag:$0x4], $0x80, s30, s18, $0xb8;
	v63 =	vld [tilespmem:$0x0]  }
0x2ef: {  	_ =	swait.ge [sflag:s17], $0x3800  }
0x2f0: {  	[sflag:s17] =	ssyncset.done $0x0  }
0x2f1: {  	s13 =	simm.s32 $0xD00;
	[sflag:s17] =	ssyncadd.s32 $0xFFFFC800  }
0x2f2: {  	[tilespmem:s20], [sflag:$0x2] =	stream.indirect.gather [hbm4b:s4+s18], $0x80, s13, s18, $0xb8;
	v63 =	vld [tilespmem:$0x0]  }
0x2f3: {  	_ =	swait.ge [sflag:s31], $0x3800  }
0x2f4: {  	[sflag:s31] =	ssyncset.done $0x0  }
0x2f5: {  	s14 =	simm.s32 $0xB80;
	[sflag:s31] =	ssyncadd.s32 $0xFFFFC800  }
0x2f6: {  	[spmem:s1] =	stream.indirect.scatter.add.f32 [tilespmem:s22], [sflag:$0x4], $0x80, s14, s18, $0xb8;
	v63 =	vld [tilespmem:$0x0]  }
0x2f7: {  	_ =	swait.ge [sflag:s17], $0x3800  }
0x2f8: {  	[sflag:s17] =	ssyncset.done $0x0  }
0x2f9: {  	s15 =	simm.s32 $0xE00;
	[sflag:s17] =	ssyncadd.s32 $0xFFFFC800  }
0x2fa: {  	[tilespmem:s22], [sflag:$0x3] =	stream.indirect.gather [hbm4b:s4+s18], $0x80, s15, s18, $0xb8;
	v63 =	vld [tilespmem:$0x0]  }
0x2fb: {  	_ =	swait.ge [sflag:s23], $0x3800  }
0x2fc: {  	[sflag:s23] =	ssyncset.done $0x0  }
0x2fd: {  	s19 =	simm.s32 $0xC80;
	[sflag:s23] =	ssyncadd.s32 $0xFFFFC800  }
0x2fe: {  	[spmem:s1] =	stream.indirect.scatter.add.f32 [tilespmem:s16], [sflag:$0x4], $0x80, s19, s18, $0xb8;
	v63 =	vld [tilespmem:$0x0]  }
0x2ff: {  	_ =	swait.ge [sflag:s17], $0x3800  }
0x300: {  	[sflag:s17] =	ssyncset.done $0x0  }
0x301: {  	s21 =	simm.s32 $0xF00;
	[sflag:s17] =	ssyncadd.s32 $0xFFFFC800  }
0x302: {  	[tilespmem:s16], [sflag:$0x1] =	stream.indirect.gather [hbm4b:s4+s18], $0x80, s21, s18, $0xb8;
	v63 =	vld [tilespmem:$0x0]  }
0x303: {  	_ =	swait.ge [sflag:s28], $0x3800  }
0x304: {  	[sflag:s28] =	ssyncset.done $0x0  }
0x305: {  	s24 =	simm.s32 $0xD80;
	[sflag:s28] =	ssyncadd.s32 $0xFFFFC800  }
0x306: {  	[spmem:s1] =	stream.indirect.scatter.add.f32 [tilespmem:s20], [sflag:$0x4], $0x80, s24, s18, $0xb8;
	v63 =	vld [tilespmem:$0x0]  }
0x307: {  	_ =	swait.ge [sflag:s17], $0x3800  }
0x308: {  	[sflag:s17] =	ssyncset.done $0x0  }
0x309: {  	s25 =	simm.s32 $0x1000;
	[sflag:s17] =	ssyncadd.s32 $0xFFFFC800  }
0x30a: {  	[tilespmem:s20], [sflag:$0x2] =	stream.indirect.gather [hbm4b:s4+s18], $0x80, s25, s18, $0xb8;
	v63 =	vld [tilespmem:$0x0]  }
0x30b: {  	_ =	swait.ge [sflag:s31], $0x3800  }
0x30c: {  	[sflag:s31] =	ssyncset.done $0x0  }
0x30d: {  	s26 =	simm.s32 $0xE80;
	[sflag:s31] =	ssyncadd.s32 $0xFFFFC800  }
0x30e: {  	[spmem:s1] =	stream.indirect.scatter.add.f32 [tilespmem:s22], [sflag:$0x4], $0x80, s26, s18, $0xb8;
	v63 =	vld [tilespmem:$0x0]  }
0x30f: {  	_ =	swait.ge [sflag:s17], $0x3800  }
0x310: {  	[sflag:s17] =	ssyncset.done $0x0  }
0x311: {  	s29 =	simm.s32 $0x1100;
	[sflag:s17] =	ssyncadd.s32 $0xFFFFC800  }
0x312: {  	[tilespmem:s22], [sflag:$0x3] =	stream.indirect.gather [hbm4b:s4+s18], $0x80, s29, s18, $0xb8;
	v63 =	vld [tilespmem:$0x0]  }
0x313: {  	_ =	swait.ge [sflag:s23], $0x3800  }
0x314: {  	[sflag:s23] =	ssyncset.done $0x0  }
0x315: {  	s30 =	simm.s32 $0xF80;
	[sflag:s23] =	ssyncadd.s32 $0xFFFFC800  }
0x316: {  	[spmem:s1] =	stream.indirect.scatter.add.f32 [tilespmem:s16], [sflag:$0x4], $0x80, s30, s18, $0xb8;
	v63 =	vld [tilespmem:$0x0]  }
0x317: {  	_ =	swait.ge [sflag:s17], $0x3800  }
0x318: {  	[sflag:s17] =	ssyncset.done $0x0  }
0x319: {  	s2 =	simm.s32 $0x1200;
	[sflag:s17] =	ssyncadd.s32 $0xFFFFC800  }
0x31a: {  	[tilespmem:s16], [sflag:$0x1] =	stream.indirect.gather [hbm4b:s4+s18], $0x80, s2, s18, $0xb8;
	v63 =	vld [tilespmem:$0x0]  }
0x31b: {  	_ =	swait.ge [sflag:s28], $0x3800  }
0x31c: {  	[sflag:s28] =	ssyncset.done $0x0  }
0x31d: {  	s3 =	simm.s32 $0x1080;
	[sflag:s28] =	ssyncadd.s32 $0xFFFFC800  }
0x31e: {  	[spmem:s1] =	stream.indirect.scatter.add.f32 [tilespmem:s20], [sflag:$0x4], $0x80, s3, s18, $0xb8;
	v63 =	vld [tilespmem:$0x0]  }
0x31f: {  	_ =	swait.ge [sflag:s17], $0x3800  }
0x320: {  	[sflag:s17] =	ssyncset.done $0x0  }
0x321: {  	s5 =	simm.s32 $0x1300;
	[sflag:s17] =	ssyncadd.s32 $0xFFFFC800  }
0x322: {  	[tilespmem:s20], [sflag:$0x2] =	stream.indirect.gather [hbm4b:s4+s18], $0x80, s5, s18, $0xb8;
	v63 =	vld [tilespmem:$0x0]  }
0x323: {  	_ =	swait.ge [sflag:s31], $0x3800  }
0x324: {  	[sflag:s31] =	ssyncset.done $0x0  }
0x325: {  	s6 =	simm.s32 $0x1180;
	[sflag:s31] =	ssyncadd.s32 $0xFFFFC800  }
0x326: {  	[spmem:s1] =	stream.indirect.scatter.add.f32 [tilespmem:s22], [sflag:$0x4], $0x80, s6, s18, $0xb8;
	v63 =	vld [tilespmem:$0x0]  }
0x327: {  	_ =	swait.ge [sflag:s17], $0x3800  }
0x328: {  	[sflag:s17] =	ssyncset.done $0x0  }
0x329: {  	s8 =	simm.s32 $0x1400;
	[sflag:s17] =	ssyncadd.s32 $0xFFFFC800  }
0x32a: {  	[tilespmem:s22], [sflag:$0x3] =	stream.indirect.gather [hbm4b:s4+s18], $0x80, s8, s18, $0xb8;
	v63 =	vld [tilespmem:$0x0]  }
0x32b: {  	_ =	swait.ge [sflag:s23], $0x3800  }
0x32c: {  	[sflag:s23] =	ssyncset.done $0x0  }
0x32d: {  	s9 =	simm.s32 $0x1280;
	[sflag:s23] =	ssyncadd.s32 $0xFFFFC800  }
0x32e: {  	[spmem:s1] =	stream.indirect.scatter.add.f32 [tilespmem:s16], [sflag:$0x4], $0x80, s9, s18, $0xb8;
	v63 =	vld [tilespmem:$0x0]  }
0x32f: {  	_ =	swait.ge [sflag:s17], $0x3800  }
0x330: {  	[sflag:s17] =	ssyncset.done $0x0  }
0x331: {  	s10 =	simm.s32 $0x1500;
	[sflag:s17] =	ssyncadd.s32 $0xFFFFC800  }
0x332: {  	[tilespmem:s16], [sflag:$0x1] =	stream.indirect.gather [hbm4b:s4+s18], $0x80, s10, s18, $0xb8;
	v63 =	vld [tilespmem:$0x0]  }
0x333: {  	_ =	swait.ge [sflag:s28], $0x3800  }
0x334: {  	[sflag:s28] =	ssyncset.done $0x0  }
0x335: {  	s11 =	simm.s32 $0x1380;
	[sflag:s28] =	ssyncadd.s32 $0xFFFFC800  }
0x336: {  	[spmem:s1] =	stream.indirect.scatter.add.f32 [tilespmem:s20], [sflag:$0x4], $0x80, s11, s18, $0xb8;
	v63 =	vld [tilespmem:$0x0]  }
0x337: {  	_ =	swait.ge [sflag:s17], $0x3800  }
0x338: {  	[sflag:s17] =	ssyncset.done $0x0  }
0x339: {  	s12 =	simm.s32 $0x1600;
	[sflag:s17] =	ssyncadd.s32 $0xFFFFC800  }
0x33a: {  	[tilespmem:s20], [sflag:$0x2] =	stream.indirect.gather [hbm4b:s4+s18], $0x80, s12, s18, $0xb8;
	v63 =	vld [tilespmem:$0x0]  }
0x33b: {  	_ =	swait.ge [sflag:s31], $0x3800  }
0x33c: {  	[sflag:s31] =	ssyncset.done $0x0  }
0x33d: {  	s13 =	simm.s32 $0x1480;
	[sflag:s31] =	ssyncadd.s32 $0xFFFFC800  }
0x33e: {  	[spmem:s1] =	stream.indirect.scatter.add.f32 [tilespmem:s22], [sflag:$0x4], $0x80, s13, s18, $0xb8;
	v63 =	vld [tilespmem:$0x0]  }
0x33f: {  	_ =	swait.ge [sflag:s17], $0x3800  }
0x340: {  	[sflag:s17] =	ssyncset.done $0x0  }
0x341: {  	s14 =	simm.s32 $0x1700;
	[sflag:s17] =	ssyncadd.s32 $0xFFFFC800  }
0x342: {  	[tilespmem:s22], [sflag:$0x3] =	stream.indirect.gather [hbm4b:s4+s18], $0x80, s14, s18, $0xb8;
	v63 =	vld [tilespmem:$0x0]  }
0x343: {  	_ =	swait.ge [sflag:s23], $0x3800  }
0x344: {  	[sflag:s23] =	ssyncset.done $0x0  }
0x345: {  	s15 =	simm.s32 $0x1580;
	[sflag:s23] =	ssyncadd.s32 $0xFFFFC800  }
0x346: {  	[spmem:s1] =	stream.indirect.scatter.add.f32 [tilespmem:s16], [sflag:$0x4], $0x80, s15, s18, $0xb8;
	v63 =	vld [tilespmem:$0x0]  }
0x347: {  	_ =	swait.ge [sflag:s17], $0x3800  }
0x348: {  	[sflag:s17] =	ssyncset.done $0x0  }
0x349: {  	[sflag:s17] =	ssyncadd.s32 $0xFFFFC800  }
0x34a: {  	_ =	swait.ge [sflag:s28], $0x3800  }
0x34b: {  	[sflag:s28] =	ssyncset.done $0x0  }
0x34c: {  	s19 =	simm.s32 $0x1680;
	[sflag:s28] =	ssyncadd.s32 $0xFFFFC800  }
0x34d: {  	[spmem:s1] =	stream.indirect.scatter.add.f32 [tilespmem:s20], [sflag:$0x4], $0x80, s19, s18, $0xb8;
	v63 =	vld [tilespmem:$0x0]  }
0x34e: {  	_ =	swait.ge [sflag:s17], $0x3800  }
0x34f: {  	[sflag:s17] =	ssyncset.done $0x0  }
0x350: {  	[sflag:s17] =	ssyncadd.s32 $0xFFFFC800  }
0x351: {  	_ =	swait.ge [sflag:s31], $0x3800  }
0x352: {  	[sflag:s31] =	ssyncset.done $0x0  }
0x353: {  	s21 =	simm.s32 $0x1780;
	[sflag:s31] =	ssyncadd.s32 $0xFFFFC800  }
0x354: {  	[spmem:s1] =	stream.indirect.scatter.add.f32 [tilespmem:s22], [sflag:$0x4], $0x80, s21, s18, $0xb8;
	v63 =	vld [tilespmem:$0x0]  }
0x355: {  	_ =	swait.ge [sflag:s17], $0x3800  }
0x356: {  	[sflag:s17] =	ssyncset.done $0x0  }
0x357: {  	[sflag:s17] =	ssyncadd.s32 $0xFFFFC800  }
0x358: {  	s24 =	stileid.u32;
	[bflag:$0x0] =	sbarrier.arrive $0xFFFF  }
0x359: {  	s8 =	sshll.u32 s24, $0x6;
	s25 =	rddreg [dreg:$0xe]  }
0x35a: {  	s8 =	sor.u32 $0x1C04, s8;
	s29 =	rddreg [dreg:$0xd];
	s26 =	sshrl.u32 s25, $0x3  }
0x35b: {  	[hbm:s29], [sflag:s8] =	dma.local [spmem:s26], $0x2800  }
0x35c: {  	_ =	swait.ge [sflag:s17], $0x2800  }
0x35d: {  	s7 =	sadd.s32 $0x1, s7;
	s30 =	rddreg [dreg:$0xc]  }
0x35e: {  	p0 =	sne.s32 s7, s30  }
.Ltmp1:
0x35f: {  	_ = 	snop;
	(pc) =	sbr.rel @p0 .LBB2_1-.Ltmp1, $3  }
0x360: {  	_ =	sdelay $0x1  }
0x361: {  	[sflag:s17] =	ssyncset.done $0x0  }
0x362: {  	[sflag:s17] =	ssyncadd.s32 $0xFFFFD800  }
0x363: {  	_ =	sfence.sel $0x180000  }
0x364: {  	[bflag:$0x0] =	sbarrier.arrive $0xFFFF  }
0x365: {  	_ =	strace $0x9000004D  }
0x366: {  	s0 =	stileid.u32;
	[bflag:$0x2] =	sbarrier.arrive $0xFFFF  }
0x367: {  	p0 =	sne.s32 s0, $0x0;
	s0 =	rddreg [dreg:$0x2]  }
0x368: {  	s0 =	sadd.s32 @!p0 $0x100000, s0  }
0x369: {  	[sflag:s0] =	ssyncadd.tile.s32 @!p0 $0x1;
	_ =	shalt  }
.Lfunc_end2:
_tile_overlayer_lowered:
.L_overlay_start_2:
0x36a: {  	(tag) =	ssettag $0x2  }
0x36b: {  	s0 =	rddreg [dreg:$0x0];
	s2 =	stileid.u32  }
0x36c: {  	s1 =	rddreg [dreg:$0x1];
	p0 =	sne.s32 s2, $0x0  }
0x36d: {  	s3 =	rddreg [dreg:$0x2];
	[bflag:$0x3] =	sbarrier.arrive $0xFFFF;
	s2 =	simm.s32 @!p0 $0x1C04  }
0x36e: {  	[timem:s3], [sflag:s2] =	dma.local @!p0 [hbm:s0], s1  }
0x36f: {  	s0 =	simm.s32 @!p0 $0x4  }
0x370: {  	_ =	swait.ge @!p0 [sflag:s0], s1  }
0x371: {  	s1 =	ssub.s32 @!p0 $0x0, s1;
	[sflag:s0] =	ssyncset.done @!p0 $0x0  }
0x372: {  	[sflag:s0] =	ssyncadd.s32 @!p0 s1  }
0x373: {  	[bflag:$0x3] =	sbarrier.arrive $0xFFFF  }
0x374: {  	_ =	shalt  }

// kernel: kernel.8.cloned.1.call-start
scs
__scs_entry_jumppad:
0x0: {  	(pc) =	sbr.rel $0x88, $3  }
0x1: {  	(tag) =	ssettag $0x0;
	lr =	simm.s32 $0x1  }
0x2: {  	[smem:$0x3F99] =	sst lr;
	_ =	strace $0xD0000000  }
0x3: {  	_ = 	snop  }
0x4: {  	_ = 	snop  }
0x5: {  	_ = 	snop  }
0x6: {  	_ = 	snop  }
0x7: {  	_ = 	snop  }
__scs_overlays_trampoline_lowered:
0x8: {  	[smem:$0x3FA8] =	sst s0  }
0x9: {  	[smem:$0x3FA9] =	sst s1  }
0xa: {  	[smem:$0x3FAA] =	sst s2  }
0xb: {  	[smem:$0x3FAB] =	sst s3  }
0xc: {  	[smem:$0x3FAC] =	sst s4  }
0xd: {  	[smem:$0x3FAD] =	sst s5  }
0xe: {  	[smem:$0x3FAE] =	sst s6  }
0xf: {  	[smem:$0x3FAF] =	sst s7  }
0x10: {  	[smem:$0x3FB0] =	sst s8  }
0x11: {  	[smem:$0x3FB1] =	sst s9;
	s0 =	simm.s32 @!p0 $0x0  }
0x12: {  	s1 =	sld [smem:$0x3F97];
	s0 =	simm.s32 @p0 $0x1  }
0x13: {  	[smem:$0x3FB2] =	sst s0;
	s0 =	simm.s32 @!p1 $0x0  }
0x14: {  	s2 =	sld [smem:$0x3F96];
	s0 =	simm.s32 @p1 $0x1  }
0x15: {  	[smem:$0x3FB3] =	sst s0;
	s0 =	simm.s32 @!p2 $0x0  }
0x16: {  	s3 =	sld [smem:$0x3FDB];
	s0 =	simm.s32 @p2 $0x1  }
0x17: {  	s4 =	simm.s32 $0x1BF5;
	[smem:$0x3FB5] =	sst s0  }
0x18: {  	s0 =	sld [smem:$0x3F98];
	_ =	swait.ge [sflag:s4], $0x0  }
0x19: {  	s7 =	sld [smem:$0x3F99]  }
0x1a: {  	s8 =	sadd.s32 $0xFFFFE003, lr  }
0x1b: {  	s9 =	sadd.s32 $0xFFFFFEF7, lr;
	s5 =	simm.s32 $0xFFFFFFFF;
	p2 =	slt.u32 s8, $0xFFFFF086  }
0x1c: {  	p1 =	slt.u32 s9, $0xF7A;
	s5 =	simm.s32 @!p2 $0x0  }
0x1d: {  	s5 =	simm.s32 @p1 $0x1;
	p0 =	seq.s32 s7, s2  }
0x1e: {  	s7 =	smul.u32 @!p0 $0xF7A, s2;
	p2 =	seq.s32 @!p0 s5, $0x0  }
0x1f: {  	s9 =	smul.u32 $0xF7A, s1;
	s8 =	simm.s32 @!p0 $0x1BF5;
	p2 =	por !p2, p0  }
0x20: {  	[sflag:s8] =	ssyncset.s32 @!p0 $0xFFFFF086;
	s6 =	sadd.s32 @!p0 s3, s7;
	s7 =	simm.s32 @!p0 $0x108  }
0x21: {  	s3 =	sadd.s32 s3, s9;
	s6 =	sadd.s32 @!p0 $0x88, s6;
	s7 =	simm.s32 @p2 $0x1082  }
0x22: {  	[simem:s7], [sflag:s8] =	dma.local @!p0 [hbm:s6], $0xF7A  }
0x23: {  	s9 =	sor.u32 $0xD0000000, s2;
	s6 =	simm.s32 $0x108;
	_ =	swait.ge @!p0 [sflag:s8], $0x0  }
0x24: {  	s3 =	sadd.s32 $0x88, s3;
	s6 =	simm.s32 @!p1 $0x1082;
	[sflag:s4] =	ssyncset.s32 $0xFFFFF086  }
0x25: {  	[simem:s6], [sflag:s4] =	dma.local [hbm:s3], $0xF7A  }
0x26: {  	[smem:$0x3F99] =	sst s1;
	(tag) =	ssettag s2;
	_ =	strace s9  }
0x27: {  	s1 =	sld [smem:$0x3FA9]  }
0x28: {  	s2 =	sld [smem:$0x3FAA]  }
0x29: {  	s4 =	sld [smem:$0x3FAC]  }
0x2a: {  	p0 =	seq.s32 s5, $0x0;
	s5 =	sld [smem:$0x3FAD]  }
0x2b: {  	s6 =	sld [smem:$0x3FAE]  }
0x2c: {  	s7 =	sld [smem:$0x3FAF]  }
0x2d: {  	s3 =	simm.s32 $0x108;
	s8 =	sld [smem:$0x3FB0]  }
0x2e: {  	s3 =	simm.s32 @!p0 $0x1082;
	s9 =	sld [smem:$0x3FB1]  }
0x2f: {  	lr =	sadd.s32 s0, s3;
	s0 =	sld [smem:$0x3FA8]  }
0x30: {  	s3 =	sld [smem:$0x3FAB]  }
0x31: {  	[smem:$0x3FB4] =	sst s10  }
0x32: {  	s10 =	sld [smem:$0x3FB2];
	_ =	sdelay $0x3  }
0x33: {  	p0 =	seq.s32 s10, $0x1;
	s10 =	sld [smem:$0x3FB4];
	_ =	sdelay $0x3  }
0x34: {  	[smem:$0x3FB4] =	sst s10  }
0x35: {  	s10 =	sld [smem:$0x3FB3];
	_ =	sdelay $0x3  }
0x36: {  	p1 =	seq.s32 s10, $0x1;
	s10 =	sld [smem:$0x3FB4];
	_ =	sdelay $0x3  }
0x37: {  	[smem:$0x3FB4] =	sst s10  }
0x38: {  	s10 =	sld [smem:$0x3FB5]  }
0x39: {  	_ = 	snop;
	(pc) =	sbr.ind lr, $3  }
0x3a: {  	_ = 	snop  }
0x3b: {  	_ = 	snop  }
0x3c: {  	p2 =	seq.s32 s10, $0x1;
	s10 =	sld [smem:$0x3FB4]  }
0x3d: {  	_ =	shalt  }
0x3e: {  	_ =	shalt  }
0x3f: {  	_ =	shalt  }
0x40: {  	_ =	shalt  }
0x41: {  	_ =	shalt  }
0x42: {  	_ =	shalt  }
0x43: {  	_ =	shalt  }
0x44: {  	_ =	shalt  }
0x45: {  	_ =	shalt  }
0x46: {  	_ =	shalt  }
0x47: {  	_ =	shalt  }
0x48: {  	_ =	shalt  }
0x49: {  	_ =	shalt  }
0x4a: {  	_ =	shalt  }
0x4b: {  	_ =	shalt  }
0x4c: {  	_ =	shalt  }
0x4d: {  	_ =	shalt  }
0x4e: {  	_ =	shalt  }
0x4f: {  	_ =	shalt  }
0x50: {  	_ =	shalt  }
0x51: {  	_ =	shalt  }
0x52: {  	_ =	shalt  }
0x53: {  	_ =	shalt  }
0x54: {  	_ =	shalt  }
0x55: {  	_ =	shalt  }
0x56: {  	_ =	shalt  }
0x57: {  	_ =	shalt  }
0x58: {  	_ =	shalt  }
0x59: {  	_ =	shalt  }
0x5a: {  	_ =	shalt  }
0x5b: {  	_ =	shalt  }
0x5c: {  	_ =	shalt  }
0x5d: {  	_ =	shalt  }
0x5e: {  	_ =	shalt  }
0x5f: {  	_ =	shalt  }
0x60: {  	_ =	shalt  }
0x61: {  	_ =	shalt  }
0x62: {  	_ =	shalt  }
0x63: {  	_ =	shalt  }
0x64: {  	_ =	shalt  }
0x65: {  	_ =	shalt  }
0x66: {  	_ =	shalt  }
0x67: {  	_ =	shalt  }
0x68: {  	_ =	shalt  }
0x69: {  	_ =	shalt  }
0x6a: {  	_ =	shalt  }
0x6b: {  	_ =	shalt  }
0x6c: {  	_ =	shalt  }
0x6d: {  	_ =	shalt  }
0x6e: {  	_ =	shalt  }
0x6f: {  	_ =	shalt  }
0x70: {  	_ =	shalt  }
0x71: {  	_ =	shalt  }
0x72: {  	_ =	shalt  }
0x73: {  	_ =	shalt  }
0x74: {  	_ =	shalt  }
0x75: {  	_ =	shalt  }
0x76: {  	_ =	shalt  }
0x77: {  	_ =	shalt  }
0x78: {  	_ =	shalt  }
0x79: {  	_ =	shalt  }
0x7a: {  	_ =	shalt  }
0x7b: {  	_ =	shalt  }
0x7c: {  	_ =	shalt  }
0x7d: {  	_ =	shalt  }
0x7e: {  	_ =	shalt  }
0x7f: {  	_ =	shalt  }
0x80: {  	_ =	shalt  }
0x81: {  	_ =	shalt  }
0x82: {  	_ =	shalt  }
0x83: {  	_ =	shalt  }
0x84: {  	_ =	shalt  }
0x85: {  	_ =	shalt  }
0x86: {  	_ =	shalt  }
0x87: {  	_ =	shalt  }
.Lfunc_end0:
.L_simem_size_0:
called_computation_lowered:
.L_overlay_start_0:
0x88: {  	s2 =	sld [smem:$0x3FD9]  }
0x89: {  	s3 =	sld [smem:$0x3FFE];
	_ =	sdelay $0x1  }
0x8a: {  	s1 =	srdreg.scid  }
0x8b: {  	s0 =	sand.u32 $0x1, s1  }
0x8c: {  	s16 =	sshll.u32 s0, $0xA;
	s2 =	sadd.s32 s3, s2  }
0x8d: {  	s2 =	sadd.s32 s2, s16  }
0x8e: {  	[smem:$0x3FC0] =	sst s2  }
0x8f: {  	_ = 	snop  }
0x90: {  	(tm) =	ssettm $0x1  }
0x91: {  	s17 =	sld [smem:$0x3FFB];
	_ =	sdelay $0x3  }
0x92: {  	_ =	strace s17  }
0x93: {  	s2 =	sld [smem:$0x3FFC];
	_ =	sdelay $0x3  }
0x94: {  	_ =	strace s2  }
0x95: {  	s2 =	sld [smem:$0x3FFD];
	_ =	sdelay $0x3  }
0x96: {  	_ =	strace s2  }
0x97: {  	_ =	strace $0x8FFFFFFF  }
0x98: {  	s18 =	sld [smem:$0x3FDB];
	_ =	sdelay $0x1  }
0x99: {  	s19 =	simm.s32 $_scs_section_size  }
0x9a: {  	s4 =	simm.s32 $_size__tile_overlayer_lowered;
	s5 =	simm.s32 $_tile_overlayer_lowered  }
0x9b: {  	s22 =	simm.s32 $0x1BFF;
	s21 =	sshll.u32 s5, $0x1;
	s2 =	sadd.s32 s19, s18  }
0x9c: {  	s6 =	simm.s32 $0x0;
	s20 =	sshll.u32 s4, $0x1;
	s4 =	sadd.s32 s21, s2  }
0x9d: {  	[timem:s6], [sflag:s22] =	dma.local [hbm:s4], s20  }
0x9e: {  	_ =	swait.ge [sflag:s22], s20  }
0x9f: {  	s3 =	ssub.s32 $0x0, s20;
	[sflag:s22] =	ssyncset.done $0x0  }
0xa0: {  	[sflag:s22] =	ssyncadd.s32 s3;
	_ =	sdelay $0x1  }
0xa1: {  	s23 =	simm.s32 $0x1B8B  }
0xa2: {  	_ =	swait.ge [sflag:s23], $0x1  }
0xa3: {  	[sflag:s23] =	ssyncset.done $0x0  }
0xa4: {  	s25 =	simm.s32 $0x1B8E;
	s24 =	sld [smem:$0x3FFE];
	[sflag:s23] =	ssyncadd.s32 $0xFFFFFFFF  }
0xa5: {  	s26 =	simm.s32 $execute0_lowered;
	[smem:$0x3FD2] =	sst s25  }
0xa6: {  	s4 =	sshll.u32 s26, $0x1;
	_ =	strace $0x80000046;
	[dreg:$0x1] =	wrdreg $0xFFFFFFFF  }
0xa7: {  	s28 =	simm.s32 $_size_execute0_lowered;
	s2 =	sadd.s32 s2, s4;
	[dreg:$0x0] =	wrdreg $0x0  }
0xa8: {  	s4 =	sshll.u32 s28, $0x1;
	[dreg:$0x2] =	wrdreg s2  }
0xa9: {  	[dreg:$0x3] =	wrdreg s4  }
0xaa: {  	[dreg:$0x4] =	wrdreg $0xC0  }
0xab: {  	_ =	task [dreg:s6], $0x5FFFF  }
0xac: {  	[dreg:$0x1] =	wrdreg $0xFFFFFFFF  }
0xad: {  	[dreg:$0x0] =	wrdreg $0x60  }
0xae: {  	[dreg:$0x2] =	wrdreg s24  }
0xaf: {  	[dreg:$0x3] =	wrdreg $0xB2800  }
0xb0: {  	[dreg:$0x4] =	wrdreg $0x9  }
0xb1: {  	_ =	task.clear_ibuf [dreg:s6], $0x5FFFF;
	_ =	strace $0x90000046  }
0xb2: {  	s29 =	simm.s32 $0x9;
	_ =	strace $0x80000048  }
0xb3: {  	_ =	swait.ge [sflag:s29], $0x1  }
0xb4: {  	[sflag:s29] =	ssyncadd.s32 $0xFFFFFFFF  }
0xb5: {  	_ =	strace $0x90000048  }
0xb6: {  	_ =	sfence  }
0xb7: {  	s30 =	sld [smem:$0x0];
	_ =	sdelay $0x2  }
0xb8: {  	s31 =	sshll.u32 s1, $0xD;
	s1 =	sshrl.u32 s1, $0x2  }
0xb9: {  	s3 =	sand.u32 $0x4000, s31;
	s1 =	sadd.s32 s1, s30  }
0xba: {  	s0 =	sor.u32 s3, s0;
	s1 =	sshll.u32 s1, $0x11  }
0xbb: {  	s0 =	sor.u32 s1, s0  }
0xbc: {  	s0 =	sadd.s32 $0x8F2B, s0  }
0xbd: {  	[sflag:s0] =	ssyncadd.remote.s32 $0x1  }
0xbe: {  	_ =	sfence.sel $0xFFFF  }
0xbf: {  	[dreg:$0x0] =	wrdreg $0xFFFFFFFF;
	(pc) =	sbr.abs _section_cstart, $3  }
0xc0: {  	[dreg:$0x1] =	wrdreg $0xFFFFFFFF  }
0xc1: {  	_ =	task.clear_ibuf [dreg:s6], $0x2FFFF;
	_ =	strace $0x9FFFFFFF  }
0xc2: {  	(tm) =	ssettm $0x7FFFFFFF  }
0xc3: {  	_ =	shalt  }
tec
execute0_lowered:
.L_overlay_start_1:
0x0: {  	(tag) =	ssettag $0x1  }
0x1: {  	s3 =	rddreg [dreg:$0x0]  }
0x2: {  	s0 =	srdreg.scid;
	s5 =	rddreg [dreg:$0x1]  }
0x3: {  	s1 =	stileid.u32;
	s2 =	simm.s32 $0x0;
	s12 =	simm.s32 $0x14000  }
0x4: {  	s13 =	simm.s32 $0x8800;
	s4 =	sand.u32 $0x1, s0;
	s0 =	rddreg [dreg:$0x2]  }
0x5: {  	s16 =	simm.s32 $0xB000;
	s17 =	simm.s32 $0x0;
	[smem:$0x7FF] =	sst s2  }
0x6: {  	s8 =	sshrl.u32 s1, $0x3;
	s9 =	sshll.u32 s1, $0x7;
	s10 =	smul.u32 $0x5000, s1  }
0x7: {  	s15 =	smul.u32 $0xA0, s1;
	s6 =	sshll.u32 s4, $0x4;
	_ =	strace $0x80000047  }
0x8: {  	s4 =	ssub.s32 $0x2, s4;
	s8 =	smul.u32 $0x50000, s8;
	s30 =	sand.u32 $0x380, s9  }
0x9: {  	s9 =	simm.s32 $0x80;
	s7 =	sor.u32 s1, s6;
	s6 =	sadd.s32 s6, s3  }
0xa: {  	s29 =	sshrl.u32 s4, $0x1;
	s31 =	sshrl.u32 s10, $0x2;
	s10 =	simm.s32 $0x400  }
0xb: {  	s7 =	smul.u32 $0xC00, s7;
	s8 =	sshrl.u32 s8, $0x2;
	s11 =	ssub.s32 s4, s29  }
0xc: {  	s14 =	sadd.s32 $0x1AA00, s6;
	s8 =	sadd.s32 s8, s5;
	s5 =	sadd.s32 s31, s5  }
0xd: {  	s6 =	smax.u32 s11, $0x1;
	s11 =	simm.s32 $0x1400;
	s14 =	sadd.s32 s15, s14  }
0xe: {  	s15 =	simm.s32 $0x100;
	s7 =	sadd.s32 s7, s3;
	s4 =	sadd.s32 s30, s8  }
0xf: {  	v0 =	vimm.f32 $0.0e+00;
	v1 =	vimm.f32 $1.000000000e+00;
	s8 =	simm.s32 $0x6000;
	s3 =	sadd.s32 $0x2A00, s7;
	s7 =	simm.s32 $0x1  }
.LBB2_1:
0x10: {  	[tilespmem:s2], [sflag:$0x1] =	stream.linear.gather [hbm4b:s3+s2], $0x6000, $0x38;
	[tilespmem:$0xDA80] =	vst v63  }
0x11: {  	_ =	swait.ge [sflag:s7], $0x6000  }
0x12: {  	[sflag:s7] =	ssyncset.done $0x0  }
0x13: {  	s18 =	simm.s32 $0x0;
	[sflag:s7] =	ssyncadd.s32 $0xFFFFA000  }
.LBB2_2:
0x14: {  	p0 =	sne.s32 s18, $0x9FC0  }
.Ltmp0:
0x15: {  	_ = 	snop;
	(pc) =	sbr.rel @p0 .LBB2_2-.Ltmp0, $3  }
0x16: {  	_ =	sdelay $0x1  }
0x17: {  	s19 =	sshra.s32 s18, $0x2  }
0x18: {  	s18 =	sadd.s32 $0x40, s18;
	[tilespmem:s19+$0x6000] =	vst v0  }
0x19: {  	s18 =	simm.s32 $0x380  }
.LBB2_4:
0x1a: {  	s19 =	sshra.s32 s18, $0x2  }
0x1b: {  	v2 =	vld [tilespmem:s19+$0xFFFFFFA0];
	_ =	sdelay $0x7  }
0x1c: {  	[tilespmem:v2+s8+$0x0] =	vst.idx.add.f32.msk $0xffff, v1  }
0x1d: {  	v2 =	vld [tilespmem:s19+$0xFFFFFFB0];
	_ =	sdelay $0x7  }
0x1e: {  	[tilespmem:v2+s8+$0x0] =	vst.idx.add.f32.msk $0xffff, v1  }
0x1f: {  	v2 =	vld [tilespmem:s19+$0xFFFFFFC0];
	_ =	sdelay $0x7  }
0x20: {  	[tilespmem:v2+s8+$0x0] =	vst.idx.add.f32.msk $0xffff, v1  }
0x21: {  	v2 =	vld [tilespmem:s19+$0xFFFFFFD0];
	_ =	sdelay $0x7  }
0x22: {  	[tilespmem:v2+s8+$0x0] =	vst.idx.add.f32.msk $0xffff, v1  }
0x23: {  	v2 =	vld [tilespmem:s19+$0xFFFFFFE0];
	_ =	sdelay $0x7  }
0x24: {  	[tilespmem:v2+s8+$0x0] =	vst.idx.add.f32.msk $0xffff, v1  }
0x25: {  	v2 =	vld [tilespmem:s19+$0xFFFFFFF0];
	_ =	sdelay $0x7  }
0x26: {  	[tilespmem:v2+s8+$0x0] =	vst.idx.add.f32.msk $0xffff, v1  }
0x27: {  	v2 =	vld [tilespmem:s19+$0x0];
	_ =	sdelay $0x2  }
0x28: {  	p0 =	sne.s32 s18, $0x17F80  }
.Ltmp1:
0x29: {  	_ = 	snop;
	(pc) =	sbr.rel @p0 .LBB2_4-.Ltmp1, $2  }
0x2a: {  	_ =	sdelay $0x2  }
0x2b: {  	s18 =	sadd.s32 $0x400, s18;
	[tilespmem:v2+s8+$0x0] =	vst.idx.add.f32.msk $0xffff, v1  }
0x2c: {  	[spmem:s4] =	stream.strided.scatter [tilespmem:s8], [sflag:$0x1], $0x2800, s10, s9, $0x38;
	[tilespmem:$0xDA80] =	vst v63  }
0x2d: {  	_ =	swait.ge [sflag:s7], $0x2800  }
0x2e: {  	[sflag:s7] =	ssyncset.done $0x0  }
0x2f: {  	[sflag:s7] =	ssyncadd.s32 $0xFFFFD800  }
0x30: {  	[bflag:$0x0] =	sbarrier.arrive $0xFFFF  }
0x31: {  	[tilespmem:s13], [sflag:$0x1] =	stream.strided.gather [spmem:s5], $0x2800, s12, s11, $0x38;
	[tilespmem:$0xDA80] =	vst v63  }
0x32: {  	s18 =	simm.s32 $0x0;
	_ =	swait.ge [sflag:s7], $0x2800  }
0x33: {  	s19 =	sand.u32 $0x70, s18;
	s18 =	sand.u32 $0x1C00, s18;
	[sflag:s7] =	ssyncset.done $0x0  }
0x34: {  	s18 =	sor.u32 s19, s18;
	[sflag:s7] =	ssyncadd.s32 $0xFFFFD800  }
0x35: {  	v2 =	vld [tilespmem:s18+$0x8880]  }
0x36: {  	v3 =	vld [tilespmem:s18+$0x8800];
	_ =	sdelay $0x1  }
0x37: {  	v4 =	vld [tilespmem:s18+$0x8900];
	_ =	sdelay $0x1  }
0x38: {  	v5 =	vld [tilespmem:s18+$0x8980]  }
0x39: {  	v2 =	vadd.f32 v2, v3  }
0x3a: {  	v3 =	vld [tilespmem:s18+$0x8A00]  }
0x3b: {  	v2 =	vadd.f32 v4, v2  }
0x3c: {  	v56 =	vld [tilespmem:s18+$0x8A80]  }
0x3d: {  	v2 =	vadd.f32 v5, v2  }
0x3e: {  	v57 =	vld [tilespmem:s18+$0x8B00]  }
0x3f: {  	v2 =	vadd.f32 v3, v2  }
0x40: {  	v3 =	vld [tilespmem:s18+$0x8B80]  }
0x41: {  	v2 =	vadd.f32 v56, v2  }
0x42: {  	v58 =	vld [tilespmem:s18+$0x9C00]  }
0x43: {  	v2 =	vadd.f32 v57, v2  }
0x44: {  	v59 =	vld [tilespmem:s18+$0x9C80]  }
0x45: {  	v2 =	vadd.f32 v3, v2  }
0x46: {  	v3 =	vld [tilespmem:s18+$0x9D00]  }
0x47: {  	v2 =	vadd.f32 v58, v2  }
0x48: {  	v60 =	vld [tilespmem:s18+$0x9D80]  }
0x49: {  	v2 =	vadd.f32 v59, v2  }
0x4a: {  	v61 =	vld [tilespmem:s18+$0x9E00]  }
0x4b: {  	v2 =	vadd.f32 v3, v2  }
0x4c: {  	v3 =	vld [tilespmem:s18+$0x9E80]  }
0x4d: {  	v2 =	vadd.f32 v60, v2  }
0x4e: {  	v62 =	vld [tilespmem:s18+$0x9F00]  }
0x4f: {  	v2 =	vadd.f32 v61, v2  }
0x50: {  	v63 =	vld [tilespmem:s18+$0x9F80]  }
0x51: {  	v2 =	vadd.f32 v3, v2;
	_ =	sdelay $0x1  }
0x52: {  	v2 =	vadd.f32 v62, v2;
	_ =	sdelay $0x1  }
0x53: {  	s31 =	simm.s32 $0x10;
	s20 =	simm.s32 $0x80;
	v2 =	vadd.f32 v63, v2  }
0x54: {  	s21 =	sand.u32 $0x1C00, s20;
	s19 =	sand.u32 $0x70, s31;
	s18 =	simm.s32 $0xB000  }
0x55: {  	s19 =	sor.u32 s19, s21;
	s21 =	simm.s32 $0x20;
	[tilespmem:s18+$0x0] =	vst v2  }
.LBB2_6:
0x56: {  	p0 =	sne.s32 s21, $0x270;
	v2 =	vld [tilespmem:s19+$0x8880]  }
0x57: {  	v3 =	vld [tilespmem:s19+$0x8800];
	_ =	sdelay $0x1  }
0x58: {  	v4 =	vld [tilespmem:s19+$0x8900];
	_ =	sdelay $0x1  }
0x59: {  	v5 =	vld [tilespmem:s19+$0x8980]  }
0x5a: {  	v2 =	vadd.f32 v2, v3  }
0x5b: {  	v3 =	vld [tilespmem:s19+$0x8A00]  }
0x5c: {  	v2 =	vadd.f32 v4, v2  }
0x5d: {  	v4 =	vld [tilespmem:s19+$0x8A80]  }
0x5e: {  	v2 =	vadd.f32 v5, v2  }
0x5f: {  	v5 =	vld [tilespmem:s19+$0x8B00]  }
0x60: {  	v2 =	vadd.f32 v3, v2  }
0x61: {  	v3 =	vld [tilespmem:s19+$0x8B80]  }
0x62: {  	v2 =	vadd.f32 v4, v2  }
0x63: {  	v4 =	vld [tilespmem:s19+$0x9C00]  }
0x64: {  	v2 =	vadd.f32 v5, v2  }
0x65: {  	v5 =	vld [tilespmem:s19+$0x9C80]  }
0x66: {  	v2 =	vadd.f32 v3, v2  }
0x67: {  	v3 =	vld [tilespmem:s19+$0x9D00]  }
0x68: {  	v2 =	vadd.f32 v4, v2  }
0x69: {  	v4 =	vld [tilespmem:s19+$0x9D80]  }
0x6a: {  	v2 =	vadd.f32 v5, v2  }
0x6b: {  	v5 =	vld [tilespmem:s19+$0x9E00]  }
0x6c: {  	v2 =	vadd.f32 v3, v2  }
0x6d: {  	v3 =	vld [tilespmem:s19+$0x9E80]  }
0x6e: {  	v2 =	vadd.f32 v4, v2  }
0x6f: {  	v4 =	vld [tilespmem:s19+$0x9F00]  }
0x70: {  	v2 =	vadd.f32 v5, v2  }
0x71: {  	v5 =	vld [tilespmem:s19+$0x9F80]  }
0x72: {  	v2 =	vadd.f32 v3, v2;
	_ =	sdelay $0x1  }
.Ltmp2:
0x73: {  	v2 =	vadd.f32 v4, v2;
	(pc) =	sbr.rel @p0 .LBB2_6-.Ltmp2, $4  }
0x74: {  	_ = 	snop  }
0x75: {  	s20 =	sadd.s32 $0x80, s20;
	v2 =	vadd.f32 v5, v2  }
0x76: {  	s18 =	sadd.s32 $0x10, s18;
	s22 =	sand.u32 $0x1C00, s20;
	s19 =	sand.u32 $0x70, s21  }
0x77: {  	s21 =	sadd.s32 $0x10, s21;
	s19 =	sor.u32 s19, s22;
	[tilespmem:s18+$0x0] =	vst v2  }
0x78: {  	v2 =	vld [tilespmem:s19+$0x8880]  }
0x79: {  	v3 =	vld [tilespmem:s19+$0x8800];
	_ =	sdelay $0x1  }
0x7a: {  	v4 =	vld [tilespmem:s19+$0x8900];
	_ =	sdelay $0x1  }
0x7b: {  	v5 =	vld [tilespmem:s19+$0x8980]  }
0x7c: {  	v2 =	vadd.f32 v2, v3  }
0x7d: {  	v3 =	vld [tilespmem:s19+$0x8A00]  }
0x7e: {  	v2 =	vadd.f32 v4, v2  }
0x7f: {  	v56 =	vld [tilespmem:s19+$0x8A80]  }
0x80: {  	v2 =	vadd.f32 v5, v2  }
0x81: {  	v57 =	vld [tilespmem:s19+$0x8B00]  }
0x82: {  	v2 =	vadd.f32 v3, v2  }
0x83: {  	v3 =	vld [tilespmem:s19+$0x8B80]  }
0x84: {  	v2 =	vadd.f32 v56, v2  }
0x85: {  	v58 =	vld [tilespmem:s19+$0x9C00]  }
0x86: {  	v2 =	vadd.f32 v57, v2  }
0x87: {  	v59 =	vld [tilespmem:s19+$0x9C80]  }
0x88: {  	v2 =	vadd.f32 v3, v2  }
0x89: {  	v3 =	vld [tilespmem:s19+$0x9D00]  }
0x8a: {  	v2 =	vadd.f32 v58, v2  }
0x8b: {  	v60 =	vld [tilespmem:s19+$0x9D80]  }
0x8c: {  	v2 =	vadd.f32 v59, v2  }
0x8d: {  	v61 =	vld [tilespmem:s19+$0x9E00]  }
0x8e: {  	v2 =	vadd.f32 v3, v2  }
0x8f: {  	v3 =	vld [tilespmem:s19+$0x9E80]  }
0x90: {  	v2 =	vadd.f32 v60, v2  }
0x91: {  	v62 =	vld [tilespmem:s19+$0x9F00]  }
0x92: {  	v2 =	vadd.f32 v61, v2  }
0x93: {  	v63 =	vld [tilespmem:s19+$0x9F80]  }
0x94: {  	v2 =	vadd.f32 v3, v2;
	_ =	sdelay $0x1  }
0x95: {  	v2 =	vadd.f32 v62, v2;
	_ =	sdelay $0x1  }
0x96: {  	s17 =	sadd.s32 $0x1, s17;
	v2 =	vadd.f32 v63, v2  }
0x97: {  	s18 =	sadd.s32 $0x10, s18;
	p0 =	sne.s32 s17, s6  }
.Ltmp3:
0x98: {  	[tilespmem:s18+$0x0] =	vst v2;
	(pc) =	sbr.rel @p0 .LBB2_1-.Ltmp3, $4  }
0x99: {  	[hbm4b:s14+s9] =	stream.strided.scatter [tilespmem:s16], [sflag:$0x1], $0x280, s15, s9, $0x38;
	[tilespmem:$0xDA80] =	vst v63  }
0x9a: {  	_ =	swait.ge [sflag:s7], $0x280  }
0x9b: {  	[sflag:s7] =	ssyncset.done $0x0  }
0x9c: {  	[sflag:s7] =	ssyncadd.s32 $0xFFFFFD80  }
0x9d: {  	_ =	sfence.sel $0x180000  }
0x9e: {  	[bflag:$0x0] =	sbarrier.arrive $0xFFFF  }
0x9f: {  	p0 =	sne.s32 s1, $0x0;
	_ =	strace $0x90000047  }
0xa0: {  	s0 =	sadd.s32 @!p0 $0x100000, s0;
	[bflag:$0x2] =	sbarrier.arrive $0xFFFF  }
0xa1: {  	[sflag:s0] =	ssyncadd.tile.s32 @!p0 $0x1;
	_ =	shalt  }
.Lfunc_end2:
_tile_overlayer_lowered:
.L_overlay_start_2:
0xa2: {  	(tag) =	ssettag $0x2  }
0xa3: {  	s0 =	rddreg [dreg:$0x0];
	s2 =	stileid.u32  }
0xa4: {  	s1 =	rddreg [dreg:$0x1];
	p0 =	sne.s32 s2, $0x0  }
0xa5: {  	s3 =	rddreg [dreg:$0x2];
	[bflag:$0x3] =	sbarrier.arrive $0xFFFF;
	s2 =	simm.s32 @!p0 $0x1C01  }
0xa6: {  	[timem:s3], [sflag:s2] =	dma.local @!p0 [hbm:s0], s1  }
0xa7: {  	s0 =	simm.s32 @!p0 $0x1  }
0xa8: {  	_ =	swait.ge @!p0 [sflag:s0], s1  }
0xa9: {  	s1 =	ssub.s32 @!p0 $0x0, s1;
	[sflag:s0] =	ssyncset.done @!p0 $0x0  }
0xaa: {  	[sflag:s0] =	ssyncadd.s32 @!p0 s1  }
0xab: {  	[bflag:$0x3] =	sbarrier.arrive $0xFFFF  }
0xac: {  	_ =	shalt  }

</sc_bundles>
